<compile_context>
chip_gen: v7x
topology: tpu7x:2x2x1
jax: 0.10.2.dev20260603
libtpu: 0.0.44.dev20260713+nightly
codegen_flags: <defaults>
</compile_context>

<pallas_src>
import functools

import jax
import jax.numpy as jnp
from jax import lax
from jax.experimental import pallas as pl
from jax.experimental.pallas import tpu as pltpu
from jax.experimental.pallas import tpu_sc as plsc

N_NODES = 10000
N_PAD = 10240
N_EDGES = 320000
NW = 32
NSEG = 84
SEG = 128
EP = NW * NSEG * SEG
ROWS_PER_TILE = N_PAD // 16
IN_CH = 128
HID = 16
N_GRAPHS = 64

_mesh = plsc.VectorSubcoreMesh(core_axis_name="c", subcore_axis_name="s")
_sc_params = pltpu.CompilerParams(use_tc_tiling_on_sc=False,
                                  needs_layout_passes=False)


@functools.partial(
    pl.kernel,
    out_type=jax.ShapeDtypeStruct((2, N_PAD), jnp.float32),
    mesh=_mesh,
    compiler_params=_sc_params,
    scratch_types=[
        pltpu.VMEM((NSEG, SEG), jnp.int32),
        pltpu.VMEM((NSEG, SEG), jnp.float32),
        pltpu.VMEM((SEG,), jnp.float32),
        pltpu.VMEM_SHARED((N_PAD,), jnp.float32),
        pltpu.SemaphoreType.DMA,
    ],
)
def _deg_sc(dst_hbm, ew_hbm, out_hbm, dstv, ewv, zbuf, deg_sh, ssem):
    c = lax.axis_index("c")
    s = lax.axis_index("s")
    w = c * 16 + s
    pltpu.sync_copy(dst_hbm.at[w], dstv)
    pltpu.sync_copy(ew_hbm.at[w], ewv)

    def _zv(i, carry):
        zbuf[pl.ds(i * 16, 16)] = jnp.zeros((16,), jnp.float32)
        return carry

    lax.fori_loop(0, SEG // 16, _zv, 0)

    def _zc(j, carry):
        pltpu.sync_copy(zbuf, deg_sh.at[pl.ds(s * ROWS_PER_TILE + j * SEG, SEG)])
        return carry

    lax.fori_loop(0, ROWS_PER_TILE // SEG, _zc, 0)
    plsc.subcore_barrier()

    def _body(k, carry):
        scatters = [
            pltpu.async_copy(ewv.at[4 * k + q], deg_sh.at[dstv.at[4 * k + q]],
                             ssem, add=True)
            for q in range(4)
        ]
        for sc in scatters:
            sc.wait()
        return carry

    lax.fori_loop(0, NSEG // 4, _body, 0)
    plsc.subcore_barrier()
    pltpu.sync_copy(
        deg_sh.at[pl.ds(s * ROWS_PER_TILE, ROWS_PER_TILE)],
        out_hbm.at[c, pl.ds(s * ROWS_PER_TILE, ROWS_PER_TILE)],
    )


@functools.partial(
    pl.kernel,
    out_type=jax.ShapeDtypeStruct((2, N_PAD, HID), jnp.float32),
    mesh=_mesh,
    compiler_params=_sc_params,
    scratch_types=[
        pltpu.VMEM((NSEG, SEG), jnp.int32),
        pltpu.VMEM((NSEG, SEG), jnp.int32),
        pltpu.VMEM((NSEG, SEG), jnp.float32),
        pltpu.VMEM((N_PAD,), jnp.float32),
        pltpu.VMEM((4, SEG, HID), jnp.float32),
        pltpu.VMEM_SHARED((N_PAD, HID), jnp.float32),
        pltpu.SemaphoreType.DMA,
        pltpu.SemaphoreType.DMA,
        pltpu.SemaphoreType.DMA,
        pltpu.SemaphoreType.DMA,
        pltpu.SemaphoreType.DMA,
    ],
)
def _agg_sc(hh_hbm, dinv_hbm, src_hbm, dst_hbm, ew_hbm, out_hbm, srcv, dstv,
            ewv, dv, rows, agg_sh, gsem0, gsem1, gsem2, gsem3, ssem):
    gsems = (gsem0, gsem1, gsem2, gsem3)
    c = lax.axis_index("c")
    s = lax.axis_index("s")
    w = c * 16 + s
    pltpu.sync_copy(src_hbm.at[w], srcv)
    pltpu.sync_copy(dst_hbm.at[w], dstv)
    pltpu.sync_copy(ew_hbm.at[w], ewv)
    pltpu.sync_copy(dinv_hbm, dv)

    def _zv(i, carry):
        rows[0, i] = jnp.zeros((HID,), jnp.float32)
        return carry

    lax.fori_loop(0, SEG, _zv, 0)

    def _zc(j, carry):
        pltpu.sync_copy(rows.at[0],
                        agg_sh.at[pl.ds(s * ROWS_PER_TILE + j * SEG, SEG)])
        return carry

    lax.fori_loop(0, ROWS_PER_TILE // SEG, _zc, 0)
    plsc.subcore_barrier()

    def _body(k, carry):
        t0 = 4 * k
        gathers = [
            pltpu.async_copy(hh_hbm.at[srcv.at[t0 + q]], rows.at[q], gsems[q])
            for q in range(4)
        ]
        scatters = []
        for q in range(4):
            t = t0 + q
            gathers[q].wait()

            def _blk(bb, carry2, _q=q, _t=t):
                ew16 = ewv[_t, pl.ds(bb * 16, 16)]
                s16 = srcv[_t, pl.ds(bb * 16, 16)]
                d16 = dstv[_t, pl.ds(bb * 16, 16)]
                n16 = (plsc.load_gather(dv, [s16]) * ew16
                       * plsc.load_gather(dv, [d16]))
                for j in range(16):
                    e = bb * 16 + j
                    rows[_q, e] = rows[_q, e] * n16[j]
                return carry2

            lax.fori_loop(0, SEG // 16, _blk, 0)
            scatters.append(
                pltpu.async_copy(rows.at[q], agg_sh.at[dstv.at[t]], ssem,
                                 add=True))
        for sc in scatters:
            sc.wait()
        return carry

    lax.fori_loop(0, NSEG // 4, _body, 0)
    plsc.subcore_barrier()
    pltpu.sync_copy(
        agg_sh.at[pl.ds(s * ROWS_PER_TILE, ROWS_PER_TILE)],
        out_hbm.at[c, pl.ds(s * ROWS_PER_TILE, ROWS_PER_TILE)],
    )


NPK = N_PAD // 8


def _kron8(w):
    row = jnp.concatenate([w] * 8, axis=1)
    t = jnp.concatenate([row] * 8, axis=0)
    kr, kc = w.shape
    rb = lax.broadcasted_iota(jnp.int32, (8 * kr, 8 * kc), 0) // kr
    cb = lax.broadcasted_iota(jnp.int32, (8 * kr, 8 * kc), 1) // kc
    return jnp.where(rb == cb, t, 0.0)


def _pre_tc_body(x8_ref, w1_ref, degp_ref, h_ref, dinv_ref):
    deg = degp_ref[0] + degp_ref[1]
    dinv_ref[...] = jnp.where(deg > 0, lax.rsqrt(deg), 0.0)
    h_ref[...] = jnp.dot(x8_ref[...], _kron8(w1_ref[...]),
                         preferred_element_type=jnp.float32)


_pre_tc = pl.pallas_call(
    _pre_tc_body,
    out_shape=(
        jax.ShapeDtypeStruct((NPK, 128), jnp.float32),
        jax.ShapeDtypeStruct((N_PAD // 128, 128), jnp.float32),
    ),
)


def _mid_tc_body(aggp_ref, b1_ref, u_ref):
    b1t = jnp.concatenate([b1_ref[...]] * 8)[None, :]
    u_ref[...] = jnp.maximum(aggp_ref[0] + aggp_ref[1] + b1t, 0.0)


_mid_tc = pl.pallas_call(
    _mid_tc_body,
    out_shape=jax.ShapeDtypeStruct((NPK, 128), jnp.float32),
)


def _post_tc_body(aggp_ref, w2_ref, b2_ref, batch8_ref, wfc_ref, bfc_ref,
                  out_ref):
    ap = aggp_ref[0] + aggp_ref[1]
    b2t = jnp.concatenate([b2_ref[...]] * 8)
    h2p = (jnp.dot(ap, _kron8(w2_ref[...]),
                   preferred_element_type=jnp.float32) + b2t[None, :])
    gids = lax.broadcasted_iota(jnp.int32, (NPK, N_GRAPHS), 1)
    sums = jnp.zeros((N_GRAPHS, HID), jnp.float32)
    counts = jnp.zeros((N_GRAPHS,), jnp.float32)
    for a in range(8):
        ba = batch8_ref[:, a:a + 1]
        ma = (ba == gids).astype(jnp.float32)
        h2a = h2p[:, HID * a:HID * (a + 1)]
        sums = sums + lax.dot_general(ma, h2a, (((0,), (0,)), ((), ())),
                                      preferred_element_type=jnp.float32)
        counts = counts + jnp.sum(ma, axis=0)
    pooled = sums / jnp.maximum(counts[:, None], 1.0)
    out_ref[...] = (
        jnp.dot(pooled, wfc_ref[...], preferred_element_type=jnp.float32)
        + bfc_ref[...][None, :]
    )


_post_tc = pl.pallas_call(
    _post_tc_body,
    out_shape=jax.ShapeDtypeStruct((N_GRAPHS, 1), jnp.float32),
    compiler_params=pltpu.CompilerParams(fuse_transposed_lhs_in_matmul=True),
)


def kernel(x, edge_index, edge_weight, batch, W1, b1, W2, b2, Wfc, bfc):
    selfidx = jnp.arange(N_PAD, dtype=jnp.int32)
    tail = EP - N_EDGES - N_PAD
    padidx = N_NODES + (jnp.arange(tail, dtype=jnp.int32) % (N_PAD - N_NODES))
    srcp = jnp.concatenate(
        [edge_index[0], selfidx, padidx]).reshape(NW, NSEG, SEG)
    dstp = jnp.concatenate(
        [edge_index[1], selfidx, padidx]).reshape(NW, NSEG, SEG)
    ewp = jnp.concatenate(
        [edge_weight, jnp.ones((N_PAD,), jnp.float32),
         jnp.zeros((tail,), jnp.float32)]).reshape(NW, NSEG, SEG)
    x8 = jnp.concatenate(
        [x, jnp.zeros((N_PAD - N_NODES, IN_CH), jnp.float32)]
    ).reshape(NPK, 8 * IN_CH)

    degp = _deg_sc(dstp, ewp)
    hp, dinv2d = _pre_tc(x8, W1, degp.reshape(2, N_PAD // 128, 128))
    dinv = dinv2d.reshape(N_PAD)
    agg1 = _agg_sc(hp.reshape(N_PAD, HID), dinv, srcp, dstp, ewp)
    up = _mid_tc(agg1.reshape(2, NPK, 128), b1)
    agg2 = _agg_sc(up.reshape(N_PAD, HID), dinv, srcp, dstp, ewp)
    batch8 = jnp.concatenate(
        [batch, jnp.full((N_PAD - N_NODES,), -1, jnp.int32)]
    ).reshape(NPK, 8)
    return _post_tc(agg2.reshape(2, NPK, 128), W2, b2, batch8, Wfc, bfc)

# --- scband reference (transcript-rebuilt; emitter-appended) ---
"""Pipeline reference for scband-gcnregression-79826262163817 (READ-ONLY COPY).

The authoritative reference and input builder live on the scoring server;
editing this copy changes nothing except your own understanding.
"""

import jax, jax.numpy as jnp
import numpy as np

N_NODES = 10000
N_EDGES = 320000
IN_CH = 128
HID = 16
OUT = 1
N_GRAPHS = 64


def gcn_conv(x, src, dst, edge_weight, W, b, num_nodes):
    # PyG GCNConv with add_self_loops=True, normalize=True
    loop = jnp.arange(num_nodes, dtype=src.dtype)
    s = jnp.concatenate([src, loop])
    d = jnp.concatenate([dst, loop])
    ew = jnp.concatenate([edge_weight, jnp.ones((num_nodes,), dtype=edge_weight.dtype)])
    deg = jnp.zeros((num_nodes,), dtype=ew.dtype).at[d].add(ew)
    dinv = jnp.where(deg > 0, deg ** -0.5, 0.0)
    norm = dinv[s] * ew * dinv[d]
    h = x @ W
    msg = h[s] * norm[:, None]
    out = jnp.zeros((num_nodes, W.shape[1]), dtype=h.dtype).at[d].add(msg)
    return out + b


def setup_inputs(seed: int = 0) -> dict:
    key = jax.random.key(seed)
    ks = jax.random.split(key, 10)
    x = jax.random.normal(ks[0], (N_NODES, IN_CH), dtype=jnp.float32)
    edge_index = jax.random.randint(ks[1], (2, N_EDGES), 0, N_NODES, dtype=jnp.int32)
    edge_weight = jax.random.uniform(ks[2], (N_EDGES,), dtype=jnp.float32)
    batch = jnp.sort(jax.random.randint(ks[3], (N_NODES,), 0, N_GRAPHS, dtype=jnp.int32))
    W1 = jax.random.normal(ks[4], (IN_CH, HID), dtype=jnp.float32) / np.sqrt(IN_CH)
    b1 = jnp.zeros((HID,), dtype=jnp.float32)
    W2 = jax.random.normal(ks[5], (HID, HID), dtype=jnp.float32) / np.sqrt(HID)
    b2 = jnp.zeros((HID,), dtype=jnp.float32)
    Wfc = jax.random.normal(ks[6], (HID, OUT), dtype=jnp.float32) / np.sqrt(HID)
    bfc = jnp.zeros((OUT,), dtype=jnp.float32)
    return {"x": x, "edge_index": edge_index, "edge_weight": edge_weight, "batch": batch,
            "W1": W1, "b1": b1, "W2": W2, "b2": b2, "Wfc": Wfc, "bfc": bfc}


def reference(x, edge_index, edge_weight, batch, W1, b1, W2, b2, Wfc, bfc):
    src, dst = edge_index[0], edge_index[1]
    n = x.shape[0]
    h = gcn_conv(x, src, dst, edge_weight, W1, b1, n)
    h = jax.nn.relu(h)
    h = gcn_conv(h, src, dst, edge_weight, W2, b2, n)
    sums = jax.ops.segment_sum(h, batch, num_segments=N_GRAPHS)
    counts = jax.ops.segment_sum(jnp.ones((n, 1), dtype=h.dtype), batch, num_segments=N_GRAPHS)
    pooled = sums / jnp.maximum(counts, 1.0)
    return pooled @ Wfc + bfc

if __name__ == "__main__":
    import jax
    _d = setup_inputs()
    print(jax.jit(kernel)(*tuple(_d.values())))

</pallas_src>

<mosaic_0001>
#map = affine_map<(d0, d1) -> (0, 0, 0)>
#map1 = affine_map<(d0, d1) -> (0, 0)>
module attributes {stable_mosaic.version = 14 : i64} {
  func.func @_deg_sc(%arg0: i32, %arg1: i32, %arg2: memref<32x84x128xi32, #tpu.memory_space<hbm>>, %arg3: memref<32x84x128xf32, #tpu.memory_space<hbm>>, %arg4: memref<2x10240xf32, #tpu.memory_space<hbm>>, %arg5: memref<84x128xi32, #tpu.memory_space<vmem>>, %arg6: memref<84x128xf32, #tpu.memory_space<vmem>>, %arg7: memref<128xf32, #tpu.memory_space<vmem>>, %arg8: memref<10240xf32, #tpu.memory_space<vmem_shared>>, %arg9: memref<!tpu.dma_semaphore, #tpu.memory_space<semaphore_mem>>) attributes {dimension_semantics = [#tpu.dimension_semantics<core_parallel>, #tpu.dimension_semantics<subcore_parallel>], iteration_bounds = array<i64: 2, 16>, scalar_prefetch = 0 : i64, scratch_operands = 5 : i64, tpu.core_type = #tpu.core_type<sc_vector_subcore>, window_params = [{transform_indices = #map}, {transform_indices = #map}, {transform_indices = #map1}]} {
    %mul3A = arith.constant 16 : i32
    %mul3A_0 = arith.muli %arg0, %mul3A : i32
    %add3A = arith.addi %mul3A_0, %arg1 : i32
    "tpu.region"() ({
      %run_scoped3A = tpu.sem_alloc : memref<!tpu.dma_semaphore, #tpu.memory_space<semaphore_mem>>
      %dma_start3A = arith.constant 0 : i32
      %dma_start3A_23 = arith.constant 0 : i32
      %dma_start3A_24 = tpu.memref_slice %arg2[%add3A, %dma_start3A, %dma_start3A_23] : memref<32x84x128xi32, #tpu.memory_space<hbm>> -> memref<1x84x128xi32, #tpu.memory_space<hbm>>
      %dma_start3A_25 = tpu.memref_squeeze %dma_start3A_24 : memref<1x84x128xi32, #tpu.memory_space<hbm>> -> memref<84x128xi32, #tpu.memory_space<hbm>>
      %dma_start3A_26 = arith.constant 0 : i32
      %dma_start3A_27 = arith.constant 0 : i32
      %dma_start3A_28 = tpu.memref_slice %arg2[%add3A, %dma_start3A_26, %dma_start3A_27] : memref<32x84x128xi32, #tpu.memory_space<hbm>> -> memref<1x84x128xi32, #tpu.memory_space<hbm>>
      %dma_start3A_29 = tpu.memref_squeeze %dma_start3A_28 : memref<1x84x128xi32, #tpu.memory_space<hbm>> -> memref<84x128xi32, #tpu.memory_space<hbm>>
      tpu.enqueue_dma source(%dma_start3A_29 : memref<84x128xi32, #tpu.memory_space<hbm>>) target(%arg5 : memref<84x128xi32, #tpu.memory_space<vmem>>) target_semaphore(%run_scoped3A : memref<!tpu.dma_semaphore, #tpu.memory_space<semaphore_mem>>)
      %dma_wait3A = arith.constant 0 : i32
      %dma_wait3A_30 = arith.constant 0 : i32
      %dma_wait3A_31 = tpu.memref_slice %arg2[%add3A, %dma_wait3A, %dma_wait3A_30] : memref<32x84x128xi32, #tpu.memory_space<hbm>> -> memref<1x84x128xi32, #tpu.memory_space<hbm>>
      %dma_wait3A_32 = tpu.memref_squeeze %dma_wait3A_31 : memref<1x84x128xi32, #tpu.memory_space<hbm>> -> memref<84x128xi32, #tpu.memory_space<hbm>>
      %dma_wait3A_33 = arith.constant 0 : i32
      %dma_wait3A_34 = arith.constant 0 : i32
      %dma_wait3A_35 = tpu.memref_slice %arg2[%add3A, %dma_wait3A_33, %dma_wait3A_34] : memref<32x84x128xi32, #tpu.memory_space<hbm>> -> memref<1x84x128xi32, #tpu.memory_space<hbm>>
      %dma_wait3A_36 = tpu.memref_squeeze %dma_wait3A_35 : memref<1x84x128xi32, #tpu.memory_space<hbm>> -> memref<84x128xi32, #tpu.memory_space<hbm>>
      tpu.wait_dma2 semaphore(%run_scoped3A : memref<!tpu.dma_semaphore, #tpu.memory_space<semaphore_mem>>) src(%dma_wait3A_36 : memref<84x128xi32, #tpu.memory_space<hbm>>) dst(%arg5 : memref<84x128xi32, #tpu.memory_space<vmem>>)
      tpu.yield
    }) : () -> ()
    "tpu.region"() ({
      %run_scoped3A = tpu.sem_alloc : memref<!tpu.dma_semaphore, #tpu.memory_space<semaphore_mem>>
      %dma_start3A = arith.constant 0 : i32
      %dma_start3A_23 = arith.constant 0 : i32
      %dma_start3A_24 = tpu.memref_slice %arg3[%add3A, %dma_start3A, %dma_start3A_23] : memref<32x84x128xf32, #tpu.memory_space<hbm>> -> memref<1x84x128xf32, #tpu.memory_space<hbm>>
      %dma_start3A_25 = tpu.memref_squeeze %dma_start3A_24 : memref<1x84x128xf32, #tpu.memory_space<hbm>> -> memref<84x128xf32, #tpu.memory_space<hbm>>
      %dma_start3A_26 = arith.constant 0 : i32
      %dma_start3A_27 = arith.constant 0 : i32
      %dma_start3A_28 = tpu.memref_slice %arg3[%add3A, %dma_start3A_26, %dma_start3A_27] : memref<32x84x128xf32, #tpu.memory_space<hbm>> -> memref<1x84x128xf32, #tpu.memory_space<hbm>>
      %dma_start3A_29 = tpu.memref_squeeze %dma_start3A_28 : memref<1x84x128xf32, #tpu.memory_space<hbm>> -> memref<84x128xf32, #tpu.memory_space<hbm>>
      tpu.enqueue_dma source(%dma_start3A_29 : memref<84x128xf32, #tpu.memory_space<hbm>>) target(%arg6 : memref<84x128xf32, #tpu.memory_space<vmem>>) target_semaphore(%run_scoped3A : memref<!tpu.dma_semaphore, #tpu.memory_space<semaphore_mem>>)
      %dma_wait3A = arith.constant 0 : i32
      %dma_wait3A_30 = arith.constant 0 : i32
      %dma_wait3A_31 = tpu.memref_slice %arg3[%add3A, %dma_wait3A, %dma_wait3A_30] : memref<32x84x128xf32, #tpu.memory_space<hbm>> -> memref<1x84x128xf32, #tpu.memory_space<hbm>>
      %dma_wait3A_32 = tpu.memref_squeeze %dma_wait3A_31 : memref<1x84x128xf32, #tpu.memory_space<hbm>> -> memref<84x128xf32, #tpu.memory_space<hbm>>
      %dma_wait3A_33 = arith.constant 0 : i32
      %dma_wait3A_34 = arith.constant 0 : i32
      %dma_wait3A_35 = tpu.memref_slice %arg3[%add3A, %dma_wait3A_33, %dma_wait3A_34] : memref<32x84x128xf32, #tpu.memory_space<hbm>> -> memref<1x84x128xf32, #tpu.memory_space<hbm>>
      %dma_wait3A_36 = tpu.memref_squeeze %dma_wait3A_35 : memref<1x84x128xf32, #tpu.memory_space<hbm>> -> memref<84x128xf32, #tpu.memory_space<hbm>>
      tpu.wait_dma2 semaphore(%run_scoped3A : memref<!tpu.dma_semaphore, #tpu.memory_space<semaphore_mem>>) src(%dma_wait3A_36 : memref<84x128xf32, #tpu.memory_space<hbm>>) dst(%arg6 : memref<84x128xf32, #tpu.memory_space<vmem>>)
      tpu.yield
    }) : () -> ()
    %scan3A = arith.constant 0 : i32
    %scan3A_1 = arith.constant 0 : i32
    %scan3A_2 = arith.constant 8 : i32
    %scan3A_3 = arith.addi %scan3A_1, %scan3A_2 : i32
    %scan3A_4 = arith.constant 1 : i32
    scf.for %scan3A_23 = %scan3A_1 to %scan3A_3 step %scan3A_4  : i32 {
      %broadcast_in_dim3A = arith.constant 0.000000e+00 : f32
      %broadcast_in_dim3A_24 = vector.broadcast %broadcast_in_dim3A : f32 to vector<16xf32>
      %mul3A_25 = arith.constant 16 : i32
      %mul3A_26 = arith.muli %scan3A_23, %mul3A_25 : i32
      %swap3A = arith.index_cast %mul3A_26 : i32 to index
      %swap3A_27 = tpu.vector_load %arg7[%swap3A] {strides = array<i32>} : memref<128xf32, #tpu.memory_space<vmem>>, vector<16xf32>,
      tpu.vector_store %arg7[%swap3A], %broadcast_in_dim3A_24 {strides = array<i32>} : memref<128xf32, #tpu.memory_space<vmem>>, vector<16xf32>,
    }
    %scan3A_5 = arith.constant 8 : i32
    %scan3A_6 = arith.constant 0 : i32
    %scan3A_7 = arith.constant 0 : i32
    %scan3A_8 = arith.constant 5 : i32
    %scan3A_9 = arith.addi %scan3A_7, %scan3A_8 : i32
    %scan3A_10 = arith.constant 1 : i32
    scf.for %scan3A_23 = %scan3A_7 to %scan3A_9 step %scan3A_10  : i32 {
      %mul3A_24 = arith.constant 640 : i32
      %mul3A_25 = arith.muli %arg1, %mul3A_24 : i32
      %mul3A_26 = arith.constant 128 : i32
      %mul3A_27 = arith.muli %scan3A_23, %mul3A_26 : i32
      %add3A_28 = arith.addi %mul3A_25, %mul3A_27 : i32
      "tpu.region"() ({
        %run_scoped3A = tpu.sem_alloc : memref<!tpu.dma_semaphore, #tpu.memory_space<semaphore_mem>>
        %dma_start3A = tpu.memref_slice %arg8[%add3A_28] : memref<10240xf32, #tpu.memory_space<vmem_shared>> -> memref<128xf32, #tpu.memory_space<vmem_shared>>
        %dma_start3A_29 = tpu.memref_slice %arg8[%add3A_28] : memref<10240xf32, #tpu.memory_space<vmem_shared>> -> memref<128xf32, #tpu.memory_space<vmem_shared>>
        tpu.enqueue_dma source(%arg7 : memref<128xf32, #tpu.memory_space<vmem>>) target(%dma_start3A_29 : memref<128xf32, #tpu.memory_space<vmem_shared>>) target_semaphore(%run_scoped3A : memref<!tpu.dma_semaphore, #tpu.memory_space<semaphore_mem>>)
        %dma_wait3A = tpu.memref_slice %arg8[%add3A_28] : memref<10240xf32, #tpu.memory_space<vmem_shared>> -> memref<128xf32, #tpu.memory_space<vmem_shared>>
        %dma_wait3A_30 = tpu.memref_slice %arg8[%add3A_28] : memref<10240xf32, #tpu.memory_space<vmem_shared>> -> memref<128xf32, #tpu.memory_space<vmem_shared>>
        tpu.wait_dma2 semaphore(%run_scoped3A : memref<!tpu.dma_semaphore, #tpu.memory_space<semaphore_mem>>) src(%arg7 : memref<128xf32, #tpu.memory_space<vmem>>) dst(%dma_wait3A_30 : memref<128xf32, #tpu.memory_space<vmem_shared>>)
        tpu.yield
      }) : () -> ()
    }
    %scan3A_11 = arith.constant 5 : i32
    %barrier3A = arith.constant 0 : index
    tpu.barrier barrier_id(%barrier3A)
    %scan3A_12 = arith.constant 0 : i32
    %scan3A_13 = arith.constant 0 : i32
    %scan3A_14 = arith.constant 21 : i32
    %scan3A_15 = arith.addi %scan3A_13, %scan3A_14 : i32
    %scan3A_16 = arith.constant 1 : i32
    scf.for %scan3A_23 = %scan3A_13 to %scan3A_15 step %scan3A_16  : i32 {
      %mul3A_24 = arith.constant 4 : i32
      %mul3A_25 = arith.muli %mul3A_24, %scan3A_23 : i32
      %add3A_26 = arith.constant 0 : i32
      %add3A_27 = arith.addi %mul3A_25, %add3A_26 : i32
      %mul3A_28 = arith.constant 4 : i32
      %mul3A_29 = arith.muli %mul3A_28, %scan3A_23 : i32
      %add3A_30 = arith.constant 0 : i32
      %add3A_31 = arith.addi %mul3A_29, %add3A_30 : i32
      %dma_start3A = arith.constant 0 : i32
      %dma_start3A_32 = tpu.memref_slice %arg6[%add3A_27, %dma_start3A] : memref<84x128xf32, #tpu.memory_space<vmem>> -> memref<1x128xf32, #tpu.memory_space<vmem>>
      %dma_start3A_33 = tpu.memref_squeeze %dma_start3A_32 : memref<1x128xf32, #tpu.memory_space<vmem>> -> memref<128xf32, #tpu.memory_space<vmem>>
      %dma_start3A_34 = arith.constant 0 : i32
      %dma_start3A_35 = tpu.memref_slice %arg5[%add3A_31, %dma_start3A_34] : memref<84x128xi32, #tpu.memory_space<vmem>> -> memref<1x128xi32, #tpu.memory_space<vmem>>
      %dma_start3A_36 = tpu.memref_squeeze %dma_start3A_35 : memref<1x128xi32, #tpu.memory_space<vmem>> -> memref<128xi32, #tpu.memory_space<vmem>>
      %dma_start3A_37 = arith.constant 0 : i32
      %dma_start3A_38 = tpu.memref_slice %arg8[%dma_start3A_37] : memref<10240xf32, #tpu.memory_space<vmem_shared>> -> memref<10240xf32, #tpu.memory_space<vmem_shared>>
      tpu.enqueue_indirect_dma source(%dma_start3A_33 : memref<128xf32, #tpu.memory_space<vmem>>) target(%dma_start3A_38 : memref<10240xf32, #tpu.memory_space<vmem_shared>>) offsets(%dma_start3A_36 : memref<128xi32, #tpu.memory_space<vmem>>) semaphore(%arg9 : memref<!tpu.dma_semaphore, #tpu.memory_space<semaphore_mem>>) {add = true}
      %mul3A_39 = arith.constant 4 : i32
      %mul3A_40 = arith.muli %mul3A_39, %scan3A_23 : i32
      %add3A_41 = arith.constant 1 : i32
      %add3A_42 = arith.addi %mul3A_40, %add3A_41 : i32
      %mul3A_43 = arith.constant 4 : i32
      %mul3A_44 = arith.muli %mul3A_43, %scan3A_23 : i32
      %add3A_45 = arith.constant 1 : i32
      %add3A_46 = arith.addi %mul3A_44, %add3A_45 : i32
      %dma_start3A_47 = arith.constant 0 : i32
      %dma_start3A_48 = tpu.memref_slice %arg6[%add3A_42, %dma_start3A_47] : memref<84x128xf32, #tpu.memory_space<vmem>> -> memref<1x128xf32, #tpu.memory_space<vmem>>
      %dma_start3A_49 = tpu.memref_squeeze %dma_start3A_48 : memref<1x128xf32, #tpu.memory_space<vmem>> -> memref<128xf32, #tpu.memory_space<vmem>>
      %dma_start3A_50 = arith.constant 0 : i32
      %dma_start3A_51 = tpu.memref_slice %arg5[%add3A_46, %dma_start3A_50] : memref<84x128xi32, #tpu.memory_space<vmem>> -> memref<1x128xi32, #tpu.memory_space<vmem>>
      %dma_start3A_52 = tpu.memref_squeeze %dma_start3A_51 : memref<1x128xi32, #tpu.memory_space<vmem>> -> memref<128xi32, #tpu.memory_space<vmem>>
      %dma_start3A_53 = arith.constant 0 : i32
      %dma_start3A_54 = tpu.memref_slice %arg8[%dma_start3A_53] : memref<10240xf32, #tpu.memory_space<vmem_shared>> -> memref<10240xf32, #tpu.memory_space<vmem_shared>>
      tpu.enqueue_indirect_dma source(%dma_start3A_49 : memref<128xf32, #tpu.memory_space<vmem>>) target(%dma_start3A_54 : memref<10240xf32, #tpu.memory_space<vmem_shared>>) offsets(%dma_start3A_52 : memref<128xi32, #tpu.memory_space<vmem>>) semaphore(%arg9 : memref<!tpu.dma_semaphore, #tpu.memory_space<semaphore_mem>>) {add = true}
      %mul3A_55 = arith.constant 4 : i32
      %mul3A_56 = arith.muli %mul3A_55, %scan3A_23 : i32
      %add3A_57 = arith.constant 2 : i32
      %add3A_58 = arith.addi %mul3A_56, %add3A_57 : i32
      %mul3A_59 = arith.constant 4 : i32
      %mul3A_60 = arith.muli %mul3A_59, %scan3A_23 : i32
      %add3A_61 = arith.constant 2 : i32
      %add3A_62 = arith.addi %mul3A_60, %add3A_61 : i32
      %dma_start3A_63 = arith.constant 0 : i32
      %dma_start3A_64 = tpu.memref_slice %arg6[%add3A_58, %dma_start3A_63] : memref<84x128xf32, #tpu.memory_space<vmem>> -> memref<1x128xf32, #tpu.memory_space<vmem>>
      %dma_start3A_65 = tpu.memref_squeeze %dma_start3A_64 : memref<1x128xf32, #tpu.memory_space<vmem>> -> memref<128xf32, #tpu.memory_space<vmem>>
      %dma_start3A_66 = arith.constant 0 : i32
      %dma_start3A_67 = tpu.memref_slice %arg5[%add3A_62, %dma_start3A_66] : memref<84x128xi32, #tpu.memory_space<vmem>> -> memref<1x128xi32, #tpu.memory_space<vmem>>
      %dma_start3A_68 = tpu.memref_squeeze %dma_start3A_67 : memref<1x128xi32, #tpu.memory_space<vmem>> -> memref<128xi32, #tpu.memory_space<vmem>>
      %dma_start3A_69 = arith.constant 0 : i32
      %dma_start3A_70 = tpu.memref_slice %arg8[%dma_start3A_69] : memref<10240xf32, #tpu.memory_space<vmem_shared>> -> memref<10240xf32, #tpu.memory_space<vmem_shared>>
      tpu.enqueue_indirect_dma source(%dma_start3A_65 : memref<128xf32, #tpu.memory_space<vmem>>) target(%dma_start3A_70 : memref<10240xf32, #tpu.memory_space<vmem_shared>>) offsets(%dma_start3A_68 : memref<128xi32, #tpu.memory_space<vmem>>) semaphore(%arg9 : memref<!tpu.dma_semaphore, #tpu.memory_space<semaphore_mem>>) {add = true}
      %mul3A_71 = arith.constant 4 : i32
      %mul3A_72 = arith.muli %mul3A_71, %scan3A_23 : i32
      %add3A_73 = arith.constant 3 : i32
      %add3A_74 = arith.addi %mul3A_72, %add3A_73 : i32
      %mul3A_75 = arith.constant 4 : i32
      %mul3A_76 = arith.muli %mul3A_75, %scan3A_23 : i32
      %add3A_77 = arith.constant 3 : i32
      %add3A_78 = arith.addi %mul3A_76, %add3A_77 : i32
      %dma_start3A_79 = arith.constant 0 : i32
      %dma_start3A_80 = tpu.memref_slice %arg6[%add3A_74, %dma_start3A_79] : memref<84x128xf32, #tpu.memory_space<vmem>> -> memref<1x128xf32, #tpu.memory_space<vmem>>
      %dma_start3A_81 = tpu.memref_squeeze %dma_start3A_80 : memref<1x128xf32, #tpu.memory_space<vmem>> -> memref<128xf32, #tpu.memory_space<vmem>>
      %dma_start3A_82 = arith.constant 0 : i32
      %dma_start3A_83 = tpu.memref_slice %arg5[%add3A_78, %dma_start3A_82] : memref<84x128xi32, #tpu.memory_space<vmem>> -> memref<1x128xi32, #tpu.memory_space<vmem>>
      %dma_start3A_84 = tpu.memref_squeeze %dma_start3A_83 : memref<1x128xi32, #tpu.memory_space<vmem>> -> memref<128xi32, #tpu.memory_space<vmem>>
      %dma_start3A_85 = arith.constant 0 : i32
      %dma_start3A_86 = tpu.memref_slice %arg8[%dma_start3A_85] : memref<10240xf32, #tpu.memory_space<vmem_shared>> -> memref<10240xf32, #tpu.memory_space<vmem_shared>>
      tpu.enqueue_indirect_dma source(%dma_start3A_81 : memref<128xf32, #tpu.memory_space<vmem>>) target(%dma_start3A_86 : memref<10240xf32, #tpu.memory_space<vmem_shared>>) offsets(%dma_start3A_84 : memref<128xi32, #tpu.memory_space<vmem>>) semaphore(%arg9 : memref<!tpu.dma_semaphore, #tpu.memory_space<semaphore_mem>>) {add = true}
      %dma_wait3A = arith.constant 0 : i32
      %dma_wait3A_87 = tpu.memref_slice %arg6[%add3A_27, %dma_wait3A] : memref<84x128xf32, #tpu.memory_space<vmem>> -> memref<1x128xf32, #tpu.memory_space<vmem>>
      %dma_wait3A_88 = tpu.memref_squeeze %dma_wait3A_87 : memref<1x128xf32, #tpu.memory_space<vmem>> -> memref<128xf32, #tpu.memory_space<vmem>>
      %dma_wait3A_89 = arith.constant 0 : i32
      %dma_wait3A_90 = tpu.memref_slice %arg5[%add3A_31, %dma_wait3A_89] : memref<84x128xi32, #tpu.memory_space<vmem>> -> memref<1x128xi32, #tpu.memory_space<vmem>>
      %dma_wait3A_91 = tpu.memref_squeeze %dma_wait3A_90 : memref<1x128xi32, #tpu.memory_space<vmem>> -> memref<128xi32, #tpu.memory_space<vmem>>
      %dma_wait3A_92 = arith.constant 0 : i32
      %dma_wait3A_93 = tpu.memref_slice %arg8[%dma_wait3A_92] : memref<10240xf32, #tpu.memory_space<vmem_shared>> -> memref<10240xf32, #tpu.memory_space<vmem_shared>>
      tpu.wait_indirect_dma semaphore(%arg9 : memref<!tpu.dma_semaphore, #tpu.memory_space<semaphore_mem>>) src(%dma_wait3A_88 : memref<128xf32, #tpu.memory_space<vmem>>) dst(%dma_wait3A_93 : memref<10240xf32, #tpu.memory_space<vmem_shared>>)
      %dma_wait3A_94 = arith.constant 0 : i32
      %dma_wait3A_95 = tpu.memref_slice %arg6[%add3A_42, %dma_wait3A_94] : memref<84x128xf32, #tpu.memory_space<vmem>> -> memref<1x128xf32, #tpu.memory_space<vmem>>
      %dma_wait3A_96 = tpu.memref_squeeze %dma_wait3A_95 : memref<1x128xf32, #tpu.memory_space<vmem>> -> memref<128xf32, #tpu.memory_space<vmem>>
      %dma_wait3A_97 = arith.constant 0 : i32
      %dma_wait3A_98 = tpu.memref_slice %arg5[%add3A_46, %dma_wait3A_97] : memref<84x128xi32, #tpu.memory_space<vmem>> -> memref<1x128xi32, #tpu.memory_space<vmem>>
      %dma_wait3A_99 = tpu.memref_squeeze %dma_wait3A_98 : memref<1x128xi32, #tpu.memory_space<vmem>> -> memref<128xi32, #tpu.memory_space<vmem>>
      %dma_wait3A_100 = arith.constant 0 : i32
      %dma_wait3A_101 = tpu.memref_slice %arg8[%dma_wait3A_100] : memref<10240xf32, #tpu.memory_space<vmem_shared>> -> memref<10240xf32, #tpu.memory_space<vmem_shared>>
      tpu.wait_indirect_dma semaphore(%arg9 : memref<!tpu.dma_semaphore, #tpu.memory_space<semaphore_mem>>) src(%dma_wait3A_96 : memref<128xf32, #tpu.memory_space<vmem>>) dst(%dma_wait3A_101 : memref<10240xf32, #tpu.memory_space<vmem_shared>>)
      %dma_wait3A_102 = arith.constant 0 : i32
      %dma_wait3A_103 = tpu.memref_slice %arg6[%add3A_58, %dma_wait3A_102] : memref<84x128xf32, #tpu.memory_space<vmem>> -> memref<1x128xf32, #tpu.memory_space<vmem>>
      %dma_wait3A_104 = tpu.memref_squeeze %dma_wait3A_103 : memref<1x128xf32, #tpu.memory_space<vmem>> -> memref<128xf32, #tpu.memory_space<vmem>>
      %dma_wait3A_105 = arith.constant 0 : i32
      %dma_wait3A_106 = tpu.memref_slice %arg5[%add3A_62, %dma_wait3A_105] : memref<84x128xi32, #tpu.memory_space<vmem>> -> memref<1x128xi32, #tpu.memory_space<vmem>>
      %dma_wait3A_107 = tpu.memref_squeeze %dma_wait3A_106 : memref<1x128xi32, #tpu.memory_space<vmem>> -> memref<128xi32, #tpu.memory_space<vmem>>
      %dma_wait3A_108 = arith.constant 0 : i32
      %dma_wait3A_109 = tpu.memref_slice %arg8[%dma_wait3A_108] : memref<10240xf32, #tpu.memory_space<vmem_shared>> -> memref<10240xf32, #tpu.memory_space<vmem_shared>>
      tpu.wait_indirect_dma semaphore(%arg9 : memref<!tpu.dma_semaphore, #tpu.memory_space<semaphore_mem>>) src(%dma_wait3A_104 : memref<128xf32, #tpu.memory_space<vmem>>) dst(%dma_wait3A_109 : memref<10240xf32, #tpu.memory_space<vmem_shared>>)
      %dma_wait3A_110 = arith.constant 0 : i32
      %dma_wait3A_111 = tpu.memref_slice %arg6[%add3A_74, %dma_wait3A_110] : memref<84x128xf32, #tpu.memory_space<vmem>> -> memref<1x128xf32, #tpu.memory_space<vmem>>
      %dma_wait3A_112 = tpu.memref_squeeze %dma_wait3A_111 : memref<1x128xf32, #tpu.memory_space<vmem>> -> memref<128xf32, #tpu.memory_space<vmem>>
      %dma_wait3A_113 = arith.constant 0 : i32
      %dma_wait3A_114 = tpu.memref_slice %arg5[%add3A_78, %dma_wait3A_113] : memref<84x128xi32, #tpu.memory_space<vmem>> -> memref<1x128xi32, #tpu.memory_space<vmem>>
      %dma_wait3A_115 = tpu.memref_squeeze %dma_wait3A_114 : memref<1x128xi32, #tpu.memory_space<vmem>> -> memref<128xi32, #tpu.memory_space<vmem>>
      %dma_wait3A_116 = arith.constant 0 : i32
      %dma_wait3A_117 = tpu.memref_slice %arg8[%dma_wait3A_116] : memref<10240xf32, #tpu.memory_space<vmem_shared>> -> memref<10240xf32, #tpu.memory_space<vmem_shared>>
      tpu.wait_indirect_dma semaphore(%arg9 : memref<!tpu.dma_semaphore, #tpu.memory_space<semaphore_mem>>) src(%dma_wait3A_112 : memref<128xf32, #tpu.memory_space<vmem>>) dst(%dma_wait3A_117 : memref<10240xf32, #tpu.memory_space<vmem_shared>>)
    }
    %scan3A_17 = arith.constant 21 : i32
    %barrier3A_18 = arith.constant 0 : index
    tpu.barrier barrier_id(%barrier3A_18)
    %mul3A_19 = arith.constant 640 : i32
    %mul3A_20 = arith.muli %arg1, %mul3A_19 : i32
    %mul3A_21 = arith.constant 640 : i32
    %mul3A_22 = arith.muli %arg1, %mul3A_21 : i32
    "tpu.region"() ({
      %run_scoped3A = tpu.sem_alloc : memref<!tpu.dma_semaphore, #tpu.memory_space<semaphore_mem>>
      %dma_start3A = tpu.memref_slice %arg4[%arg0, %mul3A_22] : memref<2x10240xf32, #tpu.memory_space<hbm>> -> memref<1x640xf32, #tpu.memory_space<hbm>>
      %dma_start3A_23 = tpu.memref_squeeze %dma_start3A : memref<1x640xf32, #tpu.memory_space<hbm>> -> memref<640xf32, #tpu.memory_space<hbm>>
      %dma_start3A_24 = tpu.memref_slice %arg8[%mul3A_20] : memref<10240xf32, #tpu.memory_space<vmem_shared>> -> memref<640xf32, #tpu.memory_space<vmem_shared>>
      tpu.enqueue_dma source(%dma_start3A_24 : memref<640xf32, #tpu.memory_space<vmem_shared>>) target(%dma_start3A_23 : memref<640xf32, #tpu.memory_space<hbm>>) target_semaphore(%run_scoped3A : memref<!tpu.dma_semaphore, #tpu.memory_space<semaphore_mem>>)
      %dma_wait3A = tpu.memref_slice %arg4[%arg0, %mul3A_22] : memref<2x10240xf32, #tpu.memory_space<hbm>> -> memref<1x640xf32, #tpu.memory_space<hbm>>
      %dma_wait3A_25 = tpu.memref_squeeze %dma_wait3A : memref<1x640xf32, #tpu.memory_space<hbm>> -> memref<640xf32, #tpu.memory_space<hbm>>
      %dma_wait3A_26 = tpu.memref_slice %arg8[%mul3A_20] : memref<10240xf32, #tpu.memory_space<vmem_shared>> -> memref<640xf32, #tpu.memory_space<vmem_shared>>
      tpu.wait_dma2 semaphore(%run_scoped3A : memref<!tpu.dma_semaphore, #tpu.memory_space<semaphore_mem>>) src(%dma_wait3A_26 : memref<640xf32, #tpu.memory_space<vmem_shared>>) dst(%dma_wait3A_25 : memref<640xf32, #tpu.memory_space<hbm>>)
      tpu.yield
    }) : () -> ()
    return
  }
}

#map = affine_map<(d0, d1) -> (0, 0)>
#map1 = affine_map<(d0, d1) -> (0)>
#map2 = affine_map<(d0, d1) -> (0, 0, 0)>
module attributes {stable_mosaic.version = 14 : i64} {
  func.func @_agg_sc(%arg0: i32, %arg1: i32, %arg2: memref<10240x16xf32, #tpu.memory_space<hbm>>, %arg3: memref<10240xf32, #tpu.memory_space<hbm>>, %arg4: memref<32x84x128xi32, #tpu.memory_space<hbm>>, %arg5: memref<32x84x128xi32, #tpu.memory_space<hbm>>, %arg6: memref<32x84x128xf32, #tpu.memory_space<hbm>>, %arg7: memref<2x10240x16xf32, #tpu.memory_space<hbm>>, %arg8: memref<84x128xi32, #tpu.memory_space<vmem>>, %arg9: memref<84x128xi32, #tpu.memory_space<vmem>>, %arg10: memref<84x128xf32, #tpu.memory_space<vmem>>, %arg11: memref<10240xf32, #tpu.memory_space<vmem>>, %arg12: memref<4x128x16xf32, #tpu.memory_space<vmem>>, %arg13: memref<10240x16xf32, #tpu.memory_space<vmem_shared>>, %arg14: memref<!tpu.dma_semaphore, #tpu.memory_space<semaphore_mem>>, %arg15: memref<!tpu.dma_semaphore, #tpu.memory_space<semaphore_mem>>, %arg16: memref<!tpu.dma_semaphore, #tpu.memory_space<semaphore_mem>>, %arg17: memref<!tpu.dma_semaphore, #tpu.memory_space<semaphore_mem>>, %arg18: memref<!tpu.dma_semaphore, #tpu.memory_space<semaphore_mem>>) attributes {dimension_semantics = [#tpu.dimension_semantics<core_parallel>, #tpu.dimension_semantics<subcore_parallel>], iteration_bounds = array<i64: 2, 16>, scalar_prefetch = 0 : i64, scratch_operands = 11 : i64, tpu.core_type = #tpu.core_type<sc_vector_subcore>, window_params = [{transform_indices = #map}, {transform_indices = #map1}, {transform_indices = #map2}, {transform_indices = #map2}, {transform_indices = #map2}, {transform_indices = #map2}]} {
    %mul3A = arith.constant 16 : i32
    %mul3A_0 = arith.muli %arg0, %mul3A : i32
    %add3A = arith.addi %mul3A_0, %arg1 : i32
    "tpu.region"() ({
      %run_scoped3A = tpu.sem_alloc : memref<!tpu.dma_semaphore, #tpu.memory_space<semaphore_mem>>
      %dma_start3A = arith.constant 0 : i32
      %dma_start3A_23 = arith.constant 0 : i32
      %dma_start3A_24 = tpu.memref_slice %arg4[%add3A, %dma_start3A, %dma_start3A_23] : memref<32x84x128xi32, #tpu.memory_space<hbm>> -> memref<1x84x128xi32, #tpu.memory_space<hbm>>
      %dma_start3A_25 = tpu.memref_squeeze %dma_start3A_24 : memref<1x84x128xi32, #tpu.memory_space<hbm>> -> memref<84x128xi32, #tpu.memory_space<hbm>>
      %dma_start3A_26 = arith.constant 0 : i32
      %dma_start3A_27 = arith.constant 0 : i32
      %dma_start3A_28 = tpu.memref_slice %arg4[%add3A, %dma_start3A_26, %dma_start3A_27] : memref<32x84x128xi32, #tpu.memory_space<hbm>> -> memref<1x84x128xi32, #tpu.memory_space<hbm>>
      %dma_start3A_29 = tpu.memref_squeeze %dma_start3A_28 : memref<1x84x128xi32, #tpu.memory_space<hbm>> -> memref<84x128xi32, #tpu.memory_space<hbm>>
      tpu.enqueue_dma source(%dma_start3A_29 : memref<84x128xi32, #tpu.memory_space<hbm>>) target(%arg8 : memref<84x128xi32, #tpu.memory_space<vmem>>) target_semaphore(%run_scoped3A : memref<!tpu.dma_semaphore, #tpu.memory_space<semaphore_mem>>)
      %dma_wait3A = arith.constant 0 : i32
      %dma_wait3A_30 = arith.constant 0 : i32
      %dma_wait3A_31 = tpu.memref_slice %arg4[%add3A, %dma_wait3A, %dma_wait3A_30] : memref<32x84x128xi32, #tpu.memory_space<hbm>> -> memref<1x84x128xi32, #tpu.memory_space<hbm>>
      %dma_wait3A_32 = tpu.memref_squeeze %dma_wait3A_31 : memref<1x84x128xi32, #tpu.memory_space<hbm>> -> memref<84x128xi32, #tpu.memory_space<hbm>>
      %dma_wait3A_33 = arith.constant 0 : i32
      %dma_wait3A_34 = arith.constant 0 : i32
      %dma_wait3A_35 = tpu.memref_slice %arg4[%add3A, %dma_wait3A_33, %dma_wait3A_34] : memref<32x84x128xi32, #tpu.memory_space<hbm>> -> memref<1x84x128xi32, #tpu.memory_space<hbm>>
      %dma_wait3A_36 = tpu.memref_squeeze %dma_wait3A_35 : memref<1x84x128xi32, #tpu.memory_space<hbm>> -> memref<84x128xi32, #tpu.memory_space<hbm>>
      tpu.wait_dma2 semaphore(%run_scoped3A : memref<!tpu.dma_semaphore, #tpu.memory_space<semaphore_mem>>) src(%dma_wait3A_36 : memref<84x128xi32, #tpu.memory_space<hbm>>) dst(%arg8 : memref<84x128xi32, #tpu.memory_space<vmem>>)
      tpu.yield
    }) : () -> ()
    "tpu.region"() ({
      %run_scoped3A = tpu.sem_alloc : memref<!tpu.dma_semaphore, #tpu.memory_space<semaphore_mem>>
      %dma_start3A = arith.constant 0 : i32
      %dma_start3A_23 = arith.constant 0 : i32
      %dma_start3A_24 = tpu.memref_slice %arg5[%add3A, %dma_start3A, %dma_start3A_23] : memref<32x84x128xi32, #tpu.memory_space<hbm>> -> memref<1x84x128xi32, #tpu.memory_space<hbm>>
      %dma_start3A_25 = tpu.memref_squeeze %dma_start3A_24 : memref<1x84x128xi32, #tpu.memory_space<hbm>> -> memref<84x128xi32, #tpu.memory_space<hbm>>
      %dma_start3A_26 = arith.constant 0 : i32
      %dma_start3A_27 = arith.constant 0 : i32
      %dma_start3A_28 = tpu.memref_slice %arg5[%add3A, %dma_start3A_26, %dma_start3A_27] : memref<32x84x128xi32, #tpu.memory_space<hbm>> -> memref<1x84x128xi32, #tpu.memory_space<hbm>>
      %dma_start3A_29 = tpu.memref_squeeze %dma_start3A_28 : memref<1x84x128xi32, #tpu.memory_space<hbm>> -> memref<84x128xi32, #tpu.memory_space<hbm>>
      tpu.enqueue_dma source(%dma_start3A_29 : memref<84x128xi32, #tpu.memory_space<hbm>>) target(%arg9 : memref<84x128xi32, #tpu.memory_space<vmem>>) target_semaphore(%run_scoped3A : memref<!tpu.dma_semaphore, #tpu.memory_space<semaphore_mem>>)
      %dma_wait3A = arith.constant 0 : i32
      %dma_wait3A_30 = arith.constant 0 : i32
      %dma_wait3A_31 = tpu.memref_slice %arg5[%add3A, %dma_wait3A, %dma_wait3A_30] : memref<32x84x128xi32, #tpu.memory_space<hbm>> -> memref<1x84x128xi32, #tpu.memory_space<hbm>>
      %dma_wait3A_32 = tpu.memref_squeeze %dma_wait3A_31 : memref<1x84x128xi32, #tpu.memory_space<hbm>> -> memref<84x128xi32, #tpu.memory_space<hbm>>
      %dma_wait3A_33 = arith.constant 0 : i32
      %dma_wait3A_34 = arith.constant 0 : i32
      %dma_wait3A_35 = tpu.memref_slice %arg5[%add3A, %dma_wait3A_33, %dma_wait3A_34] : memref<32x84x128xi32, #tpu.memory_space<hbm>> -> memref<1x84x128xi32, #tpu.memory_space<hbm>>
      %dma_wait3A_36 = tpu.memref_squeeze %dma_wait3A_35 : memref<1x84x128xi32, #tpu.memory_space<hbm>> -> memref<84x128xi32, #tpu.memory_space<hbm>>
      tpu.wait_dma2 semaphore(%run_scoped3A : memref<!tpu.dma_semaphore, #tpu.memory_space<semaphore_mem>>) src(%dma_wait3A_36 : memref<84x128xi32, #tpu.memory_space<hbm>>) dst(%arg9 : memref<84x128xi32, #tpu.memory_space<vmem>>)
      tpu.yield
    }) : () -> ()
    "tpu.region"() ({
      %run_scoped3A = tpu.sem_alloc : memref<!tpu.dma_semaphore, #tpu.memory_space<semaphore_mem>>
      %dma_start3A = arith.constant 0 : i32
      %dma_start3A_23 = arith.constant 0 : i32
      %dma_start3A_24 = tpu.memref_slice %arg6[%add3A, %dma_start3A, %dma_start3A_23] : memref<32x84x128xf32, #tpu.memory_space<hbm>> -> memref<1x84x128xf32, #tpu.memory_space<hbm>>
      %dma_start3A_25 = tpu.memref_squeeze %dma_start3A_24 : memref<1x84x128xf32, #tpu.memory_space<hbm>> -> memref<84x128xf32, #tpu.memory_space<hbm>>
      %dma_start3A_26 = arith.constant 0 : i32
      %dma_start3A_27 = arith.constant 0 : i32
      %dma_start3A_28 = tpu.memref_slice %arg6[%add3A, %dma_start3A_26, %dma_start3A_27] : memref<32x84x128xf32, #tpu.memory_space<hbm>> -> memref<1x84x128xf32, #tpu.memory_space<hbm>>
      %dma_start3A_29 = tpu.memref_squeeze %dma_start3A_28 : memref<1x84x128xf32, #tpu.memory_space<hbm>> -> memref<84x128xf32, #tpu.memory_space<hbm>>
      tpu.enqueue_dma source(%dma_start3A_29 : memref<84x128xf32, #tpu.memory_space<hbm>>) target(%arg10 : memref<84x128xf32, #tpu.memory_space<vmem>>) target_semaphore(%run_scoped3A : memref<!tpu.dma_semaphore, #tpu.memory_space<semaphore_mem>>)
      %dma_wait3A = arith.constant 0 : i32
      %dma_wait3A_30 = arith.constant 0 : i32
      %dma_wait3A_31 = tpu.memref_slice %arg6[%add3A, %dma_wait3A, %dma_wait3A_30] : memref<32x84x128xf32, #tpu.memory_space<hbm>> -> memref<1x84x128xf32, #tpu.memory_space<hbm>>
      %dma_wait3A_32 = tpu.memref_squeeze %dma_wait3A_31 : memref<1x84x128xf32, #tpu.memory_space<hbm>> -> memref<84x128xf32, #tpu.memory_space<hbm>>
      %dma_wait3A_33 = arith.constant 0 : i32
      %dma_wait3A_34 = arith.constant 0 : i32
      %dma_wait3A_35 = tpu.memref_slice %arg6[%add3A, %dma_wait3A_33, %dma_wait3A_34] : memref<32x84x128xf32, #tpu.memory_space<hbm>> -> memref<1x84x128xf32, #tpu.memory_space<hbm>>
      %dma_wait3A_36 = tpu.memref_squeeze %dma_wait3A_35 : memref<1x84x128xf32, #tpu.memory_space<hbm>> -> memref<84x128xf32, #tpu.memory_space<hbm>>
      tpu.wait_dma2 semaphore(%run_scoped3A : memref<!tpu.dma_semaphore, #tpu.memory_space<semaphore_mem>>) src(%dma_wait3A_36 : memref<84x128xf32, #tpu.memory_space<hbm>>) dst(%arg10 : memref<84x128xf32, #tpu.memory_space<vmem>>)
      tpu.yield
    }) : () -> ()
    "tpu.region"() ({
      %run_scoped3A = tpu.sem_alloc : memref<!tpu.dma_semaphore, #tpu.memory_space<semaphore_mem>>
      tpu.enqueue_dma source(%arg3 : memref<10240xf32, #tpu.memory_space<hbm>>) target(%arg11 : memref<10240xf32, #tpu.memory_space<vmem>>) target_semaphore(%run_scoped3A : memref<!tpu.dma_semaphore, #tpu.memory_space<semaphore_mem>>)
      tpu.wait_dma2 semaphore(%run_scoped3A : memref<!tpu.dma_semaphore, #tpu.memory_space<semaphore_mem>>) src(%arg3 : memref<10240xf32, #tpu.memory_space<hbm>>) dst(%arg11 : memref<10240xf32, #tpu.memory_space<vmem>>)
      tpu.yield
    }) : () -> ()
    %scan3A = arith.constant 0 : i32
    %scan3A_1 = arith.constant 0 : i32
    %scan3A_2 = arith.constant 128 : i32
    %scan3A_3 = arith.addi %scan3A_1, %scan3A_2 : i32
    %scan3A_4 = arith.constant 1 : i32
    scf.for %scan3A_23 = %scan3A_1 to %scan3A_3 step %scan3A_4  : i32 {
      %broadcast_in_dim3A = arith.constant 0.000000e+00 : f32
      %broadcast_in_dim3A_24 = vector.broadcast %broadcast_in_dim3A : f32 to vector<16xf32>
      %swap3A = arith.constant 0 : i32
      %swap3A_25 = arith.index_cast %swap3A : i32 to index
      %swap3A_26 = arith.index_cast %scan3A_23 : i32 to index
      %swap3A_27 = arith.constant 0 : index
      %swap3A_28 = tpu.vector_load %arg12[%swap3A_25, %swap3A_26, %swap3A_27] {strides = array<i32>} : memref<4x128x16xf32, #tpu.memory_space<vmem>>, vector<16xf32>,
      tpu.vector_store %arg12[%swap3A_25, %swap3A_26, %swap3A_27], %broadcast_in_dim3A_24 {strides = array<i32>} : memref<4x128x16xf32, #tpu.memory_space<vmem>>, vector<16xf32>,
    }
    %scan3A_5 = arith.constant 128 : i32
    %scan3A_6 = arith.constant 0 : i32
    %scan3A_7 = arith.constant 0 : i32
    %scan3A_8 = arith.constant 5 : i32
    %scan3A_9 = arith.addi %scan3A_7, %scan3A_8 : i32
    %scan3A_10 = arith.constant 1 : i32
    scf.for %scan3A_23 = %scan3A_7 to %scan3A_9 step %scan3A_10  : i32 {
      %mul3A_24 = arith.constant 640 : i32
      %mul3A_25 = arith.muli %arg1, %mul3A_24 : i32
      %mul3A_26 = arith.constant 128 : i32
      %mul3A_27 = arith.muli %scan3A_23, %mul3A_26 : i32
      %add3A_28 = arith.addi %mul3A_25, %mul3A_27 : i32
      %run_scoped3A = arith.constant 0 : i32
      "tpu.region"() ({
        %run_scoped3A_29 = tpu.sem_alloc : memref<!tpu.dma_semaphore, #tpu.memory_space<semaphore_mem>>
        %dma_start3A = arith.constant 0 : i32
        %dma_start3A_30 = arith.constant 0 : i32
        %dma_start3A_31 = tpu.memref_slice %arg12[%run_scoped3A, %dma_start3A, %dma_start3A_30] : memref<4x128x16xf32, #tpu.memory_space<vmem>> -> memref<1x128x16xf32, #tpu.memory_space<vmem>>
        %dma_start3A_32 = tpu.memref_squeeze %dma_start3A_31 : memref<1x128x16xf32, #tpu.memory_space<vmem>> -> memref<128x16xf32, #tpu.memory_space<vmem>>
        %dma_start3A_33 = arith.constant 0 : i32
        %dma_start3A_34 = tpu.memref_slice %arg13[%add3A_28, %dma_start3A_33] : memref<10240x16xf32, #tpu.memory_space<vmem_shared>> -> memref<128x16xf32, #tpu.memory_space<vmem_shared>>
        %dma_start3A_35 = arith.constant 0 : i32
        %dma_start3A_36 = tpu.memref_slice %arg13[%add3A_28, %dma_start3A_35] : memref<10240x16xf32, #tpu.memory_space<vmem_shared>> -> memref<128x16xf32, #tpu.memory_space<vmem_shared>>
        %dma_start3A_37 = arith.constant 0 : i32
        %dma_start3A_38 = arith.constant 0 : i32
        %dma_start3A_39 = tpu.memref_slice %arg12[%run_scoped3A, %dma_start3A_37, %dma_start3A_38] : memref<4x128x16xf32, #tpu.memory_space<vmem>> -> memref<1x128x16xf32, #tpu.memory_space<vmem>>
        %dma_start3A_40 = tpu.memref_squeeze %dma_start3A_39 : memref<1x128x16xf32, #tpu.memory_space<vmem>> -> memref<128x16xf32, #tpu.memory_space<vmem>>
        tpu.enqueue_dma source(%dma_start3A_40 : memref<128x16xf32, #tpu.memory_space<vmem>>) target(%dma_start3A_36 : memref<128x16xf32, #tpu.memory_space<vmem_shared>>) target_semaphore(%run_scoped3A_29 : memref<!tpu.dma_semaphore, #tpu.memory_space<semaphore_mem>>)
        %dma_wait3A = arith.constant 0 : i32
        %dma_wait3A_41 = arith.constant 0 : i32
        %dma_wait3A_42 = tpu.memref_slice %arg12[%run_scoped3A, %dma_wait3A, %dma_wait3A_41] : memref<4x128x16xf32, #tpu.memory_space<vmem>> -> memref<1x128x16xf32, #tpu.memory_space<vmem>>
        %dma_wait3A_43 = tpu.memref_squeeze %dma_wait3A_42 : memref<1x128x16xf32, #tpu.memory_space<vmem>> -> memref<128x16xf32, #tpu.memory_space<vmem>>
        %dma_wait3A_44 = arith.constant 0 : i32
        %dma_wait3A_45 = tpu.memref_slice %arg13[%add3A_28, %dma_wait3A_44] : memref<10240x16xf32, #tpu.memory_space<vmem_shared>> -> memref<128x16xf32, #tpu.memory_space<vmem_shared>>
        %dma_wait3A_46 = arith.constant 0 : i32
        %dma_wait3A_47 = tpu.memref_slice %arg13[%add3A_28, %dma_wait3A_46] : memref<10240x16xf32, #tpu.memory_space<vmem_shared>> -> memref<128x16xf32, #tpu.memory_space<vmem_shared>>
        %dma_wait3A_48 = arith.constant 0 : i32
        %dma_wait3A_49 = arith.constant 0 : i32
        %dma_wait3A_50 = tpu.memref_slice %arg12[%run_scoped3A, %dma_wait3A_48, %dma_wait3A_49] : memref<4x128x16xf32, #tpu.memory_space<vmem>> -> memref<1x128x16xf32, #tpu.memory_space<vmem>>
        %dma_wait3A_51 = tpu.memref_squeeze %dma_wait3A_50 : memref<1x128x16xf32, #tpu.memory_space<vmem>> -> memref<128x16xf32, #tpu.memory_space<vmem>>
        tpu.wait_dma2 semaphore(%run_scoped3A_29 : memref<!tpu.dma_semaphore, #tpu.memory_space<semaphore_mem>>) src(%dma_wait3A_51 : memref<128x16xf32, #tpu.memory_space<vmem>>) dst(%dma_wait3A_47 : memref<128x16xf32, #tpu.memory_space<vmem_shared>>)
        tpu.yield
      }) : () -> ()
    }
    %scan3A_11 = arith.constant 5 : i32
    %barrier3A = arith.constant 0 : index
    tpu.barrier barrier_id(%barrier3A)
    %scan3A_12 = arith.constant 0 : i32
    %scan3A_13 = arith.constant 0 : i32
    %scan3A_14 = arith.constant 21 : i32
    %scan3A_15 = arith.addi %scan3A_13, %scan3A_14 : i32
    %scan3A_16 = arith.constant 1 : i32
    scf.for %scan3A_23 = %scan3A_13 to %scan3A_15 step %scan3A_16  : i32 {
      %mul3A_24 = arith.constant 4 : i32
      %mul3A_25 = arith.muli %mul3A_24, %scan3A_23 : i32
      %add3A_26 = arith.constant 0 : i32
      %add3A_27 = arith.addi %mul3A_25, %add3A_26 : i32
      %dma_start3A = arith.constant 0 : i32
      %dma_start3A_28 = arith.constant 0 : i32
      %dma_start3A_29 = arith.constant 0 : i32
      %dma_start3A_30 = tpu.memref_slice %arg12[%dma_start3A, %dma_start3A_28, %dma_start3A_29] : memref<4x128x16xf32, #tpu.memory_space<vmem>> -> memref<1x128x16xf32, #tpu.memory_space<vmem>>
      %dma_start3A_31 = tpu.memref_squeeze %dma_start3A_30 : memref<1x128x16xf32, #tpu.memory_space<vmem>> -> memref<128x16xf32, #tpu.memory_space<vmem>>
      %dma_start3A_32 = arith.constant 0 : i32
      %dma_start3A_33 = tpu.memref_slice %arg8[%add3A_27, %dma_start3A_32] : memref<84x128xi32, #tpu.memory_space<vmem>> -> memref<1x128xi32, #tpu.memory_space<vmem>>
      %dma_start3A_34 = tpu.memref_squeeze %dma_start3A_33 : memref<1x128xi32, #tpu.memory_space<vmem>> -> memref<128xi32, #tpu.memory_space<vmem>>
      %dma_start3A_35 = arith.constant 0 : i32
      %dma_start3A_36 = arith.constant 0 : i32
      %dma_start3A_37 = tpu.memref_slice %arg2[%dma_start3A_35, %dma_start3A_36] : memref<10240x16xf32, #tpu.memory_space<hbm>> -> memref<10240x16xf32, #tpu.memory_space<hbm>>
      tpu.enqueue_indirect_dma source(%dma_start3A_37 : memref<10240x16xf32, #tpu.memory_space<hbm>>) target(%dma_start3A_31 : memref<128x16xf32, #tpu.memory_space<vmem>>) offsets(%dma_start3A_34 : memref<128xi32, #tpu.memory_space<vmem>>) semaphore(%arg14 : memref<!tpu.dma_semaphore, #tpu.memory_space<semaphore_mem>>)
      %add3A_38 = arith.constant 1 : i32
      %add3A_39 = arith.addi %mul3A_25, %add3A_38 : i32
      %dma_start3A_40 = arith.constant 1 : i32
      %dma_start3A_41 = arith.constant 0 : i32
      %dma_start3A_42 = arith.constant 0 : i32
      %dma_start3A_43 = tpu.memref_slice %arg12[%dma_start3A_40, %dma_start3A_41, %dma_start3A_42] : memref<4x128x16xf32, #tpu.memory_space<vmem>> -> memref<1x128x16xf32, #tpu.memory_space<vmem>>
      %dma_start3A_44 = tpu.memref_squeeze %dma_start3A_43 : memref<1x128x16xf32, #tpu.memory_space<vmem>> -> memref<128x16xf32, #tpu.memory_space<vmem>>
      %dma_start3A_45 = arith.constant 0 : i32
      %dma_start3A_46 = tpu.memref_slice %arg8[%add3A_39, %dma_start3A_45] : memref<84x128xi32, #tpu.memory_space<vmem>> -> memref<1x128xi32, #tpu.memory_space<vmem>>
      %dma_start3A_47 = tpu.memref_squeeze %dma_start3A_46 : memref<1x128xi32, #tpu.memory_space<vmem>> -> memref<128xi32, #tpu.memory_space<vmem>>
      %dma_start3A_48 = arith.constant 0 : i32
      %dma_start3A_49 = arith.constant 0 : i32
      %dma_start3A_50 = tpu.memref_slice %arg2[%dma_start3A_48, %dma_start3A_49] : memref<10240x16xf32, #tpu.memory_space<hbm>> -> memref<10240x16xf32, #tpu.memory_space<hbm>>
      tpu.enqueue_indirect_dma source(%dma_start3A_50 : memref<10240x16xf32, #tpu.memory_space<hbm>>) target(%dma_start3A_44 : memref<128x16xf32, #tpu.memory_space<vmem>>) offsets(%dma_start3A_47 : memref<128xi32, #tpu.memory_space<vmem>>) semaphore(%arg15 : memref<!tpu.dma_semaphore, #tpu.memory_space<semaphore_mem>>)
      %add3A_51 = arith.constant 2 : i32
      %add3A_52 = arith.addi %mul3A_25, %add3A_51 : i32
      %dma_start3A_53 = arith.constant 2 : i32
      %dma_start3A_54 = arith.constant 0 : i32
      %dma_start3A_55 = arith.constant 0 : i32
      %dma_start3A_56 = tpu.memref_slice %arg12[%dma_start3A_53, %dma_start3A_54, %dma_start3A_55] : memref<4x128x16xf32, #tpu.memory_space<vmem>> -> memref<1x128x16xf32, #tpu.memory_space<vmem>>
      %dma_start3A_57 = tpu.memref_squeeze %dma_start3A_56 : memref<1x128x16xf32, #tpu.memory_space<vmem>> -> memref<128x16xf32, #tpu.memory_space<vmem>>
      %dma_start3A_58 = arith.constant 0 : i32
      %dma_start3A_59 = tpu.memref_slice %arg8[%add3A_52, %dma_start3A_58] : memref<84x128xi32, #tpu.memory_space<vmem>> -> memref<1x128xi32, #tpu.memory_space<vmem>>
      %dma_start3A_60 = tpu.memref_squeeze %dma_start3A_59 : memref<1x128xi32, #tpu.memory_space<vmem>> -> memref<128xi32, #tpu.memory_space<vmem>>
      %dma_start3A_61 = arith.constant 0 : i32
      %dma_start3A_62 = arith.constant 0 : i32
      %dma_start3A_63 = tpu.memref_slice %arg2[%dma_start3A_61, %dma_start3A_62] : memref<10240x16xf32, #tpu.memory_space<hbm>> -> memref<10240x16xf32, #tpu.memory_space<hbm>>
      tpu.enqueue_indirect_dma source(%dma_start3A_63 : memref<10240x16xf32, #tpu.memory_space<hbm>>) target(%dma_start3A_57 : memref<128x16xf32, #tpu.memory_space<vmem>>) offsets(%dma_start3A_60 : memref<128xi32, #tpu.memory_space<vmem>>) semaphore(%arg16 : memref<!tpu.dma_semaphore, #tpu.memory_space<semaphore_mem>>)
      %add3A_64 = arith.constant 3 : i32
      %add3A_65 = arith.addi %mul3A_25, %add3A_64 : i32
      %dma_start3A_66 = arith.constant 3 : i32
      %dma_start3A_67 = arith.constant 0 : i32
      %dma_start3A_68 = arith.constant 0 : i32
      %dma_start3A_69 = tpu.memref_slice %arg12[%dma_start3A_66, %dma_start3A_67, %dma_start3A_68] : memref<4x128x16xf32, #tpu.memory_space<vmem>> -> memref<1x128x16xf32, #tpu.memory_space<vmem>>
      %dma_start3A_70 = tpu.memref_squeeze %dma_start3A_69 : memref<1x128x16xf32, #tpu.memory_space<vmem>> -> memref<128x16xf32, #tpu.memory_space<vmem>>
      %dma_start3A_71 = arith.constant 0 : i32
      %dma_start3A_72 = tpu.memref_slice %arg8[%add3A_65, %dma_start3A_71] : memref<84x128xi32, #tpu.memory_space<vmem>> -> memref<1x128xi32, #tpu.memory_space<vmem>>
      %dma_start3A_73 = tpu.memref_squeeze %dma_start3A_72 : memref<1x128xi32, #tpu.memory_space<vmem>> -> memref<128xi32, #tpu.memory_space<vmem>>
      %dma_start3A_74 = arith.constant 0 : i32
      %dma_start3A_75 = arith.constant 0 : i32
      %dma_start3A_76 = tpu.memref_slice %arg2[%dma_start3A_74, %dma_start3A_75] : memref<10240x16xf32, #tpu.memory_space<hbm>> -> memref<10240x16xf32, #tpu.memory_space<hbm>>
      tpu.enqueue_indirect_dma source(%dma_start3A_76 : memref<10240x16xf32, #tpu.memory_space<hbm>>) target(%dma_start3A_70 : memref<128x16xf32, #tpu.memory_space<vmem>>) offsets(%dma_start3A_73 : memref<128xi32, #tpu.memory_space<vmem>>) semaphore(%arg17 : memref<!tpu.dma_semaphore, #tpu.memory_space<semaphore_mem>>)
      %add3A_77 = arith.constant 0 : i32
      %add3A_78 = arith.addi %mul3A_25, %add3A_77 : i32
      %dma_wait3A = arith.constant 0 : i32
      %dma_wait3A_79 = arith.constant 0 : i32
      %dma_wait3A_80 = arith.constant 0 : i32
      %dma_wait3A_81 = tpu.memref_slice %arg12[%dma_wait3A, %dma_wait3A_79, %dma_wait3A_80] : memref<4x128x16xf32, #tpu.memory_space<vmem>> -> memref<1x128x16xf32, #tpu.memory_space<vmem>>
      %dma_wait3A_82 = tpu.memref_squeeze %dma_wait3A_81 : memref<1x128x16xf32, #tpu.memory_space<vmem>> -> memref<128x16xf32, #tpu.memory_space<vmem>>
      %dma_wait3A_83 = arith.constant 0 : i32
      %dma_wait3A_84 = tpu.memref_slice %arg8[%add3A_27, %dma_wait3A_83] : memref<84x128xi32, #tpu.memory_space<vmem>> -> memref<1x128xi32, #tpu.memory_space<vmem>>
      %dma_wait3A_85 = tpu.memref_squeeze %dma_wait3A_84 : memref<1x128xi32, #tpu.memory_space<vmem>> -> memref<128xi32, #tpu.memory_space<vmem>>
      %dma_wait3A_86 = arith.constant 0 : i32
      %dma_wait3A_87 = arith.constant 0 : i32
      %dma_wait3A_88 = tpu.memref_slice %arg2[%dma_wait3A_86, %dma_wait3A_87] : memref<10240x16xf32, #tpu.memory_space<hbm>> -> memref<10240x16xf32, #tpu.memory_space<hbm>>
      tpu.wait_indirect_dma semaphore(%arg14 : memref<!tpu.dma_semaphore, #tpu.memory_space<semaphore_mem>>) src(%dma_wait3A_88 : memref<10240x16xf32, #tpu.memory_space<hbm>>) dst(%dma_wait3A_82 : memref<128x16xf32, #tpu.memory_space<vmem>>)
      %scan3A_89 = arith.constant 0 : i32
      %scan3A_90 = arith.constant 0 : i32
      %scan3A_91 = arith.constant 8 : i32
      %scan3A_92 = arith.addi %scan3A_90, %scan3A_91 : i32
      %scan3A_93 = arith.constant 1 : i32
      scf.for %scan3A_240 = %scan3A_90 to %scan3A_92 step %scan3A_93  : i32 {
        %mul3A_241 = arith.constant 16 : i32
        %mul3A_242 = arith.muli %scan3A_240, %mul3A_241 : i32
        %get3A = arith.index_cast %add3A_78 : i32 to index
        %get3A_243 = arith.index_cast %mul3A_242 : i32 to index
        %get3A_244 = tpu.vector_load %arg10[%get3A, %get3A_243] {strides = array<i32>} : memref<84x128xf32, #tpu.memory_space<vmem>>, vector<16xf32>,
        %mul3A_245 = arith.constant 16 : i32
        %mul3A_246 = arith.muli %scan3A_240, %mul3A_245 : i32
        %get3A_247 = arith.index_cast %add3A_78 : i32 to index
        %get3A_248 = arith.index_cast %mul3A_246 : i32 to index
        %get3A_249 = tpu.vector_load %arg8[%get3A_247, %get3A_248] {strides = array<i32>} : memref<84x128xi32, #tpu.memory_space<vmem>>, vector<16xi32>,
        %mul3A_250 = arith.constant 16 : i32
        %mul3A_251 = arith.muli %scan3A_240, %mul3A_250 : i32
        %get3A_252 = arith.index_cast %add3A_78 : i32 to index
        %get3A_253 = arith.index_cast %mul3A_251 : i32 to index
        %get3A_254 = tpu.vector_load %arg9[%get3A_252, %get3A_253] {strides = array<i32>} : memref<84x128xi32, #tpu.memory_space<vmem>>, vector<16xi32>,
        %gather3A = tpu.vector_load_idx %arg11[%get3A_249] : memref<10240xf32, #tpu.memory_space<vmem>>[vector<16xi32>], vector<16xf32>,
        %mul3A_255 = arith.mulf %gather3A, %get3A_244 : vector<16xf32>
        %gather3A_256 = tpu.vector_load_idx %arg11[%get3A_254] : memref<10240xf32, #tpu.memory_space<vmem>>[vector<16xi32>], vector<16xf32>,
        %mul3A_257 = arith.mulf %mul3A_255, %gather3A_256 : vector<16xf32>
        %mul3A_258 = arith.constant 16 : i32
        %mul3A_259 = arith.muli %scan3A_240, %mul3A_258 : i32
        %add3A_260 = arith.constant 0 : i32
        %add3A_261 = arith.addi %mul3A_259, %add3A_260 : i32
        %get3A_262 = arith.constant 0 : i32
        %get3A_263 = arith.index_cast %get3A_262 : i32 to index
        %get3A_264 = arith.index_cast %add3A_261 : i32 to index
        %get3A_265 = arith.constant 0 : index
        %get3A_266 = tpu.vector_load %arg12[%get3A_263, %get3A_264, %get3A_265] {strides = array<i32>} : memref<4x128x16xf32, #tpu.memory_space<vmem>>, vector<16xf32>,
        %slice3A = vector.extract_strided_slice %mul3A_257 {offsets = [0], sizes = [1], strides = [1]} : vector<16xf32> to vector<1xf32>
        %squeeze3A = vector.extract %slice3A[0] : f32 from vector<1xf32>
        %mul3A_267 = vector.broadcast %squeeze3A : f32 to vector<16xf32>
        %mul3A_268 = arith.mulf %get3A_266, %mul3A_267 : vector<16xf32>
        %swap3A = arith.constant 0 : i32
        %swap3A_269 = arith.index_cast %swap3A : i32 to index
        %swap3A_270 = arith.index_cast %add3A_261 : i32 to index
        %swap3A_271 = arith.constant 0 : index
        %swap3A_272 = tpu.vector_load %arg12[%swap3A_269, %swap3A_270, %swap3A_271] {strides = array<i32>} : memref<4x128x16xf32, #tpu.memory_space<vmem>>, vector<16xf32>,
        tpu.vector_store %arg12[%swap3A_269, %swap3A_270, %swap3A_271], %mul3A_268 {strides = array<i32>} : memref<4x128x16xf32, #tpu.memory_space<vmem>>, vector<16xf32>,
        %mul3A_273 = arith.constant 16 : i32
        %mul3A_274 = arith.muli %scan3A_240, %mul3A_273 : i32
        %add3A_275 = arith.constant 1 : i32
        %add3A_276 = arith.addi %mul3A_274, %add3A_275 : i32
        %get3A_277 = arith.constant 0 : i32
        %get3A_278 = arith.index_cast %get3A_277 : i32 to index
        %get3A_279 = arith.index_cast %add3A_276 : i32 to index
        %get3A_280 = arith.constant 0 : index
        %get3A_281 = tpu.vector_load %arg12[%get3A_278, %get3A_279, %get3A_280] {strides = array<i32>} : memref<4x128x16xf32, #tpu.memory_space<vmem>>, vector<16xf32>,
        %slice3A_282 = vector.extract_strided_slice %mul3A_257 {offsets = [1], sizes = [1], strides = [1]} : vector<16xf32> to vector<1xf32>
        %squeeze3A_283 = vector.extract %slice3A_282[0] : f32 from vector<1xf32>
        %mul3A_284 = vector.broadcast %squeeze3A_283 : f32 to vector<16xf32>
        %mul3A_285 = arith.mulf %get3A_281, %mul3A_284 : vector<16xf32>
        %swap3A_286 = arith.constant 0 : i32
        %swap3A_287 = arith.index_cast %swap3A_286 : i32 to index
        %swap3A_288 = arith.index_cast %add3A_276 : i32 to index
        %swap3A_289 = arith.constant 0 : index
        %swap3A_290 = tpu.vector_load %arg12[%swap3A_287, %swap3A_288, %swap3A_289] {strides = array<i32>} : memref<4x128x16xf32, #tpu.memory_space<vmem>>, vector<16xf32>,
        tpu.vector_store %arg12[%swap3A_287, %swap3A_288, %swap3A_289], %mul3A_285 {strides = array<i32>} : memref<4x128x16xf32, #tpu.memory_space<vmem>>, vector<16xf32>,
        %mul3A_291 = arith.constant 16 : i32
        %mul3A_292 = arith.muli %scan3A_240, %mul3A_291 : i32
        %add3A_293 = arith.constant 2 : i32
        %add3A_294 = arith.addi %mul3A_292, %add3A_293 : i32
        %get3A_295 = arith.constant 0 : i32
        %get3A_296 = arith.index_cast %get3A_295 : i32 to index
        %get3A_297 = arith.index_cast %add3A_294 : i32 to index
        %get3A_298 = arith.constant 0 : index
        %get3A_299 = tpu.vector_load %arg12[%get3A_296, %get3A_297, %get3A_298] {strides = array<i32>} : memref<4x128x16xf32, #tpu.memory_space<vmem>>, vector<16xf32>,
        %slice3A_300 = vector.extract_strided_slice %mul3A_257 {offsets = [2], sizes = [1], strides = [1]} : vector<16xf32> to vector<1xf32>
        %squeeze3A_301 = vector.extract %slice3A_300[0] : f32 from vector<1xf32>
        %mul3A_302 = vector.broadcast %squeeze3A_301 : f32 to vector<16xf32>
        %mul3A_303 = arith.mulf %get3A_299, %mul3A_302 : vector<16xf32>
        %swap3A_304 = arith.constant 0 : i32
        %swap3A_305 = arith.index_cast %swap3A_304 : i32 to index
        %swap3A_306 = arith.index_cast %add3A_294 : i32 to index
        %swap3A_307 = arith.constant 0 : index
        %swap3A_308 = tpu.vector_load %arg12[%swap3A_305, %swap3A_306, %swap3A_307] {strides = array<i32>} : memref<4x128x16xf32, #tpu.memory_space<vmem>>, vector<16xf32>,
        tpu.vector_store %arg12[%swap3A_305, %swap3A_306, %swap3A_307], %mul3A_303 {strides = array<i32>} : memref<4x128x16xf32, #tpu.memory_space<vmem>>, vector<16xf32>,
        %mul3A_309 = arith.constant 16 : i32
        %mul3A_310 = arith.muli %scan3A_240, %mul3A_309 : i32
        %add3A_311 = arith.constant 3 : i32
        %add3A_312 = arith.addi %mul3A_310, %add3A_311 : i32
        %get3A_313 = arith.constant 0 : i32
        %get3A_314 = arith.index_cast %get3A_313 : i32 to index
        %get3A_315 = arith.index_cast %add3A_312 : i32 to index
        %get3A_316 = arith.constant 0 : index
        %get3A_317 = tpu.vector_load %arg12[%get3A_314, %get3A_315, %get3A_316] {strides = array<i32>} : memref<4x128x16xf32, #tpu.memory_space<vmem>>, vector<16xf32>,
        %slice3A_318 = vector.extract_strided_slice %mul3A_257 {offsets = [3], sizes = [1], strides = [1]} : vector<16xf32> to vector<1xf32>
        %squeeze3A_319 = vector.extract %slice3A_318[0] : f32 from vector<1xf32>
        %mul3A_320 = vector.broadcast %squeeze3A_319 : f32 to vector<16xf32>
        %mul3A_321 = arith.mulf %get3A_317, %mul3A_320 : vector<16xf32>
        %swap3A_322 = arith.constant 0 : i32
        %swap3A_323 = arith.index_cast %swap3A_322 : i32 to index
        %swap3A_324 = arith.index_cast %add3A_312 : i32 to index
        %swap3A_325 = arith.constant 0 : index
        %swap3A_326 = tpu.vector_load %arg12[%swap3A_323, %swap3A_324, %swap3A_325] {strides = array<i32>} : memref<4x128x16xf32, #tpu.memory_space<vmem>>, vector<16xf32>,
        tpu.vector_store %arg12[%swap3A_323, %swap3A_324, %swap3A_325], %mul3A_321 {strides = array<i32>} : memref<4x128x16xf32, #tpu.memory_space<vmem>>, vector<16xf32>,
        %mul3A_327 = arith.constant 16 : i32
        %mul3A_328 = arith.muli %scan3A_240, %mul3A_327 : i32
        %add3A_329 = arith.constant 4 : i32
        %add3A_330 = arith.addi %mul3A_328, %add3A_329 : i32
        %get3A_331 = arith.constant 0 : i32
        %get3A_332 = arith.index_cast %get3A_331 : i32 to index
        %get3A_333 = arith.index_cast %add3A_330 : i32 to index
        %get3A_334 = arith.constant 0 : index
        %get3A_335 = tpu.vector_load %arg12[%get3A_332, %get3A_333, %get3A_334] {strides = array<i32>} : memref<4x128x16xf32, #tpu.memory_space<vmem>>, vector<16xf32>,
        %slice3A_336 = vector.extract_strided_slice %mul3A_257 {offsets = [4], sizes = [1], strides = [1]} : vector<16xf32> to vector<1xf32>
        %squeeze3A_337 = vector.extract %slice3A_336[0] : f32 from vector<1xf32>
        %mul3A_338 = vector.broadcast %squeeze3A_337 : f32 to vector<16xf32>
        %mul3A_339 = arith.mulf %get3A_335, %mul3A_338 : vector<16xf32>
        %swap3A_340 = arith.constant 0 : i32
        %swap3A_341 = arith.index_cast %swap3A_340 : i32 to index
        %swap3A_342 = arith.index_cast %add3A_330 : i32 to index
        %swap3A_343 = arith.constant 0 : index
        %swap3A_344 = tpu.vector_load %arg12[%swap3A_341, %swap3A_342, %swap3A_343] {strides = array<i32>} : memref<4x128x16xf32, #tpu.memory_space<vmem>>, vector<16xf32>,
        tpu.vector_store %arg12[%swap3A_341, %swap3A_342, %swap3A_343], %mul3A_339 {strides = array<i32>} : memref<4x128x16xf32, #tpu.memory_space<vmem>>, vector<16xf32>,
        %mul3A_345 = arith.constant 16 : i32
        %mul3A_346 = arith.muli %scan3A_240, %mul3A_345 : i32
        %add3A_347 = arith.constant 5 : i32
        %add3A_348 = arith.addi %mul3A_346, %add3A_347 : i32
        %get3A_349 = arith.constant 0 : i32
        %get3A_350 = arith.index_cast %get3A_349 : i32 to index
        %get3A_351 = arith.index_cast %add3A_348 : i32 to index
        %get3A_352 = arith.constant 0 : index
        %get3A_353 = tpu.vector_load %arg12[%get3A_350, %get3A_351, %get3A_352] {strides = array<i32>} : memref<4x128x16xf32, #tpu.memory_space<vmem>>, vector<16xf32>,
        %slice3A_354 = vector.extract_strided_slice %mul3A_257 {offsets = [5], sizes = [1], strides = [1]} : vector<16xf32> to vector<1xf32>
        %squeeze3A_355 = vector.extract %slice3A_354[0] : f32 from vector<1xf32>
        %mul3A_356 = vector.broadcast %squeeze3A_355 : f32 to vector<16xf32>
        %mul3A_357 = arith.mulf %get3A_353, %mul3A_356 : vector<16xf32>
        %swap3A_358 = arith.constant 0 : i32
        %swap3A_359 = arith.index_cast %swap3A_358 : i32 to index
        %swap3A_360 = arith.index_cast %add3A_348 : i32 to index
        %swap3A_361 = arith.constant 0 : index
        %swap3A_362 = tpu.vector_load %arg12[%swap3A_359, %swap3A_360, %swap3A_361] {strides = array<i32>} : memref<4x128x16xf32, #tpu.memory_space<vmem>>, vector<16xf32>,
        tpu.vector_store %arg12[%swap3A_359, %swap3A_360, %swap3A_361], %mul3A_357 {strides = array<i32>} : memref<4x128x16xf32, #tpu.memory_space<vmem>>, vector<16xf32>,
        %mul3A_363 = arith.constant 16 : i32
        %mul3A_364 = arith.muli %scan3A_240, %mul3A_363 : i32
        %add3A_365 = arith.constant 6 : i32
        %add3A_366 = arith.addi %mul3A_364, %add3A_365 : i32
        %get3A_367 = arith.constant 0 : i32
        %get3A_368 = arith.index_cast %get3A_367 : i32 to index
        %get3A_369 = arith.index_cast %add3A_366 : i32 to index
        %get3A_370 = arith.constant 0 : index
        %get3A_371 = tpu.vector_load %arg12[%get3A_368, %get3A_369, %get3A_370] {strides = array<i32>} : memref<4x128x16xf32, #tpu.memory_space<vmem>>, vector<16xf32>,
        %slice3A_372 = vector.extract_strided_slice %mul3A_257 {offsets = [6], sizes = [1], strides = [1]} : vector<16xf32> to vector<1xf32>
        %squeeze3A_373 = vector.extract %slice3A_372[0] : f32 from vector<1xf32>
        %mul3A_374 = vector.broadcast %squeeze3A_373 : f32 to vector<16xf32>
        %mul3A_375 = arith.mulf %get3A_371, %mul3A_374 : vector<16xf32>
        %swap3A_376 = arith.constant 0 : i32
        %swap3A_377 = arith.index_cast %swap3A_376 : i32 to index
        %swap3A_378 = arith.index_cast %add3A_366 : i32 to index
        %swap3A_379 = arith.constant 0 : index
        %swap3A_380 = tpu.vector_load %arg12[%swap3A_377, %swap3A_378, %swap3A_379] {strides = array<i32>} : memref<4x128x16xf32, #tpu.memory_space<vmem>>, vector<16xf32>,
        tpu.vector_store %arg12[%swap3A_377, %swap3A_378, %swap3A_379], %mul3A_375 {strides = array<i32>} : memref<4x128x16xf32, #tpu.memory_space<vmem>>, vector<16xf32>,
        %mul3A_381 = arith.constant 16 : i32
        %mul3A_382 = arith.muli %scan3A_240, %mul3A_381 : i32
        %add3A_383 = arith.constant 7 : i32
        %add3A_384 = arith.addi %mul3A_382, %add3A_383 : i32
        %get3A_385 = arith.constant 0 : i32
        %get3A_386 = arith.index_cast %get3A_385 : i32 to index
        %get3A_387 = arith.index_cast %add3A_384 : i32 to index
        %get3A_388 = arith.constant 0 : index
        %get3A_389 = tpu.vector_load %arg12[%get3A_386, %get3A_387, %get3A_388] {strides = array<i32>} : memref<4x128x16xf32, #tpu.memory_space<vmem>>, vector<16xf32>,
        %slice3A_390 = vector.extract_strided_slice %mul3A_257 {offsets = [7], sizes = [1], strides = [1]} : vector<16xf32> to vector<1xf32>
        %squeeze3A_391 = vector.extract %slice3A_390[0] : f32 from vector<1xf32>
        %mul3A_392 = vector.broadcast %squeeze3A_391 : f32 to vector<16xf32>
        %mul3A_393 = arith.mulf %get3A_389, %mul3A_392 : vector<16xf32>
        %swap3A_394 = arith.constant 0 : i32
        %swap3A_395 = arith.index_cast %swap3A_394 : i32 to index
        %swap3A_396 = arith.index_cast %add3A_384 : i32 to index
        %swap3A_397 = arith.constant 0 : index
        %swap3A_398 = tpu.vector_load %arg12[%swap3A_395, %swap3A_396, %swap3A_397] {strides = array<i32>} : memref<4x128x16xf32, #tpu.memory_space<vmem>>, vector<16xf32>,
        tpu.vector_store %arg12[%swap3A_395, %swap3A_396, %swap3A_397], %mul3A_393 {strides = array<i32>} : memref<4x128x16xf32, #tpu.memory_space<vmem>>, vector<16xf32>,
        %mul3A_399 = arith.constant 16 : i32
        %mul3A_400 = arith.muli %scan3A_240, %mul3A_399 : i32
        %add3A_401 = arith.constant 8 : i32
        %add3A_402 = arith.addi %mul3A_400, %add3A_401 : i32
        %get3A_403 = arith.constant 0 : i32
        %get3A_404 = arith.index_cast %get3A_403 : i32 to index
        %get3A_405 = arith.index_cast %add3A_402 : i32 to index
        %get3A_406 = arith.constant 0 : index
        %get3A_407 = tpu.vector_load %arg12[%get3A_404, %get3A_405, %get3A_406] {strides = array<i32>} : memref<4x128x16xf32, #tpu.memory_space<vmem>>, vector<16xf32>,
        %slice3A_408 = vector.extract_strided_slice %mul3A_257 {offsets = [8], sizes = [1], strides = [1]} : vector<16xf32> to vector<1xf32>
        %squeeze3A_409 = vector.extract %slice3A_408[0] : f32 from vector<1xf32>
        %mul3A_410 = vector.broadcast %squeeze3A_409 : f32 to vector<16xf32>
        %mul3A_411 = arith.mulf %get3A_407, %mul3A_410 : vector<16xf32>
        %swap3A_412 = arith.constant 0 : i32
        %swap3A_413 = arith.index_cast %swap3A_412 : i32 to index
        %swap3A_414 = arith.index_cast %add3A_402 : i32 to index
        %swap3A_415 = arith.constant 0 : index
        %swap3A_416 = tpu.vector_load %arg12[%swap3A_413, %swap3A_414, %swap3A_415] {strides = array<i32>} : memref<4x128x16xf32, #tpu.memory_space<vmem>>, vector<16xf32>,
        tpu.vector_store %arg12[%swap3A_413, %swap3A_414, %swap3A_415], %mul3A_411 {strides = array<i32>} : memref<4x128x16xf32, #tpu.memory_space<vmem>>, vector<16xf32>,
        %mul3A_417 = arith.constant 16 : i32
        %mul3A_418 = arith.muli %scan3A_240, %mul3A_417 : i32
        %add3A_419 = arith.constant 9 : i32
        %add3A_420 = arith.addi %mul3A_418, %add3A_419 : i32
        %get3A_421 = arith.constant 0 : i32
        %get3A_422 = arith.index_cast %get3A_421 : i32 to index
        %get3A_423 = arith.index_cast %add3A_420 : i32 to index
        %get3A_424 = arith.constant 0 : index
        %get3A_425 = tpu.vector_load %arg12[%get3A_422, %get3A_423, %get3A_424] {strides = array<i32>} : memref<4x128x16xf32, #tpu.memory_space<vmem>>, vector<16xf32>,
        %slice3A_426 = vector.extract_strided_slice %mul3A_257 {offsets = [9], sizes = [1], strides = [1]} : vector<16xf32> to vector<1xf32>
        %squeeze3A_427 = vector.extract %slice3A_426[0] : f32 from vector<1xf32>
        %mul3A_428 = vector.broadcast %squeeze3A_427 : f32 to vector<16xf32>
        %mul3A_429 = arith.mulf %get3A_425, %mul3A_428 : vector<16xf32>
        %swap3A_430 = arith.constant 0 : i32
        %swap3A_431 = arith.index_cast %swap3A_430 : i32 to index
        %swap3A_432 = arith.index_cast %add3A_420 : i32 to index
        %swap3A_433 = arith.constant 0 : index
        %swap3A_434 = tpu.vector_load %arg12[%swap3A_431, %swap3A_432, %swap3A_433] {strides = array<i32>} : memref<4x128x16xf32, #tpu.memory_space<vmem>>, vector<16xf32>,
        tpu.vector_store %arg12[%swap3A_431, %swap3A_432, %swap3A_433], %mul3A_429 {strides = array<i32>} : memref<4x128x16xf32, #tpu.memory_space<vmem>>, vector<16xf32>,
        %mul3A_435 = arith.constant 16 : i32
        %mul3A_436 = arith.muli %scan3A_240, %mul3A_435 : i32
        %add3A_437 = arith.constant 10 : i32
        %add3A_438 = arith.addi %mul3A_436, %add3A_437 : i32
        %get3A_439 = arith.constant 0 : i32
        %get3A_440 = arith.index_cast %get3A_439 : i32 to index
        %get3A_441 = arith.index_cast %add3A_438 : i32 to index
        %get3A_442 = arith.constant 0 : index
        %get3A_443 = tpu.vector_load %arg12[%get3A_440, %get3A_441, %get3A_442] {strides = array<i32>} : memref<4x128x16xf32, #tpu.memory_space<vmem>>, vector<16xf32>,
        %slice3A_444 = vector.extract_strided_slice %mul3A_257 {offsets = [10], sizes = [1], strides = [1]} : vector<16xf32> to vector<1xf32>
        %squeeze3A_445 = vector.extract %slice3A_444[0] : f32 from vector<1xf32>
        %mul3A_446 = vector.broadcast %squeeze3A_445 : f32 to vector<16xf32>
        %mul3A_447 = arith.mulf %get3A_443, %mul3A_446 : vector<16xf32>
        %swap3A_448 = arith.constant 0 : i32
        %swap3A_449 = arith.index_cast %swap3A_448 : i32 to index
        %swap3A_450 = arith.index_cast %add3A_438 : i32 to index
        %swap3A_451 = arith.constant 0 : index
        %swap3A_452 = tpu.vector_load %arg12[%swap3A_449, %swap3A_450, %swap3A_451] {strides = array<i32>} : memref<4x128x16xf32, #tpu.memory_space<vmem>>, vector<16xf32>,
        tpu.vector_store %arg12[%swap3A_449, %swap3A_450, %swap3A_451], %mul3A_447 {strides = array<i32>} : memref<4x128x16xf32, #tpu.memory_space<vmem>>, vector<16xf32>,
        %mul3A_453 = arith.constant 16 : i32
        %mul3A_454 = arith.muli %scan3A_240, %mul3A_453 : i32
        %add3A_455 = arith.constant 11 : i32
        %add3A_456 = arith.addi %mul3A_454, %add3A_455 : i32
        %get3A_457 = arith.constant 0 : i32
        %get3A_458 = arith.index_cast %get3A_457 : i32 to index
        %get3A_459 = arith.index_cast %add3A_456 : i32 to index
        %get3A_460 = arith.constant 0 : index
        %get3A_461 = tpu.vector_load %arg12[%get3A_458, %get3A_459, %get3A_460] {strides = array<i32>} : memref<4x128x16xf32, #tpu.memory_space<vmem>>, vector<16xf32>,
        %slice3A_462 = vector.extract_strided_slice %mul3A_257 {offsets = [11], sizes = [1], strides = [1]} : vector<16xf32> to vector<1xf32>
        %squeeze3A_463 = vector.extract %slice3A_462[0] : f32 from vector<1xf32>
        %mul3A_464 = vector.broadcast %squeeze3A_463 : f32 to vector<16xf32>
        %mul3A_465 = arith.mulf %get3A_461, %mul3A_464 : vector<16xf32>
        %swap3A_466 = arith.constant 0 : i32
        %swap3A_467 = arith.index_cast %swap3A_466 : i32 to index
        %swap3A_468 = arith.index_cast %add3A_456 : i32 to index
        %swap3A_469 = arith.constant 0 : index
        %swap3A_470 = tpu.vector_load %arg12[%swap3A_467, %swap3A_468, %swap3A_469] {strides = array<i32>} : memref<4x128x16xf32, #tpu.memory_space<vmem>>, vector<16xf32>,
        tpu.vector_store %arg12[%swap3A_467, %swap3A_468, %swap3A_469], %mul3A_465 {strides = array<i32>} : memref<4x128x16xf32, #tpu.memory_space<vmem>>, vector<16xf32>,
        %mul3A_471 = arith.constant 16 : i32
        %mul3A_472 = arith.muli %scan3A_240, %mul3A_471 : i32
        %add3A_473 = arith.constant 12 : i32
        %add3A_474 = arith.addi %mul3A_472, %add3A_473 : i32
        %get3A_475 = arith.constant 0 : i32
        %get3A_476 = arith.index_cast %get3A_475 : i32 to index
        %get3A_477 = arith.index_cast %add3A_474 : i32 to index
        %get3A_478 = arith.constant 0 : index
        %get3A_479 = tpu.vector_load %arg12[%get3A_476, %get3A_477, %get3A_478] {strides = array<i32>} : memref<4x128x16xf32, #tpu.memory_space<vmem>>, vector<16xf32>,
        %slice3A_480 = vector.extract_strided_slice %mul3A_257 {offsets = [12], sizes = [1], strides = [1]} : vector<16xf32> to vector<1xf32>
        %squeeze3A_481 = vector.extract %slice3A_480[0] : f32 from vector<1xf32>
        %mul3A_482 = vector.broadcast %squeeze3A_481 : f32 to vector<16xf32>
        %mul3A_483 = arith.mulf %get3A_479, %mul3A_482 : vector<16xf32>
        %swap3A_484 = arith.constant 0 : i32
        %swap3A_485 = arith.index_cast %swap3A_484 : i32 to index
        %swap3A_486 = arith.index_cast %add3A_474 : i32 to index
        %swap3A_487 = arith.constant 0 : index
        %swap3A_488 = tpu.vector_load %arg12[%swap3A_485, %swap3A_486, %swap3A_487] {strides = array<i32>} : memref<4x128x16xf32, #tpu.memory_space<vmem>>, vector<16xf32>,
        tpu.vector_store %arg12[%swap3A_485, %swap3A_486, %swap3A_487], %mul3A_483 {strides = array<i32>} : memref<4x128x16xf32, #tpu.memory_space<vmem>>, vector<16xf32>,
        %mul3A_489 = arith.constant 16 : i32
        %mul3A_490 = arith.muli %scan3A_240, %mul3A_489 : i32
        %add3A_491 = arith.constant 13 : i32
        %add3A_492 = arith.addi %mul3A_490, %add3A_491 : i32
        %get3A_493 = arith.constant 0 : i32
        %get3A_494 = arith.index_cast %get3A_493 : i32 to index
        %get3A_495 = arith.index_cast %add3A_492 : i32 to index
        %get3A_496 = arith.constant 0 : index
        %get3A_497 = tpu.vector_load %arg12[%get3A_494, %get3A_495, %get3A_496] {strides = array<i32>} : memref<4x128x16xf32, #tpu.memory_space<vmem>>, vector<16xf32>,
        %slice3A_498 = vector.extract_strided_slice %mul3A_257 {offsets = [13], sizes = [1], strides = [1]} : vector<16xf32> to vector<1xf32>
        %squeeze3A_499 = vector.extract %slice3A_498[0] : f32 from vector<1xf32>
        %mul3A_500 = vector.broadcast %squeeze3A_499 : f32 to vector<16xf32>
        %mul3A_501 = arith.mulf %get3A_497, %mul3A_500 : vector<16xf32>
        %swap3A_502 = arith.constant 0 : i32
        %swap3A_503 = arith.index_cast %swap3A_502 : i32 to index
        %swap3A_504 = arith.index_cast %add3A_492 : i32 to index
        %swap3A_505 = arith.constant 0 : index
        %swap3A_506 = tpu.vector_load %arg12[%swap3A_503, %swap3A_504, %swap3A_505] {strides = array<i32>} : memref<4x128x16xf32, #tpu.memory_space<vmem>>, vector<16xf32>,
        tpu.vector_store %arg12[%swap3A_503, %swap3A_504, %swap3A_505], %mul3A_501 {strides = array<i32>} : memref<4x128x16xf32, #tpu.memory_space<vmem>>, vector<16xf32>,
        %mul3A_507 = arith.constant 16 : i32
        %mul3A_508 = arith.muli %scan3A_240, %mul3A_507 : i32
        %add3A_509 = arith.constant 14 : i32
        %add3A_510 = arith.addi %mul3A_508, %add3A_509 : i32
        %get3A_511 = arith.constant 0 : i32
        %get3A_512 = arith.index_cast %get3A_511 : i32 to index
        %get3A_513 = arith.index_cast %add3A_510 : i32 to index
        %get3A_514 = arith.constant 0 : index
        %get3A_515 = tpu.vector_load %arg12[%get3A_512, %get3A_513, %get3A_514] {strides = array<i32>} : memref<4x128x16xf32, #tpu.memory_space<vmem>>, vector<16xf32>,
        %slice3A_516 = vector.extract_strided_slice %mul3A_257 {offsets = [14], sizes = [1], strides = [1]} : vector<16xf32> to vector<1xf32>
        %squeeze3A_517 = vector.extract %slice3A_516[0] : f32 from vector<1xf32>
        %mul3A_518 = vector.broadcast %squeeze3A_517 : f32 to vector<16xf32>
        %mul3A_519 = arith.mulf %get3A_515, %mul3A_518 : vector<16xf32>
        %swap3A_520 = arith.constant 0 : i32
        %swap3A_521 = arith.index_cast %swap3A_520 : i32 to index
        %swap3A_522 = arith.index_cast %add3A_510 : i32 to index
        %swap3A_523 = arith.constant 0 : index
        %swap3A_524 = tpu.vector_load %arg12[%swap3A_521, %swap3A_522, %swap3A_523] {strides = array<i32>} : memref<4x128x16xf32, #tpu.memory_space<vmem>>, vector<16xf32>,
        tpu.vector_store %arg12[%swap3A_521, %swap3A_522, %swap3A_523], %mul3A_519 {strides = array<i32>} : memref<4x128x16xf32, #tpu.memory_space<vmem>>, vector<16xf32>,
        %mul3A_525 = arith.constant 16 : i32
        %mul3A_526 = arith.muli %scan3A_240, %mul3A_525 : i32
        %add3A_527 = arith.constant 15 : i32
        %add3A_528 = arith.addi %mul3A_526, %add3A_527 : i32
        %get3A_529 = arith.constant 0 : i32
        %get3A_530 = arith.index_cast %get3A_529 : i32 to index
        %get3A_531 = arith.index_cast %add3A_528 : i32 to index
        %get3A_532 = arith.constant 0 : index
        %get3A_533 = tpu.vector_load %arg12[%get3A_530, %get3A_531, %get3A_532] {strides = array<i32>} : memref<4x128x16xf32, #tpu.memory_space<vmem>>, vector<16xf32>,
        %slice3A_534 = vector.extract_strided_slice %mul3A_257 {offsets = [15], sizes = [1], strides = [1]} : vector<16xf32> to vector<1xf32>
        %squeeze3A_535 = vector.extract %slice3A_534[0] : f32 from vector<1xf32>
        %mul3A_536 = vector.broadcast %squeeze3A_535 : f32 to vector<16xf32>
        %mul3A_537 = arith.mulf %get3A_533, %mul3A_536 : vector<16xf32>
        %swap3A_538 = arith.constant 0 : i32
        %swap3A_539 = arith.index_cast %swap3A_538 : i32 to index
        %swap3A_540 = arith.index_cast %add3A_528 : i32 to index
        %swap3A_541 = arith.constant 0 : index
        %swap3A_542 = tpu.vector_load %arg12[%swap3A_539, %swap3A_540, %swap3A_541] {strides = array<i32>} : memref<4x128x16xf32, #tpu.memory_space<vmem>>, vector<16xf32>,
        tpu.vector_store %arg12[%swap3A_539, %swap3A_540, %swap3A_541], %mul3A_537 {strides = array<i32>} : memref<4x128x16xf32, #tpu.memory_space<vmem>>, vector<16xf32>,
      }
      %scan3A_94 = arith.constant 8 : i32
      %dma_start3A_95 = arith.constant 0 : i32
      %dma_start3A_96 = arith.constant 0 : i32
      %dma_start3A_97 = arith.constant 0 : i32
      %dma_start3A_98 = tpu.memref_slice %arg12[%dma_start3A_95, %dma_start3A_96, %dma_start3A_97] : memref<4x128x16xf32, #tpu.memory_space<vmem>> -> memref<1x128x16xf32, #tpu.memory_space<vmem>>
      %dma_start3A_99 = tpu.memref_squeeze %dma_start3A_98 : memref<1x128x16xf32, #tpu.memory_space<vmem>> -> memref<128x16xf32, #tpu.memory_space<vmem>>
      %dma_start3A_100 = arith.constant 0 : i32
      %dma_start3A_101 = tpu.memref_slice %arg9[%add3A_78, %dma_start3A_100] : memref<84x128xi32, #tpu.memory_space<vmem>> -> memref<1x128xi32, #tpu.memory_space<vmem>>
      %dma_start3A_102 = tpu.memref_squeeze %dma_start3A_101 : memref<1x128xi32, #tpu.memory_space<vmem>> -> memref<128xi32, #tpu.memory_space<vmem>>
      %dma_start3A_103 = arith.constant 0 : i32
      %dma_start3A_104 = arith.constant 0 : i32
      %dma_start3A_105 = tpu.memref_slice %arg13[%dma_start3A_103, %dma_start3A_104] : memref<10240x16xf32, #tpu.memory_space<vmem_shared>> -> memref<10240x16xf32, #tpu.memory_space<vmem_shared>>
      tpu.enqueue_indirect_dma source(%dma_start3A_99 : memref<128x16xf32, #tpu.memory_space<vmem>>) target(%dma_start3A_105 : memref<10240x16xf32, #tpu.memory_space<vmem_shared>>) offsets(%dma_start3A_102 : memref<128xi32, #tpu.memory_space<vmem>>) semaphore(%arg18 : memref<!tpu.dma_semaphore, #tpu.memory_space<semaphore_mem>>) {add = true}
      %add3A_106 = arith.constant 1 : i32
      %add3A_107 = arith.addi %mul3A_25, %add3A_106 : i32
      %dma_wait3A_108 = arith.constant 1 : i32
      %dma_wait3A_109 = arith.constant 0 : i32
      %dma_wait3A_110 = arith.constant 0 : i32
      %dma_wait3A_111 = tpu.memref_slice %arg12[%dma_wait3A_108, %dma_wait3A_109, %dma_wait3A_110] : memref<4x128x16xf32, #tpu.memory_space<vmem>> -> memref<1x128x16xf32, #tpu.memory_space<vmem>>
      %dma_wait3A_112 = tpu.memref_squeeze %dma_wait3A_111 : memref<1x128x16xf32, #tpu.memory_space<vmem>> -> memref<128x16xf32, #tpu.memory_space<vmem>>
      %dma_wait3A_113 = arith.constant 0 : i32
      %dma_wait3A_114 = tpu.memref_slice %arg8[%add3A_39, %dma_wait3A_113] : memref<84x128xi32, #tpu.memory_space<vmem>> -> memref<1x128xi32, #tpu.memory_space<vmem>>
      %dma_wait3A_115 = tpu.memref_squeeze %dma_wait3A_114 : memref<1x128xi32, #tpu.memory_space<vmem>> -> memref<128xi32, #tpu.memory_space<vmem>>
      %dma_wait3A_116 = arith.constant 0 : i32
      %dma_wait3A_117 = arith.constant 0 : i32
      %dma_wait3A_118 = tpu.memref_slice %arg2[%dma_wait3A_116, %dma_wait3A_117] : memref<10240x16xf32, #tpu.memory_space<hbm>> -> memref<10240x16xf32, #tpu.memory_space<hbm>>
      tpu.wait_indirect_dma semaphore(%arg15 : memref<!tpu.dma_semaphore, #tpu.memory_space<semaphore_mem>>) src(%dma_wait3A_118 : memref<10240x16xf32, #tpu.memory_space<hbm>>) dst(%dma_wait3A_112 : memref<128x16xf32, #tpu.memory_space<vmem>>)
      %scan3A_119 = arith.constant 0 : i32
      %scan3A_120 = arith.constant 0 : i32
      %scan3A_121 = arith.constant 8 : i32
      %scan3A_122 = arith.addi %scan3A_120, %scan3A_121 : i32
      %scan3A_123 = arith.constant 1 : i32
      scf.for %scan3A_240 = %scan3A_120 to %scan3A_122 step %scan3A_123  : i32 {
        %mul3A_241 = arith.constant 16 : i32
        %mul3A_242 = arith.muli %scan3A_240, %mul3A_241 : i32
        %get3A = arith.index_cast %add3A_107 : i32 to index
        %get3A_243 = arith.index_cast %mul3A_242 : i32 to index
        %get3A_244 = tpu.vector_load %arg10[%get3A, %get3A_243] {strides = array<i32>} : memref<84x128xf32, #tpu.memory_space<vmem>>, vector<16xf32>,
        %mul3A_245 = arith.constant 16 : i32
        %mul3A_246 = arith.muli %scan3A_240, %mul3A_245 : i32
        %get3A_247 = arith.index_cast %add3A_107 : i32 to index
        %get3A_248 = arith.index_cast %mul3A_246 : i32 to index
        %get3A_249 = tpu.vector_load %arg8[%get3A_247, %get3A_248] {strides = array<i32>} : memref<84x128xi32, #tpu.memory_space<vmem>>, vector<16xi32>,
        %mul3A_250 = arith.constant 16 : i32
        %mul3A_251 = arith.muli %scan3A_240, %mul3A_250 : i32
        %get3A_252 = arith.index_cast %add3A_107 : i32 to index
        %get3A_253 = arith.index_cast %mul3A_251 : i32 to index
        %get3A_254 = tpu.vector_load %arg9[%get3A_252, %get3A_253] {strides = array<i32>} : memref<84x128xi32, #tpu.memory_space<vmem>>, vector<16xi32>,
        %gather3A = tpu.vector_load_idx %arg11[%get3A_249] : memref<10240xf32, #tpu.memory_space<vmem>>[vector<16xi32>], vector<16xf32>,
        %mul3A_255 = arith.mulf %gather3A, %get3A_244 : vector<16xf32>
        %gather3A_256 = tpu.vector_load_idx %arg11[%get3A_254] : memref<10240xf32, #tpu.memory_space<vmem>>[vector<16xi32>], vector<16xf32>,
        %mul3A_257 = arith.mulf %mul3A_255, %gather3A_256 : vector<16xf32>
        %mul3A_258 = arith.constant 16 : i32
        %mul3A_259 = arith.muli %scan3A_240, %mul3A_258 : i32
        %add3A_260 = arith.constant 0 : i32
        %add3A_261 = arith.addi %mul3A_259, %add3A_260 : i32
        %get3A_262 = arith.constant 1 : i32
        %get3A_263 = arith.index_cast %get3A_262 : i32 to index
        %get3A_264 = arith.index_cast %add3A_261 : i32 to index
        %get3A_265 = arith.constant 0 : index
        %get3A_266 = tpu.vector_load %arg12[%get3A_263, %get3A_264, %get3A_265] {strides = array<i32>} : memref<4x128x16xf32, #tpu.memory_space<vmem>>, vector<16xf32>,
        %slice3A = vector.extract_strided_slice %mul3A_257 {offsets = [0], sizes = [1], strides = [1]} : vector<16xf32> to vector<1xf32>
        %squeeze3A = vector.extract %slice3A[0] : f32 from vector<1xf32>
        %mul3A_267 = vector.broadcast %squeeze3A : f32 to vector<16xf32>
        %mul3A_268 = arith.mulf %get3A_266, %mul3A_267 : vector<16xf32>
        %swap3A = arith.constant 1 : i32
        %swap3A_269 = arith.index_cast %swap3A : i32 to index
        %swap3A_270 = arith.index_cast %add3A_261 : i32 to index
        %swap3A_271 = arith.constant 0 : index
        %swap3A_272 = tpu.vector_load %arg12[%swap3A_269, %swap3A_270, %swap3A_271] {strides = array<i32>} : memref<4x128x16xf32, #tpu.memory_space<vmem>>, vector<16xf32>,
        tpu.vector_store %arg12[%swap3A_269, %swap3A_270, %swap3A_271], %mul3A_268 {strides = array<i32>} : memref<4x128x16xf32, #tpu.memory_space<vmem>>, vector<16xf32>,
        %mul3A_273 = arith.constant 16 : i32
        %mul3A_274 = arith.muli %scan3A_240, %mul3A_273 : i32
        %add3A_275 = arith.constant 1 : i32
        %add3A_276 = arith.addi %mul3A_274, %add3A_275 : i32
        %get3A_277 = arith.constant 1 : i32
        %get3A_278 = arith.index_cast %get3A_277 : i32 to index
        %get3A_279 = arith.index_cast %add3A_276 : i32 to index
        %get3A_280 = arith.constant 0 : index
        %get3A_281 = tpu.vector_load %arg12[%get3A_278, %get3A_279, %get3A_280] {strides = array<i32>} : memref<4x128x16xf32, #tpu.memory_space<vmem>>, vector<16xf32>,
        %slice3A_282 = vector.extract_strided_slice %mul3A_257 {offsets = [1], sizes = [1], strides = [1]} : vector<16xf32> to vector<1xf32>
        %squeeze3A_283 = vector.extract %slice3A_282[0] : f32 from vector<1xf32>
        %mul3A_284 = vector.broadcast %squeeze3A_283 : f32 to vector<16xf32>
        %mul3A_285 = arith.mulf %get3A_281, %mul3A_284 : vector<16xf32>
        %swap3A_286 = arith.constant 1 : i32
        %swap3A_287 = arith.index_cast %swap3A_286 : i32 to index
        %swap3A_288 = arith.index_cast %add3A_276 : i32 to index
        %swap3A_289 = arith.constant 0 : index
        %swap3A_290 = tpu.vector_load %arg12[%swap3A_287, %swap3A_288, %swap3A_289] {strides = array<i32>} : memref<4x128x16xf32, #tpu.memory_space<vmem>>, vector<16xf32>,
        tpu.vector_store %arg12[%swap3A_287, %swap3A_288, %swap3A_289], %mul3A_285 {strides = array<i32>} : memref<4x128x16xf32, #tpu.memory_space<vmem>>, vector<16xf32>,
        %mul3A_291 = arith.constant 16 : i32
        %mul3A_292 = arith.muli %scan3A_240, %mul3A_291 : i32
        %add3A_293 = arith.constant 2 : i32
        %add3A_294 = arith.addi %mul3A_292, %add3A_293 : i32
        %get3A_295 = arith.constant 1 : i32
        %get3A_296 = arith.index_cast %get3A_295 : i32 to index
        %get3A_297 = arith.index_cast %add3A_294 : i32 to index
        %get3A_298 = arith.constant 0 : index
        %get3A_299 = tpu.vector_load %arg12[%get3A_296, %get3A_297, %get3A_298] {strides = array<i32>} : memref<4x128x16xf32, #tpu.memory_space<vmem>>, vector<16xf32>,
        %slice3A_300 = vector.extract_strided_slice %mul3A_257 {offsets = [2], sizes = [1], strides = [1]} : vector<16xf32> to vector<1xf32>
        %squeeze3A_301 = vector.extract %slice3A_300[0] : f32 from vector<1xf32>
        %mul3A_302 = vector.broadcast %squeeze3A_301 : f32 to vector<16xf32>
        %mul3A_303 = arith.mulf %get3A_299, %mul3A_302 : vector<16xf32>
        %swap3A_304 = arith.constant 1 : i32
        %swap3A_305 = arith.index_cast %swap3A_304 : i32 to index
        %swap3A_306 = arith.index_cast %add3A_294 : i32 to index
        %swap3A_307 = arith.constant 0 : index
        %swap3A_308 = tpu.vector_load %arg12[%swap3A_305, %swap3A_306, %swap3A_307] {strides = array<i32>} : memref<4x128x16xf32, #tpu.memory_space<vmem>>, vector<16xf32>,
        tpu.vector_store %arg12[%swap3A_305, %swap3A_306, %swap3A_307], %mul3A_303 {strides = array<i32>} : memref<4x128x16xf32, #tpu.memory_space<vmem>>, vector<16xf32>,
        %mul3A_309 = arith.constant 16 : i32
        %mul3A_310 = arith.muli %scan3A_240, %mul3A_309 : i32
        %add3A_311 = arith.constant 3 : i32
        %add3A_312 = arith.addi %mul3A_310, %add3A_311 : i32
        %get3A_313 = arith.constant 1 : i32
        %get3A_314 = arith.index_cast %get3A_313 : i32 to index
        %get3A_315 = arith.index_cast %add3A_312 : i32 to index
        %get3A_316 = arith.constant 0 : index
        %get3A_317 = tpu.vector_load %arg12[%get3A_314, %get3A_315, %get3A_316] {strides = array<i32>} : memref<4x128x16xf32, #tpu.memory_space<vmem>>, vector<16xf32>,
        %slice3A_318 = vector.extract_strided_slice %mul3A_257 {offsets = [3], sizes = [1], strides = [1]} : vector<16xf32> to vector<1xf32>
        %squeeze3A_319 = vector.extract %slice3A_318[0] : f32 from vector<1xf32>
        %mul3A_320 = vector.broadcast %squeeze3A_319 : f32 to vector<16xf32>
        %mul3A_321 = arith.mulf %get3A_317, %mul3A_320 : vector<16xf32>
        %swap3A_322 = arith.constant 1 : i32
        %swap3A_323 = arith.index_cast %swap3A_322 : i32 to index
        %swap3A_324 = arith.index_cast %add3A_312 : i32 to index
        %swap3A_325 = arith.constant 0 : index
        %swap3A_326 = tpu.vector_load %arg12[%swap3A_323, %swap3A_324, %swap3A_325] {strides = array<i32>} : memref<4x128x16xf32, #tpu.memory_space<vmem>>, vector<16xf32>,
        tpu.vector_store %arg12[%swap3A_323, %swap3A_324, %swap3A_325], %mul3A_321 {strides = array<i32>} : memref<4x128x16xf32, #tpu.memory_space<vmem>>, vector<16xf32>,
        %mul3A_327 = arith.constant 16 : i32
        %mul3A_328 = arith.muli %scan3A_240, %mul3A_327 : i32
        %add3A_329 = arith.constant 4 : i32
        %add3A_330 = arith.addi %mul3A_328, %add3A_329 : i32
        %get3A_331 = arith.constant 1 : i32
        %get3A_332 = arith.index_cast %get3A_331 : i32 to index
        %get3A_333 = arith.index_cast %add3A_330 : i32 to index
        %get3A_334 = arith.constant 0 : index
        %get3A_335 = tpu.vector_load %arg12[%get3A_332, %get3A_333, %get3A_334] {strides = array<i32>} : memref<4x128x16xf32, #tpu.memory_space<vmem>>, vector<16xf32>,
        %slice3A_336 = vector.extract_strided_slice %mul3A_257 {offsets = [4], sizes = [1], strides = [1]} : vector<16xf32> to vector<1xf32>
        %squeeze3A_337 = vector.extract %slice3A_336[0] : f32 from vector<1xf32>
        %mul3A_338 = vector.broadcast %squeeze3A_337 : f32 to vector<16xf32>
        %mul3A_339 = arith.mulf %get3A_335, %mul3A_338 : vector<16xf32>
        %swap3A_340 = arith.constant 1 : i32
        %swap3A_341 = arith.index_cast %swap3A_340 : i32 to index
        %swap3A_342 = arith.index_cast %add3A_330 : i32 to index
        %swap3A_343 = arith.constant 0 : index
        %swap3A_344 = tpu.vector_load %arg12[%swap3A_341, %swap3A_342, %swap3A_343] {strides = array<i32>} : memref<4x128x16xf32, #tpu.memory_space<vmem>>, vector<16xf32>,
        tpu.vector_store %arg12[%swap3A_341, %swap3A_342, %swap3A_343], %mul3A_339 {strides = array<i32>} : memref<4x128x16xf32, #tpu.memory_space<vmem>>, vector<16xf32>,
        %mul3A_345 = arith.constant 16 : i32
        %mul3A_346 = arith.muli %scan3A_240, %mul3A_345 : i32
        %add3A_347 = arith.constant 5 : i32
        %add3A_348 = arith.addi %mul3A_346, %add3A_347 : i32
        %get3A_349 = arith.constant 1 : i32
        %get3A_350 = arith.index_cast %get3A_349 : i32 to index
        %get3A_351 = arith.index_cast %add3A_348 : i32 to index
        %get3A_352 = arith.constant 0 : index
        %get3A_353 = tpu.vector_load %arg12[%get3A_350, %get3A_351, %get3A_352] {strides = array<i32>} : memref<4x128x16xf32, #tpu.memory_space<vmem>>, vector<16xf32>,
        %slice3A_354 = vector.extract_strided_slice %mul3A_257 {offsets = [5], sizes = [1], strides = [1]} : vector<16xf32> to vector<1xf32>
        %squeeze3A_355 = vector.extract %slice3A_354[0] : f32 from vector<1xf32>
        %mul3A_356 = vector.broadcast %squeeze3A_355 : f32 to vector<16xf32>
        %mul3A_357 = arith.mulf %get3A_353, %mul3A_356 : vector<16xf32>
        %swap3A_358 = arith.constant 1 : i32
        %swap3A_359 = arith.index_cast %swap3A_358 : i32 to index
        %swap3A_360 = arith.index_cast %add3A_348 : i32 to index
        %swap3A_361 = arith.constant 0 : index
        %swap3A_362 = tpu.vector_load %arg12[%swap3A_359, %swap3A_360, %swap3A_361] {strides = array<i32>} : memref<4x128x16xf32, #tpu.memory_space<vmem>>, vector<16xf32>,
        tpu.vector_store %arg12[%swap3A_359, %swap3A_360, %swap3A_361], %mul3A_357 {strides = array<i32>} : memref<4x128x16xf32, #tpu.memory_space<vmem>>, vector<16xf32>,
        %mul3A_363 = arith.constant 16 : i32
        %mul3A_364 = arith.muli %scan3A_240, %mul3A_363 : i32
        %add3A_365 = arith.constant 6 : i32
        %add3A_366 = arith.addi %mul3A_364, %add3A_365 : i32
        %get3A_367 = arith.constant 1 : i32
        %get3A_368 = arith.index_cast %get3A_367 : i32 to index
        %get3A_369 = arith.index_cast %add3A_366 : i32 to index
        %get3A_370 = arith.constant 0 : index
        %get3A_371 = tpu.vector_load %arg12[%get3A_368, %get3A_369, %get3A_370] {strides = array<i32>} : memref<4x128x16xf32, #tpu.memory_space<vmem>>, vector<16xf32>,
        %slice3A_372 = vector.extract_strided_slice %mul3A_257 {offsets = [6], sizes = [1], strides = [1]} : vector<16xf32> to vector<1xf32>
        %squeeze3A_373 = vector.extract %slice3A_372[0] : f32 from vector<1xf32>
        %mul3A_374 = vector.broadcast %squeeze3A_373 : f32 to vector<16xf32>
        %mul3A_375 = arith.mulf %get3A_371, %mul3A_374 : vector<16xf32>
        %swap3A_376 = arith.constant 1 : i32
        %swap3A_377 = arith.index_cast %swap3A_376 : i32 to index
        %swap3A_378 = arith.index_cast %add3A_366 : i32 to index
        %swap3A_379 = arith.constant 0 : index
        %swap3A_380 = tpu.vector_load %arg12[%swap3A_377, %swap3A_378, %swap3A_379] {strides = array<i32>} : memref<4x128x16xf32, #tpu.memory_space<vmem>>, vector<16xf32>,
        tpu.vector_store %arg12[%swap3A_377, %swap3A_378, %swap3A_379], %mul3A_375 {strides = array<i32>} : memref<4x128x16xf32, #tpu.memory_space<vmem>>, vector<16xf32>,
        %mul3A_381 = arith.constant 16 : i32
        %mul3A_382 = arith.muli %scan3A_240, %mul3A_381 : i32
        %add3A_383 = arith.constant 7 : i32
        %add3A_384 = arith.addi %mul3A_382, %add3A_383 : i32
        %get3A_385 = arith.constant 1 : i32
        %get3A_386 = arith.index_cast %get3A_385 : i32 to index
        %get3A_387 = arith.index_cast %add3A_384 : i32 to index
        %get3A_388 = arith.constant 0 : index
        %get3A_389 = tpu.vector_load %arg12[%get3A_386, %get3A_387, %get3A_388] {strides = array<i32>} : memref<4x128x16xf32, #tpu.memory_space<vmem>>, vector<16xf32>,
        %slice3A_390 = vector.extract_strided_slice %mul3A_257 {offsets = [7], sizes = [1], strides = [1]} : vector<16xf32> to vector<1xf32>
        %squeeze3A_391 = vector.extract %slice3A_390[0] : f32 from vector<1xf32>
        %mul3A_392 = vector.broadcast %squeeze3A_391 : f32 to vector<16xf32>
        %mul3A_393 = arith.mulf %get3A_389, %mul3A_392 : vector<16xf32>
        %swap3A_394 = arith.constant 1 : i32
        %swap3A_395 = arith.index_cast %swap3A_394 : i32 to index
        %swap3A_396 = arith.index_cast %add3A_384 : i32 to index
        %swap3A_397 = arith.constant 0 : index
        %swap3A_398 = tpu.vector_load %arg12[%swap3A_395, %swap3A_396, %swap3A_397] {strides = array<i32>} : memref<4x128x16xf32, #tpu.memory_space<vmem>>, vector<16xf32>,
        tpu.vector_store %arg12[%swap3A_395, %swap3A_396, %swap3A_397], %mul3A_393 {strides = array<i32>} : memref<4x128x16xf32, #tpu.memory_space<vmem>>, vector<16xf32>,
        %mul3A_399 = arith.constant 16 : i32
        %mul3A_400 = arith.muli %scan3A_240, %mul3A_399 : i32
        %add3A_401 = arith.constant 8 : i32
        %add3A_402 = arith.addi %mul3A_400, %add3A_401 : i32
        %get3A_403 = arith.constant 1 : i32
        %get3A_404 = arith.index_cast %get3A_403 : i32 to index
        %get3A_405 = arith.index_cast %add3A_402 : i32 to index
        %get3A_406 = arith.constant 0 : index
        %get3A_407 = tpu.vector_load %arg12[%get3A_404, %get3A_405, %get3A_406] {strides = array<i32>} : memref<4x128x16xf32, #tpu.memory_space<vmem>>, vector<16xf32>,
        %slice3A_408 = vector.extract_strided_slice %mul3A_257 {offsets = [8], sizes = [1], strides = [1]} : vector<16xf32> to vector<1xf32>
        %squeeze3A_409 = vector.extract %slice3A_408[0] : f32 from vector<1xf32>
        %mul3A_410 = vector.broadcast %squeeze3A_409 : f32 to vector<16xf32>
        %mul3A_411 = arith.mulf %get3A_407, %mul3A_410 : vector<16xf32>
        %swap3A_412 = arith.constant 1 : i32
        %swap3A_413 = arith.index_cast %swap3A_412 : i32 to index
        %swap3A_414 = arith.index_cast %add3A_402 : i32 to index
        %swap3A_415 = arith.constant 0 : index
        %swap3A_416 = tpu.vector_load %arg12[%swap3A_413, %swap3A_414, %swap3A_415] {strides = array<i32>} : memref<4x128x16xf32, #tpu.memory_space<vmem>>, vector<16xf32>,
        tpu.vector_store %arg12[%swap3A_413, %swap3A_414, %swap3A_415], %mul3A_411 {strides = array<i32>} : memref<4x128x16xf32, #tpu.memory_space<vmem>>, vector<16xf32>,
        %mul3A_417 = arith.constant 16 : i32
        %mul3A_418 = arith.muli %scan3A_240, %mul3A_417 : i32
        %add3A_419 = arith.constant 9 : i32
        %add3A_420 = arith.addi %mul3A_418, %add3A_419 : i32
        %get3A_421 = arith.constant 1 : i32
        %get3A_422 = arith.index_cast %get3A_421 : i32 to index
        %get3A_423 = arith.index_cast %add3A_420 : i32 to index
        %get3A_424 = arith.constant 0 : index
        %get3A_425 = tpu.vector_load %arg12[%get3A_422, %get3A_423, %get3A_424] {strides = array<i32>} : memref<4x128x16xf32, #tpu.memory_space<vmem>>, vector<16xf32>,
        %slice3A_426 = vector.extract_strided_slice %mul3A_257 {offsets = [9], sizes = [1], strides = [1]} : vector<16xf32> to vector<1xf32>
        %squeeze3A_427 = vector.extract %slice3A_426[0] : f32 from vector<1xf32>
        %mul3A_428 = vector.broadcast %squeeze3A_427 : f32 to vector<16xf32>
        %mul3A_429 = arith.mulf %get3A_425, %mul3A_428 : vector<16xf32>
        %swap3A_430 = arith.constant 1 : i32
        %swap3A_431 = arith.index_cast %swap3A_430 : i32 to index
        %swap3A_432 = arith.index_cast %add3A_420 : i32 to index
        %swap3A_433 = arith.constant 0 : index
        %swap3A_434 = tpu.vector_load %arg12[%swap3A_431, %swap3A_432, %swap3A_433] {strides = array<i32>} : memref<4x128x16xf32, #tpu.memory_space<vmem>>, vector<16xf32>,
        tpu.vector_store %arg12[%swap3A_431, %swap3A_432, %swap3A_433], %mul3A_429 {strides = array<i32>} : memref<4x128x16xf32, #tpu.memory_space<vmem>>, vector<16xf32>,
        %mul3A_435 = arith.constant 16 : i32
        %mul3A_436 = arith.muli %scan3A_240, %mul3A_435 : i32
        %add3A_437 = arith.constant 10 : i32
        %add3A_438 = arith.addi %mul3A_436, %add3A_437 : i32
        %get3A_439 = arith.constant 1 : i32
        %get3A_440 = arith.index_cast %get3A_439 : i32 to index
        %get3A_441 = arith.index_cast %add3A_438 : i32 to index
        %get3A_442 = arith.constant 0 : index
        %get3A_443 = tpu.vector_load %arg12[%get3A_440, %get3A_441, %get3A_442] {strides = array<i32>} : memref<4x128x16xf32, #tpu.memory_space<vmem>>, vector<16xf32>,
        %slice3A_444 = vector.extract_strided_slice %mul3A_257 {offsets = [10], sizes = [1], strides = [1]} : vector<16xf32> to vector<1xf32>
        %squeeze3A_445 = vector.extract %slice3A_444[0] : f32 from vector<1xf32>
        %mul3A_446 = vector.broadcast %squeeze3A_445 : f32 to vector<16xf32>
        %mul3A_447 = arith.mulf %get3A_443, %mul3A_446 : vector<16xf32>
        %swap3A_448 = arith.constant 1 : i32
        %swap3A_449 = arith.index_cast %swap3A_448 : i32 to index
        %swap3A_450 = arith.index_cast %add3A_438 : i32 to index
        %swap3A_451 = arith.constant 0 : index
        %swap3A_452 = tpu.vector_load %arg12[%swap3A_449, %swap3A_450, %swap3A_451] {strides = array<i32>} : memref<4x128x16xf32, #tpu.memory_space<vmem>>, vector<16xf32>,
        tpu.vector_store %arg12[%swap3A_449, %swap3A_450, %swap3A_451], %mul3A_447 {strides = array<i32>} : memref<4x128x16xf32, #tpu.memory_space<vmem>>, vector<16xf32>,
        %mul3A_453 = arith.constant 16 : i32
        %mul3A_454 = arith.muli %scan3A_240, %mul3A_453 : i32
        %add3A_455 = arith.constant 11 : i32
        %add3A_456 = arith.addi %mul3A_454, %add3A_455 : i32
        %get3A_457 = arith.constant 1 : i32
        %get3A_458 = arith.index_cast %get3A_457 : i32 to index
        %get3A_459 = arith.index_cast %add3A_456 : i32 to index
        %get3A_460 = arith.constant 0 : index
        %get3A_461 = tpu.vector_load %arg12[%get3A_458, %get3A_459, %get3A_460] {strides = array<i32>} : memref<4x128x16xf32, #tpu.memory_space<vmem>>, vector<16xf32>,
        %slice3A_462 = vector.extract_strided_slice %mul3A_257 {offsets = [11], sizes = [1], strides = [1]} : vector<16xf32> to vector<1xf32>
        %squeeze3A_463 = vector.extract %slice3A_462[0] : f32 from vector<1xf32>
        %mul3A_464 = vector.broadcast %squeeze3A_463 : f32 to vector<16xf32>
        %mul3A_465 = arith.mulf %get3A_461, %mul3A_464 : vector<16xf32>
        %swap3A_466 = arith.constant 1 : i32
        %swap3A_467 = arith.index_cast %swap3A_466 : i32 to index
        %swap3A_468 = arith.index_cast %add3A_456 : i32 to index
        %swap3A_469 = arith.constant 0 : index
        %swap3A_470 = tpu.vector_load %arg12[%swap3A_467, %swap3A_468, %swap3A_469] {strides = array<i32>} : memref<4x128x16xf32, #tpu.memory_space<vmem>>, vector<16xf32>,
        tpu.vector_store %arg12[%swap3A_467, %swap3A_468, %swap3A_469], %mul3A_465 {strides = array<i32>} : memref<4x128x16xf32, #tpu.memory_space<vmem>>, vector<16xf32>,
        %mul3A_471 = arith.constant 16 : i32
        %mul3A_472 = arith.muli %scan3A_240, %mul3A_471 : i32
        %add3A_473 = arith.constant 12 : i32
        %add3A_474 = arith.addi %mul3A_472, %add3A_473 : i32
        %get3A_475 = arith.constant 1 : i32
        %get3A_476 = arith.index_cast %get3A_475 : i32 to index
        %get3A_477 = arith.index_cast %add3A_474 : i32 to index
        %get3A_478 = arith.constant 0 : index
        %get3A_479 = tpu.vector_load %arg12[%get3A_476, %get3A_477, %get3A_478] {strides = array<i32>} : memref<4x128x16xf32, #tpu.memory_space<vmem>>, vector<16xf32>,
        %slice3A_480 = vector.extract_strided_slice %mul3A_257 {offsets = [12], sizes = [1], strides = [1]} : vector<16xf32> to vector<1xf32>
        %squeeze3A_481 = vector.extract %slice3A_480[0] : f32 from vector<1xf32>
        %mul3A_482 = vector.broadcast %squeeze3A_481 : f32 to vector<16xf32>
        %mul3A_483 = arith.mulf %get3A_479, %mul3A_482 : vector<16xf32>
        %swap3A_484 = arith.constant 1 : i32
        %swap3A_485 = arith.index_cast %swap3A_484 : i32 to index
        %swap3A_486 = arith.index_cast %add3A_474 : i32 to index
        %swap3A_487 = arith.constant 0 : index
        %swap3A_488 = tpu.vector_load %arg12[%swap3A_485, %swap3A_486, %swap3A_487] {strides = array<i32>} : memref<4x128x16xf32, #tpu.memory_space<vmem>>, vector<16xf32>,
        tpu.vector_store %arg12[%swap3A_485, %swap3A_486, %swap3A_487], %mul3A_483 {strides = array<i32>} : memref<4x128x16xf32, #tpu.memory_space<vmem>>, vector<16xf32>,
        %mul3A_489 = arith.constant 16 : i32
        %mul3A_490 = arith.muli %scan3A_240, %mul3A_489 : i32
        %add3A_491 = arith.constant 13 : i32
        %add3A_492 = arith.addi %mul3A_490, %add3A_491 : i32
        %get3A_493 = arith.constant 1 : i32
        %get3A_494 = arith.index_cast %get3A_493 : i32 to index
        %get3A_495 = arith.index_cast %add3A_492 : i32 to index
        %get3A_496 = arith.constant 0 : index
        %get3A_497 = tpu.vector_load %arg12[%get3A_494, %get3A_495, %get3A_496] {strides = array<i32>} : memref<4x128x16xf32, #tpu.memory_space<vmem>>, vector<16xf32>,
        %slice3A_498 = vector.extract_strided_slice %mul3A_257 {offsets = [13], sizes = [1], strides = [1]} : vector<16xf32> to vector<1xf32>
        %squeeze3A_499 = vector.extract %slice3A_498[0] : f32 from vector<1xf32>
        %mul3A_500 = vector.broadcast %squeeze3A_499 : f32 to vector<16xf32>
        %mul3A_501 = arith.mulf %get3A_497, %mul3A_500 : vector<16xf32>
        %swap3A_502 = arith.constant 1 : i32
        %swap3A_503 = arith.index_cast %swap3A_502 : i32 to index
        %swap3A_504 = arith.index_cast %add3A_492 : i32 to index
        %swap3A_505 = arith.constant 0 : index
        %swap3A_506 = tpu.vector_load %arg12[%swap3A_503, %swap3A_504, %swap3A_505] {strides = array<i32>} : memref<4x128x16xf32, #tpu.memory_space<vmem>>, vector<16xf32>,
        tpu.vector_store %arg12[%swap3A_503, %swap3A_504, %swap3A_505], %mul3A_501 {strides = array<i32>} : memref<4x128x16xf32, #tpu.memory_space<vmem>>, vector<16xf32>,
        %mul3A_507 = arith.constant 16 : i32
        %mul3A_508 = arith.muli %scan3A_240, %mul3A_507 : i32
        %add3A_509 = arith.constant 14 : i32
        %add3A_510 = arith.addi %mul3A_508, %add3A_509 : i32
        %get3A_511 = arith.constant 1 : i32
        %get3A_512 = arith.index_cast %get3A_511 : i32 to index
        %get3A_513 = arith.index_cast %add3A_510 : i32 to index
        %get3A_514 = arith.constant 0 : index
        %get3A_515 = tpu.vector_load %arg12[%get3A_512, %get3A_513, %get3A_514] {strides = array<i32>} : memref<4x128x16xf32, #tpu.memory_space<vmem>>, vector<16xf32>,
        %slice3A_516 = vector.extract_strided_slice %mul3A_257 {offsets = [14], sizes = [1], strides = [1]} : vector<16xf32> to vector<1xf32>
        %squeeze3A_517 = vector.extract %slice3A_516[0] : f32 from vector<1xf32>
        %mul3A_518 = vector.broadcast %squeeze3A_517 : f32 to vector<16xf32>
        %mul3A_519 = arith.mulf %get3A_515, %mul3A_518 : vector<16xf32>
        %swap3A_520 = arith.constant 1 : i32
        %swap3A_521 = arith.index_cast %swap3A_520 : i32 to index
        %swap3A_522 = arith.index_cast %add3A_510 : i32 to index
        %swap3A_523 = arith.constant 0 : index
        %swap3A_524 = tpu.vector_load %arg12[%swap3A_521, %swap3A_522, %swap3A_523] {strides = array<i32>} : memref<4x128x16xf32, #tpu.memory_space<vmem>>, vector<16xf32>,
        tpu.vector_store %arg12[%swap3A_521, %swap3A_522, %swap3A_523], %mul3A_519 {strides = array<i32>} : memref<4x128x16xf32, #tpu.memory_space<vmem>>, vector<16xf32>,
        %mul3A_525 = arith.constant 16 : i32
        %mul3A_526 = arith.muli %scan3A_240, %mul3A_525 : i32
        %add3A_527 = arith.constant 15 : i32
        %add3A_528 = arith.addi %mul3A_526, %add3A_527 : i32
        %get3A_529 = arith.constant 1 : i32
        %get3A_530 = arith.index_cast %get3A_529 : i32 to index
        %get3A_531 = arith.index_cast %add3A_528 : i32 to index
        %get3A_532 = arith.constant 0 : index
        %get3A_533 = tpu.vector_load %arg12[%get3A_530, %get3A_531, %get3A_532] {strides = array<i32>} : memref<4x128x16xf32, #tpu.memory_space<vmem>>, vector<16xf32>,
        %slice3A_534 = vector.extract_strided_slice %mul3A_257 {offsets = [15], sizes = [1], strides = [1]} : vector<16xf32> to vector<1xf32>
        %squeeze3A_535 = vector.extract %slice3A_534[0] : f32 from vector<1xf32>
        %mul3A_536 = vector.broadcast %squeeze3A_535 : f32 to vector<16xf32>
        %mul3A_537 = arith.mulf %get3A_533, %mul3A_536 : vector<16xf32>
        %swap3A_538 = arith.constant 1 : i32
        %swap3A_539 = arith.index_cast %swap3A_538 : i32 to index
        %swap3A_540 = arith.index_cast %add3A_528 : i32 to index
        %swap3A_541 = arith.constant 0 : index
        %swap3A_542 = tpu.vector_load %arg12[%swap3A_539, %swap3A_540, %swap3A_541] {strides = array<i32>} : memref<4x128x16xf32, #tpu.memory_space<vmem>>, vector<16xf32>,
        tpu.vector_store %arg12[%swap3A_539, %swap3A_540, %swap3A_541], %mul3A_537 {strides = array<i32>} : memref<4x128x16xf32, #tpu.memory_space<vmem>>, vector<16xf32>,
      }
      %scan3A_124 = arith.constant 8 : i32
      %dma_start3A_125 = arith.constant 1 : i32
      %dma_start3A_126 = arith.constant 0 : i32
      %dma_start3A_127 = arith.constant 0 : i32
      %dma_start3A_128 = tpu.memref_slice %arg12[%dma_start3A_125, %dma_start3A_126, %dma_start3A_127] : memref<4x128x16xf32, #tpu.memory_space<vmem>> -> memref<1x128x16xf32, #tpu.memory_space<vmem>>
      %dma_start3A_129 = tpu.memref_squeeze %dma_start3A_128 : memref<1x128x16xf32, #tpu.memory_space<vmem>> -> memref<128x16xf32, #tpu.memory_space<vmem>>
      %dma_start3A_130 = arith.constant 0 : i32
      %dma_start3A_131 = tpu.memref_slice %arg9[%add3A_107, %dma_start3A_130] : memref<84x128xi32, #tpu.memory_space<vmem>> -> memref<1x128xi32, #tpu.memory_space<vmem>>
      %dma_start3A_132 = tpu.memref_squeeze %dma_start3A_131 : memref<1x128xi32, #tpu.memory_space<vmem>> -> memref<128xi32, #tpu.memory_space<vmem>>
      %dma_start3A_133 = arith.constant 0 : i32
      %dma_start3A_134 = arith.constant 0 : i32
      %dma_start3A_135 = tpu.memref_slice %arg13[%dma_start3A_133, %dma_start3A_134] : memref<10240x16xf32, #tpu.memory_space<vmem_shared>> -> memref<10240x16xf32, #tpu.memory_space<vmem_shared>>
      tpu.enqueue_indirect_dma source(%dma_start3A_129 : memref<128x16xf32, #tpu.memory_space<vmem>>) target(%dma_start3A_135 : memref<10240x16xf32, #tpu.memory_space<vmem_shared>>) offsets(%dma_start3A_132 : memref<128xi32, #tpu.memory_space<vmem>>) semaphore(%arg18 : memref<!tpu.dma_semaphore, #tpu.memory_space<semaphore_mem>>) {add = true}
      %add3A_136 = arith.constant 2 : i32
      %add3A_137 = arith.addi %mul3A_25, %add3A_136 : i32
      %dma_wait3A_138 = arith.constant 2 : i32
      %dma_wait3A_139 = arith.constant 0 : i32
      %dma_wait3A_140 = arith.constant 0 : i32
      %dma_wait3A_141 = tpu.memref_slice %arg12[%dma_wait3A_138, %dma_wait3A_139, %dma_wait3A_140] : memref<4x128x16xf32, #tpu.memory_space<vmem>> -> memref<1x128x16xf32, #tpu.memory_space<vmem>>
      %dma_wait3A_142 = tpu.memref_squeeze %dma_wait3A_141 : memref<1x128x16xf32, #tpu.memory_space<vmem>> -> memref<128x16xf32, #tpu.memory_space<vmem>>
      %dma_wait3A_143 = arith.constant 0 : i32
      %dma_wait3A_144 = tpu.memref_slice %arg8[%add3A_52, %dma_wait3A_143] : memref<84x128xi32, #tpu.memory_space<vmem>> -> memref<1x128xi32, #tpu.memory_space<vmem>>
      %dma_wait3A_145 = tpu.memref_squeeze %dma_wait3A_144 : memref<1x128xi32, #tpu.memory_space<vmem>> -> memref<128xi32, #tpu.memory_space<vmem>>
      %dma_wait3A_146 = arith.constant 0 : i32
      %dma_wait3A_147 = arith.constant 0 : i32
      %dma_wait3A_148 = tpu.memref_slice %arg2[%dma_wait3A_146, %dma_wait3A_147] : memref<10240x16xf32, #tpu.memory_space<hbm>> -> memref<10240x16xf32, #tpu.memory_space<hbm>>
      tpu.wait_indirect_dma semaphore(%arg16 : memref<!tpu.dma_semaphore, #tpu.memory_space<semaphore_mem>>) src(%dma_wait3A_148 : memref<10240x16xf32, #tpu.memory_space<hbm>>) dst(%dma_wait3A_142 : memref<128x16xf32, #tpu.memory_space<vmem>>)
      %scan3A_149 = arith.constant 0 : i32
      %scan3A_150 = arith.constant 0 : i32
      %scan3A_151 = arith.constant 8 : i32
      %scan3A_152 = arith.addi %scan3A_150, %scan3A_151 : i32
      %scan3A_153 = arith.constant 1 : i32
      scf.for %scan3A_240 = %scan3A_150 to %scan3A_152 step %scan3A_153  : i32 {
        %mul3A_241 = arith.constant 16 : i32
        %mul3A_242 = arith.muli %scan3A_240, %mul3A_241 : i32
        %get3A = arith.index_cast %add3A_137 : i32 to index
        %get3A_243 = arith.index_cast %mul3A_242 : i32 to index
        %get3A_244 = tpu.vector_load %arg10[%get3A, %get3A_243] {strides = array<i32>} : memref<84x128xf32, #tpu.memory_space<vmem>>, vector<16xf32>,
        %mul3A_245 = arith.constant 16 : i32
        %mul3A_246 = arith.muli %scan3A_240, %mul3A_245 : i32
        %get3A_247 = arith.index_cast %add3A_137 : i32 to index
        %get3A_248 = arith.index_cast %mul3A_246 : i32 to index
        %get3A_249 = tpu.vector_load %arg8[%get3A_247, %get3A_248] {strides = array<i32>} : memref<84x128xi32, #tpu.memory_space<vmem>>, vector<16xi32>,
        %mul3A_250 = arith.constant 16 : i32
        %mul3A_251 = arith.muli %scan3A_240, %mul3A_250 : i32
        %get3A_252 = arith.index_cast %add3A_137 : i32 to index
        %get3A_253 = arith.index_cast %mul3A_251 : i32 to index
        %get3A_254 = tpu.vector_load %arg9[%get3A_252, %get3A_253] {strides = array<i32>} : memref<84x128xi32, #tpu.memory_space<vmem>>, vector<16xi32>,
        %gather3A = tpu.vector_load_idx %arg11[%get3A_249] : memref<10240xf32, #tpu.memory_space<vmem>>[vector<16xi32>], vector<16xf32>,
        %mul3A_255 = arith.mulf %gather3A, %get3A_244 : vector<16xf32>
        %gather3A_256 = tpu.vector_load_idx %arg11[%get3A_254] : memref<10240xf32, #tpu.memory_space<vmem>>[vector<16xi32>], vector<16xf32>,
        %mul3A_257 = arith.mulf %mul3A_255, %gather3A_256 : vector<16xf32>
        %mul3A_258 = arith.constant 16 : i32
        %mul3A_259 = arith.muli %scan3A_240, %mul3A_258 : i32
        %add3A_260 = arith.constant 0 : i32
        %add3A_261 = arith.addi %mul3A_259, %add3A_260 : i32
        %get3A_262 = arith.constant 2 : i32
        %get3A_263 = arith.index_cast %get3A_262 : i32 to index
        %get3A_264 = arith.index_cast %add3A_261 : i32 to index
        %get3A_265 = arith.constant 0 : index
        %get3A_266 = tpu.vector_load %arg12[%get3A_263, %get3A_264, %get3A_265] {strides = array<i32>} : memref<4x128x16xf32, #tpu.memory_space<vmem>>, vector<16xf32>,
        %slice3A = vector.extract_strided_slice %mul3A_257 {offsets = [0], sizes = [1], strides = [1]} : vector<16xf32> to vector<1xf32>
        %squeeze3A = vector.extract %slice3A[0] : f32 from vector<1xf32>
        %mul3A_267 = vector.broadcast %squeeze3A : f32 to vector<16xf32>
        %mul3A_268 = arith.mulf %get3A_266, %mul3A_267 : vector<16xf32>
        %swap3A = arith.constant 2 : i32
        %swap3A_269 = arith.index_cast %swap3A : i32 to index
        %swap3A_270 = arith.index_cast %add3A_261 : i32 to index
        %swap3A_271 = arith.constant 0 : index
        %swap3A_272 = tpu.vector_load %arg12[%swap3A_269, %swap3A_270, %swap3A_271] {strides = array<i32>} : memref<4x128x16xf32, #tpu.memory_space<vmem>>, vector<16xf32>,
        tpu.vector_store %arg12[%swap3A_269, %swap3A_270, %swap3A_271], %mul3A_268 {strides = array<i32>} : memref<4x128x16xf32, #tpu.memory_space<vmem>>, vector<16xf32>,
        %mul3A_273 = arith.constant 16 : i32
        %mul3A_274 = arith.muli %scan3A_240, %mul3A_273 : i32
        %add3A_275 = arith.constant 1 : i32
        %add3A_276 = arith.addi %mul3A_274, %add3A_275 : i32
        %get3A_277 = arith.constant 2 : i32
        %get3A_278 = arith.index_cast %get3A_277 : i32 to index
        %get3A_279 = arith.index_cast %add3A_276 : i32 to index
        %get3A_280 = arith.constant 0 : index
        %get3A_281 = tpu.vector_load %arg12[%get3A_278, %get3A_279, %get3A_280] {strides = array<i32>} : memref<4x128x16xf32, #tpu.memory_space<vmem>>, vector<16xf32>,
        %slice3A_282 = vector.extract_strided_slice %mul3A_257 {offsets = [1], sizes = [1], strides = [1]} : vector<16xf32> to vector<1xf32>
        %squeeze3A_283 = vector.extract %slice3A_282[0] : f32 from vector<1xf32>
        %mul3A_284 = vector.broadcast %squeeze3A_283 : f32 to vector<16xf32>
        %mul3A_285 = arith.mulf %get3A_281, %mul3A_284 : vector<16xf32>
        %swap3A_286 = arith.constant 2 : i32
        %swap3A_287 = arith.index_cast %swap3A_286 : i32 to index
        %swap3A_288 = arith.index_cast %add3A_276 : i32 to index
        %swap3A_289 = arith.constant 0 : index
        %swap3A_290 = tpu.vector_load %arg12[%swap3A_287, %swap3A_288, %swap3A_289] {strides = array<i32>} : memref<4x128x16xf32, #tpu.memory_space<vmem>>, vector<16xf32>,
        tpu.vector_store %arg12[%swap3A_287, %swap3A_288, %swap3A_289], %mul3A_285 {strides = array<i32>} : memref<4x128x16xf32, #tpu.memory_space<vmem>>, vector<16xf32>,
        %mul3A_291 = arith.constant 16 : i32
        %mul3A_292 = arith.muli %scan3A_240, %mul3A_291 : i32
        %add3A_293 = arith.constant 2 : i32
        %add3A_294 = arith.addi %mul3A_292, %add3A_293 : i32
        %get3A_295 = arith.constant 2 : i32
        %get3A_296 = arith.index_cast %get3A_295 : i32 to index
        %get3A_297 = arith.index_cast %add3A_294 : i32 to index
        %get3A_298 = arith.constant 0 : index
        %get3A_299 = tpu.vector_load %arg12[%get3A_296, %get3A_297, %get3A_298] {strides = array<i32>} : memref<4x128x16xf32, #tpu.memory_space<vmem>>, vector<16xf32>,
        %slice3A_300 = vector.extract_strided_slice %mul3A_257 {offsets = [2], sizes = [1], strides = [1]} : vector<16xf32> to vector<1xf32>
        %squeeze3A_301 = vector.extract %slice3A_300[0] : f32 from vector<1xf32>
        %mul3A_302 = vector.broadcast %squeeze3A_301 : f32 to vector<16xf32>
        %mul3A_303 = arith.mulf %get3A_299, %mul3A_302 : vector<16xf32>
        %swap3A_304 = arith.constant 2 : i32
        %swap3A_305 = arith.index_cast %swap3A_304 : i32 to index
        %swap3A_306 = arith.index_cast %add3A_294 : i32 to index
        %swap3A_307 = arith.constant 0 : index
        %swap3A_308 = tpu.vector_load %arg12[%swap3A_305, %swap3A_306, %swap3A_307] {strides = array<i32>} : memref<4x128x16xf32, #tpu.memory_space<vmem>>, vector<16xf32>,
        tpu.vector_store %arg12[%swap3A_305, %swap3A_306, %swap3A_307], %mul3A_303 {strides = array<i32>} : memref<4x128x16xf32, #tpu.memory_space<vmem>>, vector<16xf32>,
        %mul3A_309 = arith.constant 16 : i32
        %mul3A_310 = arith.muli %scan3A_240, %mul3A_309 : i32
        %add3A_311 = arith.constant 3 : i32
        %add3A_312 = arith.addi %mul3A_310, %add3A_311 : i32
        %get3A_313 = arith.constant 2 : i32
        %get3A_314 = arith.index_cast %get3A_313 : i32 to index
        %get3A_315 = arith.index_cast %add3A_312 : i32 to index
        %get3A_316 = arith.constant 0 : index
        %get3A_317 = tpu.vector_load %arg12[%get3A_314, %get3A_315, %get3A_316] {strides = array<i32>} : memref<4x128x16xf32, #tpu.memory_space<vmem>>, vector<16xf32>,
        %slice3A_318 = vector.extract_strided_slice %mul3A_257 {offsets = [3], sizes = [1], strides = [1]} : vector<16xf32> to vector<1xf32>
        %squeeze3A_319 = vector.extract %slice3A_318[0] : f32 from vector<1xf32>
        %mul3A_320 = vector.broadcast %squeeze3A_319 : f32 to vector<16xf32>
        %mul3A_321 = arith.mulf %get3A_317, %mul3A_320 : vector<16xf32>
        %swap3A_322 = arith.constant 2 : i32
        %swap3A_323 = arith.index_cast %swap3A_322 : i32 to index
        %swap3A_324 = arith.index_cast %add3A_312 : i32 to index
        %swap3A_325 = arith.constant 0 : index
        %swap3A_326 = tpu.vector_load %arg12[%swap3A_323, %swap3A_324, %swap3A_325] {strides = array<i32>} : memref<4x128x16xf32, #tpu.memory_space<vmem>>, vector<16xf32>,
        tpu.vector_store %arg12[%swap3A_323, %swap3A_324, %swap3A_325], %mul3A_321 {strides = array<i32>} : memref<4x128x16xf32, #tpu.memory_space<vmem>>, vector<16xf32>,
        %mul3A_327 = arith.constant 16 : i32
        %mul3A_328 = arith.muli %scan3A_240, %mul3A_327 : i32
        %add3A_329 = arith.constant 4 : i32
        %add3A_330 = arith.addi %mul3A_328, %add3A_329 : i32
        %get3A_331 = arith.constant 2 : i32
        %get3A_332 = arith.index_cast %get3A_331 : i32 to index
        %get3A_333 = arith.index_cast %add3A_330 : i32 to index
        %get3A_334 = arith.constant 0 : index
        %get3A_335 = tpu.vector_load %arg12[%get3A_332, %get3A_333, %get3A_334] {strides = array<i32>} : memref<4x128x16xf32, #tpu.memory_space<vmem>>, vector<16xf32>,
        %slice3A_336 = vector.extract_strided_slice %mul3A_257 {offsets = [4], sizes = [1], strides = [1]} : vector<16xf32> to vector<1xf32>
        %squeeze3A_337 = vector.extract %slice3A_336[0] : f32 from vector<1xf32>
        %mul3A_338 = vector.broadcast %squeeze3A_337 : f32 to vector<16xf32>
        %mul3A_339 = arith.mulf %get3A_335, %mul3A_338 : vector<16xf32>
        %swap3A_340 = arith.constant 2 : i32
        %swap3A_341 = arith.index_cast %swap3A_340 : i32 to index
        %swap3A_342 = arith.index_cast %add3A_330 : i32 to index
        %swap3A_343 = arith.constant 0 : index
        %swap3A_344 = tpu.vector_load %arg12[%swap3A_341, %swap3A_342, %swap3A_343] {strides = array<i32>} : memref<4x128x16xf32, #tpu.memory_space<vmem>>, vector<16xf32>,
        tpu.vector_store %arg12[%swap3A_341, %swap3A_342, %swap3A_343], %mul3A_339 {strides = array<i32>} : memref<4x128x16xf32, #tpu.memory_space<vmem>>, vector<16xf32>,
        %mul3A_345 = arith.constant 16 : i32
        %mul3A_346 = arith.muli %scan3A_240, %mul3A_345 : i32
        %add3A_347 = arith.constant 5 : i32
        %add3A_348 = arith.addi %mul3A_346, %add3A_347 : i32
        %get3A_349 = arith.constant 2 : i32
        %get3A_350 = arith.index_cast %get3A_349 : i32 to index
        %get3A_351 = arith.index_cast %add3A_348 : i32 to index
        %get3A_352 = arith.constant 0 : index
        %get3A_353 = tpu.vector_load %arg12[%get3A_350, %get3A_351, %get3A_352] {strides = array<i32>} : memref<4x128x16xf32, #tpu.memory_space<vmem>>, vector<16xf32>,
        %slice3A_354 = vector.extract_strided_slice %mul3A_257 {offsets = [5], sizes = [1], strides = [1]} : vector<16xf32> to vector<1xf32>
        %squeeze3A_355 = vector.extract %slice3A_354[0] : f32 from vector<1xf32>
        %mul3A_356 = vector.broadcast %squeeze3A_355 : f32 to vector<16xf32>
        %mul3A_357 = arith.mulf %get3A_353, %mul3A_356 : vector<16xf32>
        %swap3A_358 = arith.constant 2 : i32
        %swap3A_359 = arith.index_cast %swap3A_358 : i32 to index
        %swap3A_360 = arith.index_cast %add3A_348 : i32 to index
        %swap3A_361 = arith.constant 0 : index
        %swap3A_362 = tpu.vector_load %arg12[%swap3A_359, %swap3A_360, %swap3A_361] {strides = array<i32>} : memref<4x128x16xf32, #tpu.memory_space<vmem>>, vector<16xf32>,
        tpu.vector_store %arg12[%swap3A_359, %swap3A_360, %swap3A_361], %mul3A_357 {strides = array<i32>} : memref<4x128x16xf32, #tpu.memory_space<vmem>>, vector<16xf32>,
        %mul3A_363 = arith.constant 16 : i32
        %mul3A_364 = arith.muli %scan3A_240, %mul3A_363 : i32
        %add3A_365 = arith.constant 6 : i32
        %add3A_366 = arith.addi %mul3A_364, %add3A_365 : i32
        %get3A_367 = arith.constant 2 : i32
        %get3A_368 = arith.index_cast %get3A_367 : i32 to index
        %get3A_369 = arith.index_cast %add3A_366 : i32 to index
        %get3A_370 = arith.constant 0 : index
        %get3A_371 = tpu.vector_load %arg12[%get3A_368, %get3A_369, %get3A_370] {strides = array<i32>} : memref<4x128x16xf32, #tpu.memory_space<vmem>>, vector<16xf32>,
        %slice3A_372 = vector.extract_strided_slice %mul3A_257 {offsets = [6], sizes = [1], strides = [1]} : vector<16xf32> to vector<1xf32>
        %squeeze3A_373 = vector.extract %slice3A_372[0] : f32 from vector<1xf32>
        %mul3A_374 = vector.broadcast %squeeze3A_373 : f32 to vector<16xf32>
        %mul3A_375 = arith.mulf %get3A_371, %mul3A_374 : vector<16xf32>
        %swap3A_376 = arith.constant 2 : i32
        %swap3A_377 = arith.index_cast %swap3A_376 : i32 to index
        %swap3A_378 = arith.index_cast %add3A_366 : i32 to index
        %swap3A_379 = arith.constant 0 : index
        %swap3A_380 = tpu.vector_load %arg12[%swap3A_377, %swap3A_378, %swap3A_379] {strides = array<i32>} : memref<4x128x16xf32, #tpu.memory_space<vmem>>, vector<16xf32>,
        tpu.vector_store %arg12[%swap3A_377, %swap3A_378, %swap3A_379], %mul3A_375 {strides = array<i32>} : memref<4x128x16xf32, #tpu.memory_space<vmem>>, vector<16xf32>,
        %mul3A_381 = arith.constant 16 : i32
        %mul3A_382 = arith.muli %scan3A_240, %mul3A_381 : i32
        %add3A_383 = arith.constant 7 : i32
        %add3A_384 = arith.addi %mul3A_382, %add3A_383 : i32
        %get3A_385 = arith.constant 2 : i32
        %get3A_386 = arith.index_cast %get3A_385 : i32 to index
        %get3A_387 = arith.index_cast %add3A_384 : i32 to index
        %get3A_388 = arith.constant 0 : index
        %get3A_389 = tpu.vector_load %arg12[%get3A_386, %get3A_387, %get3A_388] {strides = array<i32>} : memref<4x128x16xf32, #tpu.memory_space<vmem>>, vector<16xf32>,
        %slice3A_390 = vector.extract_strided_slice %mul3A_257 {offsets = [7], sizes = [1], strides = [1]} : vector<16xf32> to vector<1xf32>
        %squeeze3A_391 = vector.extract %slice3A_390[0] : f32 from vector<1xf32>
        %mul3A_392 = vector.broadcast %squeeze3A_391 : f32 to vector<16xf32>
        %mul3A_393 = arith.mulf %get3A_389, %mul3A_392 : vector<16xf32>
        %swap3A_394 = arith.constant 2 : i32
        %swap3A_395 = arith.index_cast %swap3A_394 : i32 to index
        %swap3A_396 = arith.index_cast %add3A_384 : i32 to index
        %swap3A_397 = arith.constant 0 : index
        %swap3A_398 = tpu.vector_load %arg12[%swap3A_395, %swap3A_396, %swap3A_397] {strides = array<i32>} : memref<4x128x16xf32, #tpu.memory_space<vmem>>, vector<16xf32>,
        tpu.vector_store %arg12[%swap3A_395, %swap3A_396, %swap3A_397], %mul3A_393 {strides = array<i32>} : memref<4x128x16xf32, #tpu.memory_space<vmem>>, vector<16xf32>,
        %mul3A_399 = arith.constant 16 : i32
        %mul3A_400 = arith.muli %scan3A_240, %mul3A_399 : i32
        %add3A_401 = arith.constant 8 : i32
        %add3A_402 = arith.addi %mul3A_400, %add3A_401 : i32
        %get3A_403 = arith.constant 2 : i32
        %get3A_404 = arith.index_cast %get3A_403 : i32 to index
        %get3A_405 = arith.index_cast %add3A_402 : i32 to index
        %get3A_406 = arith.constant 0 : index
        %get3A_407 = tpu.vector_load %arg12[%get3A_404, %get3A_405, %get3A_406] {strides = array<i32>} : memref<4x128x16xf32, #tpu.memory_space<vmem>>, vector<16xf32>,
        %slice3A_408 = vector.extract_strided_slice %mul3A_257 {offsets = [8], sizes = [1], strides = [1]} : vector<16xf32> to vector<1xf32>
        %squeeze3A_409 = vector.extract %slice3A_408[0] : f32 from vector<1xf32>
        %mul3A_410 = vector.broadcast %squeeze3A_409 : f32 to vector<16xf32>
        %mul3A_411 = arith.mulf %get3A_407, %mul3A_410 : vector<16xf32>
        %swap3A_412 = arith.constant 2 : i32
        %swap3A_413 = arith.index_cast %swap3A_412 : i32 to index
        %swap3A_414 = arith.index_cast %add3A_402 : i32 to index
        %swap3A_415 = arith.constant 0 : index
        %swap3A_416 = tpu.vector_load %arg12[%swap3A_413, %swap3A_414, %swap3A_415] {strides = array<i32>} : memref<4x128x16xf32, #tpu.memory_space<vmem>>, vector<16xf32>,
        tpu.vector_store %arg12[%swap3A_413, %swap3A_414, %swap3A_415], %mul3A_411 {strides = array<i32>} : memref<4x128x16xf32, #tpu.memory_space<vmem>>, vector<16xf32>,
        %mul3A_417 = arith.constant 16 : i32
        %mul3A_418 = arith.muli %scan3A_240, %mul3A_417 : i32
        %add3A_419 = arith.constant 9 : i32
        %add3A_420 = arith.addi %mul3A_418, %add3A_419 : i32
        %get3A_421 = arith.constant 2 : i32
        %get3A_422 = arith.index_cast %get3A_421 : i32 to index
        %get3A_423 = arith.index_cast %add3A_420 : i32 to index
        %get3A_424 = arith.constant 0 : index
        %get3A_425 = tpu.vector_load %arg12[%get3A_422, %get3A_423, %get3A_424] {strides = array<i32>} : memref<4x128x16xf32, #tpu.memory_space<vmem>>, vector<16xf32>,
        %slice3A_426 = vector.extract_strided_slice %mul3A_257 {offsets = [9], sizes = [1], strides = [1]} : vector<16xf32> to vector<1xf32>
        %squeeze3A_427 = vector.extract %slice3A_426[0] : f32 from vector<1xf32>
        %mul3A_428 = vector.broadcast %squeeze3A_427 : f32 to vector<16xf32>
        %mul3A_429 = arith.mulf %get3A_425, %mul3A_428 : vector<16xf32>
        %swap3A_430 = arith.constant 2 : i32
        %swap3A_431 = arith.index_cast %swap3A_430 : i32 to index
        %swap3A_432 = arith.index_cast %add3A_420 : i32 to index
        %swap3A_433 = arith.constant 0 : index
        %swap3A_434 = tpu.vector_load %arg12[%swap3A_431, %swap3A_432, %swap3A_433] {strides = array<i32>} : memref<4x128x16xf32, #tpu.memory_space<vmem>>, vector<16xf32>,
        tpu.vector_store %arg12[%swap3A_431, %swap3A_432, %swap3A_433], %mul3A_429 {strides = array<i32>} : memref<4x128x16xf32, #tpu.memory_space<vmem>>, vector<16xf32>,
        %mul3A_435 = arith.constant 16 : i32
        %mul3A_436 = arith.muli %scan3A_240, %mul3A_435 : i32
        %add3A_437 = arith.constant 10 : i32
        %add3A_438 = arith.addi %mul3A_436, %add3A_437 : i32
        %get3A_439 = arith.constant 2 : i32
        %get3A_440 = arith.index_cast %get3A_439 : i32 to index
        %get3A_441 = arith.index_cast %add3A_438 : i32 to index
        %get3A_442 = arith.constant 0 : index
        %get3A_443 = tpu.vector_load %arg12[%get3A_440, %get3A_441, %get3A_442] {strides = array<i32>} : memref<4x128x16xf32, #tpu.memory_space<vmem>>, vector<16xf32>,
        %slice3A_444 = vector.extract_strided_slice %mul3A_257 {offsets = [10], sizes = [1], strides = [1]} : vector<16xf32> to vector<1xf32>
        %squeeze3A_445 = vector.extract %slice3A_444[0] : f32 from vector<1xf32>
        %mul3A_446 = vector.broadcast %squeeze3A_445 : f32 to vector<16xf32>
        %mul3A_447 = arith.mulf %get3A_443, %mul3A_446 : vector<16xf32>
        %swap3A_448 = arith.constant 2 : i32
        %swap3A_449 = arith.index_cast %swap3A_448 : i32 to index
        %swap3A_450 = arith.index_cast %add3A_438 : i32 to index
        %swap3A_451 = arith.constant 0 : index
        %swap3A_452 = tpu.vector_load %arg12[%swap3A_449, %swap3A_450, %swap3A_451] {strides = array<i32>} : memref<4x128x16xf32, #tpu.memory_space<vmem>>, vector<16xf32>,
        tpu.vector_store %arg12[%swap3A_449, %swap3A_450, %swap3A_451], %mul3A_447 {strides = array<i32>} : memref<4x128x16xf32, #tpu.memory_space<vmem>>, vector<16xf32>,
        %mul3A_453 = arith.constant 16 : i32
        %mul3A_454 = arith.muli %scan3A_240, %mul3A_453 : i32
        %add3A_455 = arith.constant 11 : i32
        %add3A_456 = arith.addi %mul3A_454, %add3A_455 : i32
        %get3A_457 = arith.constant 2 : i32
        %get3A_458 = arith.index_cast %get3A_457 : i32 to index
        %get3A_459 = arith.index_cast %add3A_456 : i32 to index
        %get3A_460 = arith.constant 0 : index
        %get3A_461 = tpu.vector_load %arg12[%get3A_458, %get3A_459, %get3A_460] {strides = array<i32>} : memref<4x128x16xf32, #tpu.memory_space<vmem>>, vector<16xf32>,
        %slice3A_462 = vector.extract_strided_slice %mul3A_257 {offsets = [11], sizes = [1], strides = [1]} : vector<16xf32> to vector<1xf32>
        %squeeze3A_463 = vector.extract %slice3A_462[0] : f32 from vector<1xf32>
        %mul3A_464 = vector.broadcast %squeeze3A_463 : f32 to vector<16xf32>
        %mul3A_465 = arith.mulf %get3A_461, %mul3A_464 : vector<16xf32>
        %swap3A_466 = arith.constant 2 : i32
        %swap3A_467 = arith.index_cast %swap3A_466 : i32 to index
        %swap3A_468 = arith.index_cast %add3A_456 : i32 to index
        %swap3A_469 = arith.constant 0 : index
        %swap3A_470 = tpu.vector_load %arg12[%swap3A_467, %swap3A_468, %swap3A_469] {strides = array<i32>} : memref<4x128x16xf32, #tpu.memory_space<vmem>>, vector<16xf32>,
        tpu.vector_store %arg12[%swap3A_467, %swap3A_468, %swap3A_469], %mul3A_465 {strides = array<i32>} : memref<4x128x16xf32, #tpu.memory_space<vmem>>, vector<16xf32>,
        %mul3A_471 = arith.constant 16 : i32
        %mul3A_472 = arith.muli %scan3A_240, %mul3A_471 : i32
        %add3A_473 = arith.constant 12 : i32
        %add3A_474 = arith.addi %mul3A_472, %add3A_473 : i32
        %get3A_475 = arith.constant 2 : i32
        %get3A_476 = arith.index_cast %get3A_475 : i32 to index
        %get3A_477 = arith.index_cast %add3A_474 : i32 to index
        %get3A_478 = arith.constant 0 : index
        %get3A_479 = tpu.vector_load %arg12[%get3A_476, %get3A_477, %get3A_478] {strides = array<i32>} : memref<4x128x16xf32, #tpu.memory_space<vmem>>, vector<16xf32>,
        %slice3A_480 = vector.extract_strided_slice %mul3A_257 {offsets = [12], sizes = [1], strides = [1]} : vector<16xf32> to vector<1xf32>
        %squeeze3A_481 = vector.extract %slice3A_480[0] : f32 from vector<1xf32>
        %mul3A_482 = vector.broadcast %squeeze3A_481 : f32 to vector<16xf32>
        %mul3A_483 = arith.mulf %get3A_479, %mul3A_482 : vector<16xf32>
        %swap3A_484 = arith.constant 2 : i32
        %swap3A_485 = arith.index_cast %swap3A_484 : i32 to index
        %swap3A_486 = arith.index_cast %add3A_474 : i32 to index
        %swap3A_487 = arith.constant 0 : index
        %swap3A_488 = tpu.vector_load %arg12[%swap3A_485, %swap3A_486, %swap3A_487] {strides = array<i32>} : memref<4x128x16xf32, #tpu.memory_space<vmem>>, vector<16xf32>,
        tpu.vector_store %arg12[%swap3A_485, %swap3A_486, %swap3A_487], %mul3A_483 {strides = array<i32>} : memref<4x128x16xf32, #tpu.memory_space<vmem>>, vector<16xf32>,
        %mul3A_489 = arith.constant 16 : i32
        %mul3A_490 = arith.muli %scan3A_240, %mul3A_489 : i32
        %add3A_491 = arith.constant 13 : i32
        %add3A_492 = arith.addi %mul3A_490, %add3A_491 : i32
        %get3A_493 = arith.constant 2 : i32
        %get3A_494 = arith.index_cast %get3A_493 : i32 to index
        %get3A_495 = arith.index_cast %add3A_492 : i32 to index
        %get3A_496 = arith.constant 0 : index
        %get3A_497 = tpu.vector_load %arg12[%get3A_494, %get3A_495, %get3A_496] {strides = array<i32>} : memref<4x128x16xf32, #tpu.memory_space<vmem>>, vector<16xf32>,
        %slice3A_498 = vector.extract_strided_slice %mul3A_257 {offsets = [13], sizes = [1], strides = [1]} : vector<16xf32> to vector<1xf32>
        %squeeze3A_499 = vector.extract %slice3A_498[0] : f32 from vector<1xf32>
        %mul3A_500 = vector.broadcast %squeeze3A_499 : f32 to vector<16xf32>
        %mul3A_501 = arith.mulf %get3A_497, %mul3A_500 : vector<16xf32>
        %swap3A_502 = arith.constant 2 : i32
        %swap3A_503 = arith.index_cast %swap3A_502 : i32 to index
        %swap3A_504 = arith.index_cast %add3A_492 : i32 to index
        %swap3A_505 = arith.constant 0 : index
        %swap3A_506 = tpu.vector_load %arg12[%swap3A_503, %swap3A_504, %swap3A_505] {strides = array<i32>} : memref<4x128x16xf32, #tpu.memory_space<vmem>>, vector<16xf32>,
        tpu.vector_store %arg12[%swap3A_503, %swap3A_504, %swap3A_505], %mul3A_501 {strides = array<i32>} : memref<4x128x16xf32, #tpu.memory_space<vmem>>, vector<16xf32>,
        %mul3A_507 = arith.constant 16 : i32
        %mul3A_508 = arith.muli %scan3A_240, %mul3A_507 : i32
        %add3A_509 = arith.constant 14 : i32
        %add3A_510 = arith.addi %mul3A_508, %add3A_509 : i32
        %get3A_511 = arith.constant 2 : i32
        %get3A_512 = arith.index_cast %get3A_511 : i32 to index
        %get3A_513 = arith.index_cast %add3A_510 : i32 to index
        %get3A_514 = arith.constant 0 : index
        %get3A_515 = tpu.vector_load %arg12[%get3A_512, %get3A_513, %get3A_514] {strides = array<i32>} : memref<4x128x16xf32, #tpu.memory_space<vmem>>, vector<16xf32>,
        %slice3A_516 = vector.extract_strided_slice %mul3A_257 {offsets = [14], sizes = [1], strides = [1]} : vector<16xf32> to vector<1xf32>
        %squeeze3A_517 = vector.extract %slice3A_516[0] : f32 from vector<1xf32>
        %mul3A_518 = vector.broadcast %squeeze3A_517 : f32 to vector<16xf32>
        %mul3A_519 = arith.mulf %get3A_515, %mul3A_518 : vector<16xf32>
        %swap3A_520 = arith.constant 2 : i32
        %swap3A_521 = arith.index_cast %swap3A_520 : i32 to index
        %swap3A_522 = arith.index_cast %add3A_510 : i32 to index
        %swap3A_523 = arith.constant 0 : index
        %swap3A_524 = tpu.vector_load %arg12[%swap3A_521, %swap3A_522, %swap3A_523] {strides = array<i32>} : memref<4x128x16xf32, #tpu.memory_space<vmem>>, vector<16xf32>,
        tpu.vector_store %arg12[%swap3A_521, %swap3A_522, %swap3A_523], %mul3A_519 {strides = array<i32>} : memref<4x128x16xf32, #tpu.memory_space<vmem>>, vector<16xf32>,
        %mul3A_525 = arith.constant 16 : i32
        %mul3A_526 = arith.muli %scan3A_240, %mul3A_525 : i32
        %add3A_527 = arith.constant 15 : i32
        %add3A_528 = arith.addi %mul3A_526, %add3A_527 : i32
        %get3A_529 = arith.constant 2 : i32
        %get3A_530 = arith.index_cast %get3A_529 : i32 to index
        %get3A_531 = arith.index_cast %add3A_528 : i32 to index
        %get3A_532 = arith.constant 0 : index
        %get3A_533 = tpu.vector_load %arg12[%get3A_530, %get3A_531, %get3A_532] {strides = array<i32>} : memref<4x128x16xf32, #tpu.memory_space<vmem>>, vector<16xf32>,
        %slice3A_534 = vector.extract_strided_slice %mul3A_257 {offsets = [15], sizes = [1], strides = [1]} : vector<16xf32> to vector<1xf32>
        %squeeze3A_535 = vector.extract %slice3A_534[0] : f32 from vector<1xf32>
        %mul3A_536 = vector.broadcast %squeeze3A_535 : f32 to vector<16xf32>
        %mul3A_537 = arith.mulf %get3A_533, %mul3A_536 : vector<16xf32>
        %swap3A_538 = arith.constant 2 : i32
        %swap3A_539 = arith.index_cast %swap3A_538 : i32 to index
        %swap3A_540 = arith.index_cast %add3A_528 : i32 to index
        %swap3A_541 = arith.constant 0 : index
        %swap3A_542 = tpu.vector_load %arg12[%swap3A_539, %swap3A_540, %swap3A_541] {strides = array<i32>} : memref<4x128x16xf32, #tpu.memory_space<vmem>>, vector<16xf32>,
        tpu.vector_store %arg12[%swap3A_539, %swap3A_540, %swap3A_541], %mul3A_537 {strides = array<i32>} : memref<4x128x16xf32, #tpu.memory_space<vmem>>, vector<16xf32>,
      }
      %scan3A_154 = arith.constant 8 : i32
      %dma_start3A_155 = arith.constant 2 : i32
      %dma_start3A_156 = arith.constant 0 : i32
      %dma_start3A_157 = arith.constant 0 : i32
      %dma_start3A_158 = tpu.memref_slice %arg12[%dma_start3A_155, %dma_start3A_156, %dma_start3A_157] : memref<4x128x16xf32, #tpu.memory_space<vmem>> -> memref<1x128x16xf32, #tpu.memory_space<vmem>>
      %dma_start3A_159 = tpu.memref_squeeze %dma_start3A_158 : memref<1x128x16xf32, #tpu.memory_space<vmem>> -> memref<128x16xf32, #tpu.memory_space<vmem>>
      %dma_start3A_160 = arith.constant 0 : i32
      %dma_start3A_161 = tpu.memref_slice %arg9[%add3A_137, %dma_start3A_160] : memref<84x128xi32, #tpu.memory_space<vmem>> -> memref<1x128xi32, #tpu.memory_space<vmem>>
      %dma_start3A_162 = tpu.memref_squeeze %dma_start3A_161 : memref<1x128xi32, #tpu.memory_space<vmem>> -> memref<128xi32, #tpu.memory_space<vmem>>
      %dma_start3A_163 = arith.constant 0 : i32
      %dma_start3A_164 = arith.constant 0 : i32
      %dma_start3A_165 = tpu.memref_slice %arg13[%dma_start3A_163, %dma_start3A_164] : memref<10240x16xf32, #tpu.memory_space<vmem_shared>> -> memref<10240x16xf32, #tpu.memory_space<vmem_shared>>
      tpu.enqueue_indirect_dma source(%dma_start3A_159 : memref<128x16xf32, #tpu.memory_space<vmem>>) target(%dma_start3A_165 : memref<10240x16xf32, #tpu.memory_space<vmem_shared>>) offsets(%dma_start3A_162 : memref<128xi32, #tpu.memory_space<vmem>>) semaphore(%arg18 : memref<!tpu.dma_semaphore, #tpu.memory_space<semaphore_mem>>) {add = true}
      %add3A_166 = arith.constant 3 : i32
      %add3A_167 = arith.addi %mul3A_25, %add3A_166 : i32
      %dma_wait3A_168 = arith.constant 3 : i32
      %dma_wait3A_169 = arith.constant 0 : i32
      %dma_wait3A_170 = arith.constant 0 : i32
      %dma_wait3A_171 = tpu.memref_slice %arg12[%dma_wait3A_168, %dma_wait3A_169, %dma_wait3A_170] : memref<4x128x16xf32, #tpu.memory_space<vmem>> -> memref<1x128x16xf32, #tpu.memory_space<vmem>>
      %dma_wait3A_172 = tpu.memref_squeeze %dma_wait3A_171 : memref<1x128x16xf32, #tpu.memory_space<vmem>> -> memref<128x16xf32, #tpu.memory_space<vmem>>
      %dma_wait3A_173 = arith.constant 0 : i32
      %dma_wait3A_174 = tpu.memref_slice %arg8[%add3A_65, %dma_wait3A_173] : memref<84x128xi32, #tpu.memory_space<vmem>> -> memref<1x128xi32, #tpu.memory_space<vmem>>
      %dma_wait3A_175 = tpu.memref_squeeze %dma_wait3A_174 : memref<1x128xi32, #tpu.memory_space<vmem>> -> memref<128xi32, #tpu.memory_space<vmem>>
      %dma_wait3A_176 = arith.constant 0 : i32
      %dma_wait3A_177 = arith.constant 0 : i32
      %dma_wait3A_178 = tpu.memref_slice %arg2[%dma_wait3A_176, %dma_wait3A_177] : memref<10240x16xf32, #tpu.memory_space<hbm>> -> memref<10240x16xf32, #tpu.memory_space<hbm>>
      tpu.wait_indirect_dma semaphore(%arg17 : memref<!tpu.dma_semaphore, #tpu.memory_space<semaphore_mem>>) src(%dma_wait3A_178 : memref<10240x16xf32, #tpu.memory_space<hbm>>) dst(%dma_wait3A_172 : memref<128x16xf32, #tpu.memory_space<vmem>>)
      %scan3A_179 = arith.constant 0 : i32
      %scan3A_180 = arith.constant 0 : i32
      %scan3A_181 = arith.constant 8 : i32
      %scan3A_182 = arith.addi %scan3A_180, %scan3A_181 : i32
      %scan3A_183 = arith.constant 1 : i32
      scf.for %scan3A_240 = %scan3A_180 to %scan3A_182 step %scan3A_183  : i32 {
        %mul3A_241 = arith.constant 16 : i32
        %mul3A_242 = arith.muli %scan3A_240, %mul3A_241 : i32
        %get3A = arith.index_cast %add3A_167 : i32 to index
        %get3A_243 = arith.index_cast %mul3A_242 : i32 to index
        %get3A_244 = tpu.vector_load %arg10[%get3A, %get3A_243] {strides = array<i32>} : memref<84x128xf32, #tpu.memory_space<vmem>>, vector<16xf32>,
        %mul3A_245 = arith.constant 16 : i32
        %mul3A_246 = arith.muli %scan3A_240, %mul3A_245 : i32
        %get3A_247 = arith.index_cast %add3A_167 : i32 to index
        %get3A_248 = arith.index_cast %mul3A_246 : i32 to index
        %get3A_249 = tpu.vector_load %arg8[%get3A_247, %get3A_248] {strides = array<i32>} : memref<84x128xi32, #tpu.memory_space<vmem>>, vector<16xi32>,
        %mul3A_250 = arith.constant 16 : i32
        %mul3A_251 = arith.muli %scan3A_240, %mul3A_250 : i32
        %get3A_252 = arith.index_cast %add3A_167 : i32 to index
        %get3A_253 = arith.index_cast %mul3A_251 : i32 to index
        %get3A_254 = tpu.vector_load %arg9[%get3A_252, %get3A_253] {strides = array<i32>} : memref<84x128xi32, #tpu.memory_space<vmem>>, vector<16xi32>,
        %gather3A = tpu.vector_load_idx %arg11[%get3A_249] : memref<10240xf32, #tpu.memory_space<vmem>>[vector<16xi32>], vector<16xf32>,
        %mul3A_255 = arith.mulf %gather3A, %get3A_244 : vector<16xf32>
        %gather3A_256 = tpu.vector_load_idx %arg11[%get3A_254] : memref<10240xf32, #tpu.memory_space<vmem>>[vector<16xi32>], vector<16xf32>,
        %mul3A_257 = arith.mulf %mul3A_255, %gather3A_256 : vector<16xf32>
        %mul3A_258 = arith.constant 16 : i32
        %mul3A_259 = arith.muli %scan3A_240, %mul3A_258 : i32
        %add3A_260 = arith.constant 0 : i32
        %add3A_261 = arith.addi %mul3A_259, %add3A_260 : i32
        %get3A_262 = arith.constant 3 : i32
        %get3A_263 = arith.index_cast %get3A_262 : i32 to index
        %get3A_264 = arith.index_cast %add3A_261 : i32 to index
        %get3A_265 = arith.constant 0 : index
        %get3A_266 = tpu.vector_load %arg12[%get3A_263, %get3A_264, %get3A_265] {strides = array<i32>} : memref<4x128x16xf32, #tpu.memory_space<vmem>>, vector<16xf32>,
        %slice3A = vector.extract_strided_slice %mul3A_257 {offsets = [0], sizes = [1], strides = [1]} : vector<16xf32> to vector<1xf32>
        %squeeze3A = vector.extract %slice3A[0] : f32 from vector<1xf32>
        %mul3A_267 = vector.broadcast %squeeze3A : f32 to vector<16xf32>
        %mul3A_268 = arith.mulf %get3A_266, %mul3A_267 : vector<16xf32>
        %swap3A = arith.constant 3 : i32
        %swap3A_269 = arith.index_cast %swap3A : i32 to index
        %swap3A_270 = arith.index_cast %add3A_261 : i32 to index
        %swap3A_271 = arith.constant 0 : index
        %swap3A_272 = tpu.vector_load %arg12[%swap3A_269, %swap3A_270, %swap3A_271] {strides = array<i32>} : memref<4x128x16xf32, #tpu.memory_space<vmem>>, vector<16xf32>,
        tpu.vector_store %arg12[%swap3A_269, %swap3A_270, %swap3A_271], %mul3A_268 {strides = array<i32>} : memref<4x128x16xf32, #tpu.memory_space<vmem>>, vector<16xf32>,
        %mul3A_273 = arith.constant 16 : i32
        %mul3A_274 = arith.muli %scan3A_240, %mul3A_273 : i32
        %add3A_275 = arith.constant 1 : i32
        %add3A_276 = arith.addi %mul3A_274, %add3A_275 : i32
        %get3A_277 = arith.constant 3 : i32
        %get3A_278 = arith.index_cast %get3A_277 : i32 to index
        %get3A_279 = arith.index_cast %add3A_276 : i32 to index
        %get3A_280 = arith.constant 0 : index
        %get3A_281 = tpu.vector_load %arg12[%get3A_278, %get3A_279, %get3A_280] {strides = array<i32>} : memref<4x128x16xf32, #tpu.memory_space<vmem>>, vector<16xf32>,
        %slice3A_282 = vector.extract_strided_slice %mul3A_257 {offsets = [1], sizes = [1], strides = [1]} : vector<16xf32> to vector<1xf32>
        %squeeze3A_283 = vector.extract %slice3A_282[0] : f32 from vector<1xf32>
        %mul3A_284 = vector.broadcast %squeeze3A_283 : f32 to vector<16xf32>
        %mul3A_285 = arith.mulf %get3A_281, %mul3A_284 : vector<16xf32>
        %swap3A_286 = arith.constant 3 : i32
        %swap3A_287 = arith.index_cast %swap3A_286 : i32 to index
        %swap3A_288 = arith.index_cast %add3A_276 : i32 to index
        %swap3A_289 = arith.constant 0 : index
        %swap3A_290 = tpu.vector_load %arg12[%swap3A_287, %swap3A_288, %swap3A_289] {strides = array<i32>} : memref<4x128x16xf32, #tpu.memory_space<vmem>>, vector<16xf32>,
        tpu.vector_store %arg12[%swap3A_287, %swap3A_288, %swap3A_289], %mul3A_285 {strides = array<i32>} : memref<4x128x16xf32, #tpu.memory_space<vmem>>, vector<16xf32>,
        %mul3A_291 = arith.constant 16 : i32
        %mul3A_292 = arith.muli %scan3A_240, %mul3A_291 : i32
        %add3A_293 = arith.constant 2 : i32
        %add3A_294 = arith.addi %mul3A_292, %add3A_293 : i32
        %get3A_295 = arith.constant 3 : i32
        %get3A_296 = arith.index_cast %get3A_295 : i32 to index
        %get3A_297 = arith.index_cast %add3A_294 : i32 to index
        %get3A_298 = arith.constant 0 : index
        %get3A_299 = tpu.vector_load %arg12[%get3A_296, %get3A_297, %get3A_298] {strides = array<i32>} : memref<4x128x16xf32, #tpu.memory_space<vmem>>, vector<16xf32>,
        %slice3A_300 = vector.extract_strided_slice %mul3A_257 {offsets = [2], sizes = [1], strides = [1]} : vector<16xf32> to vector<1xf32>
        %squeeze3A_301 = vector.extract %slice3A_300[0] : f32 from vector<1xf32>
        %mul3A_302 = vector.broadcast %squeeze3A_301 : f32 to vector<16xf32>
        %mul3A_303 = arith.mulf %get3A_299, %mul3A_302 : vector<16xf32>
        %swap3A_304 = arith.constant 3 : i32
        %swap3A_305 = arith.index_cast %swap3A_304 : i32 to index
        %swap3A_306 = arith.index_cast %add3A_294 : i32 to index
        %swap3A_307 = arith.constant 0 : index
        %swap3A_308 = tpu.vector_load %arg12[%swap3A_305, %swap3A_306, %swap3A_307] {strides = array<i32>} : memref<4x128x16xf32, #tpu.memory_space<vmem>>, vector<16xf32>,
        tpu.vector_store %arg12[%swap3A_305, %swap3A_306, %swap3A_307], %mul3A_303 {strides = array<i32>} : memref<4x128x16xf32, #tpu.memory_space<vmem>>, vector<16xf32>,
        %mul3A_309 = arith.constant 16 : i32
        %mul3A_310 = arith.muli %scan3A_240, %mul3A_309 : i32
        %add3A_311 = arith.constant 3 : i32
        %add3A_312 = arith.addi %mul3A_310, %add3A_311 : i32
        %get3A_313 = arith.constant 3 : i32
        %get3A_314 = arith.index_cast %get3A_313 : i32 to index
        %get3A_315 = arith.index_cast %add3A_312 : i32 to index
        %get3A_316 = arith.constant 0 : index
        %get3A_317 = tpu.vector_load %arg12[%get3A_314, %get3A_315, %get3A_316] {strides = array<i32>} : memref<4x128x16xf32, #tpu.memory_space<vmem>>, vector<16xf32>,
        %slice3A_318 = vector.extract_strided_slice %mul3A_257 {offsets = [3], sizes = [1], strides = [1]} : vector<16xf32> to vector<1xf32>
        %squeeze3A_319 = vector.extract %slice3A_318[0] : f32 from vector<1xf32>
        %mul3A_320 = vector.broadcast %squeeze3A_319 : f32 to vector<16xf32>
        %mul3A_321 = arith.mulf %get3A_317, %mul3A_320 : vector<16xf32>
        %swap3A_322 = arith.constant 3 : i32
        %swap3A_323 = arith.index_cast %swap3A_322 : i32 to index
        %swap3A_324 = arith.index_cast %add3A_312 : i32 to index
        %swap3A_325 = arith.constant 0 : index
        %swap3A_326 = tpu.vector_load %arg12[%swap3A_323, %swap3A_324, %swap3A_325] {strides = array<i32>} : memref<4x128x16xf32, #tpu.memory_space<vmem>>, vector<16xf32>,
        tpu.vector_store %arg12[%swap3A_323, %swap3A_324, %swap3A_325], %mul3A_321 {strides = array<i32>} : memref<4x128x16xf32, #tpu.memory_space<vmem>>, vector<16xf32>,
        %mul3A_327 = arith.constant 16 : i32
        %mul3A_328 = arith.muli %scan3A_240, %mul3A_327 : i32
        %add3A_329 = arith.constant 4 : i32
        %add3A_330 = arith.addi %mul3A_328, %add3A_329 : i32
        %get3A_331 = arith.constant 3 : i32
        %get3A_332 = arith.index_cast %get3A_331 : i32 to index
        %get3A_333 = arith.index_cast %add3A_330 : i32 to index
        %get3A_334 = arith.constant 0 : index
        %get3A_335 = tpu.vector_load %arg12[%get3A_332, %get3A_333, %get3A_334] {strides = array<i32>} : memref<4x128x16xf32, #tpu.memory_space<vmem>>, vector<16xf32>,
        %slice3A_336 = vector.extract_strided_slice %mul3A_257 {offsets = [4], sizes = [1], strides = [1]} : vector<16xf32> to vector<1xf32>
        %squeeze3A_337 = vector.extract %slice3A_336[0] : f32 from vector<1xf32>
        %mul3A_338 = vector.broadcast %squeeze3A_337 : f32 to vector<16xf32>
        %mul3A_339 = arith.mulf %get3A_335, %mul3A_338 : vector<16xf32>
        %swap3A_340 = arith.constant 3 : i32
        %swap3A_341 = arith.index_cast %swap3A_340 : i32 to index
        %swap3A_342 = arith.index_cast %add3A_330 : i32 to index
        %swap3A_343 = arith.constant 0 : index
        %swap3A_344 = tpu.vector_load %arg12[%swap3A_341, %swap3A_342, %swap3A_343] {strides = array<i32>} : memref<4x128x16xf32, #tpu.memory_space<vmem>>, vector<16xf32>,
        tpu.vector_store %arg12[%swap3A_341, %swap3A_342, %swap3A_343], %mul3A_339 {strides = array<i32>} : memref<4x128x16xf32, #tpu.memory_space<vmem>>, vector<16xf32>,
        %mul3A_345 = arith.constant 16 : i32
        %mul3A_346 = arith.muli %scan3A_240, %mul3A_345 : i32
        %add3A_347 = arith.constant 5 : i32
        %add3A_348 = arith.addi %mul3A_346, %add3A_347 : i32
        %get3A_349 = arith.constant 3 : i32
        %get3A_350 = arith.index_cast %get3A_349 : i32 to index
        %get3A_351 = arith.index_cast %add3A_348 : i32 to index
        %get3A_352 = arith.constant 0 : index
        %get3A_353 = tpu.vector_load %arg12[%get3A_350, %get3A_351, %get3A_352] {strides = array<i32>} : memref<4x128x16xf32, #tpu.memory_space<vmem>>, vector<16xf32>,
        %slice3A_354 = vector.extract_strided_slice %mul3A_257 {offsets = [5], sizes = [1], strides = [1]} : vector<16xf32> to vector<1xf32>
        %squeeze3A_355 = vector.extract %slice3A_354[0] : f32 from vector<1xf32>
        %mul3A_356 = vector.broadcast %squeeze3A_355 : f32 to vector<16xf32>
        %mul3A_357 = arith.mulf %get3A_353, %mul3A_356 : vector<16xf32>
        %swap3A_358 = arith.constant 3 : i32
        %swap3A_359 = arith.index_cast %swap3A_358 : i32 to index
        %swap3A_360 = arith.index_cast %add3A_348 : i32 to index
        %swap3A_361 = arith.constant 0 : index
        %swap3A_362 = tpu.vector_load %arg12[%swap3A_359, %swap3A_360, %swap3A_361] {strides = array<i32>} : memref<4x128x16xf32, #tpu.memory_space<vmem>>, vector<16xf32>,
        tpu.vector_store %arg12[%swap3A_359, %swap3A_360, %swap3A_361], %mul3A_357 {strides = array<i32>} : memref<4x128x16xf32, #tpu.memory_space<vmem>>, vector<16xf32>,
        %mul3A_363 = arith.constant 16 : i32
        %mul3A_364 = arith.muli %scan3A_240, %mul3A_363 : i32
        %add3A_365 = arith.constant 6 : i32
        %add3A_366 = arith.addi %mul3A_364, %add3A_365 : i32
        %get3A_367 = arith.constant 3 : i32
        %get3A_368 = arith.index_cast %get3A_367 : i32 to index
        %get3A_369 = arith.index_cast %add3A_366 : i32 to index
        %get3A_370 = arith.constant 0 : index
        %get3A_371 = tpu.vector_load %arg12[%get3A_368, %get3A_369, %get3A_370] {strides = array<i32>} : memref<4x128x16xf32, #tpu.memory_space<vmem>>, vector<16xf32>,
        %slice3A_372 = vector.extract_strided_slice %mul3A_257 {offsets = [6], sizes = [1], strides = [1]} : vector<16xf32> to vector<1xf32>
        %squeeze3A_373 = vector.extract %slice3A_372[0] : f32 from vector<1xf32>
        %mul3A_374 = vector.broadcast %squeeze3A_373 : f32 to vector<16xf32>
        %mul3A_375 = arith.mulf %get3A_371, %mul3A_374 : vector<16xf32>
        %swap3A_376 = arith.constant 3 : i32
        %swap3A_377 = arith.index_cast %swap3A_376 : i32 to index
        %swap3A_378 = arith.index_cast %add3A_366 : i32 to index
        %swap3A_379 = arith.constant 0 : index
        %swap3A_380 = tpu.vector_load %arg12[%swap3A_377, %swap3A_378, %swap3A_379] {strides = array<i32>} : memref<4x128x16xf32, #tpu.memory_space<vmem>>, vector<16xf32>,
        tpu.vector_store %arg12[%swap3A_377, %swap3A_378, %swap3A_379], %mul3A_375 {strides = array<i32>} : memref<4x128x16xf32, #tpu.memory_space<vmem>>, vector<16xf32>,
        %mul3A_381 = arith.constant 16 : i32
        %mul3A_382 = arith.muli %scan3A_240, %mul3A_381 : i32
        %add3A_383 = arith.constant 7 : i32
        %add3A_384 = arith.addi %mul3A_382, %add3A_383 : i32
        %get3A_385 = arith.constant 3 : i32
        %get3A_386 = arith.index_cast %get3A_385 : i32 to index
        %get3A_387 = arith.index_cast %add3A_384 : i32 to index
        %get3A_388 = arith.constant 0 : index
        %get3A_389 = tpu.vector_load %arg12[%get3A_386, %get3A_387, %get3A_388] {strides = array<i32>} : memref<4x128x16xf32, #tpu.memory_space<vmem>>, vector<16xf32>,
        %slice3A_390 = vector.extract_strided_slice %mul3A_257 {offsets = [7], sizes = [1], strides = [1]} : vector<16xf32> to vector<1xf32>
        %squeeze3A_391 = vector.extract %slice3A_390[0] : f32 from vector<1xf32>
        %mul3A_392 = vector.broadcast %squeeze3A_391 : f32 to vector<16xf32>
        %mul3A_393 = arith.mulf %get3A_389, %mul3A_392 : vector<16xf32>
        %swap3A_394 = arith.constant 3 : i32
        %swap3A_395 = arith.index_cast %swap3A_394 : i32 to index
        %swap3A_396 = arith.index_cast %add3A_384 : i32 to index
        %swap3A_397 = arith.constant 0 : index
        %swap3A_398 = tpu.vector_load %arg12[%swap3A_395, %swap3A_396, %swap3A_397] {strides = array<i32>} : memref<4x128x16xf32, #tpu.memory_space<vmem>>, vector<16xf32>,
        tpu.vector_store %arg12[%swap3A_395, %swap3A_396, %swap3A_397], %mul3A_393 {strides = array<i32>} : memref<4x128x16xf32, #tpu.memory_space<vmem>>, vector<16xf32>,
        %mul3A_399 = arith.constant 16 : i32
        %mul3A_400 = arith.muli %scan3A_240, %mul3A_399 : i32
        %add3A_401 = arith.constant 8 : i32
        %add3A_402 = arith.addi %mul3A_400, %add3A_401 : i32
        %get3A_403 = arith.constant 3 : i32
        %get3A_404 = arith.index_cast %get3A_403 : i32 to index
        %get3A_405 = arith.index_cast %add3A_402 : i32 to index
        %get3A_406 = arith.constant 0 : index
        %get3A_407 = tpu.vector_load %arg12[%get3A_404, %get3A_405, %get3A_406] {strides = array<i32>} : memref<4x128x16xf32, #tpu.memory_space<vmem>>, vector<16xf32>,
        %slice3A_408 = vector.extract_strided_slice %mul3A_257 {offsets = [8], sizes = [1], strides = [1]} : vector<16xf32> to vector<1xf32>
        %squeeze3A_409 = vector.extract %slice3A_408[0] : f32 from vector<1xf32>
        %mul3A_410 = vector.broadcast %squeeze3A_409 : f32 to vector<16xf32>
        %mul3A_411 = arith.mulf %get3A_407, %mul3A_410 : vector<16xf32>
        %swap3A_412 = arith.constant 3 : i32
        %swap3A_413 = arith.index_cast %swap3A_412 : i32 to index
        %swap3A_414 = arith.index_cast %add3A_402 : i32 to index
        %swap3A_415 = arith.constant 0 : index
        %swap3A_416 = tpu.vector_load %arg12[%swap3A_413, %swap3A_414, %swap3A_415] {strides = array<i32>} : memref<4x128x16xf32, #tpu.memory_space<vmem>>, vector<16xf32>,
        tpu.vector_store %arg12[%swap3A_413, %swap3A_414, %swap3A_415], %mul3A_411 {strides = array<i32>} : memref<4x128x16xf32, #tpu.memory_space<vmem>>, vector<16xf32>,
        %mul3A_417 = arith.constant 16 : i32
        %mul3A_418 = arith.muli %scan3A_240, %mul3A_417 : i32
        %add3A_419 = arith.constant 9 : i32
        %add3A_420 = arith.addi %mul3A_418, %add3A_419 : i32
        %get3A_421 = arith.constant 3 : i32
        %get3A_422 = arith.index_cast %get3A_421 : i32 to index
        %get3A_423 = arith.index_cast %add3A_420 : i32 to index
        %get3A_424 = arith.constant 0 : index
        %get3A_425 = tpu.vector_load %arg12[%get3A_422, %get3A_423, %get3A_424] {strides = array<i32>} : memref<4x128x16xf32, #tpu.memory_space<vmem>>, vector<16xf32>,
        %slice3A_426 = vector.extract_strided_slice %mul3A_257 {offsets = [9], sizes = [1], strides = [1]} : vector<16xf32> to vector<1xf32>
        %squeeze3A_427 = vector.extract %slice3A_426[0] : f32 from vector<1xf32>
        %mul3A_428 = vector.broadcast %squeeze3A_427 : f32 to vector<16xf32>
        %mul3A_429 = arith.mulf %get3A_425, %mul3A_428 : vector<16xf32>
        %swap3A_430 = arith.constant 3 : i32
        %swap3A_431 = arith.index_cast %swap3A_430 : i32 to index
        %swap3A_432 = arith.index_cast %add3A_420 : i32 to index
        %swap3A_433 = arith.constant 0 : index
        %swap3A_434 = tpu.vector_load %arg12[%swap3A_431, %swap3A_432, %swap3A_433] {strides = array<i32>} : memref<4x128x16xf32, #tpu.memory_space<vmem>>, vector<16xf32>,
        tpu.vector_store %arg12[%swap3A_431, %swap3A_432, %swap3A_433], %mul3A_429 {strides = array<i32>} : memref<4x128x16xf32, #tpu.memory_space<vmem>>, vector<16xf32>,
        %mul3A_435 = arith.constant 16 : i32
        %mul3A_436 = arith.muli %scan3A_240, %mul3A_435 : i32
        %add3A_437 = arith.constant 10 : i32
        %add3A_438 = arith.addi %mul3A_436, %add3A_437 : i32
        %get3A_439 = arith.constant 3 : i32
        %get3A_440 = arith.index_cast %get3A_439 : i32 to index
        %get3A_441 = arith.index_cast %add3A_438 : i32 to index
        %get3A_442 = arith.constant 0 : index
        %get3A_443 = tpu.vector_load %arg12[%get3A_440, %get3A_441, %get3A_442] {strides = array<i32>} : memref<4x128x16xf32, #tpu.memory_space<vmem>>, vector<16xf32>,
        %slice3A_444 = vector.extract_strided_slice %mul3A_257 {offsets = [10], sizes = [1], strides = [1]} : vector<16xf32> to vector<1xf32>
        %squeeze3A_445 = vector.extract %slice3A_444[0] : f32 from vector<1xf32>
        %mul3A_446 = vector.broadcast %squeeze3A_445 : f32 to vector<16xf32>
        %mul3A_447 = arith.mulf %get3A_443, %mul3A_446 : vector<16xf32>
        %swap3A_448 = arith.constant 3 : i32
        %swap3A_449 = arith.index_cast %swap3A_448 : i32 to index
        %swap3A_450 = arith.index_cast %add3A_438 : i32 to index
        %swap3A_451 = arith.constant 0 : index
        %swap3A_452 = tpu.vector_load %arg12[%swap3A_449, %swap3A_450, %swap3A_451] {strides = array<i32>} : memref<4x128x16xf32, #tpu.memory_space<vmem>>, vector<16xf32>,
        tpu.vector_store %arg12[%swap3A_449, %swap3A_450, %swap3A_451], %mul3A_447 {strides = array<i32>} : memref<4x128x16xf32, #tpu.memory_space<vmem>>, vector<16xf32>,
        %mul3A_453 = arith.constant 16 : i32
        %mul3A_454 = arith.muli %scan3A_240, %mul3A_453 : i32
        %add3A_455 = arith.constant 11 : i32
        %add3A_456 = arith.addi %mul3A_454, %add3A_455 : i32
        %get3A_457 = arith.constant 3 : i32
        %get3A_458 = arith.index_cast %get3A_457 : i32 to index
        %get3A_459 = arith.index_cast %add3A_456 : i32 to index
        %get3A_460 = arith.constant 0 : index
        %get3A_461 = tpu.vector_load %arg12[%get3A_458, %get3A_459, %get3A_460] {strides = array<i32>} : memref<4x128x16xf32, #tpu.memory_space<vmem>>, vector<16xf32>,
        %slice3A_462 = vector.extract_strided_slice %mul3A_257 {offsets = [11], sizes = [1], strides = [1]} : vector<16xf32> to vector<1xf32>
        %squeeze3A_463 = vector.extract %slice3A_462[0] : f32 from vector<1xf32>
        %mul3A_464 = vector.broadcast %squeeze3A_463 : f32 to vector<16xf32>
        %mul3A_465 = arith.mulf %get3A_461, %mul3A_464 : vector<16xf32>
        %swap3A_466 = arith.constant 3 : i32
        %swap3A_467 = arith.index_cast %swap3A_466 : i32 to index
        %swap3A_468 = arith.index_cast %add3A_456 : i32 to index
        %swap3A_469 = arith.constant 0 : index
        %swap3A_470 = tpu.vector_load %arg12[%swap3A_467, %swap3A_468, %swap3A_469] {strides = array<i32>} : memref<4x128x16xf32, #tpu.memory_space<vmem>>, vector<16xf32>,
        tpu.vector_store %arg12[%swap3A_467, %swap3A_468, %swap3A_469], %mul3A_465 {strides = array<i32>} : memref<4x128x16xf32, #tpu.memory_space<vmem>>, vector<16xf32>,
        %mul3A_471 = arith.constant 16 : i32
        %mul3A_472 = arith.muli %scan3A_240, %mul3A_471 : i32
        %add3A_473 = arith.constant 12 : i32
        %add3A_474 = arith.addi %mul3A_472, %add3A_473 : i32
        %get3A_475 = arith.constant 3 : i32
        %get3A_476 = arith.index_cast %get3A_475 : i32 to index
        %get3A_477 = arith.index_cast %add3A_474 : i32 to index
        %get3A_478 = arith.constant 0 : index
        %get3A_479 = tpu.vector_load %arg12[%get3A_476, %get3A_477, %get3A_478] {strides = array<i32>} : memref<4x128x16xf32, #tpu.memory_space<vmem>>, vector<16xf32>,
        %slice3A_480 = vector.extract_strided_slice %mul3A_257 {offsets = [12], sizes = [1], strides = [1]} : vector<16xf32> to vector<1xf32>
        %squeeze3A_481 = vector.extract %slice3A_480[0] : f32 from vector<1xf32>
        %mul3A_482 = vector.broadcast %squeeze3A_481 : f32 to vector<16xf32>
        %mul3A_483 = arith.mulf %get3A_479, %mul3A_482 : vector<16xf32>
        %swap3A_484 = arith.constant 3 : i32
        %swap3A_485 = arith.index_cast %swap3A_484 : i32 to index
        %swap3A_486 = arith.index_cast %add3A_474 : i32 to index
        %swap3A_487 = arith.constant 0 : index
        %swap3A_488 = tpu.vector_load %arg12[%swap3A_485, %swap3A_486, %swap3A_487] {strides = array<i32>} : memref<4x128x16xf32, #tpu.memory_space<vmem>>, vector<16xf32>,
        tpu.vector_store %arg12[%swap3A_485, %swap3A_486, %swap3A_487], %mul3A_483 {strides = array<i32>} : memref<4x128x16xf32, #tpu.memory_space<vmem>>, vector<16xf32>,
        %mul3A_489 = arith.constant 16 : i32
        %mul3A_490 = arith.muli %scan3A_240, %mul3A_489 : i32
        %add3A_491 = arith.constant 13 : i32
        %add3A_492 = arith.addi %mul3A_490, %add3A_491 : i32
        %get3A_493 = arith.constant 3 : i32
        %get3A_494 = arith.index_cast %get3A_493 : i32 to index
        %get3A_495 = arith.index_cast %add3A_492 : i32 to index
        %get3A_496 = arith.constant 0 : index
        %get3A_497 = tpu.vector_load %arg12[%get3A_494, %get3A_495, %get3A_496] {strides = array<i32>} : memref<4x128x16xf32, #tpu.memory_space<vmem>>, vector<16xf32>,
        %slice3A_498 = vector.extract_strided_slice %mul3A_257 {offsets = [13], sizes = [1], strides = [1]} : vector<16xf32> to vector<1xf32>
        %squeeze3A_499 = vector.extract %slice3A_498[0] : f32 from vector<1xf32>
        %mul3A_500 = vector.broadcast %squeeze3A_499 : f32 to vector<16xf32>
        %mul3A_501 = arith.mulf %get3A_497, %mul3A_500 : vector<16xf32>
        %swap3A_502 = arith.constant 3 : i32
        %swap3A_503 = arith.index_cast %swap3A_502 : i32 to index
        %swap3A_504 = arith.index_cast %add3A_492 : i32 to index
        %swap3A_505 = arith.constant 0 : index
        %swap3A_506 = tpu.vector_load %arg12[%swap3A_503, %swap3A_504, %swap3A_505] {strides = array<i32>} : memref<4x128x16xf32, #tpu.memory_space<vmem>>, vector<16xf32>,
        tpu.vector_store %arg12[%swap3A_503, %swap3A_504, %swap3A_505], %mul3A_501 {strides = array<i32>} : memref<4x128x16xf32, #tpu.memory_space<vmem>>, vector<16xf32>,
        %mul3A_507 = arith.constant 16 : i32
        %mul3A_508 = arith.muli %scan3A_240, %mul3A_507 : i32
        %add3A_509 = arith.constant 14 : i32
        %add3A_510 = arith.addi %mul3A_508, %add3A_509 : i32
        %get3A_511 = arith.constant 3 : i32
        %get3A_512 = arith.index_cast %get3A_511 : i32 to index
        %get3A_513 = arith.index_cast %add3A_510 : i32 to index
        %get3A_514 = arith.constant 0 : index
        %get3A_515 = tpu.vector_load %arg12[%get3A_512, %get3A_513, %get3A_514] {strides = array<i32>} : memref<4x128x16xf32, #tpu.memory_space<vmem>>, vector<16xf32>,
        %slice3A_516 = vector.extract_strided_slice %mul3A_257 {offsets = [14], sizes = [1], strides = [1]} : vector<16xf32> to vector<1xf32>
        %squeeze3A_517 = vector.extract %slice3A_516[0] : f32 from vector<1xf32>
        %mul3A_518 = vector.broadcast %squeeze3A_517 : f32 to vector<16xf32>
        %mul3A_519 = arith.mulf %get3A_515, %mul3A_518 : vector<16xf32>
        %swap3A_520 = arith.constant 3 : i32
        %swap3A_521 = arith.index_cast %swap3A_520 : i32 to index
        %swap3A_522 = arith.index_cast %add3A_510 : i32 to index
        %swap3A_523 = arith.constant 0 : index
        %swap3A_524 = tpu.vector_load %arg12[%swap3A_521, %swap3A_522, %swap3A_523] {strides = array<i32>} : memref<4x128x16xf32, #tpu.memory_space<vmem>>, vector<16xf32>,
        tpu.vector_store %arg12[%swap3A_521, %swap3A_522, %swap3A_523], %mul3A_519 {strides = array<i32>} : memref<4x128x16xf32, #tpu.memory_space<vmem>>, vector<16xf32>,
        %mul3A_525 = arith.constant 16 : i32
        %mul3A_526 = arith.muli %scan3A_240, %mul3A_525 : i32
        %add3A_527 = arith.constant 15 : i32
        %add3A_528 = arith.addi %mul3A_526, %add3A_527 : i32
        %get3A_529 = arith.constant 3 : i32
        %get3A_530 = arith.index_cast %get3A_529 : i32 to index
        %get3A_531 = arith.index_cast %add3A_528 : i32 to index
        %get3A_532 = arith.constant 0 : index
        %get3A_533 = tpu.vector_load %arg12[%get3A_530, %get3A_531, %get3A_532] {strides = array<i32>} : memref<4x128x16xf32, #tpu.memory_space<vmem>>, vector<16xf32>,
        %slice3A_534 = vector.extract_strided_slice %mul3A_257 {offsets = [15], sizes = [1], strides = [1]} : vector<16xf32> to vector<1xf32>
        %squeeze3A_535 = vector.extract %slice3A_534[0] : f32 from vector<1xf32>
        %mul3A_536 = vector.broadcast %squeeze3A_535 : f32 to vector<16xf32>
        %mul3A_537 = arith.mulf %get3A_533, %mul3A_536 : vector<16xf32>
        %swap3A_538 = arith.constant 3 : i32
        %swap3A_539 = arith.index_cast %swap3A_538 : i32 to index
        %swap3A_540 = arith.index_cast %add3A_528 : i32 to index
        %swap3A_541 = arith.constant 0 : index
        %swap3A_542 = tpu.vector_load %arg12[%swap3A_539, %swap3A_540, %swap3A_541] {strides = array<i32>} : memref<4x128x16xf32, #tpu.memory_space<vmem>>, vector<16xf32>,
        tpu.vector_store %arg12[%swap3A_539, %swap3A_540, %swap3A_541], %mul3A_537 {strides = array<i32>} : memref<4x128x16xf32, #tpu.memory_space<vmem>>, vector<16xf32>,
      }
      %scan3A_184 = arith.constant 8 : i32
      %dma_start3A_185 = arith.constant 3 : i32
      %dma_start3A_186 = arith.constant 0 : i32
      %dma_start3A_187 = arith.constant 0 : i32
      %dma_start3A_188 = tpu.memref_slice %arg12[%dma_start3A_185, %dma_start3A_186, %dma_start3A_187] : memref<4x128x16xf32, #tpu.memory_space<vmem>> -> memref<1x128x16xf32, #tpu.memory_space<vmem>>
      %dma_start3A_189 = tpu.memref_squeeze %dma_start3A_188 : memref<1x128x16xf32, #tpu.memory_space<vmem>> -> memref<128x16xf32, #tpu.memory_space<vmem>>
      %dma_start3A_190 = arith.constant 0 : i32
      %dma_start3A_191 = tpu.memref_slice %arg9[%add3A_167, %dma_start3A_190] : memref<84x128xi32, #tpu.memory_space<vmem>> -> memref<1x128xi32, #tpu.memory_space<vmem>>
      %dma_start3A_192 = tpu.memref_squeeze %dma_start3A_191 : memref<1x128xi32, #tpu.memory_space<vmem>> -> memref<128xi32, #tpu.memory_space<vmem>>
      %dma_start3A_193 = arith.constant 0 : i32
      %dma_start3A_194 = arith.constant 0 : i32
      %dma_start3A_195 = tpu.memref_slice %arg13[%dma_start3A_193, %dma_start3A_194] : memref<10240x16xf32, #tpu.memory_space<vmem_shared>> -> memref<10240x16xf32, #tpu.memory_space<vmem_shared>>
      tpu.enqueue_indirect_dma source(%dma_start3A_189 : memref<128x16xf32, #tpu.memory_space<vmem>>) target(%dma_start3A_195 : memref<10240x16xf32, #tpu.memory_space<vmem_shared>>) offsets(%dma_start3A_192 : memref<128xi32, #tpu.memory_space<vmem>>) semaphore(%arg18 : memref<!tpu.dma_semaphore, #tpu.memory_space<semaphore_mem>>) {add = true}
      %dma_wait3A_196 = arith.constant 0 : i32
      %dma_wait3A_197 = arith.constant 0 : i32
      %dma_wait3A_198 = arith.constant 0 : i32
      %dma_wait3A_199 = tpu.memref_slice %arg12[%dma_wait3A_196, %dma_wait3A_197, %dma_wait3A_198] : memref<4x128x16xf32, #tpu.memory_space<vmem>> -> memref<1x128x16xf32, #tpu.memory_space<vmem>>
      %dma_wait3A_200 = tpu.memref_squeeze %dma_wait3A_199 : memref<1x128x16xf32, #tpu.memory_space<vmem>> -> memref<128x16xf32, #tpu.memory_space<vmem>>
      %dma_wait3A_201 = arith.constant 0 : i32
      %dma_wait3A_202 = tpu.memref_slice %arg9[%add3A_78, %dma_wait3A_201] : memref<84x128xi32, #tpu.memory_space<vmem>> -> memref<1x128xi32, #tpu.memory_space<vmem>>
      %dma_wait3A_203 = tpu.memref_squeeze %dma_wait3A_202 : memref<1x128xi32, #tpu.memory_space<vmem>> -> memref<128xi32, #tpu.memory_space<vmem>>
      %dma_wait3A_204 = arith.constant 0 : i32
      %dma_wait3A_205 = arith.constant 0 : i32
      %dma_wait3A_206 = tpu.memref_slice %arg13[%dma_wait3A_204, %dma_wait3A_205] : memref<10240x16xf32, #tpu.memory_space<vmem_shared>> -> memref<10240x16xf32, #tpu.memory_space<vmem_shared>>
      tpu.wait_indirect_dma semaphore(%arg18 : memref<!tpu.dma_semaphore, #tpu.memory_space<semaphore_mem>>) src(%dma_wait3A_200 : memref<128x16xf32, #tpu.memory_space<vmem>>) dst(%dma_wait3A_206 : memref<10240x16xf32, #tpu.memory_space<vmem_shared>>)
      %dma_wait3A_207 = arith.constant 1 : i32
      %dma_wait3A_208 = arith.constant 0 : i32
      %dma_wait3A_209 = arith.constant 0 : i32
      %dma_wait3A_210 = tpu.memref_slice %arg12[%dma_wait3A_207, %dma_wait3A_208, %dma_wait3A_209] : memref<4x128x16xf32, #tpu.memory_space<vmem>> -> memref<1x128x16xf32, #tpu.memory_space<vmem>>
      %dma_wait3A_211 = tpu.memref_squeeze %dma_wait3A_210 : memref<1x128x16xf32, #tpu.memory_space<vmem>> -> memref<128x16xf32, #tpu.memory_space<vmem>>
      %dma_wait3A_212 = arith.constant 0 : i32
      %dma_wait3A_213 = tpu.memref_slice %arg9[%add3A_107, %dma_wait3A_212] : memref<84x128xi32, #tpu.memory_space<vmem>> -> memref<1x128xi32, #tpu.memory_space<vmem>>
      %dma_wait3A_214 = tpu.memref_squeeze %dma_wait3A_213 : memref<1x128xi32, #tpu.memory_space<vmem>> -> memref<128xi32, #tpu.memory_space<vmem>>
      %dma_wait3A_215 = arith.constant 0 : i32
      %dma_wait3A_216 = arith.constant 0 : i32
      %dma_wait3A_217 = tpu.memref_slice %arg13[%dma_wait3A_215, %dma_wait3A_216] : memref<10240x16xf32, #tpu.memory_space<vmem_shared>> -> memref<10240x16xf32, #tpu.memory_space<vmem_shared>>
      tpu.wait_indirect_dma semaphore(%arg18 : memref<!tpu.dma_semaphore, #tpu.memory_space<semaphore_mem>>) src(%dma_wait3A_211 : memref<128x16xf32, #tpu.memory_space<vmem>>) dst(%dma_wait3A_217 : memref<10240x16xf32, #tpu.memory_space<vmem_shared>>)
      %dma_wait3A_218 = arith.constant 2 : i32
      %dma_wait3A_219 = arith.constant 0 : i32
      %dma_wait3A_220 = arith.constant 0 : i32
      %dma_wait3A_221 = tpu.memref_slice %arg12[%dma_wait3A_218, %dma_wait3A_219, %dma_wait3A_220] : memref<4x128x16xf32, #tpu.memory_space<vmem>> -> memref<1x128x16xf32, #tpu.memory_space<vmem>>
      %dma_wait3A_222 = tpu.memref_squeeze %dma_wait3A_221 : memref<1x128x16xf32, #tpu.memory_space<vmem>> -> memref<128x16xf32, #tpu.memory_space<vmem>>
      %dma_wait3A_223 = arith.constant 0 : i32
      %dma_wait3A_224 = tpu.memref_slice %arg9[%add3A_137, %dma_wait3A_223] : memref<84x128xi32, #tpu.memory_space<vmem>> -> memref<1x128xi32, #tpu.memory_space<vmem>>
      %dma_wait3A_225 = tpu.memref_squeeze %dma_wait3A_224 : memref<1x128xi32, #tpu.memory_space<vmem>> -> memref<128xi32, #tpu.memory_space<vmem>>
      %dma_wait3A_226 = arith.constant 0 : i32
      %dma_wait3A_227 = arith.constant 0 : i32
      %dma_wait3A_228 = tpu.memref_slice %arg13[%dma_wait3A_226, %dma_wait3A_227] : memref<10240x16xf32, #tpu.memory_space<vmem_shared>> -> memref<10240x16xf32, #tpu.memory_space<vmem_shared>>
      tpu.wait_indirect_dma semaphore(%arg18 : memref<!tpu.dma_semaphore, #tpu.memory_space<semaphore_mem>>) src(%dma_wait3A_222 : memref<128x16xf32, #tpu.memory_space<vmem>>) dst(%dma_wait3A_228 : memref<10240x16xf32, #tpu.memory_space<vmem_shared>>)
      %dma_wait3A_229 = arith.constant 3 : i32
      %dma_wait3A_230 = arith.constant 0 : i32
      %dma_wait3A_231 = arith.constant 0 : i32
      %dma_wait3A_232 = tpu.memref_slice %arg12[%dma_wait3A_229, %dma_wait3A_230, %dma_wait3A_231] : memref<4x128x16xf32, #tpu.memory_space<vmem>> -> memref<1x128x16xf32, #tpu.memory_space<vmem>>
      %dma_wait3A_233 = tpu.memref_squeeze %dma_wait3A_232 : memref<1x128x16xf32, #tpu.memory_space<vmem>> -> memref<128x16xf32, #tpu.memory_space<vmem>>
      %dma_wait3A_234 = arith.constant 0 : i32
      %dma_wait3A_235 = tpu.memref_slice %arg9[%add3A_167, %dma_wait3A_234] : memref<84x128xi32, #tpu.memory_space<vmem>> -> memref<1x128xi32, #tpu.memory_space<vmem>>
      %dma_wait3A_236 = tpu.memref_squeeze %dma_wait3A_235 : memref<1x128xi32, #tpu.memory_space<vmem>> -> memref<128xi32, #tpu.memory_space<vmem>>
      %dma_wait3A_237 = arith.constant 0 : i32
      %dma_wait3A_238 = arith.constant 0 : i32
      %dma_wait3A_239 = tpu.memref_slice %arg13[%dma_wait3A_237, %dma_wait3A_238] : memref<10240x16xf32, #tpu.memory_space<vmem_shared>> -> memref<10240x16xf32, #tpu.memory_space<vmem_shared>>
      tpu.wait_indirect_dma semaphore(%arg18 : memref<!tpu.dma_semaphore, #tpu.memory_space<semaphore_mem>>) src(%dma_wait3A_233 : memref<128x16xf32, #tpu.memory_space<vmem>>) dst(%dma_wait3A_239 : memref<10240x16xf32, #tpu.memory_space<vmem_shared>>)
    }
    %scan3A_17 = arith.constant 21 : i32
    %barrier3A_18 = arith.constant 0 : index
    tpu.barrier barrier_id(%barrier3A_18)
    %mul3A_19 = arith.constant 640 : i32
    %mul3A_20 = arith.muli %arg1, %mul3A_19 : i32
    %mul3A_21 = arith.constant 640 : i32
    %mul3A_22 = arith.muli %arg1, %mul3A_21 : i32
    "tpu.region"() ({
      %run_scoped3A = tpu.sem_alloc : memref<!tpu.dma_semaphore, #tpu.memory_space<semaphore_mem>>
      %dma_start3A = arith.constant 0 : i32
      %dma_start3A_23 = tpu.memref_slice %arg7[%arg0, %mul3A_22, %dma_start3A] : memref<2x10240x16xf32, #tpu.memory_space<hbm>> -> memref<1x640x16xf32, #tpu.memory_space<hbm>>
      %dma_start3A_24 = tpu.memref_squeeze %dma_start3A_23 : memref<1x640x16xf32, #tpu.memory_space<hbm>> -> memref<640x16xf32, #tpu.memory_space<hbm>>
      %dma_start3A_25 = arith.constant 0 : i32
      %dma_start3A_26 = tpu.memref_slice %arg13[%mul3A_20, %dma_start3A_25] : memref<10240x16xf32, #tpu.memory_space<vmem_shared>> -> memref<640x16xf32, #tpu.memory_space<vmem_shared>>
      tpu.enqueue_dma source(%dma_start3A_26 : memref<640x16xf32, #tpu.memory_space<vmem_shared>>) target(%dma_start3A_24 : memref<640x16xf32, #tpu.memory_space<hbm>>) target_semaphore(%run_scoped3A : memref<!tpu.dma_semaphore, #tpu.memory_space<semaphore_mem>>)
      %dma_wait3A = arith.constant 0 : i32
      %dma_wait3A_27 = tpu.memref_slice %arg7[%arg0, %mul3A_22, %dma_wait3A] : memref<2x10240x16xf32, #tpu.memory_space<hbm>> -> memref<1x640x16xf32, #tpu.memory_space<hbm>>
      %dma_wait3A_28 = tpu.memref_squeeze %dma_wait3A_27 : memref<1x640x16xf32, #tpu.memory_space<hbm>> -> memref<640x16xf32, #tpu.memory_space<hbm>>
      %dma_wait3A_29 = arith.constant 0 : i32
      %dma_wait3A_30 = tpu.memref_slice %arg13[%mul3A_20, %dma_wait3A_29] : memref<10240x16xf32, #tpu.memory_space<vmem_shared>> -> memref<640x16xf32, #tpu.memory_space<vmem_shared>>
      tpu.wait_dma2 semaphore(%run_scoped3A : memref<!tpu.dma_semaphore, #tpu.memory_space<semaphore_mem>>) src(%dma_wait3A_30 : memref<640x16xf32, #tpu.memory_space<vmem_shared>>) dst(%dma_wait3A_28 : memref<640x16xf32, #tpu.memory_space<hbm>>)
      tpu.yield
    }) : () -> ()
    return
  }
}

#map = affine_map<(d0, d1) -> (0, 0)>
#map1 = affine_map<(d0, d1) -> (0)>
#map2 = affine_map<(d0, d1) -> (0, 0, 0)>
module attributes {stable_mosaic.version = 14 : i64} {
  func.func @_agg_sc(%arg0: i32, %arg1: i32, %arg2: memref<10240x16xf32, #tpu.memory_space<hbm>>, %arg3: memref<10240xf32, #tpu.memory_space<hbm>>, %arg4: memref<32x84x128xi32, #tpu.memory_space<hbm>>, %arg5: memref<32x84x128xi32, #tpu.memory_space<hbm>>, %arg6: memref<32x84x128xf32, #tpu.memory_space<hbm>>, %arg7: memref<2x10240x16xf32, #tpu.memory_space<hbm>>, %arg8: memref<84x128xi32, #tpu.memory_space<vmem>>, %arg9: memref<84x128xi32, #tpu.memory_space<vmem>>, %arg10: memref<84x128xf32, #tpu.memory_space<vmem>>, %arg11: memref<10240xf32, #tpu.memory_space<vmem>>, %arg12: memref<4x128x16xf32, #tpu.memory_space<vmem>>, %arg13: memref<10240x16xf32, #tpu.memory_space<vmem_shared>>, %arg14: memref<!tpu.dma_semaphore, #tpu.memory_space<semaphore_mem>>, %arg15: memref<!tpu.dma_semaphore, #tpu.memory_space<semaphore_mem>>, %arg16: memref<!tpu.dma_semaphore, #tpu.memory_space<semaphore_mem>>, %arg17: memref<!tpu.dma_semaphore, #tpu.memory_space<semaphore_mem>>, %arg18: memref<!tpu.dma_semaphore, #tpu.memory_space<semaphore_mem>>) attributes {dimension_semantics = [#tpu.dimension_semantics<core_parallel>, #tpu.dimension_semantics<subcore_parallel>], iteration_bounds = array<i64: 2, 16>, scalar_prefetch = 0 : i64, scratch_operands = 11 : i64, tpu.core_type = #tpu.core_type<sc_vector_subcore>, window_params = [{transform_indices = #map}, {transform_indices = #map1}, {transform_indices = #map2}, {transform_indices = #map2}, {transform_indices = #map2}, {transform_indices = #map2}]} {
    %mul3A = arith.constant 16 : i32
    %mul3A_0 = arith.muli %arg0, %mul3A : i32
    %add3A = arith.addi %mul3A_0, %arg1 : i32
    "tpu.region"() ({
      %run_scoped3A = tpu.sem_alloc : memref<!tpu.dma_semaphore, #tpu.memory_space<semaphore_mem>>
      %dma_start3A = arith.constant 0 : i32
      %dma_start3A_23 = arith.constant 0 : i32
      %dma_start3A_24 = tpu.memref_slice %arg4[%add3A, %dma_start3A, %dma_start3A_23] : memref<32x84x128xi32, #tpu.memory_space<hbm>> -> memref<1x84x128xi32, #tpu.memory_space<hbm>>
      %dma_start3A_25 = tpu.memref_squeeze %dma_start3A_24 : memref<1x84x128xi32, #tpu.memory_space<hbm>> -> memref<84x128xi32, #tpu.memory_space<hbm>>
      %dma_start3A_26 = arith.constant 0 : i32
      %dma_start3A_27 = arith.constant 0 : i32
      %dma_start3A_28 = tpu.memref_slice %arg4[%add3A, %dma_start3A_26, %dma_start3A_27] : memref<32x84x128xi32, #tpu.memory_space<hbm>> -> memref<1x84x128xi32, #tpu.memory_space<hbm>>
      %dma_start3A_29 = tpu.memref_squeeze %dma_start3A_28 : memref<1x84x128xi32, #tpu.memory_space<hbm>> -> memref<84x128xi32, #tpu.memory_space<hbm>>
      tpu.enqueue_dma source(%dma_start3A_29 : memref<84x128xi32, #tpu.memory_space<hbm>>) target(%arg8 : memref<84x128xi32, #tpu.memory_space<vmem>>) target_semaphore(%run_scoped3A : memref<!tpu.dma_semaphore, #tpu.memory_space<semaphore_mem>>)
      %dma_wait3A = arith.constant 0 : i32
      %dma_wait3A_30 = arith.constant 0 : i32
      %dma_wait3A_31 = tpu.memref_slice %arg4[%add3A, %dma_wait3A, %dma_wait3A_30] : memref<32x84x128xi32, #tpu.memory_space<hbm>> -> memref<1x84x128xi32, #tpu.memory_space<hbm>>
      %dma_wait3A_32 = tpu.memref_squeeze %dma_wait3A_31 : memref<1x84x128xi32, #tpu.memory_space<hbm>> -> memref<84x128xi32, #tpu.memory_space<hbm>>
      %dma_wait3A_33 = arith.constant 0 : i32
      %dma_wait3A_34 = arith.constant 0 : i32
      %dma_wait3A_35 = tpu.memref_slice %arg4[%add3A, %dma_wait3A_33, %dma_wait3A_34] : memref<32x84x128xi32, #tpu.memory_space<hbm>> -> memref<1x84x128xi32, #tpu.memory_space<hbm>>
      %dma_wait3A_36 = tpu.memref_squeeze %dma_wait3A_35 : memref<1x84x128xi32, #tpu.memory_space<hbm>> -> memref<84x128xi32, #tpu.memory_space<hbm>>
      tpu.wait_dma2 semaphore(%run_scoped3A : memref<!tpu.dma_semaphore, #tpu.memory_space<semaphore_mem>>) src(%dma_wait3A_36 : memref<84x128xi32, #tpu.memory_space<hbm>>) dst(%arg8 : memref<84x128xi32, #tpu.memory_space<vmem>>)
      tpu.yield
    }) : () -> ()
    "tpu.region"() ({
      %run_scoped3A = tpu.sem_alloc : memref<!tpu.dma_semaphore, #tpu.memory_space<semaphore_mem>>
      %dma_start3A = arith.constant 0 : i32
      %dma_start3A_23 = arith.constant 0 : i32
      %dma_start3A_24 = tpu.memref_slice %arg5[%add3A, %dma_start3A, %dma_start3A_23] : memref<32x84x128xi32, #tpu.memory_space<hbm>> -> memref<1x84x128xi32, #tpu.memory_space<hbm>>
      %dma_start3A_25 = tpu.memref_squeeze %dma_start3A_24 : memref<1x84x128xi32, #tpu.memory_space<hbm>> -> memref<84x128xi32, #tpu.memory_space<hbm>>
      %dma_start3A_26 = arith.constant 0 : i32
      %dma_start3A_27 = arith.constant 0 : i32
      %dma_start3A_28 = tpu.memref_slice %arg5[%add3A, %dma_start3A_26, %dma_start3A_27] : memref<32x84x128xi32, #tpu.memory_space<hbm>> -> memref<1x84x128xi32, #tpu.memory_space<hbm>>
      %dma_start3A_29 = tpu.memref_squeeze %dma_start3A_28 : memref<1x84x128xi32, #tpu.memory_space<hbm>> -> memref<84x128xi32, #tpu.memory_space<hbm>>
      tpu.enqueue_dma source(%dma_start3A_29 : memref<84x128xi32, #tpu.memory_space<hbm>>) target(%arg9 : memref<84x128xi32, #tpu.memory_space<vmem>>) target_semaphore(%run_scoped3A : memref<!tpu.dma_semaphore, #tpu.memory_space<semaphore_mem>>)
      %dma_wait3A = arith.constant 0 : i32
      %dma_wait3A_30 = arith.constant 0 : i32
      %dma_wait3A_31 = tpu.memref_slice %arg5[%add3A, %dma_wait3A, %dma_wait3A_30] : memref<32x84x128xi32, #tpu.memory_space<hbm>> -> memref<1x84x128xi32, #tpu.memory_space<hbm>>
      %dma_wait3A_32 = tpu.memref_squeeze %dma_wait3A_31 : memref<1x84x128xi32, #tpu.memory_space<hbm>> -> memref<84x128xi32, #tpu.memory_space<hbm>>
      %dma_wait3A_33 = arith.constant 0 : i32
      %dma_wait3A_34 = arith.constant 0 : i32
      %dma_wait3A_35 = tpu.memref_slice %arg5[%add3A, %dma_wait3A_33, %dma_wait3A_34] : memref<32x84x128xi32, #tpu.memory_space<hbm>> -> memref<1x84x128xi32, #tpu.memory_space<hbm>>
      %dma_wait3A_36 = tpu.memref_squeeze %dma_wait3A_35 : memref<1x84x128xi32, #tpu.memory_space<hbm>> -> memref<84x128xi32, #tpu.memory_space<hbm>>
      tpu.wait_dma2 semaphore(%run_scoped3A : memref<!tpu.dma_semaphore, #tpu.memory_space<semaphore_mem>>) src(%dma_wait3A_36 : memref<84x128xi32, #tpu.memory_space<hbm>>) dst(%arg9 : memref<84x128xi32, #tpu.memory_space<vmem>>)
      tpu.yield
    }) : () -> ()
    "tpu.region"() ({
      %run_scoped3A = tpu.sem_alloc : memref<!tpu.dma_semaphore, #tpu.memory_space<semaphore_mem>>
      %dma_start3A = arith.constant 0 : i32
      %dma_start3A_23 = arith.constant 0 : i32
      %dma_start3A_24 = tpu.memref_slice %arg6[%add3A, %dma_start3A, %dma_start3A_23] : memref<32x84x128xf32, #tpu.memory_space<hbm>> -> memref<1x84x128xf32, #tpu.memory_space<hbm>>
      %dma_start3A_25 = tpu.memref_squeeze %dma_start3A_24 : memref<1x84x128xf32, #tpu.memory_space<hbm>> -> memref<84x128xf32, #tpu.memory_space<hbm>>
      %dma_start3A_26 = arith.constant 0 : i32
      %dma_start3A_27 = arith.constant 0 : i32
      %dma_start3A_28 = tpu.memref_slice %arg6[%add3A, %dma_start3A_26, %dma_start3A_27] : memref<32x84x128xf32, #tpu.memory_space<hbm>> -> memref<1x84x128xf32, #tpu.memory_space<hbm>>
      %dma_start3A_29 = tpu.memref_squeeze %dma_start3A_28 : memref<1x84x128xf32, #tpu.memory_space<hbm>> -> memref<84x128xf32, #tpu.memory_space<hbm>>
      tpu.enqueue_dma source(%dma_start3A_29 : memref<84x128xf32, #tpu.memory_space<hbm>>) target(%arg10 : memref<84x128xf32, #tpu.memory_space<vmem>>) target_semaphore(%run_scoped3A : memref<!tpu.dma_semaphore, #tpu.memory_space<semaphore_mem>>)
      %dma_wait3A = arith.constant 0 : i32
      %dma_wait3A_30 = arith.constant 0 : i32
      %dma_wait3A_31 = tpu.memref_slice %arg6[%add3A, %dma_wait3A, %dma_wait3A_30] : memref<32x84x128xf32, #tpu.memory_space<hbm>> -> memref<1x84x128xf32, #tpu.memory_space<hbm>>
      %dma_wait3A_32 = tpu.memref_squeeze %dma_wait3A_31 : memref<1x84x128xf32, #tpu.memory_space<hbm>> -> memref<84x128xf32, #tpu.memory_space<hbm>>
      %dma_wait3A_33 = arith.constant 0 : i32
      %dma_wait3A_34 = arith.constant 0 : i32
      %dma_wait3A_35 = tpu.memref_slice %arg6[%add3A, %dma_wait3A_33, %dma_wait3A_34] : memref<32x84x128xf32, #tpu.memory_space<hbm>> -> memref<1x84x128xf32, #tpu.memory_space<hbm>>
      %dma_wait3A_36 = tpu.memref_squeeze %dma_wait3A_35 : memref<1x84x128xf32, #tpu.memory_space<hbm>> -> memref<84x128xf32, #tpu.memory_space<hbm>>
      tpu.wait_dma2 semaphore(%run_scoped3A : memref<!tpu.dma_semaphore, #tpu.memory_space<semaphore_mem>>) src(%dma_wait3A_36 : memref<84x128xf32, #tpu.memory_space<hbm>>) dst(%arg10 : memref<84x128xf32, #tpu.memory_space<vmem>>)
      tpu.yield
    }) : () -> ()
    "tpu.region"() ({
      %run_scoped3A = tpu.sem_alloc : memref<!tpu.dma_semaphore, #tpu.memory_space<semaphore_mem>>
      tpu.enqueue_dma source(%arg3 : memref<10240xf32, #tpu.memory_space<hbm>>) target(%arg11 : memref<10240xf32, #tpu.memory_space<vmem>>) target_semaphore(%run_scoped3A : memref<!tpu.dma_semaphore, #tpu.memory_space<semaphore_mem>>)
      tpu.wait_dma2 semaphore(%run_scoped3A : memref<!tpu.dma_semaphore, #tpu.memory_space<semaphore_mem>>) src(%arg3 : memref<10240xf32, #tpu.memory_space<hbm>>) dst(%arg11 : memref<10240xf32, #tpu.memory_space<vmem>>)
      tpu.yield
    }) : () -> ()
    %scan3A = arith.constant 0 : i32
    %scan3A_1 = arith.constant 0 : i32
    %scan3A_2 = arith.constant 128 : i32
    %scan3A_3 = arith.addi %scan3A_1, %scan3A_2 : i32
    %scan3A_4 = arith.constant 1 : i32
    scf.for %scan3A_23 = %scan3A_1 to %scan3A_3 step %scan3A_4  : i32 {
      %broadcast_in_dim3A = arith.constant 0.000000e+00 : f32
      %broadcast_in_dim3A_24 = vector.broadcast %broadcast_in_dim3A : f32 to vector<16xf32>
      %swap3A = arith.constant 0 : i32
      %swap3A_25 = arith.index_cast %swap3A : i32 to index
      %swap3A_26 = arith.index_cast %scan3A_23 : i32 to index
      %swap3A_27 = arith.constant 0 : index
      %swap3A_28 = tpu.vector_load %arg12[%swap3A_25, %swap3A_26, %swap3A_27] {strides = array<i32>} : memref<4x128x16xf32, #tpu.memory_space<vmem>>, vector<16xf32>,
      tpu.vector_store %arg12[%swap3A_25, %swap3A_26, %swap3A_27], %broadcast_in_dim3A_24 {strides = array<i32>} : memref<4x128x16xf32, #tpu.memory_space<vmem>>, vector<16xf32>,
    }
    %scan3A_5 = arith.constant 128 : i32
    %scan3A_6 = arith.constant 0 : i32
    %scan3A_7 = arith.constant 0 : i32
    %scan3A_8 = arith.constant 5 : i32
    %scan3A_9 = arith.addi %scan3A_7, %scan3A_8 : i32
    %scan3A_10 = arith.constant 1 : i32
    scf.for %scan3A_23 = %scan3A_7 to %scan3A_9 step %scan3A_10  : i32 {
      %mul3A_24 = arith.constant 640 : i32
      %mul3A_25 = arith.muli %arg1, %mul3A_24 : i32
      %mul3A_26 = arith.constant 128 : i32
      %mul3A_27 = arith.muli %scan3A_23, %mul3A_26 : i32
      %add3A_28 = arith.addi %mul3A_25, %mul3A_27 : i32
      %run_scoped3A = arith.constant 0 : i32
      "tpu.region"() ({
        %run_scoped3A_29 = tpu.sem_alloc : memref<!tpu.dma_semaphore, #tpu.memory_space<semaphore_mem>>
        %dma_start3A = arith.constant 0 : i32
        %dma_start3A_30 = arith.constant 0 : i32
        %dma_start3A_31 = tpu.memref_slice %arg12[%run_scoped3A, %dma_start3A, %dma_start3A_30] : memref<4x128x16xf32, #tpu.memory_space<vmem>> -> memref<1x128x16xf32, #tpu.memory_space<vmem>>
        %dma_start3A_32 = tpu.memref_squeeze %dma_start3A_31 : memref<1x128x16xf32, #tpu.memory_space<vmem>> -> memref<128x16xf32, #tpu.memory_space<vmem>>
        %dma_start3A_33 = arith.constant 0 : i32
        %dma_start3A_34 = tpu.memref_slice %arg13[%add3A_28, %dma_start3A_33] : memref<10240x16xf32, #tpu.memory_space<vmem_shared>> -> memref<128x16xf32, #tpu.memory_space<vmem_shared>>
        %dma_start3A_35 = arith.constant 0 : i32
        %dma_start3A_36 = tpu.memref_slice %arg13[%add3A_28, %dma_start3A_35] : memref<10240x16xf32, #tpu.memory_space<vmem_shared>> -> memref<128x16xf32, #tpu.memory_space<vmem_shared>>
        %dma_start3A_37 = arith.constant 0 : i32
        %dma_start3A_38 = arith.constant 0 : i32
        %dma_start3A_39 = tpu.memref_slice %arg12[%run_scoped3A, %dma_start3A_37, %dma_start3A_38] : memref<4x128x16xf32, #tpu.memory_space<vmem>> -> memref<1x128x16xf32, #tpu.memory_space<vmem>>
        %dma_start3A_40 = tpu.memref_squeeze %dma_start3A_39 : memref<1x128x16xf32, #tpu.memory_space<vmem>> -> memref<128x16xf32, #tpu.memory_space<vmem>>
        tpu.enqueue_dma source(%dma_start3A_40 : memref<128x16xf32, #tpu.memory_space<vmem>>) target(%dma_start3A_36 : memref<128x16xf32, #tpu.memory_space<vmem_shared>>) target_semaphore(%run_scoped3A_29 : memref<!tpu.dma_semaphore, #tpu.memory_space<semaphore_mem>>)
        %dma_wait3A = arith.constant 0 : i32
        %dma_wait3A_41 = arith.constant 0 : i32
        %dma_wait3A_42 = tpu.memref_slice %arg12[%run_scoped3A, %dma_wait3A, %dma_wait3A_41] : memref<4x128x16xf32, #tpu.memory_space<vmem>> -> memref<1x128x16xf32, #tpu.memory_space<vmem>>
        %dma_wait3A_43 = tpu.memref_squeeze %dma_wait3A_42 : memref<1x128x16xf32, #tpu.memory_space<vmem>> -> memref<128x16xf32, #tpu.memory_space<vmem>>
        %dma_wait3A_44 = arith.constant 0 : i32
        %dma_wait3A_45 = tpu.memref_slice %arg13[%add3A_28, %dma_wait3A_44] : memref<10240x16xf32, #tpu.memory_space<vmem_shared>> -> memref<128x16xf32, #tpu.memory_space<vmem_shared>>
        %dma_wait3A_46 = arith.constant 0 : i32
        %dma_wait3A_47 = tpu.memref_slice %arg13[%add3A_28, %dma_wait3A_46] : memref<10240x16xf32, #tpu.memory_space<vmem_shared>> -> memref<128x16xf32, #tpu.memory_space<vmem_shared>>
        %dma_wait3A_48 = arith.constant 0 : i32
        %dma_wait3A_49 = arith.constant 0 : i32
        %dma_wait3A_50 = tpu.memref_slice %arg12[%run_scoped3A, %dma_wait3A_48, %dma_wait3A_49] : memref<4x128x16xf32, #tpu.memory_space<vmem>> -> memref<1x128x16xf32, #tpu.memory_space<vmem>>
        %dma_wait3A_51 = tpu.memref_squeeze %dma_wait3A_50 : memref<1x128x16xf32, #tpu.memory_space<vmem>> -> memref<128x16xf32, #tpu.memory_space<vmem>>
        tpu.wait_dma2 semaphore(%run_scoped3A_29 : memref<!tpu.dma_semaphore, #tpu.memory_space<semaphore_mem>>) src(%dma_wait3A_51 : memref<128x16xf32, #tpu.memory_space<vmem>>) dst(%dma_wait3A_47 : memref<128x16xf32, #tpu.memory_space<vmem_shared>>)
        tpu.yield
      }) : () -> ()
    }
    %scan3A_11 = arith.constant 5 : i32
    %barrier3A = arith.constant 0 : index
    tpu.barrier barrier_id(%barrier3A)
    %scan3A_12 = arith.constant 0 : i32
    %scan3A_13 = arith.constant 0 : i32
    %scan3A_14 = arith.constant 21 : i32
    %scan3A_15 = arith.addi %scan3A_13, %scan3A_14 : i32
    %scan3A_16 = arith.constant 1 : i32
    scf.for %scan3A_23 = %scan3A_13 to %scan3A_15 step %scan3A_16  : i32 {
      %mul3A_24 = arith.constant 4 : i32
      %mul3A_25 = arith.muli %mul3A_24, %scan3A_23 : i32
      %add3A_26 = arith.constant 0 : i32
      %add3A_27 = arith.addi %mul3A_25, %add3A_26 : i32
      %dma_start3A = arith.constant 0 : i32
      %dma_start3A_28 = arith.constant 0 : i32
      %dma_start3A_29 = arith.constant 0 : i32
      %dma_start3A_30 = tpu.memref_slice %arg12[%dma_start3A, %dma_start3A_28, %dma_start3A_29] : memref<4x128x16xf32, #tpu.memory_space<vmem>> -> memref<1x128x16xf32, #tpu.memory_space<vmem>>
      %dma_start3A_31 = tpu.memref_squeeze %dma_start3A_30 : memref<1x128x16xf32, #tpu.memory_space<vmem>> -> memref<128x16xf32, #tpu.memory_space<vmem>>
      %dma_start3A_32 = arith.constant 0 : i32
      %dma_start3A_33 = tpu.memref_slice %arg8[%add3A_27, %dma_start3A_32] : memref<84x128xi32, #tpu.memory_space<vmem>> -> memref<1x128xi32, #tpu.memory_space<vmem>>
      %dma_start3A_34 = tpu.memref_squeeze %dma_start3A_33 : memref<1x128xi32, #tpu.memory_space<vmem>> -> memref<128xi32, #tpu.memory_space<vmem>>
      %dma_start3A_35 = arith.constant 0 : i32
      %dma_start3A_36 = arith.constant 0 : i32
      %dma_start3A_37 = tpu.memref_slice %arg2[%dma_start3A_35, %dma_start3A_36] : memref<10240x16xf32, #tpu.memory_space<hbm>> -> memref<10240x16xf32, #tpu.memory_space<hbm>>
      tpu.enqueue_indirect_dma source(%dma_start3A_37 : memref<10240x16xf32, #tpu.memory_space<hbm>>) target(%dma_start3A_31 : memref<128x16xf32, #tpu.memory_space<vmem>>) offsets(%dma_start3A_34 : memref<128xi32, #tpu.memory_space<vmem>>) semaphore(%arg14 : memref<!tpu.dma_semaphore, #tpu.memory_space<semaphore_mem>>)
      %add3A_38 = arith.constant 1 : i32
      %add3A_39 = arith.addi %mul3A_25, %add3A_38 : i32
      %dma_start3A_40 = arith.constant 1 : i32
      %dma_start3A_41 = arith.constant 0 : i32
      %dma_start3A_42 = arith.constant 0 : i32
      %dma_start3A_43 = tpu.memref_slice %arg12[%dma_start3A_40, %dma_start3A_41, %dma_start3A_42] : memref<4x128x16xf32, #tpu.memory_space<vmem>> -> memref<1x128x16xf32, #tpu.memory_space<vmem>>
      %dma_start3A_44 = tpu.memref_squeeze %dma_start3A_43 : memref<1x128x16xf32, #tpu.memory_space<vmem>> -> memref<128x16xf32, #tpu.memory_space<vmem>>
      %dma_start3A_45 = arith.constant 0 : i32
      %dma_start3A_46 = tpu.memref_slice %arg8[%add3A_39, %dma_start3A_45] : memref<84x128xi32, #tpu.memory_space<vmem>> -> memref<1x128xi32, #tpu.memory_space<vmem>>
      %dma_start3A_47 = tpu.memref_squeeze %dma_start3A_46 : memref<1x128xi32, #tpu.memory_space<vmem>> -> memref<128xi32, #tpu.memory_space<vmem>>
      %dma_start3A_48 = arith.constant 0 : i32
      %dma_start3A_49 = arith.constant 0 : i32
      %dma_start3A_50 = tpu.memref_slice %arg2[%dma_start3A_48, %dma_start3A_49] : memref<10240x16xf32, #tpu.memory_space<hbm>> -> memref<10240x16xf32, #tpu.memory_space<hbm>>
      tpu.enqueue_indirect_dma source(%dma_start3A_50 : memref<10240x16xf32, #tpu.memory_space<hbm>>) target(%dma_start3A_44 : memref<128x16xf32, #tpu.memory_space<vmem>>) offsets(%dma_start3A_47 : memref<128xi32, #tpu.memory_space<vmem>>) semaphore(%arg15 : memref<!tpu.dma_semaphore, #tpu.memory_space<semaphore_mem>>)
      %add3A_51 = arith.constant 2 : i32
      %add3A_52 = arith.addi %mul3A_25, %add3A_51 : i32
      %dma_start3A_53 = arith.constant 2 : i32
      %dma_start3A_54 = arith.constant 0 : i32
      %dma_start3A_55 = arith.constant 0 : i32
      %dma_start3A_56 = tpu.memref_slice %arg12[%dma_start3A_53, %dma_start3A_54, %dma_start3A_55] : memref<4x128x16xf32, #tpu.memory_space<vmem>> -> memref<1x128x16xf32, #tpu.memory_space<vmem>>
      %dma_start3A_57 = tpu.memref_squeeze %dma_start3A_56 : memref<1x128x16xf32, #tpu.memory_space<vmem>> -> memref<128x16xf32, #tpu.memory_space<vmem>>
      %dma_start3A_58 = arith.constant 0 : i32
      %dma_start3A_59 = tpu.memref_slice %arg8[%add3A_52, %dma_start3A_58] : memref<84x128xi32, #tpu.memory_space<vmem>> -> memref<1x128xi32, #tpu.memory_space<vmem>>
      %dma_start3A_60 = tpu.memref_squeeze %dma_start3A_59 : memref<1x128xi32, #tpu.memory_space<vmem>> -> memref<128xi32, #tpu.memory_space<vmem>>
      %dma_start3A_61 = arith.constant 0 : i32
      %dma_start3A_62 = arith.constant 0 : i32
      %dma_start3A_63 = tpu.memref_slice %arg2[%dma_start3A_61, %dma_start3A_62] : memref<10240x16xf32, #tpu.memory_space<hbm>> -> memref<10240x16xf32, #tpu.memory_space<hbm>>
      tpu.enqueue_indirect_dma source(%dma_start3A_63 : memref<10240x16xf32, #tpu.memory_space<hbm>>) target(%dma_start3A_57 : memref<128x16xf32, #tpu.memory_space<vmem>>) offsets(%dma_start3A_60 : memref<128xi32, #tpu.memory_space<vmem>>) semaphore(%arg16 : memref<!tpu.dma_semaphore, #tpu.memory_space<semaphore_mem>>)
      %add3A_64 = arith.constant 3 : i32
      %add3A_65 = arith.addi %mul3A_25, %add3A_64 : i32
      %dma_start3A_66 = arith.constant 3 : i32
      %dma_start3A_67 = arith.constant 0 : i32
      %dma_start3A_68 = arith.constant 0 : i32
      %dma_start3A_69 = tpu.memref_slice %arg12[%dma_start3A_66, %dma_start3A_67, %dma_start3A_68] : memref<4x128x16xf32, #tpu.memory_space<vmem>> -> memref<1x128x16xf32, #tpu.memory_space<vmem>>
      %dma_start3A_70 = tpu.memref_squeeze %dma_start3A_69 : memref<1x128x16xf32, #tpu.memory_space<vmem>> -> memref<128x16xf32, #tpu.memory_space<vmem>>
      %dma_start3A_71 = arith.constant 0 : i32
      %dma_start3A_72 = tpu.memref_slice %arg8[%add3A_65, %dma_start3A_71] : memref<84x128xi32, #tpu.memory_space<vmem>> -> memref<1x128xi32, #tpu.memory_space<vmem>>
      %dma_start3A_73 = tpu.memref_squeeze %dma_start3A_72 : memref<1x128xi32, #tpu.memory_space<vmem>> -> memref<128xi32, #tpu.memory_space<vmem>>
      %dma_start3A_74 = arith.constant 0 : i32
      %dma_start3A_75 = arith.constant 0 : i32
      %dma_start3A_76 = tpu.memref_slice %arg2[%dma_start3A_74, %dma_start3A_75] : memref<10240x16xf32, #tpu.memory_space<hbm>> -> memref<10240x16xf32, #tpu.memory_space<hbm>>
      tpu.enqueue_indirect_dma source(%dma_start3A_76 : memref<10240x16xf32, #tpu.memory_space<hbm>>) target(%dma_start3A_70 : memref<128x16xf32, #tpu.memory_space<vmem>>) offsets(%dma_start3A_73 : memref<128xi32, #tpu.memory_space<vmem>>) semaphore(%arg17 : memref<!tpu.dma_semaphore, #tpu.memory_space<semaphore_mem>>)
      %add3A_77 = arith.constant 0 : i32
      %add3A_78 = arith.addi %mul3A_25, %add3A_77 : i32
      %dma_wait3A = arith.constant 0 : i32
      %dma_wait3A_79 = arith.constant 0 : i32
      %dma_wait3A_80 = arith.constant 0 : i32
      %dma_wait3A_81 = tpu.memref_slice %arg12[%dma_wait3A, %dma_wait3A_79, %dma_wait3A_80] : memref<4x128x16xf32, #tpu.memory_space<vmem>> -> memref<1x128x16xf32, #tpu.memory_space<vmem>>
      %dma_wait3A_82 = tpu.memref_squeeze %dma_wait3A_81 : memref<1x128x16xf32, #tpu.memory_space<vmem>> -> memref<128x16xf32, #tpu.memory_space<vmem>>
      %dma_wait3A_83 = arith.constant 0 : i32
      %dma_wait3A_84 = tpu.memref_slice %arg8[%add3A_27, %dma_wait3A_83] : memref<84x128xi32, #tpu.memory_space<vmem>> -> memref<1x128xi32, #tpu.memory_space<vmem>>
      %dma_wait3A_85 = tpu.memref_squeeze %dma_wait3A_84 : memref<1x128xi32, #tpu.memory_space<vmem>> -> memref<128xi32, #tpu.memory_space<vmem>>
      %dma_wait3A_86 = arith.constant 0 : i32
      %dma_wait3A_87 = arith.constant 0 : i32
      %dma_wait3A_88 = tpu.memref_slice %arg2[%dma_wait3A_86, %dma_wait3A_87] : memref<10240x16xf32, #tpu.memory_space<hbm>> -> memref<10240x16xf32, #tpu.memory_space<hbm>>
      tpu.wait_indirect_dma semaphore(%arg14 : memref<!tpu.dma_semaphore, #tpu.memory_space<semaphore_mem>>) src(%dma_wait3A_88 : memref<10240x16xf32, #tpu.memory_space<hbm>>) dst(%dma_wait3A_82 : memref<128x16xf32, #tpu.memory_space<vmem>>)
      %scan3A_89 = arith.constant 0 : i32
      %scan3A_90 = arith.constant 0 : i32
      %scan3A_91 = arith.constant 8 : i32
      %scan3A_92 = arith.addi %scan3A_90, %scan3A_91 : i32
      %scan3A_93 = arith.constant 1 : i32
      scf.for %scan3A_240 = %scan3A_90 to %scan3A_92 step %scan3A_93  : i32 {
        %mul3A_241 = arith.constant 16 : i32
        %mul3A_242 = arith.muli %scan3A_240, %mul3A_241 : i32
        %get3A = arith.index_cast %add3A_78 : i32 to index
        %get3A_243 = arith.index_cast %mul3A_242 : i32 to index
        %get3A_244 = tpu.vector_load %arg10[%get3A, %get3A_243] {strides = array<i32>} : memref<84x128xf32, #tpu.memory_space<vmem>>, vector<16xf32>,
        %mul3A_245 = arith.constant 16 : i32
        %mul3A_246 = arith.muli %scan3A_240, %mul3A_245 : i32
        %get3A_247 = arith.index_cast %add3A_78 : i32 to index
        %get3A_248 = arith.index_cast %mul3A_246 : i32 to index
        %get3A_249 = tpu.vector_load %arg8[%get3A_247, %get3A_248] {strides = array<i32>} : memref<84x128xi32, #tpu.memory_space<vmem>>, vector<16xi32>,
        %mul3A_250 = arith.constant 16 : i32
        %mul3A_251 = arith.muli %scan3A_240, %mul3A_250 : i32
        %get3A_252 = arith.index_cast %add3A_78 : i32 to index
        %get3A_253 = arith.index_cast %mul3A_251 : i32 to index
        %get3A_254 = tpu.vector_load %arg9[%get3A_252, %get3A_253] {strides = array<i32>} : memref<84x128xi32, #tpu.memory_space<vmem>>, vector<16xi32>,
        %gather3A = tpu.vector_load_idx %arg11[%get3A_249] : memref<10240xf32, #tpu.memory_space<vmem>>[vector<16xi32>], vector<16xf32>,
        %mul3A_255 = arith.mulf %gather3A, %get3A_244 : vector<16xf32>
        %gather3A_256 = tpu.vector_load_idx %arg11[%get3A_254] : memref<10240xf32, #tpu.memory_space<vmem>>[vector<16xi32>], vector<16xf32>,
        %mul3A_257 = arith.mulf %mul3A_255, %gather3A_256 : vector<16xf32>
        %mul3A_258 = arith.constant 16 : i32
        %mul3A_259 = arith.muli %scan3A_240, %mul3A_258 : i32
        %add3A_260 = arith.constant 0 : i32
        %add3A_261 = arith.addi %mul3A_259, %add3A_260 : i32
        %get3A_262 = arith.constant 0 : i32
        %get3A_263 = arith.index_cast %get3A_262 : i32 to index
        %get3A_264 = arith.index_cast %add3A_261 : i32 to index
        %get3A_265 = arith.constant 0 : index
        %get3A_266 = tpu.vector_load %arg12[%get3A_263, %get3A_264, %get3A_265] {strides = array<i32>} : memref<4x128x16xf32, #tpu.memory_space<vmem>>, vector<16xf32>,
        %slice3A = vector.extract_strided_slice %mul3A_257 {offsets = [0], sizes = [1], strides = [1]} : vector<16xf32> to vector<1xf32>
        %squeeze3A = vector.extract %slice3A[0] : f32 from vector<1xf32>
        %mul3A_267 = vector.broadcast %squeeze3A : f32 to vector<16xf32>
        %mul3A_268 = arith.mulf %get3A_266, %mul3A_267 : vector<16xf32>
        %swap3A = arith.constant 0 : i32
        %swap3A_269 = arith.index_cast %swap3A : i32 to index
        %swap3A_270 = arith.index_cast %add3A_261 : i32 to index
        %swap3A_271 = arith.constant 0 : index
        %swap3A_272 = tpu.vector_load %arg12[%swap3A_269, %swap3A_270, %swap3A_271] {strides = array<i32>} : memref<4x128x16xf32, #tpu.memory_space<vmem>>, vector<16xf32>,
        tpu.vector_store %arg12[%swap3A_269, %swap3A_270, %swap3A_271], %mul3A_268 {strides = array<i32>} : memref<4x128x16xf32, #tpu.memory_space<vmem>>, vector<16xf32>,
        %mul3A_273 = arith.constant 16 : i32
        %mul3A_274 = arith.muli %scan3A_240, %mul3A_273 : i32
        %add3A_275 = arith.constant 1 : i32
        %add3A_276 = arith.addi %mul3A_274, %add3A_275 : i32
        %get3A_277 = arith.constant 0 : i32
        %get3A_278 = arith.index_cast %get3A_277 : i32 to index
        %get3A_279 = arith.index_cast %add3A_276 : i32 to index
        %get3A_280 = arith.constant 0 : index
        %get3A_281 = tpu.vector_load %arg12[%get3A_278, %get3A_279, %get3A_280] {strides = array<i32>} : memref<4x128x16xf32, #tpu.memory_space<vmem>>, vector<16xf32>,
        %slice3A_282 = vector.extract_strided_slice %mul3A_257 {offsets = [1], sizes = [1], strides = [1]} : vector<16xf32> to vector<1xf32>
        %squeeze3A_283 = vector.extract %slice3A_282[0] : f32 from vector<1xf32>
        %mul3A_284 = vector.broadcast %squeeze3A_283 : f32 to vector<16xf32>
        %mul3A_285 = arith.mulf %get3A_281, %mul3A_284 : vector<16xf32>
        %swap3A_286 = arith.constant 0 : i32
        %swap3A_287 = arith.index_cast %swap3A_286 : i32 to index
        %swap3A_288 = arith.index_cast %add3A_276 : i32 to index
        %swap3A_289 = arith.constant 0 : index
        %swap3A_290 = tpu.vector_load %arg12[%swap3A_287, %swap3A_288, %swap3A_289] {strides = array<i32>} : memref<4x128x16xf32, #tpu.memory_space<vmem>>, vector<16xf32>,
        tpu.vector_store %arg12[%swap3A_287, %swap3A_288, %swap3A_289], %mul3A_285 {strides = array<i32>} : memref<4x128x16xf32, #tpu.memory_space<vmem>>, vector<16xf32>,
        %mul3A_291 = arith.constant 16 : i32
        %mul3A_292 = arith.muli %scan3A_240, %mul3A_291 : i32
        %add3A_293 = arith.constant 2 : i32
        %add3A_294 = arith.addi %mul3A_292, %add3A_293 : i32
        %get3A_295 = arith.constant 0 : i32
        %get3A_296 = arith.index_cast %get3A_295 : i32 to index
        %get3A_297 = arith.index_cast %add3A_294 : i32 to index
        %get3A_298 = arith.constant 0 : index
        %get3A_299 = tpu.vector_load %arg12[%get3A_296, %get3A_297, %get3A_298] {strides = array<i32>} : memref<4x128x16xf32, #tpu.memory_space<vmem>>, vector<16xf32>,
        %slice3A_300 = vector.extract_strided_slice %mul3A_257 {offsets = [2], sizes = [1], strides = [1]} : vector<16xf32> to vector<1xf32>
        %squeeze3A_301 = vector.extract %slice3A_300[0] : f32 from vector<1xf32>
        %mul3A_302 = vector.broadcast %squeeze3A_301 : f32 to vector<16xf32>
        %mul3A_303 = arith.mulf %get3A_299, %mul3A_302 : vector<16xf32>
        %swap3A_304 = arith.constant 0 : i32
        %swap3A_305 = arith.index_cast %swap3A_304 : i32 to index
        %swap3A_306 = arith.index_cast %add3A_294 : i32 to index
        %swap3A_307 = arith.constant 0 : index
        %swap3A_308 = tpu.vector_load %arg12[%swap3A_305, %swap3A_306, %swap3A_307] {strides = array<i32>} : memref<4x128x16xf32, #tpu.memory_space<vmem>>, vector<16xf32>,
        tpu.vector_store %arg12[%swap3A_305, %swap3A_306, %swap3A_307], %mul3A_303 {strides = array<i32>} : memref<4x128x16xf32, #tpu.memory_space<vmem>>, vector<16xf32>,
        %mul3A_309 = arith.constant 16 : i32
        %mul3A_310 = arith.muli %scan3A_240, %mul3A_309 : i32
        %add3A_311 = arith.constant 3 : i32
        %add3A_312 = arith.addi %mul3A_310, %add3A_311 : i32
        %get3A_313 = arith.constant 0 : i32
        %get3A_314 = arith.index_cast %get3A_313 : i32 to index
        %get3A_315 = arith.index_cast %add3A_312 : i32 to index
        %get3A_316 = arith.constant 0 : index
        %get3A_317 = tpu.vector_load %arg12[%get3A_314, %get3A_315, %get3A_316] {strides = array<i32>} : memref<4x128x16xf32, #tpu.memory_space<vmem>>, vector<16xf32>,
        %slice3A_318 = vector.extract_strided_slice %mul3A_257 {offsets = [3], sizes = [1], strides = [1]} : vector<16xf32> to vector<1xf32>
        %squeeze3A_319 = vector.extract %slice3A_318[0] : f32 from vector<1xf32>
        %mul3A_320 = vector.broadcast %squeeze3A_319 : f32 to vector<16xf32>
        %mul3A_321 = arith.mulf %get3A_317, %mul3A_320 : vector<16xf32>
        %swap3A_322 = arith.constant 0 : i32
        %swap3A_323 = arith.index_cast %swap3A_322 : i32 to index
        %swap3A_324 = arith.index_cast %add3A_312 : i32 to index
        %swap3A_325 = arith.constant 0 : index
        %swap3A_326 = tpu.vector_load %arg12[%swap3A_323, %swap3A_324, %swap3A_325] {strides = array<i32>} : memref<4x128x16xf32, #tpu.memory_space<vmem>>, vector<16xf32>,
        tpu.vector_store %arg12[%swap3A_323, %swap3A_324, %swap3A_325], %mul3A_321 {strides = array<i32>} : memref<4x128x16xf32, #tpu.memory_space<vmem>>, vector<16xf32>,
        %mul3A_327 = arith.constant 16 : i32
        %mul3A_328 = arith.muli %scan3A_240, %mul3A_327 : i32
        %add3A_329 = arith.constant 4 : i32
        %add3A_330 = arith.addi %mul3A_328, %add3A_329 : i32
        %get3A_331 = arith.constant 0 : i32
        %get3A_332 = arith.index_cast %get3A_331 : i32 to index
        %get3A_333 = arith.index_cast %add3A_330 : i32 to index
        %get3A_334 = arith.constant 0 : index
        %get3A_335 = tpu.vector_load %arg12[%get3A_332, %get3A_333, %get3A_334] {strides = array<i32>} : memref<4x128x16xf32, #tpu.memory_space<vmem>>, vector<16xf32>,
        %slice3A_336 = vector.extract_strided_slice %mul3A_257 {offsets = [4], sizes = [1], strides = [1]} : vector<16xf32> to vector<1xf32>
        %squeeze3A_337 = vector.extract %slice3A_336[0] : f32 from vector<1xf32>
        %mul3A_338 = vector.broadcast %squeeze3A_337 : f32 to vector<16xf32>
        %mul3A_339 = arith.mulf %get3A_335, %mul3A_338 : vector<16xf32>
        %swap3A_340 = arith.constant 0 : i32
        %swap3A_341 = arith.index_cast %swap3A_340 : i32 to index
        %swap3A_342 = arith.index_cast %add3A_330 : i32 to index
        %swap3A_343 = arith.constant 0 : index
        %swap3A_344 = tpu.vector_load %arg12[%swap3A_341, %swap3A_342, %swap3A_343] {strides = array<i32>} : memref<4x128x16xf32, #tpu.memory_space<vmem>>, vector<16xf32>,
        tpu.vector_store %arg12[%swap3A_341, %swap3A_342, %swap3A_343], %mul3A_339 {strides = array<i32>} : memref<4x128x16xf32, #tpu.memory_space<vmem>>, vector<16xf32>,
        %mul3A_345 = arith.constant 16 : i32
        %mul3A_346 = arith.muli %scan3A_240, %mul3A_345 : i32
        %add3A_347 = arith.constant 5 : i32
        %add3A_348 = arith.addi %mul3A_346, %add3A_347 : i32
        %get3A_349 = arith.constant 0 : i32
        %get3A_350 = arith.index_cast %get3A_349 : i32 to index
        %get3A_351 = arith.index_cast %add3A_348 : i32 to index
        %get3A_352 = arith.constant 0 : index
        %get3A_353 = tpu.vector_load %arg12[%get3A_350, %get3A_351, %get3A_352] {strides = array<i32>} : memref<4x128x16xf32, #tpu.memory_space<vmem>>, vector<16xf32>,
        %slice3A_354 = vector.extract_strided_slice %mul3A_257 {offsets = [5], sizes = [1], strides = [1]} : vector<16xf32> to vector<1xf32>
        %squeeze3A_355 = vector.extract %slice3A_354[0] : f32 from vector<1xf32>
        %mul3A_356 = vector.broadcast %squeeze3A_355 : f32 to vector<16xf32>
        %mul3A_357 = arith.mulf %get3A_353, %mul3A_356 : vector<16xf32>
        %swap3A_358 = arith.constant 0 : i32
        %swap3A_359 = arith.index_cast %swap3A_358 : i32 to index
        %swap3A_360 = arith.index_cast %add3A_348 : i32 to index
        %swap3A_361 = arith.constant 0 : index
        %swap3A_362 = tpu.vector_load %arg12[%swap3A_359, %swap3A_360, %swap3A_361] {strides = array<i32>} : memref<4x128x16xf32, #tpu.memory_space<vmem>>, vector<16xf32>,
        tpu.vector_store %arg12[%swap3A_359, %swap3A_360, %swap3A_361], %mul3A_357 {strides = array<i32>} : memref<4x128x16xf32, #tpu.memory_space<vmem>>, vector<16xf32>,
        %mul3A_363 = arith.constant 16 : i32
        %mul3A_364 = arith.muli %scan3A_240, %mul3A_363 : i32
        %add3A_365 = arith.constant 6 : i32
        %add3A_366 = arith.addi %mul3A_364, %add3A_365 : i32
        %get3A_367 = arith.constant 0 : i32
        %get3A_368 = arith.index_cast %get3A_367 : i32 to index
        %get3A_369 = arith.index_cast %add3A_366 : i32 to index
        %get3A_370 = arith.constant 0 : index
        %get3A_371 = tpu.vector_load %arg12[%get3A_368, %get3A_369, %get3A_370] {strides = array<i32>} : memref<4x128x16xf32, #tpu.memory_space<vmem>>, vector<16xf32>,
        %slice3A_372 = vector.extract_strided_slice %mul3A_257 {offsets = [6], sizes = [1], strides = [1]} : vector<16xf32> to vector<1xf32>
        %squeeze3A_373 = vector.extract %slice3A_372[0] : f32 from vector<1xf32>
        %mul3A_374 = vector.broadcast %squeeze3A_373 : f32 to vector<16xf32>
        %mul3A_375 = arith.mulf %get3A_371, %mul3A_374 : vector<16xf32>
        %swap3A_376 = arith.constant 0 : i32
        %swap3A_377 = arith.index_cast %swap3A_376 : i32 to index
        %swap3A_378 = arith.index_cast %add3A_366 : i32 to index
        %swap3A_379 = arith.constant 0 : index
        %swap3A_380 = tpu.vector_load %arg12[%swap3A_377, %swap3A_378, %swap3A_379] {strides = array<i32>} : memref<4x128x16xf32, #tpu.memory_space<vmem>>, vector<16xf32>,
        tpu.vector_store %arg12[%swap3A_377, %swap3A_378, %swap3A_379], %mul3A_375 {strides = array<i32>} : memref<4x128x16xf32, #tpu.memory_space<vmem>>, vector<16xf32>,
        %mul3A_381 = arith.constant 16 : i32
        %mul3A_382 = arith.muli %scan3A_240, %mul3A_381 : i32
        %add3A_383 = arith.constant 7 : i32
        %add3A_384 = arith.addi %mul3A_382, %add3A_383 : i32
        %get3A_385 = arith.constant 0 : i32
        %get3A_386 = arith.index_cast %get3A_385 : i32 to index
        %get3A_387 = arith.index_cast %add3A_384 : i32 to index
        %get3A_388 = arith.constant 0 : index
        %get3A_389 = tpu.vector_load %arg12[%get3A_386, %get3A_387, %get3A_388] {strides = array<i32>} : memref<4x128x16xf32, #tpu.memory_space<vmem>>, vector<16xf32>,
        %slice3A_390 = vector.extract_strided_slice %mul3A_257 {offsets = [7], sizes = [1], strides = [1]} : vector<16xf32> to vector<1xf32>
        %squeeze3A_391 = vector.extract %slice3A_390[0] : f32 from vector<1xf32>
        %mul3A_392 = vector.broadcast %squeeze3A_391 : f32 to vector<16xf32>
        %mul3A_393 = arith.mulf %get3A_389, %mul3A_392 : vector<16xf32>
        %swap3A_394 = arith.constant 0 : i32
        %swap3A_395 = arith.index_cast %swap3A_394 : i32 to index
        %swap3A_396 = arith.index_cast %add3A_384 : i32 to index
        %swap3A_397 = arith.constant 0 : index
        %swap3A_398 = tpu.vector_load %arg12[%swap3A_395, %swap3A_396, %swap3A_397] {strides = array<i32>} : memref<4x128x16xf32, #tpu.memory_space<vmem>>, vector<16xf32>,
        tpu.vector_store %arg12[%swap3A_395, %swap3A_396, %swap3A_397], %mul3A_393 {strides = array<i32>} : memref<4x128x16xf32, #tpu.memory_space<vmem>>, vector<16xf32>,
        %mul3A_399 = arith.constant 16 : i32
        %mul3A_400 = arith.muli %scan3A_240, %mul3A_399 : i32
        %add3A_401 = arith.constant 8 : i32
        %add3A_402 = arith.addi %mul3A_400, %add3A_401 : i32
        %get3A_403 = arith.constant 0 : i32
        %get3A_404 = arith.index_cast %get3A_403 : i32 to index
        %get3A_405 = arith.index_cast %add3A_402 : i32 to index
        %get3A_406 = arith.constant 0 : index
        %get3A_407 = tpu.vector_load %arg12[%get3A_404, %get3A_405, %get3A_406] {strides = array<i32>} : memref<4x128x16xf32, #tpu.memory_space<vmem>>, vector<16xf32>,
        %slice3A_408 = vector.extract_strided_slice %mul3A_257 {offsets = [8], sizes = [1], strides = [1]} : vector<16xf32> to vector<1xf32>
        %squeeze3A_409 = vector.extract %slice3A_408[0] : f32 from vector<1xf32>
        %mul3A_410 = vector.broadcast %squeeze3A_409 : f32 to vector<16xf32>
        %mul3A_411 = arith.mulf %get3A_407, %mul3A_410 : vector<16xf32>
        %swap3A_412 = arith.constant 0 : i32
        %swap3A_413 = arith.index_cast %swap3A_412 : i32 to index
        %swap3A_414 = arith.index_cast %add3A_402 : i32 to index
        %swap3A_415 = arith.constant 0 : index
        %swap3A_416 = tpu.vector_load %arg12[%swap3A_413, %swap3A_414, %swap3A_415] {strides = array<i32>} : memref<4x128x16xf32, #tpu.memory_space<vmem>>, vector<16xf32>,
        tpu.vector_store %arg12[%swap3A_413, %swap3A_414, %swap3A_415], %mul3A_411 {strides = array<i32>} : memref<4x128x16xf32, #tpu.memory_space<vmem>>, vector<16xf32>,
        %mul3A_417 = arith.constant 16 : i32
        %mul3A_418 = arith.muli %scan3A_240, %mul3A_417 : i32
        %add3A_419 = arith.constant 9 : i32
        %add3A_420 = arith.addi %mul3A_418, %add3A_419 : i32
        %get3A_421 = arith.constant 0 : i32
        %get3A_422 = arith.index_cast %get3A_421 : i32 to index
        %get3A_423 = arith.index_cast %add3A_420 : i32 to index
        %get3A_424 = arith.constant 0 : index
        %get3A_425 = tpu.vector_load %arg12[%get3A_422, %get3A_423, %get3A_424] {strides = array<i32>} : memref<4x128x16xf32, #tpu.memory_space<vmem>>, vector<16xf32>,
        %slice3A_426 = vector.extract_strided_slice %mul3A_257 {offsets = [9], sizes = [1], strides = [1]} : vector<16xf32> to vector<1xf32>
        %squeeze3A_427 = vector.extract %slice3A_426[0] : f32 from vector<1xf32>
        %mul3A_428 = vector.broadcast %squeeze3A_427 : f32 to vector<16xf32>
        %mul3A_429 = arith.mulf %get3A_425, %mul3A_428 : vector<16xf32>
        %swap3A_430 = arith.constant 0 : i32
        %swap3A_431 = arith.index_cast %swap3A_430 : i32 to index
        %swap3A_432 = arith.index_cast %add3A_420 : i32 to index
        %swap3A_433 = arith.constant 0 : index
        %swap3A_434 = tpu.vector_load %arg12[%swap3A_431, %swap3A_432, %swap3A_433] {strides = array<i32>} : memref<4x128x16xf32, #tpu.memory_space<vmem>>, vector<16xf32>,
        tpu.vector_store %arg12[%swap3A_431, %swap3A_432, %swap3A_433], %mul3A_429 {strides = array<i32>} : memref<4x128x16xf32, #tpu.memory_space<vmem>>, vector<16xf32>,
        %mul3A_435 = arith.constant 16 : i32
        %mul3A_436 = arith.muli %scan3A_240, %mul3A_435 : i32
        %add3A_437 = arith.constant 10 : i32
        %add3A_438 = arith.addi %mul3A_436, %add3A_437 : i32
        %get3A_439 = arith.constant 0 : i32
        %get3A_440 = arith.index_cast %get3A_439 : i32 to index
        %get3A_441 = arith.index_cast %add3A_438 : i32 to index
        %get3A_442 = arith.constant 0 : index
        %get3A_443 = tpu.vector_load %arg12[%get3A_440, %get3A_441, %get3A_442] {strides = array<i32>} : memref<4x128x16xf32, #tpu.memory_space<vmem>>, vector<16xf32>,
        %slice3A_444 = vector.extract_strided_slice %mul3A_257 {offsets = [10], sizes = [1], strides = [1]} : vector<16xf32> to vector<1xf32>
        %squeeze3A_445 = vector.extract %slice3A_444[0] : f32 from vector<1xf32>
        %mul3A_446 = vector.broadcast %squeeze3A_445 : f32 to vector<16xf32>
        %mul3A_447 = arith.mulf %get3A_443, %mul3A_446 : vector<16xf32>
        %swap3A_448 = arith.constant 0 : i32
        %swap3A_449 = arith.index_cast %swap3A_448 : i32 to index
        %swap3A_450 = arith.index_cast %add3A_438 : i32 to index
        %swap3A_451 = arith.constant 0 : index
        %swap3A_452 = tpu.vector_load %arg12[%swap3A_449, %swap3A_450, %swap3A_451] {strides = array<i32>} : memref<4x128x16xf32, #tpu.memory_space<vmem>>, vector<16xf32>,
        tpu.vector_store %arg12[%swap3A_449, %swap3A_450, %swap3A_451], %mul3A_447 {strides = array<i32>} : memref<4x128x16xf32, #tpu.memory_space<vmem>>, vector<16xf32>,
        %mul3A_453 = arith.constant 16 : i32
        %mul3A_454 = arith.muli %scan3A_240, %mul3A_453 : i32
        %add3A_455 = arith.constant 11 : i32
        %add3A_456 = arith.addi %mul3A_454, %add3A_455 : i32
        %get3A_457 = arith.constant 0 : i32
        %get3A_458 = arith.index_cast %get3A_457 : i32 to index
        %get3A_459 = arith.index_cast %add3A_456 : i32 to index
        %get3A_460 = arith.constant 0 : index
        %get3A_461 = tpu.vector_load %arg12[%get3A_458, %get3A_459, %get3A_460] {strides = array<i32>} : memref<4x128x16xf32, #tpu.memory_space<vmem>>, vector<16xf32>,
        %slice3A_462 = vector.extract_strided_slice %mul3A_257 {offsets = [11], sizes = [1], strides = [1]} : vector<16xf32> to vector<1xf32>
        %squeeze3A_463 = vector.extract %slice3A_462[0] : f32 from vector<1xf32>
        %mul3A_464 = vector.broadcast %squeeze3A_463 : f32 to vector<16xf32>
        %mul3A_465 = arith.mulf %get3A_461, %mul3A_464 : vector<16xf32>
        %swap3A_466 = arith.constant 0 : i32
        %swap3A_467 = arith.index_cast %swap3A_466 : i32 to index
        %swap3A_468 = arith.index_cast %add3A_456 : i32 to index
        %swap3A_469 = arith.constant 0 : index
        %swap3A_470 = tpu.vector_load %arg12[%swap3A_467, %swap3A_468, %swap3A_469] {strides = array<i32>} : memref<4x128x16xf32, #tpu.memory_space<vmem>>, vector<16xf32>,
        tpu.vector_store %arg12[%swap3A_467, %swap3A_468, %swap3A_469], %mul3A_465 {strides = array<i32>} : memref<4x128x16xf32, #tpu.memory_space<vmem>>, vector<16xf32>,
        %mul3A_471 = arith.constant 16 : i32
        %mul3A_472 = arith.muli %scan3A_240, %mul3A_471 : i32
        %add3A_473 = arith.constant 12 : i32
        %add3A_474 = arith.addi %mul3A_472, %add3A_473 : i32
        %get3A_475 = arith.constant 0 : i32
        %get3A_476 = arith.index_cast %get3A_475 : i32 to index
        %get3A_477 = arith.index_cast %add3A_474 : i32 to index
        %get3A_478 = arith.constant 0 : index
        %get3A_479 = tpu.vector_load %arg12[%get3A_476, %get3A_477, %get3A_478] {strides = array<i32>} : memref<4x128x16xf32, #tpu.memory_space<vmem>>, vector<16xf32>,
        %slice3A_480 = vector.extract_strided_slice %mul3A_257 {offsets = [12], sizes = [1], strides = [1]} : vector<16xf32> to vector<1xf32>
        %squeeze3A_481 = vector.extract %slice3A_480[0] : f32 from vector<1xf32>
        %mul3A_482 = vector.broadcast %squeeze3A_481 : f32 to vector<16xf32>
        %mul3A_483 = arith.mulf %get3A_479, %mul3A_482 : vector<16xf32>
        %swap3A_484 = arith.constant 0 : i32
        %swap3A_485 = arith.index_cast %swap3A_484 : i32 to index
        %swap3A_486 = arith.index_cast %add3A_474 : i32 to index
        %swap3A_487 = arith.constant 0 : index
        %swap3A_488 = tpu.vector_load %arg12[%swap3A_485, %swap3A_486, %swap3A_487] {strides = array<i32>} : memref<4x128x16xf32, #tpu.memory_space<vmem>>, vector<16xf32>,
        tpu.vector_store %arg12[%swap3A_485, %swap3A_486, %swap3A_487], %mul3A_483 {strides = array<i32>} : memref<4x128x16xf32, #tpu.memory_space<vmem>>, vector<16xf32>,
        %mul3A_489 = arith.constant 16 : i32
        %mul3A_490 = arith.muli %scan3A_240, %mul3A_489 : i32
        %add3A_491 = arith.constant 13 : i32
        %add3A_492 = arith.addi %mul3A_490, %add3A_491 : i32
        %get3A_493 = arith.constant 0 : i32
        %get3A_494 = arith.index_cast %get3A_493 : i32 to index
        %get3A_495 = arith.index_cast %add3A_492 : i32 to index
        %get3A_496 = arith.constant 0 : index
        %get3A_497 = tpu.vector_load %arg12[%get3A_494, %get3A_495, %get3A_496] {strides = array<i32>} : memref<4x128x16xf32, #tpu.memory_space<vmem>>, vector<16xf32>,
        %slice3A_498 = vector.extract_strided_slice %mul3A_257 {offsets = [13], sizes = [1], strides = [1]} : vector<16xf32> to vector<1xf32>
        %squeeze3A_499 = vector.extract %slice3A_498[0] : f32 from vector<1xf32>
        %mul3A_500 = vector.broadcast %squeeze3A_499 : f32 to vector<16xf32>
        %mul3A_501 = arith.mulf %get3A_497, %mul3A_500 : vector<16xf32>
        %swap3A_502 = arith.constant 0 : i32
        %swap3A_503 = arith.index_cast %swap3A_502 : i32 to index
        %swap3A_504 = arith.index_cast %add3A_492 : i32 to index
        %swap3A_505 = arith.constant 0 : index
        %swap3A_506 = tpu.vector_load %arg12[%swap3A_503, %swap3A_504, %swap3A_505] {strides = array<i32>} : memref<4x128x16xf32, #tpu.memory_space<vmem>>, vector<16xf32>,
        tpu.vector_store %arg12[%swap3A_503, %swap3A_504, %swap3A_505], %mul3A_501 {strides = array<i32>} : memref<4x128x16xf32, #tpu.memory_space<vmem>>, vector<16xf32>,
        %mul3A_507 = arith.constant 16 : i32
        %mul3A_508 = arith.muli %scan3A_240, %mul3A_507 : i32
        %add3A_509 = arith.constant 14 : i32
        %add3A_510 = arith.addi %mul3A_508, %add3A_509 : i32
        %get3A_511 = arith.constant 0 : i32
        %get3A_512 = arith.index_cast %get3A_511 : i32 to index
        %get3A_513 = arith.index_cast %add3A_510 : i32 to index
        %get3A_514 = arith.constant 0 : index
        %get3A_515 = tpu.vector_load %arg12[%get3A_512, %get3A_513, %get3A_514] {strides = array<i32>} : memref<4x128x16xf32, #tpu.memory_space<vmem>>, vector<16xf32>,
        %slice3A_516 = vector.extract_strided_slice %mul3A_257 {offsets = [14], sizes = [1], strides = [1]} : vector<16xf32> to vector<1xf32>
        %squeeze3A_517 = vector.extract %slice3A_516[0] : f32 from vector<1xf32>
        %mul3A_518 = vector.broadcast %squeeze3A_517 : f32 to vector<16xf32>
        %mul3A_519 = arith.mulf %get3A_515, %mul3A_518 : vector<16xf32>
        %swap3A_520 = arith.constant 0 : i32
        %swap3A_521 = arith.index_cast %swap3A_520 : i32 to index
        %swap3A_522 = arith.index_cast %add3A_510 : i32 to index
        %swap3A_523 = arith.constant 0 : index
        %swap3A_524 = tpu.vector_load %arg12[%swap3A_521, %swap3A_522, %swap3A_523] {strides = array<i32>} : memref<4x128x16xf32, #tpu.memory_space<vmem>>, vector<16xf32>,
        tpu.vector_store %arg12[%swap3A_521, %swap3A_522, %swap3A_523], %mul3A_519 {strides = array<i32>} : memref<4x128x16xf32, #tpu.memory_space<vmem>>, vector<16xf32>,
        %mul3A_525 = arith.constant 16 : i32
        %mul3A_526 = arith.muli %scan3A_240, %mul3A_525 : i32
        %add3A_527 = arith.constant 15 : i32
        %add3A_528 = arith.addi %mul3A_526, %add3A_527 : i32
        %get3A_529 = arith.constant 0 : i32
        %get3A_530 = arith.index_cast %get3A_529 : i32 to index
        %get3A_531 = arith.index_cast %add3A_528 : i32 to index
        %get3A_532 = arith.constant 0 : index
        %get3A_533 = tpu.vector_load %arg12[%get3A_530, %get3A_531, %get3A_532] {strides = array<i32>} : memref<4x128x16xf32, #tpu.memory_space<vmem>>, vector<16xf32>,
        %slice3A_534 = vector.extract_strided_slice %mul3A_257 {offsets = [15], sizes = [1], strides = [1]} : vector<16xf32> to vector<1xf32>
        %squeeze3A_535 = vector.extract %slice3A_534[0] : f32 from vector<1xf32>
        %mul3A_536 = vector.broadcast %squeeze3A_535 : f32 to vector<16xf32>
        %mul3A_537 = arith.mulf %get3A_533, %mul3A_536 : vector<16xf32>
        %swap3A_538 = arith.constant 0 : i32
        %swap3A_539 = arith.index_cast %swap3A_538 : i32 to index
        %swap3A_540 = arith.index_cast %add3A_528 : i32 to index
        %swap3A_541 = arith.constant 0 : index
        %swap3A_542 = tpu.vector_load %arg12[%swap3A_539, %swap3A_540, %swap3A_541] {strides = array<i32>} : memref<4x128x16xf32, #tpu.memory_space<vmem>>, vector<16xf32>,
        tpu.vector_store %arg12[%swap3A_539, %swap3A_540, %swap3A_541], %mul3A_537 {strides = array<i32>} : memref<4x128x16xf32, #tpu.memory_space<vmem>>, vector<16xf32>,
      }
      %scan3A_94 = arith.constant 8 : i32
      %dma_start3A_95 = arith.constant 0 : i32
      %dma_start3A_96 = arith.constant 0 : i32
      %dma_start3A_97 = arith.constant 0 : i32
      %dma_start3A_98 = tpu.memref_slice %arg12[%dma_start3A_95, %dma_start3A_96, %dma_start3A_97] : memref<4x128x16xf32, #tpu.memory_space<vmem>> -> memref<1x128x16xf32, #tpu.memory_space<vmem>>
      %dma_start3A_99 = tpu.memref_squeeze %dma_start3A_98 : memref<1x128x16xf32, #tpu.memory_space<vmem>> -> memref<128x16xf32, #tpu.memory_space<vmem>>
      %dma_start3A_100 = arith.constant 0 : i32
      %dma_start3A_101 = tpu.memref_slice %arg9[%add3A_78, %dma_start3A_100] : memref<84x128xi32, #tpu.memory_space<vmem>> -> memref<1x128xi32, #tpu.memory_space<vmem>>
      %dma_start3A_102 = tpu.memref_squeeze %dma_start3A_101 : memref<1x128xi32, #tpu.memory_space<vmem>> -> memref<128xi32, #tpu.memory_space<vmem>>
      %dma_start3A_103 = arith.constant 0 : i32
      %dma_start3A_104 = arith.constant 0 : i32
      %dma_start3A_105 = tpu.memref_slice %arg13[%dma_start3A_103, %dma_start3A_104] : memref<10240x16xf32, #tpu.memory_space<vmem_shared>> -> memref<10240x16xf32, #tpu.memory_space<vmem_shared>>
      tpu.enqueue_indirect_dma source(%dma_start3A_99 : memref<128x16xf32, #tpu.memory_space<vmem>>) target(%dma_start3A_105 : memref<10240x16xf32, #tpu.memory_space<vmem_shared>>) offsets(%dma_start3A_102 : memref<128xi32, #tpu.memory_space<vmem>>) semaphore(%arg18 : memref<!tpu.dma_semaphore, #tpu.memory_space<semaphore_mem>>) {add = true}
      %add3A_106 = arith.constant 1 : i32
      %add3A_107 = arith.addi %mul3A_25, %add3A_106 : i32
      %dma_wait3A_108 = arith.constant 1 : i32
      %dma_wait3A_109 = arith.constant 0 : i32
      %dma_wait3A_110 = arith.constant 0 : i32
      %dma_wait3A_111 = tpu.memref_slice %arg12[%dma_wait3A_108, %dma_wait3A_109, %dma_wait3A_110] : memref<4x128x16xf32, #tpu.memory_space<vmem>> -> memref<1x128x16xf32, #tpu.memory_space<vmem>>
      %dma_wait3A_112 = tpu.memref_squeeze %dma_wait3A_111 : memref<1x128x16xf32, #tpu.memory_space<vmem>> -> memref<128x16xf32, #tpu.memory_space<vmem>>
      %dma_wait3A_113 = arith.constant 0 : i32
      %dma_wait3A_114 = tpu.memref_slice %arg8[%add3A_39, %dma_wait3A_113] : memref<84x128xi32, #tpu.memory_space<vmem>> -> memref<1x128xi32, #tpu.memory_space<vmem>>
      %dma_wait3A_115 = tpu.memref_squeeze %dma_wait3A_114 : memref<1x128xi32, #tpu.memory_space<vmem>> -> memref<128xi32, #tpu.memory_space<vmem>>
      %dma_wait3A_116 = arith.constant 0 : i32
      %dma_wait3A_117 = arith.constant 0 : i32
      %dma_wait3A_118 = tpu.memref_slice %arg2[%dma_wait3A_116, %dma_wait3A_117] : memref<10240x16xf32, #tpu.memory_space<hbm>> -> memref<10240x16xf32, #tpu.memory_space<hbm>>
      tpu.wait_indirect_dma semaphore(%arg15 : memref<!tpu.dma_semaphore, #tpu.memory_space<semaphore_mem>>) src(%dma_wait3A_118 : memref<10240x16xf32, #tpu.memory_space<hbm>>) dst(%dma_wait3A_112 : memref<128x16xf32, #tpu.memory_space<vmem>>)
      %scan3A_119 = arith.constant 0 : i32
      %scan3A_120 = arith.constant 0 : i32
      %scan3A_121 = arith.constant 8 : i32
      %scan3A_122 = arith.addi %scan3A_120, %scan3A_121 : i32
      %scan3A_123 = arith.constant 1 : i32
      scf.for %scan3A_240 = %scan3A_120 to %scan3A_122 step %scan3A_123  : i32 {
        %mul3A_241 = arith.constant 16 : i32
        %mul3A_242 = arith.muli %scan3A_240, %mul3A_241 : i32
        %get3A = arith.index_cast %add3A_107 : i32 to index
        %get3A_243 = arith.index_cast %mul3A_242 : i32 to index
        %get3A_244 = tpu.vector_load %arg10[%get3A, %get3A_243] {strides = array<i32>} : memref<84x128xf32, #tpu.memory_space<vmem>>, vector<16xf32>,
        %mul3A_245 = arith.constant 16 : i32
        %mul3A_246 = arith.muli %scan3A_240, %mul3A_245 : i32
        %get3A_247 = arith.index_cast %add3A_107 : i32 to index
        %get3A_248 = arith.index_cast %mul3A_246 : i32 to index
        %get3A_249 = tpu.vector_load %arg8[%get3A_247, %get3A_248] {strides = array<i32>} : memref<84x128xi32, #tpu.memory_space<vmem>>, vector<16xi32>,
        %mul3A_250 = arith.constant 16 : i32
        %mul3A_251 = arith.muli %scan3A_240, %mul3A_250 : i32
        %get3A_252 = arith.index_cast %add3A_107 : i32 to index
        %get3A_253 = arith.index_cast %mul3A_251 : i32 to index
        %get3A_254 = tpu.vector_load %arg9[%get3A_252, %get3A_253] {strides = array<i32>} : memref<84x128xi32, #tpu.memory_space<vmem>>, vector<16xi32>,
        %gather3A = tpu.vector_load_idx %arg11[%get3A_249] : memref<10240xf32, #tpu.memory_space<vmem>>[vector<16xi32>], vector<16xf32>,
        %mul3A_255 = arith.mulf %gather3A, %get3A_244 : vector<16xf32>
        %gather3A_256 = tpu.vector_load_idx %arg11[%get3A_254] : memref<10240xf32, #tpu.memory_space<vmem>>[vector<16xi32>], vector<16xf32>,
        %mul3A_257 = arith.mulf %mul3A_255, %gather3A_256 : vector<16xf32>
        %mul3A_258 = arith.constant 16 : i32
        %mul3A_259 = arith.muli %scan3A_240, %mul3A_258 : i32
        %add3A_260 = arith.constant 0 : i32
        %add3A_261 = arith.addi %mul3A_259, %add3A_260 : i32
        %get3A_262 = arith.constant 1 : i32
        %get3A_263 = arith.index_cast %get3A_262 : i32 to index
        %get3A_264 = arith.index_cast %add3A_261 : i32 to index
        %get3A_265 = arith.constant 0 : index
        %get3A_266 = tpu.vector_load %arg12[%get3A_263, %get3A_264, %get3A_265] {strides = array<i32>} : memref<4x128x16xf32, #tpu.memory_space<vmem>>, vector<16xf32>,
        %slice3A = vector.extract_strided_slice %mul3A_257 {offsets = [0], sizes = [1], strides = [1]} : vector<16xf32> to vector<1xf32>
        %squeeze3A = vector.extract %slice3A[0] : f32 from vector<1xf32>
        %mul3A_267 = vector.broadcast %squeeze3A : f32 to vector<16xf32>
        %mul3A_268 = arith.mulf %get3A_266, %mul3A_267 : vector<16xf32>
        %swap3A = arith.constant 1 : i32
        %swap3A_269 = arith.index_cast %swap3A : i32 to index
        %swap3A_270 = arith.index_cast %add3A_261 : i32 to index
        %swap3A_271 = arith.constant 0 : index
        %swap3A_272 = tpu.vector_load %arg12[%swap3A_269, %swap3A_270, %swap3A_271] {strides = array<i32>} : memref<4x128x16xf32, #tpu.memory_space<vmem>>, vector<16xf32>,
        tpu.vector_store %arg12[%swap3A_269, %swap3A_270, %swap3A_271], %mul3A_268 {strides = array<i32>} : memref<4x128x16xf32, #tpu.memory_space<vmem>>, vector<16xf32>,
        %mul3A_273 = arith.constant 16 : i32
        %mul3A_274 = arith.muli %scan3A_240, %mul3A_273 : i32
        %add3A_275 = arith.constant 1 : i32
        %add3A_276 = arith.addi %mul3A_274, %add3A_275 : i32
        %get3A_277 = arith.constant 1 : i32
        %get3A_278 = arith.index_cast %get3A_277 : i32 to index
        %get3A_279 = arith.index_cast %add3A_276 : i32 to index
        %get3A_280 = arith.constant 0 : index
        %get3A_281 = tpu.vector_load %arg12[%get3A_278, %get3A_279, %get3A_280] {strides = array<i32>} : memref<4x128x16xf32, #tpu.memory_space<vmem>>, vector<16xf32>,
        %slice3A_282 = vector.extract_strided_slice %mul3A_257 {offsets = [1], sizes = [1], strides = [1]} : vector<16xf32> to vector<1xf32>
        %squeeze3A_283 = vector.extract %slice3A_282[0] : f32 from vector<1xf32>
        %mul3A_284 = vector.broadcast %squeeze3A_283 : f32 to vector<16xf32>
        %mul3A_285 = arith.mulf %get3A_281, %mul3A_284 : vector<16xf32>
        %swap3A_286 = arith.constant 1 : i32
        %swap3A_287 = arith.index_cast %swap3A_286 : i32 to index
        %swap3A_288 = arith.index_cast %add3A_276 : i32 to index
        %swap3A_289 = arith.constant 0 : index
        %swap3A_290 = tpu.vector_load %arg12[%swap3A_287, %swap3A_288, %swap3A_289] {strides = array<i32>} : memref<4x128x16xf32, #tpu.memory_space<vmem>>, vector<16xf32>,
        tpu.vector_store %arg12[%swap3A_287, %swap3A_288, %swap3A_289], %mul3A_285 {strides = array<i32>} : memref<4x128x16xf32, #tpu.memory_space<vmem>>, vector<16xf32>,
        %mul3A_291 = arith.constant 16 : i32
        %mul3A_292 = arith.muli %scan3A_240, %mul3A_291 : i32
        %add3A_293 = arith.constant 2 : i32
        %add3A_294 = arith.addi %mul3A_292, %add3A_293 : i32
        %get3A_295 = arith.constant 1 : i32
        %get3A_296 = arith.index_cast %get3A_295 : i32 to index
        %get3A_297 = arith.index_cast %add3A_294 : i32 to index
        %get3A_298 = arith.constant 0 : index
        %get3A_299 = tpu.vector_load %arg12[%get3A_296, %get3A_297, %get3A_298] {strides = array<i32>} : memref<4x128x16xf32, #tpu.memory_space<vmem>>, vector<16xf32>,
        %slice3A_300 = vector.extract_strided_slice %mul3A_257 {offsets = [2], sizes = [1], strides = [1]} : vector<16xf32> to vector<1xf32>
        %squeeze3A_301 = vector.extract %slice3A_300[0] : f32 from vector<1xf32>
        %mul3A_302 = vector.broadcast %squeeze3A_301 : f32 to vector<16xf32>
        %mul3A_303 = arith.mulf %get3A_299, %mul3A_302 : vector<16xf32>
        %swap3A_304 = arith.constant 1 : i32
        %swap3A_305 = arith.index_cast %swap3A_304 : i32 to index
        %swap3A_306 = arith.index_cast %add3A_294 : i32 to index
        %swap3A_307 = arith.constant 0 : index
        %swap3A_308 = tpu.vector_load %arg12[%swap3A_305, %swap3A_306, %swap3A_307] {strides = array<i32>} : memref<4x128x16xf32, #tpu.memory_space<vmem>>, vector<16xf32>,
        tpu.vector_store %arg12[%swap3A_305, %swap3A_306, %swap3A_307], %mul3A_303 {strides = array<i32>} : memref<4x128x16xf32, #tpu.memory_space<vmem>>, vector<16xf32>,
        %mul3A_309 = arith.constant 16 : i32
        %mul3A_310 = arith.muli %scan3A_240, %mul3A_309 : i32
        %add3A_311 = arith.constant 3 : i32
        %add3A_312 = arith.addi %mul3A_310, %add3A_311 : i32
        %get3A_313 = arith.constant 1 : i32
        %get3A_314 = arith.index_cast %get3A_313 : i32 to index
        %get3A_315 = arith.index_cast %add3A_312 : i32 to index
        %get3A_316 = arith.constant 0 : index
        %get3A_317 = tpu.vector_load %arg12[%get3A_314, %get3A_315, %get3A_316] {strides = array<i32>} : memref<4x128x16xf32, #tpu.memory_space<vmem>>, vector<16xf32>,
        %slice3A_318 = vector.extract_strided_slice %mul3A_257 {offsets = [3], sizes = [1], strides = [1]} : vector<16xf32> to vector<1xf32>
        %squeeze3A_319 = vector.extract %slice3A_318[0] : f32 from vector<1xf32>
        %mul3A_320 = vector.broadcast %squeeze3A_319 : f32 to vector<16xf32>
        %mul3A_321 = arith.mulf %get3A_317, %mul3A_320 : vector<16xf32>
        %swap3A_322 = arith.constant 1 : i32
        %swap3A_323 = arith.index_cast %swap3A_322 : i32 to index
        %swap3A_324 = arith.index_cast %add3A_312 : i32 to index
        %swap3A_325 = arith.constant 0 : index
        %swap3A_326 = tpu.vector_load %arg12[%swap3A_323, %swap3A_324, %swap3A_325] {strides = array<i32>} : memref<4x128x16xf32, #tpu.memory_space<vmem>>, vector<16xf32>,
        tpu.vector_store %arg12[%swap3A_323, %swap3A_324, %swap3A_325], %mul3A_321 {strides = array<i32>} : memref<4x128x16xf32, #tpu.memory_space<vmem>>, vector<16xf32>,
        %mul3A_327 = arith.constant 16 : i32
        %mul3A_328 = arith.muli %scan3A_240, %mul3A_327 : i32
        %add3A_329 = arith.constant 4 : i32
        %add3A_330 = arith.addi %mul3A_328, %add3A_329 : i32
        %get3A_331 = arith.constant 1 : i32
        %get3A_332 = arith.index_cast %get3A_331 : i32 to index
        %get3A_333 = arith.index_cast %add3A_330 : i32 to index
        %get3A_334 = arith.constant 0 : index
        %get3A_335 = tpu.vector_load %arg12[%get3A_332, %get3A_333, %get3A_334] {strides = array<i32>} : memref<4x128x16xf32, #tpu.memory_space<vmem>>, vector<16xf32>,
        %slice3A_336 = vector.extract_strided_slice %mul3A_257 {offsets = [4], sizes = [1], strides = [1]} : vector<16xf32> to vector<1xf32>
        %squeeze3A_337 = vector.extract %slice3A_336[0] : f32 from vector<1xf32>
        %mul3A_338 = vector.broadcast %squeeze3A_337 : f32 to vector<16xf32>
        %mul3A_339 = arith.mulf %get3A_335, %mul3A_338 : vector<16xf32>
        %swap3A_340 = arith.constant 1 : i32
        %swap3A_341 = arith.index_cast %swap3A_340 : i32 to index
        %swap3A_342 = arith.index_cast %add3A_330 : i32 to index
        %swap3A_343 = arith.constant 0 : index
        %swap3A_344 = tpu.vector_load %arg12[%swap3A_341, %swap3A_342, %swap3A_343] {strides = array<i32>} : memref<4x128x16xf32, #tpu.memory_space<vmem>>, vector<16xf32>,
        tpu.vector_store %arg12[%swap3A_341, %swap3A_342, %swap3A_343], %mul3A_339 {strides = array<i32>} : memref<4x128x16xf32, #tpu.memory_space<vmem>>, vector<16xf32>,
        %mul3A_345 = arith.constant 16 : i32
        %mul3A_346 = arith.muli %scan3A_240, %mul3A_345 : i32
        %add3A_347 = arith.constant 5 : i32
        %add3A_348 = arith.addi %mul3A_346, %add3A_347 : i32
        %get3A_349 = arith.constant 1 : i32
        %get3A_350 = arith.index_cast %get3A_349 : i32 to index
        %get3A_351 = arith.index_cast %add3A_348 : i32 to index
        %get3A_352 = arith.constant 0 : index
        %get3A_353 = tpu.vector_load %arg12[%get3A_350, %get3A_351, %get3A_352] {strides = array<i32>} : memref<4x128x16xf32, #tpu.memory_space<vmem>>, vector<16xf32>,
        %slice3A_354 = vector.extract_strided_slice %mul3A_257 {offsets = [5], sizes = [1], strides = [1]} : vector<16xf32> to vector<1xf32>
        %squeeze3A_355 = vector.extract %slice3A_354[0] : f32 from vector<1xf32>
        %mul3A_356 = vector.broadcast %squeeze3A_355 : f32 to vector<16xf32>
        %mul3A_357 = arith.mulf %get3A_353, %mul3A_356 : vector<16xf32>
        %swap3A_358 = arith.constant 1 : i32
        %swap3A_359 = arith.index_cast %swap3A_358 : i32 to index
        %swap3A_360 = arith.index_cast %add3A_348 : i32 to index
        %swap3A_361 = arith.constant 0 : index
        %swap3A_362 = tpu.vector_load %arg12[%swap3A_359, %swap3A_360, %swap3A_361] {strides = array<i32>} : memref<4x128x16xf32, #tpu.memory_space<vmem>>, vector<16xf32>,
        tpu.vector_store %arg12[%swap3A_359, %swap3A_360, %swap3A_361], %mul3A_357 {strides = array<i32>} : memref<4x128x16xf32, #tpu.memory_space<vmem>>, vector<16xf32>,
        %mul3A_363 = arith.constant 16 : i32
        %mul3A_364 = arith.muli %scan3A_240, %mul3A_363 : i32
        %add3A_365 = arith.constant 6 : i32
        %add3A_366 = arith.addi %mul3A_364, %add3A_365 : i32
        %get3A_367 = arith.constant 1 : i32
        %get3A_368 = arith.index_cast %get3A_367 : i32 to index
        %get3A_369 = arith.index_cast %add3A_366 : i32 to index
        %get3A_370 = arith.constant 0 : index
        %get3A_371 = tpu.vector_load %arg12[%get3A_368, %get3A_369, %get3A_370] {strides = array<i32>} : memref<4x128x16xf32, #tpu.memory_space<vmem>>, vector<16xf32>,
        %slice3A_372 = vector.extract_strided_slice %mul3A_257 {offsets = [6], sizes = [1], strides = [1]} : vector<16xf32> to vector<1xf32>
        %squeeze3A_373 = vector.extract %slice3A_372[0] : f32 from vector<1xf32>
        %mul3A_374 = vector.broadcast %squeeze3A_373 : f32 to vector<16xf32>
        %mul3A_375 = arith.mulf %get3A_371, %mul3A_374 : vector<16xf32>
        %swap3A_376 = arith.constant 1 : i32
        %swap3A_377 = arith.index_cast %swap3A_376 : i32 to index
        %swap3A_378 = arith.index_cast %add3A_366 : i32 to index
        %swap3A_379 = arith.constant 0 : index
        %swap3A_380 = tpu.vector_load %arg12[%swap3A_377, %swap3A_378, %swap3A_379] {strides = array<i32>} : memref<4x128x16xf32, #tpu.memory_space<vmem>>, vector<16xf32>,
        tpu.vector_store %arg12[%swap3A_377, %swap3A_378, %swap3A_379], %mul3A_375 {strides = array<i32>} : memref<4x128x16xf32, #tpu.memory_space<vmem>>, vector<16xf32>,
        %mul3A_381 = arith.constant 16 : i32
        %mul3A_382 = arith.muli %scan3A_240, %mul3A_381 : i32
        %add3A_383 = arith.constant 7 : i32
        %add3A_384 = arith.addi %mul3A_382, %add3A_383 : i32
        %get3A_385 = arith.constant 1 : i32
        %get3A_386 = arith.index_cast %get3A_385 : i32 to index
        %get3A_387 = arith.index_cast %add3A_384 : i32 to index
        %get3A_388 = arith.constant 0 : index
        %get3A_389 = tpu.vector_load %arg12[%get3A_386, %get3A_387, %get3A_388] {strides = array<i32>} : memref<4x128x16xf32, #tpu.memory_space<vmem>>, vector<16xf32>,
        %slice3A_390 = vector.extract_strided_slice %mul3A_257 {offsets = [7], sizes = [1], strides = [1]} : vector<16xf32> to vector<1xf32>
        %squeeze3A_391 = vector.extract %slice3A_390[0] : f32 from vector<1xf32>
        %mul3A_392 = vector.broadcast %squeeze3A_391 : f32 to vector<16xf32>
        %mul3A_393 = arith.mulf %get3A_389, %mul3A_392 : vector<16xf32>
        %swap3A_394 = arith.constant 1 : i32
        %swap3A_395 = arith.index_cast %swap3A_394 : i32 to index
        %swap3A_396 = arith.index_cast %add3A_384 : i32 to index
        %swap3A_397 = arith.constant 0 : index
        %swap3A_398 = tpu.vector_load %arg12[%swap3A_395, %swap3A_396, %swap3A_397] {strides = array<i32>} : memref<4x128x16xf32, #tpu.memory_space<vmem>>, vector<16xf32>,
        tpu.vector_store %arg12[%swap3A_395, %swap3A_396, %swap3A_397], %mul3A_393 {strides = array<i32>} : memref<4x128x16xf32, #tpu.memory_space<vmem>>, vector<16xf32>,
        %mul3A_399 = arith.constant 16 : i32
        %mul3A_400 = arith.muli %scan3A_240, %mul3A_399 : i32
        %add3A_401 = arith.constant 8 : i32
        %add3A_402 = arith.addi %mul3A_400, %add3A_401 : i32
        %get3A_403 = arith.constant 1 : i32
        %get3A_404 = arith.index_cast %get3A_403 : i32 to index
        %get3A_405 = arith.index_cast %add3A_402 : i32 to index
        %get3A_406 = arith.constant 0 : index
        %get3A_407 = tpu.vector_load %arg12[%get3A_404, %get3A_405, %get3A_406] {strides = array<i32>} : memref<4x128x16xf32, #tpu.memory_space<vmem>>, vector<16xf32>,
        %slice3A_408 = vector.extract_strided_slice %mul3A_257 {offsets = [8], sizes = [1], strides = [1]} : vector<16xf32> to vector<1xf32>
        %squeeze3A_409 = vector.extract %slice3A_408[0] : f32 from vector<1xf32>
        %mul3A_410 = vector.broadcast %squeeze3A_409 : f32 to vector<16xf32>
        %mul3A_411 = arith.mulf %get3A_407, %mul3A_410 : vector<16xf32>
        %swap3A_412 = arith.constant 1 : i32
        %swap3A_413 = arith.index_cast %swap3A_412 : i32 to index
        %swap3A_414 = arith.index_cast %add3A_402 : i32 to index
        %swap3A_415 = arith.constant 0 : index
        %swap3A_416 = tpu.vector_load %arg12[%swap3A_413, %swap3A_414, %swap3A_415] {strides = array<i32>} : memref<4x128x16xf32, #tpu.memory_space<vmem>>, vector<16xf32>,
        tpu.vector_store %arg12[%swap3A_413, %swap3A_414, %swap3A_415], %mul3A_411 {strides = array<i32>} : memref<4x128x16xf32, #tpu.memory_space<vmem>>, vector<16xf32>,
        %mul3A_417 = arith.constant 16 : i32
        %mul3A_418 = arith.muli %scan3A_240, %mul3A_417 : i32
        %add3A_419 = arith.constant 9 : i32
        %add3A_420 = arith.addi %mul3A_418, %add3A_419 : i32
        %get3A_421 = arith.constant 1 : i32
        %get3A_422 = arith.index_cast %get3A_421 : i32 to index
        %get3A_423 = arith.index_cast %add3A_420 : i32 to index
        %get3A_424 = arith.constant 0 : index
        %get3A_425 = tpu.vector_load %arg12[%get3A_422, %get3A_423, %get3A_424] {strides = array<i32>} : memref<4x128x16xf32, #tpu.memory_space<vmem>>, vector<16xf32>,
        %slice3A_426 = vector.extract_strided_slice %mul3A_257 {offsets = [9], sizes = [1], strides = [1]} : vector<16xf32> to vector<1xf32>
        %squeeze3A_427 = vector.extract %slice3A_426[0] : f32 from vector<1xf32>
        %mul3A_428 = vector.broadcast %squeeze3A_427 : f32 to vector<16xf32>
        %mul3A_429 = arith.mulf %get3A_425, %mul3A_428 : vector<16xf32>
        %swap3A_430 = arith.constant 1 : i32
        %swap3A_431 = arith.index_cast %swap3A_430 : i32 to index
        %swap3A_432 = arith.index_cast %add3A_420 : i32 to index
        %swap3A_433 = arith.constant 0 : index
        %swap3A_434 = tpu.vector_load %arg12[%swap3A_431, %swap3A_432, %swap3A_433] {strides = array<i32>} : memref<4x128x16xf32, #tpu.memory_space<vmem>>, vector<16xf32>,
        tpu.vector_store %arg12[%swap3A_431, %swap3A_432, %swap3A_433], %mul3A_429 {strides = array<i32>} : memref<4x128x16xf32, #tpu.memory_space<vmem>>, vector<16xf32>,
        %mul3A_435 = arith.constant 16 : i32
        %mul3A_436 = arith.muli %scan3A_240, %mul3A_435 : i32
        %add3A_437 = arith.constant 10 : i32
        %add3A_438 = arith.addi %mul3A_436, %add3A_437 : i32
        %get3A_439 = arith.constant 1 : i32
        %get3A_440 = arith.index_cast %get3A_439 : i32 to index
        %get3A_441 = arith.index_cast %add3A_438 : i32 to index
        %get3A_442 = arith.constant 0 : index
        %get3A_443 = tpu.vector_load %arg12[%get3A_440, %get3A_441, %get3A_442] {strides = array<i32>} : memref<4x128x16xf32, #tpu.memory_space<vmem>>, vector<16xf32>,
        %slice3A_444 = vector.extract_strided_slice %mul3A_257 {offsets = [10], sizes = [1], strides = [1]} : vector<16xf32> to vector<1xf32>
        %squeeze3A_445 = vector.extract %slice3A_444[0] : f32 from vector<1xf32>
        %mul3A_446 = vector.broadcast %squeeze3A_445 : f32 to vector<16xf32>
        %mul3A_447 = arith.mulf %get3A_443, %mul3A_446 : vector<16xf32>
        %swap3A_448 = arith.constant 1 : i32
        %swap3A_449 = arith.index_cast %swap3A_448 : i32 to index
        %swap3A_450 = arith.index_cast %add3A_438 : i32 to index
        %swap3A_451 = arith.constant 0 : index
        %swap3A_452 = tpu.vector_load %arg12[%swap3A_449, %swap3A_450, %swap3A_451] {strides = array<i32>} : memref<4x128x16xf32, #tpu.memory_space<vmem>>, vector<16xf32>,
        tpu.vector_store %arg12[%swap3A_449, %swap3A_450, %swap3A_451], %mul3A_447 {strides = array<i32>} : memref<4x128x16xf32, #tpu.memory_space<vmem>>, vector<16xf32>,
        %mul3A_453 = arith.constant 16 : i32
        %mul3A_454 = arith.muli %scan3A_240, %mul3A_453 : i32
        %add3A_455 = arith.constant 11 : i32
        %add3A_456 = arith.addi %mul3A_454, %add3A_455 : i32
        %get3A_457 = arith.constant 1 : i32
        %get3A_458 = arith.index_cast %get3A_457 : i32 to index
        %get3A_459 = arith.index_cast %add3A_456 : i32 to index
        %get3A_460 = arith.constant 0 : index
        %get3A_461 = tpu.vector_load %arg12[%get3A_458, %get3A_459, %get3A_460] {strides = array<i32>} : memref<4x128x16xf32, #tpu.memory_space<vmem>>, vector<16xf32>,
        %slice3A_462 = vector.extract_strided_slice %mul3A_257 {offsets = [11], sizes = [1], strides = [1]} : vector<16xf32> to vector<1xf32>
        %squeeze3A_463 = vector.extract %slice3A_462[0] : f32 from vector<1xf32>
        %mul3A_464 = vector.broadcast %squeeze3A_463 : f32 to vector<16xf32>
        %mul3A_465 = arith.mulf %get3A_461, %mul3A_464 : vector<16xf32>
        %swap3A_466 = arith.constant 1 : i32
        %swap3A_467 = arith.index_cast %swap3A_466 : i32 to index
        %swap3A_468 = arith.index_cast %add3A_456 : i32 to index
        %swap3A_469 = arith.constant 0 : index
        %swap3A_470 = tpu.vector_load %arg12[%swap3A_467, %swap3A_468, %swap3A_469] {strides = array<i32>} : memref<4x128x16xf32, #tpu.memory_space<vmem>>, vector<16xf32>,
        tpu.vector_store %arg12[%swap3A_467, %swap3A_468, %swap3A_469], %mul3A_465 {strides = array<i32>} : memref<4x128x16xf32, #tpu.memory_space<vmem>>, vector<16xf32>,
        %mul3A_471 = arith.constant 16 : i32
        %mul3A_472 = arith.muli %scan3A_240, %mul3A_471 : i32
        %add3A_473 = arith.constant 12 : i32
        %add3A_474 = arith.addi %mul3A_472, %add3A_473 : i32
        %get3A_475 = arith.constant 1 : i32
        %get3A_476 = arith.index_cast %get3A_475 : i32 to index
        %get3A_477 = arith.index_cast %add3A_474 : i32 to index
        %get3A_478 = arith.constant 0 : index
        %get3A_479 = tpu.vector_load %arg12[%get3A_476, %get3A_477, %get3A_478] {strides = array<i32>} : memref<4x128x16xf32, #tpu.memory_space<vmem>>, vector<16xf32>,
        %slice3A_480 = vector.extract_strided_slice %mul3A_257 {offsets = [12], sizes = [1], strides = [1]} : vector<16xf32> to vector<1xf32>
        %squeeze3A_481 = vector.extract %slice3A_480[0] : f32 from vector<1xf32>
        %mul3A_482 = vector.broadcast %squeeze3A_481 : f32 to vector<16xf32>
        %mul3A_483 = arith.mulf %get3A_479, %mul3A_482 : vector<16xf32>
        %swap3A_484 = arith.constant 1 : i32
        %swap3A_485 = arith.index_cast %swap3A_484 : i32 to index
        %swap3A_486 = arith.index_cast %add3A_474 : i32 to index
        %swap3A_487 = arith.constant 0 : index
        %swap3A_488 = tpu.vector_load %arg12[%swap3A_485, %swap3A_486, %swap3A_487] {strides = array<i32>} : memref<4x128x16xf32, #tpu.memory_space<vmem>>, vector<16xf32>,
        tpu.vector_store %arg12[%swap3A_485, %swap3A_486, %swap3A_487], %mul3A_483 {strides = array<i32>} : memref<4x128x16xf32, #tpu.memory_space<vmem>>, vector<16xf32>,
        %mul3A_489 = arith.constant 16 : i32
        %mul3A_490 = arith.muli %scan3A_240, %mul3A_489 : i32
        %add3A_491 = arith.constant 13 : i32
        %add3A_492 = arith.addi %mul3A_490, %add3A_491 : i32
        %get3A_493 = arith.constant 1 : i32
        %get3A_494 = arith.index_cast %get3A_493 : i32 to index
        %get3A_495 = arith.index_cast %add3A_492 : i32 to index
        %get3A_496 = arith.constant 0 : index
        %get3A_497 = tpu.vector_load %arg12[%get3A_494, %get3A_495, %get3A_496] {strides = array<i32>} : memref<4x128x16xf32, #tpu.memory_space<vmem>>, vector<16xf32>,
        %slice3A_498 = vector.extract_strided_slice %mul3A_257 {offsets = [13], sizes = [1], strides = [1]} : vector<16xf32> to vector<1xf32>
        %squeeze3A_499 = vector.extract %slice3A_498[0] : f32 from vector<1xf32>
        %mul3A_500 = vector.broadcast %squeeze3A_499 : f32 to vector<16xf32>
        %mul3A_501 = arith.mulf %get3A_497, %mul3A_500 : vector<16xf32>
        %swap3A_502 = arith.constant 1 : i32
        %swap3A_503 = arith.index_cast %swap3A_502 : i32 to index
        %swap3A_504 = arith.index_cast %add3A_492 : i32 to index
        %swap3A_505 = arith.constant 0 : index
        %swap3A_506 = tpu.vector_load %arg12[%swap3A_503, %swap3A_504, %swap3A_505] {strides = array<i32>} : memref<4x128x16xf32, #tpu.memory_space<vmem>>, vector<16xf32>,
        tpu.vector_store %arg12[%swap3A_503, %swap3A_504, %swap3A_505], %mul3A_501 {strides = array<i32>} : memref<4x128x16xf32, #tpu.memory_space<vmem>>, vector<16xf32>,
        %mul3A_507 = arith.constant 16 : i32
        %mul3A_508 = arith.muli %scan3A_240, %mul3A_507 : i32
        %add3A_509 = arith.constant 14 : i32
        %add3A_510 = arith.addi %mul3A_508, %add3A_509 : i32
        %get3A_511 = arith.constant 1 : i32
        %get3A_512 = arith.index_cast %get3A_511 : i32 to index
        %get3A_513 = arith.index_cast %add3A_510 : i32 to index
        %get3A_514 = arith.constant 0 : index
        %get3A_515 = tpu.vector_load %arg12[%get3A_512, %get3A_513, %get3A_514] {strides = array<i32>} : memref<4x128x16xf32, #tpu.memory_space<vmem>>, vector<16xf32>,
        %slice3A_516 = vector.extract_strided_slice %mul3A_257 {offsets = [14], sizes = [1], strides = [1]} : vector<16xf32> to vector<1xf32>
        %squeeze3A_517 = vector.extract %slice3A_516[0] : f32 from vector<1xf32>
        %mul3A_518 = vector.broadcast %squeeze3A_517 : f32 to vector<16xf32>
        %mul3A_519 = arith.mulf %get3A_515, %mul3A_518 : vector<16xf32>
        %swap3A_520 = arith.constant 1 : i32
        %swap3A_521 = arith.index_cast %swap3A_520 : i32 to index
        %swap3A_522 = arith.index_cast %add3A_510 : i32 to index
        %swap3A_523 = arith.constant 0 : index
        %swap3A_524 = tpu.vector_load %arg12[%swap3A_521, %swap3A_522, %swap3A_523] {strides = array<i32>} : memref<4x128x16xf32, #tpu.memory_space<vmem>>, vector<16xf32>,
        tpu.vector_store %arg12[%swap3A_521, %swap3A_522, %swap3A_523], %mul3A_519 {strides = array<i32>} : memref<4x128x16xf32, #tpu.memory_space<vmem>>, vector<16xf32>,
        %mul3A_525 = arith.constant 16 : i32
        %mul3A_526 = arith.muli %scan3A_240, %mul3A_525 : i32
        %add3A_527 = arith.constant 15 : i32
        %add3A_528 = arith.addi %mul3A_526, %add3A_527 : i32
        %get3A_529 = arith.constant 1 : i32
        %get3A_530 = arith.index_cast %get3A_529 : i32 to index
        %get3A_531 = arith.index_cast %add3A_528 : i32 to index
        %get3A_532 = arith.constant 0 : index
        %get3A_533 = tpu.vector_load %arg12[%get3A_530, %get3A_531, %get3A_532] {strides = array<i32>} : memref<4x128x16xf32, #tpu.memory_space<vmem>>, vector<16xf32>,
        %slice3A_534 = vector.extract_strided_slice %mul3A_257 {offsets = [15], sizes = [1], strides = [1]} : vector<16xf32> to vector<1xf32>
        %squeeze3A_535 = vector.extract %slice3A_534[0] : f32 from vector<1xf32>
        %mul3A_536 = vector.broadcast %squeeze3A_535 : f32 to vector<16xf32>
        %mul3A_537 = arith.mulf %get3A_533, %mul3A_536 : vector<16xf32>
        %swap3A_538 = arith.constant 1 : i32
        %swap3A_539 = arith.index_cast %swap3A_538 : i32 to index
        %swap3A_540 = arith.index_cast %add3A_528 : i32 to index
        %swap3A_541 = arith.constant 0 : index
        %swap3A_542 = tpu.vector_load %arg12[%swap3A_539, %swap3A_540, %swap3A_541] {strides = array<i32>} : memref<4x128x16xf32, #tpu.memory_space<vmem>>, vector<16xf32>,
        tpu.vector_store %arg12[%swap3A_539, %swap3A_540, %swap3A_541], %mul3A_537 {strides = array<i32>} : memref<4x128x16xf32, #tpu.memory_space<vmem>>, vector<16xf32>,
      }
      %scan3A_124 = arith.constant 8 : i32
      %dma_start3A_125 = arith.constant 1 : i32
      %dma_start3A_126 = arith.constant 0 : i32
      %dma_start3A_127 = arith.constant 0 : i32
      %dma_start3A_128 = tpu.memref_slice %arg12[%dma_start3A_125, %dma_start3A_126, %dma_start3A_127] : memref<4x128x16xf32, #tpu.memory_space<vmem>> -> memref<1x128x16xf32, #tpu.memory_space<vmem>>
      %dma_start3A_129 = tpu.memref_squeeze %dma_start3A_128 : memref<1x128x16xf32, #tpu.memory_space<vmem>> -> memref<128x16xf32, #tpu.memory_space<vmem>>
      %dma_start3A_130 = arith.constant 0 : i32
      %dma_start3A_131 = tpu.memref_slice %arg9[%add3A_107, %dma_start3A_130] : memref<84x128xi32, #tpu.memory_space<vmem>> -> memref<1x128xi32, #tpu.memory_space<vmem>>
      %dma_start3A_132 = tpu.memref_squeeze %dma_start3A_131 : memref<1x128xi32, #tpu.memory_space<vmem>> -> memref<128xi32, #tpu.memory_space<vmem>>
      %dma_start3A_133 = arith.constant 0 : i32
      %dma_start3A_134 = arith.constant 0 : i32
      %dma_start3A_135 = tpu.memref_slice %arg13[%dma_start3A_133, %dma_start3A_134] : memref<10240x16xf32, #tpu.memory_space<vmem_shared>> -> memref<10240x16xf32, #tpu.memory_space<vmem_shared>>
      tpu.enqueue_indirect_dma source(%dma_start3A_129 : memref<128x16xf32, #tpu.memory_space<vmem>>) target(%dma_start3A_135 : memref<10240x16xf32, #tpu.memory_space<vmem_shared>>) offsets(%dma_start3A_132 : memref<128xi32, #tpu.memory_space<vmem>>) semaphore(%arg18 : memref<!tpu.dma_semaphore, #tpu.memory_space<semaphore_mem>>) {add = true}
      %add3A_136 = arith.constant 2 : i32
      %add3A_137 = arith.addi %mul3A_25, %add3A_136 : i32
      %dma_wait3A_138 = arith.constant 2 : i32
      %dma_wait3A_139 = arith.constant 0 : i32
      %dma_wait3A_140 = arith.constant 0 : i32
      %dma_wait3A_141 = tpu.memref_slice %arg12[%dma_wait3A_138, %dma_wait3A_139, %dma_wait3A_140] : memref<4x128x16xf32, #tpu.memory_space<vmem>> -> memref<1x128x16xf32, #tpu.memory_space<vmem>>
      %dma_wait3A_142 = tpu.memref_squeeze %dma_wait3A_141 : memref<1x128x16xf32, #tpu.memory_space<vmem>> -> memref<128x16xf32, #tpu.memory_space<vmem>>
      %dma_wait3A_143 = arith.constant 0 : i32
      %dma_wait3A_144 = tpu.memref_slice %arg8[%add3A_52, %dma_wait3A_143] : memref<84x128xi32, #tpu.memory_space<vmem>> -> memref<1x128xi32, #tpu.memory_space<vmem>>
      %dma_wait3A_145 = tpu.memref_squeeze %dma_wait3A_144 : memref<1x128xi32, #tpu.memory_space<vmem>> -> memref<128xi32, #tpu.memory_space<vmem>>
      %dma_wait3A_146 = arith.constant 0 : i32
      %dma_wait3A_147 = arith.constant 0 : i32
      %dma_wait3A_148 = tpu.memref_slice %arg2[%dma_wait3A_146, %dma_wait3A_147] : memref<10240x16xf32, #tpu.memory_space<hbm>> -> memref<10240x16xf32, #tpu.memory_space<hbm>>
      tpu.wait_indirect_dma semaphore(%arg16 : memref<!tpu.dma_semaphore, #tpu.memory_space<semaphore_mem>>) src(%dma_wait3A_148 : memref<10240x16xf32, #tpu.memory_space<hbm>>) dst(%dma_wait3A_142 : memref<128x16xf32, #tpu.memory_space<vmem>>)
      %scan3A_149 = arith.constant 0 : i32
      %scan3A_150 = arith.constant 0 : i32
      %scan3A_151 = arith.constant 8 : i32
      %scan3A_152 = arith.addi %scan3A_150, %scan3A_151 : i32
      %scan3A_153 = arith.constant 1 : i32
      scf.for %scan3A_240 = %scan3A_150 to %scan3A_152 step %scan3A_153  : i32 {
        %mul3A_241 = arith.constant 16 : i32
        %mul3A_242 = arith.muli %scan3A_240, %mul3A_241 : i32
        %get3A = arith.index_cast %add3A_137 : i32 to index
        %get3A_243 = arith.index_cast %mul3A_242 : i32 to index
        %get3A_244 = tpu.vector_load %arg10[%get3A, %get3A_243] {strides = array<i32>} : memref<84x128xf32, #tpu.memory_space<vmem>>, vector<16xf32>,
        %mul3A_245 = arith.constant 16 : i32
        %mul3A_246 = arith.muli %scan3A_240, %mul3A_245 : i32
        %get3A_247 = arith.index_cast %add3A_137 : i32 to index
        %get3A_248 = arith.index_cast %mul3A_246 : i32 to index
        %get3A_249 = tpu.vector_load %arg8[%get3A_247, %get3A_248] {strides = array<i32>} : memref<84x128xi32, #tpu.memory_space<vmem>>, vector<16xi32>,
        %mul3A_250 = arith.constant 16 : i32
        %mul3A_251 = arith.muli %scan3A_240, %mul3A_250 : i32
        %get3A_252 = arith.index_cast %add3A_137 : i32 to index
        %get3A_253 = arith.index_cast %mul3A_251 : i32 to index
        %get3A_254 = tpu.vector_load %arg9[%get3A_252, %get3A_253] {strides = array<i32>} : memref<84x128xi32, #tpu.memory_space<vmem>>, vector<16xi32>,
        %gather3A = tpu.vector_load_idx %arg11[%get3A_249] : memref<10240xf32, #tpu.memory_space<vmem>>[vector<16xi32>], vector<16xf32>,
        %mul3A_255 = arith.mulf %gather3A, %get3A_244 : vector<16xf32>
        %gather3A_256 = tpu.vector_load_idx %arg11[%get3A_254] : memref<10240xf32, #tpu.memory_space<vmem>>[vector<16xi32>], vector<16xf32>,
        %mul3A_257 = arith.mulf %mul3A_255, %gather3A_256 : vector<16xf32>
        %mul3A_258 = arith.constant 16 : i32
        %mul3A_259 = arith.muli %scan3A_240, %mul3A_258 : i32
        %add3A_260 = arith.constant 0 : i32
        %add3A_261 = arith.addi %mul3A_259, %add3A_260 : i32
        %get3A_262 = arith.constant 2 : i32
        %get3A_263 = arith.index_cast %get3A_262 : i32 to index
        %get3A_264 = arith.index_cast %add3A_261 : i32 to index
        %get3A_265 = arith.constant 0 : index
        %get3A_266 = tpu.vector_load %arg12[%get3A_263, %get3A_264, %get3A_265] {strides = array<i32>} : memref<4x128x16xf32, #tpu.memory_space<vmem>>, vector<16xf32>,
        %slice3A = vector.extract_strided_slice %mul3A_257 {offsets = [0], sizes = [1], strides = [1]} : vector<16xf32> to vector<1xf32>
        %squeeze3A = vector.extract %slice3A[0] : f32 from vector<1xf32>
        %mul3A_267 = vector.broadcast %squeeze3A : f32 to vector<16xf32>
        %mul3A_268 = arith.mulf %get3A_266, %mul3A_267 : vector<16xf32>
        %swap3A = arith.constant 2 : i32
        %swap3A_269 = arith.index_cast %swap3A : i32 to index
        %swap3A_270 = arith.index_cast %add3A_261 : i32 to index
        %swap3A_271 = arith.constant 0 : index
        %swap3A_272 = tpu.vector_load %arg12[%swap3A_269, %swap3A_270, %swap3A_271] {strides = array<i32>} : memref<4x128x16xf32, #tpu.memory_space<vmem>>, vector<16xf32>,
        tpu.vector_store %arg12[%swap3A_269, %swap3A_270, %swap3A_271], %mul3A_268 {strides = array<i32>} : memref<4x128x16xf32, #tpu.memory_space<vmem>>, vector<16xf32>,
        %mul3A_273 = arith.constant 16 : i32
        %mul3A_274 = arith.muli %scan3A_240, %mul3A_273 : i32
        %add3A_275 = arith.constant 1 : i32
        %add3A_276 = arith.addi %mul3A_274, %add3A_275 : i32
        %get3A_277 = arith.constant 2 : i32
        %get3A_278 = arith.index_cast %get3A_277 : i32 to index
        %get3A_279 = arith.index_cast %add3A_276 : i32 to index
        %get3A_280 = arith.constant 0 : index
        %get3A_281 = tpu.vector_load %arg12[%get3A_278, %get3A_279, %get3A_280] {strides = array<i32>} : memref<4x128x16xf32, #tpu.memory_space<vmem>>, vector<16xf32>,
        %slice3A_282 = vector.extract_strided_slice %mul3A_257 {offsets = [1], sizes = [1], strides = [1]} : vector<16xf32> to vector<1xf32>
        %squeeze3A_283 = vector.extract %slice3A_282[0] : f32 from vector<1xf32>
        %mul3A_284 = vector.broadcast %squeeze3A_283 : f32 to vector<16xf32>
        %mul3A_285 = arith.mulf %get3A_281, %mul3A_284 : vector<16xf32>
        %swap3A_286 = arith.constant 2 : i32
        %swap3A_287 = arith.index_cast %swap3A_286 : i32 to index
        %swap3A_288 = arith.index_cast %add3A_276 : i32 to index
        %swap3A_289 = arith.constant 0 : index
        %swap3A_290 = tpu.vector_load %arg12[%swap3A_287, %swap3A_288, %swap3A_289] {strides = array<i32>} : memref<4x128x16xf32, #tpu.memory_space<vmem>>, vector<16xf32>,
        tpu.vector_store %arg12[%swap3A_287, %swap3A_288, %swap3A_289], %mul3A_285 {strides = array<i32>} : memref<4x128x16xf32, #tpu.memory_space<vmem>>, vector<16xf32>,
        %mul3A_291 = arith.constant 16 : i32
        %mul3A_292 = arith.muli %scan3A_240, %mul3A_291 : i32
        %add3A_293 = arith.constant 2 : i32
        %add3A_294 = arith.addi %mul3A_292, %add3A_293 : i32
        %get3A_295 = arith.constant 2 : i32
        %get3A_296 = arith.index_cast %get3A_295 : i32 to index
        %get3A_297 = arith.index_cast %add3A_294 : i32 to index
        %get3A_298 = arith.constant 0 : index
        %get3A_299 = tpu.vector_load %arg12[%get3A_296, %get3A_297, %get3A_298] {strides = array<i32>} : memref<4x128x16xf32, #tpu.memory_space<vmem>>, vector<16xf32>,
        %slice3A_300 = vector.extract_strided_slice %mul3A_257 {offsets = [2], sizes = [1], strides = [1]} : vector<16xf32> to vector<1xf32>
        %squeeze3A_301 = vector.extract %slice3A_300[0] : f32 from vector<1xf32>
        %mul3A_302 = vector.broadcast %squeeze3A_301 : f32 to vector<16xf32>
        %mul3A_303 = arith.mulf %get3A_299, %mul3A_302 : vector<16xf32>
        %swap3A_304 = arith.constant 2 : i32
        %swap3A_305 = arith.index_cast %swap3A_304 : i32 to index
        %swap3A_306 = arith.index_cast %add3A_294 : i32 to index
        %swap3A_307 = arith.constant 0 : index
        %swap3A_308 = tpu.vector_load %arg12[%swap3A_305, %swap3A_306, %swap3A_307] {strides = array<i32>} : memref<4x128x16xf32, #tpu.memory_space<vmem>>, vector<16xf32>,
        tpu.vector_store %arg12[%swap3A_305, %swap3A_306, %swap3A_307], %mul3A_303 {strides = array<i32>} : memref<4x128x16xf32, #tpu.memory_space<vmem>>, vector<16xf32>,
        %mul3A_309 = arith.constant 16 : i32
        %mul3A_310 = arith.muli %scan3A_240, %mul3A_309 : i32
        %add3A_311 = arith.constant 3 : i32
        %add3A_312 = arith.addi %mul3A_310, %add3A_311 : i32
        %get3A_313 = arith.constant 2 : i32
        %get3A_314 = arith.index_cast %get3A_313 : i32 to index
        %get3A_315 = arith.index_cast %add3A_312 : i32 to index
        %get3A_316 = arith.constant 0 : index
        %get3A_317 = tpu.vector_load %arg12[%get3A_314, %get3A_315, %get3A_316] {strides = array<i32>} : memref<4x128x16xf32, #tpu.memory_space<vmem>>, vector<16xf32>,
        %slice3A_318 = vector.extract_strided_slice %mul3A_257 {offsets = [3], sizes = [1], strides = [1]} : vector<16xf32> to vector<1xf32>
        %squeeze3A_319 = vector.extract %slice3A_318[0] : f32 from vector<1xf32>
        %mul3A_320 = vector.broadcast %squeeze3A_319 : f32 to vector<16xf32>
        %mul3A_321 = arith.mulf %get3A_317, %mul3A_320 : vector<16xf32>
        %swap3A_322 = arith.constant 2 : i32
        %swap3A_323 = arith.index_cast %swap3A_322 : i32 to index
        %swap3A_324 = arith.index_cast %add3A_312 : i32 to index
        %swap3A_325 = arith.constant 0 : index
        %swap3A_326 = tpu.vector_load %arg12[%swap3A_323, %swap3A_324, %swap3A_325] {strides = array<i32>} : memref<4x128x16xf32, #tpu.memory_space<vmem>>, vector<16xf32>,
        tpu.vector_store %arg12[%swap3A_323, %swap3A_324, %swap3A_325], %mul3A_321 {strides = array<i32>} : memref<4x128x16xf32, #tpu.memory_space<vmem>>, vector<16xf32>,
        %mul3A_327 = arith.constant 16 : i32
        %mul3A_328 = arith.muli %scan3A_240, %mul3A_327 : i32
        %add3A_329 = arith.constant 4 : i32
        %add3A_330 = arith.addi %mul3A_328, %add3A_329 : i32
        %get3A_331 = arith.constant 2 : i32
        %get3A_332 = arith.index_cast %get3A_331 : i32 to index
        %get3A_333 = arith.index_cast %add3A_330 : i32 to index
        %get3A_334 = arith.constant 0 : index
        %get3A_335 = tpu.vector_load %arg12[%get3A_332, %get3A_333, %get3A_334] {strides = array<i32>} : memref<4x128x16xf32, #tpu.memory_space<vmem>>, vector<16xf32>,
        %slice3A_336 = vector.extract_strided_slice %mul3A_257 {offsets = [4], sizes = [1], strides = [1]} : vector<16xf32> to vector<1xf32>
        %squeeze3A_337 = vector.extract %slice3A_336[0] : f32 from vector<1xf32>
        %mul3A_338 = vector.broadcast %squeeze3A_337 : f32 to vector<16xf32>
        %mul3A_339 = arith.mulf %get3A_335, %mul3A_338 : vector<16xf32>
        %swap3A_340 = arith.constant 2 : i32
        %swap3A_341 = arith.index_cast %swap3A_340 : i32 to index
        %swap3A_342 = arith.index_cast %add3A_330 : i32 to index
        %swap3A_343 = arith.constant 0 : index
        %swap3A_344 = tpu.vector_load %arg12[%swap3A_341, %swap3A_342, %swap3A_343] {strides = array<i32>} : memref<4x128x16xf32, #tpu.memory_space<vmem>>, vector<16xf32>,
        tpu.vector_store %arg12[%swap3A_341, %swap3A_342, %swap3A_343], %mul3A_339 {strides = array<i32>} : memref<4x128x16xf32, #tpu.memory_space<vmem>>, vector<16xf32>,
        %mul3A_345 = arith.constant 16 : i32
        %mul3A_346 = arith.muli %scan3A_240, %mul3A_345 : i32
        %add3A_347 = arith.constant 5 : i32
        %add3A_348 = arith.addi %mul3A_346, %add3A_347 : i32
        %get3A_349 = arith.constant 2 : i32
        %get3A_350 = arith.index_cast %get3A_349 : i32 to index
        %get3A_351 = arith.index_cast %add3A_348 : i32 to index
        %get3A_352 = arith.constant 0 : index
        %get3A_353 = tpu.vector_load %arg12[%get3A_350, %get3A_351, %get3A_352] {strides = array<i32>} : memref<4x128x16xf32, #tpu.memory_space<vmem>>, vector<16xf32>,
        %slice3A_354 = vector.extract_strided_slice %mul3A_257 {offsets = [5], sizes = [1], strides = [1]} : vector<16xf32> to vector<1xf32>
        %squeeze3A_355 = vector.extract %slice3A_354[0] : f32 from vector<1xf32>
        %mul3A_356 = vector.broadcast %squeeze3A_355 : f32 to vector<16xf32>
        %mul3A_357 = arith.mulf %get3A_353, %mul3A_356 : vector<16xf32>
        %swap3A_358 = arith.constant 2 : i32
        %swap3A_359 = arith.index_cast %swap3A_358 : i32 to index
        %swap3A_360 = arith.index_cast %add3A_348 : i32 to index
        %swap3A_361 = arith.constant 0 : index
        %swap3A_362 = tpu.vector_load %arg12[%swap3A_359, %swap3A_360, %swap3A_361] {strides = array<i32>} : memref<4x128x16xf32, #tpu.memory_space<vmem>>, vector<16xf32>,
        tpu.vector_store %arg12[%swap3A_359, %swap3A_360, %swap3A_361], %mul3A_357 {strides = array<i32>} : memref<4x128x16xf32, #tpu.memory_space<vmem>>, vector<16xf32>,
        %mul3A_363 = arith.constant 16 : i32
        %mul3A_364 = arith.muli %scan3A_240, %mul3A_363 : i32
        %add3A_365 = arith.constant 6 : i32
        %add3A_366 = arith.addi %mul3A_364, %add3A_365 : i32
        %get3A_367 = arith.constant 2 : i32
        %get3A_368 = arith.index_cast %get3A_367 : i32 to index
        %get3A_369 = arith.index_cast %add3A_366 : i32 to index
        %get3A_370 = arith.constant 0 : index
        %get3A_371 = tpu.vector_load %arg12[%get3A_368, %get3A_369, %get3A_370] {strides = array<i32>} : memref<4x128x16xf32, #tpu.memory_space<vmem>>, vector<16xf32>,
        %slice3A_372 = vector.extract_strided_slice %mul3A_257 {offsets = [6], sizes = [1], strides = [1]} : vector<16xf32> to vector<1xf32>
        %squeeze3A_373 = vector.extract %slice3A_372[0] : f32 from vector<1xf32>
        %mul3A_374 = vector.broadcast %squeeze3A_373 : f32 to vector<16xf32>
        %mul3A_375 = arith.mulf %get3A_371, %mul3A_374 : vector<16xf32>
        %swap3A_376 = arith.constant 2 : i32
        %swap3A_377 = arith.index_cast %swap3A_376 : i32 to index
        %swap3A_378 = arith.index_cast %add3A_366 : i32 to index
        %swap3A_379 = arith.constant 0 : index
        %swap3A_380 = tpu.vector_load %arg12[%swap3A_377, %swap3A_378, %swap3A_379] {strides = array<i32>} : memref<4x128x16xf32, #tpu.memory_space<vmem>>, vector<16xf32>,
        tpu.vector_store %arg12[%swap3A_377, %swap3A_378, %swap3A_379], %mul3A_375 {strides = array<i32>} : memref<4x128x16xf32, #tpu.memory_space<vmem>>, vector<16xf32>,
        %mul3A_381 = arith.constant 16 : i32
        %mul3A_382 = arith.muli %scan3A_240, %mul3A_381 : i32
        %add3A_383 = arith.constant 7 : i32
        %add3A_384 = arith.addi %mul3A_382, %add3A_383 : i32
        %get3A_385 = arith.constant 2 : i32
        %get3A_386 = arith.index_cast %get3A_385 : i32 to index
        %get3A_387 = arith.index_cast %add3A_384 : i32 to index
        %get3A_388 = arith.constant 0 : index
        %get3A_389 = tpu.vector_load %arg12[%get3A_386, %get3A_387, %get3A_388] {strides = array<i32>} : memref<4x128x16xf32, #tpu.memory_space<vmem>>, vector<16xf32>,
        %slice3A_390 = vector.extract_strided_slice %mul3A_257 {offsets = [7], sizes = [1], strides = [1]} : vector<16xf32> to vector<1xf32>
        %squeeze3A_391 = vector.extract %slice3A_390[0] : f32 from vector<1xf32>
        %mul3A_392 = vector.broadcast %squeeze3A_391 : f32 to vector<16xf32>
        %mul3A_393 = arith.mulf %get3A_389, %mul3A_392 : vector<16xf32>
        %swap3A_394 = arith.constant 2 : i32
        %swap3A_395 = arith.index_cast %swap3A_394 : i32 to index
        %swap3A_396 = arith.index_cast %add3A_384 : i32 to index
        %swap3A_397 = arith.constant 0 : index
        %swap3A_398 = tpu.vector_load %arg12[%swap3A_395, %swap3A_396, %swap3A_397] {strides = array<i32>} : memref<4x128x16xf32, #tpu.memory_space<vmem>>, vector<16xf32>,
        tpu.vector_store %arg12[%swap3A_395, %swap3A_396, %swap3A_397], %mul3A_393 {strides = array<i32>} : memref<4x128x16xf32, #tpu.memory_space<vmem>>, vector<16xf32>,
        %mul3A_399 = arith.constant 16 : i32
        %mul3A_400 = arith.muli %scan3A_240, %mul3A_399 : i32
        %add3A_401 = arith.constant 8 : i32
        %add3A_402 = arith.addi %mul3A_400, %add3A_401 : i32
        %get3A_403 = arith.constant 2 : i32
        %get3A_404 = arith.index_cast %get3A_403 : i32 to index
        %get3A_405 = arith.index_cast %add3A_402 : i32 to index
        %get3A_406 = arith.constant 0 : index
        %get3A_407 = tpu.vector_load %arg12[%get3A_404, %get3A_405, %get3A_406] {strides = array<i32>} : memref<4x128x16xf32, #tpu.memory_space<vmem>>, vector<16xf32>,
        %slice3A_408 = vector.extract_strided_slice %mul3A_257 {offsets = [8], sizes = [1], strides = [1]} : vector<16xf32> to vector<1xf32>
        %squeeze3A_409 = vector.extract %slice3A_408[0] : f32 from vector<1xf32>
        %mul3A_410 = vector.broadcast %squeeze3A_409 : f32 to vector<16xf32>
        %mul3A_411 = arith.mulf %get3A_407, %mul3A_410 : vector<16xf32>
        %swap3A_412 = arith.constant 2 : i32
        %swap3A_413 = arith.index_cast %swap3A_412 : i32 to index
        %swap3A_414 = arith.index_cast %add3A_402 : i32 to index
        %swap3A_415 = arith.constant 0 : index
        %swap3A_416 = tpu.vector_load %arg12[%swap3A_413, %swap3A_414, %swap3A_415] {strides = array<i32>} : memref<4x128x16xf32, #tpu.memory_space<vmem>>, vector<16xf32>,
        tpu.vector_store %arg12[%swap3A_413, %swap3A_414, %swap3A_415], %mul3A_411 {strides = array<i32>} : memref<4x128x16xf32, #tpu.memory_space<vmem>>, vector<16xf32>,
        %mul3A_417 = arith.constant 16 : i32
        %mul3A_418 = arith.muli %scan3A_240, %mul3A_417 : i32
        %add3A_419 = arith.constant 9 : i32
        %add3A_420 = arith.addi %mul3A_418, %add3A_419 : i32
        %get3A_421 = arith.constant 2 : i32
        %get3A_422 = arith.index_cast %get3A_421 : i32 to index
        %get3A_423 = arith.index_cast %add3A_420 : i32 to index
        %get3A_424 = arith.constant 0 : index
        %get3A_425 = tpu.vector_load %arg12[%get3A_422, %get3A_423, %get3A_424] {strides = array<i32>} : memref<4x128x16xf32, #tpu.memory_space<vmem>>, vector<16xf32>,
        %slice3A_426 = vector.extract_strided_slice %mul3A_257 {offsets = [9], sizes = [1], strides = [1]} : vector<16xf32> to vector<1xf32>
        %squeeze3A_427 = vector.extract %slice3A_426[0] : f32 from vector<1xf32>
        %mul3A_428 = vector.broadcast %squeeze3A_427 : f32 to vector<16xf32>
        %mul3A_429 = arith.mulf %get3A_425, %mul3A_428 : vector<16xf32>
        %swap3A_430 = arith.constant 2 : i32
        %swap3A_431 = arith.index_cast %swap3A_430 : i32 to index
        %swap3A_432 = arith.index_cast %add3A_420 : i32 to index
        %swap3A_433 = arith.constant 0 : index
        %swap3A_434 = tpu.vector_load %arg12[%swap3A_431, %swap3A_432, %swap3A_433] {strides = array<i32>} : memref<4x128x16xf32, #tpu.memory_space<vmem>>, vector<16xf32>,
        tpu.vector_store %arg12[%swap3A_431, %swap3A_432, %swap3A_433], %mul3A_429 {strides = array<i32>} : memref<4x128x16xf32, #tpu.memory_space<vmem>>, vector<16xf32>,
        %mul3A_435 = arith.constant 16 : i32
        %mul3A_436 = arith.muli %scan3A_240, %mul3A_435 : i32
        %add3A_437 = arith.constant 10 : i32
        %add3A_438 = arith.addi %mul3A_436, %add3A_437 : i32
        %get3A_439 = arith.constant 2 : i32
        %get3A_440 = arith.index_cast %get3A_439 : i32 to index
        %get3A_441 = arith.index_cast %add3A_438 : i32 to index
        %get3A_442 = arith.constant 0 : index
        %get3A_443 = tpu.vector_load %arg12[%get3A_440, %get3A_441, %get3A_442] {strides = array<i32>} : memref<4x128x16xf32, #tpu.memory_space<vmem>>, vector<16xf32>,
        %slice3A_444 = vector.extract_strided_slice %mul3A_257 {offsets = [10], sizes = [1], strides = [1]} : vector<16xf32> to vector<1xf32>
        %squeeze3A_445 = vector.extract %slice3A_444[0] : f32 from vector<1xf32>
        %mul3A_446 = vector.broadcast %squeeze3A_445 : f32 to vector<16xf32>
        %mul3A_447 = arith.mulf %get3A_443, %mul3A_446 : vector<16xf32>
        %swap3A_448 = arith.constant 2 : i32
        %swap3A_449 = arith.index_cast %swap3A_448 : i32 to index
        %swap3A_450 = arith.index_cast %add3A_438 : i32 to index
        %swap3A_451 = arith.constant 0 : index
        %swap3A_452 = tpu.vector_load %arg12[%swap3A_449, %swap3A_450, %swap3A_451] {strides = array<i32>} : memref<4x128x16xf32, #tpu.memory_space<vmem>>, vector<16xf32>,
        tpu.vector_store %arg12[%swap3A_449, %swap3A_450, %swap3A_451], %mul3A_447 {strides = array<i32>} : memref<4x128x16xf32, #tpu.memory_space<vmem>>, vector<16xf32>,
        %mul3A_453 = arith.constant 16 : i32
        %mul3A_454 = arith.muli %scan3A_240, %mul3A_453 : i32
        %add3A_455 = arith.constant 11 : i32
        %add3A_456 = arith.addi %mul3A_454, %add3A_455 : i32
        %get3A_457 = arith.constant 2 : i32
        %get3A_458 = arith.index_cast %get3A_457 : i32 to index
        %get3A_459 = arith.index_cast %add3A_456 : i32 to index
        %get3A_460 = arith.constant 0 : index
        %get3A_461 = tpu.vector_load %arg12[%get3A_458, %get3A_459, %get3A_460] {strides = array<i32>} : memref<4x128x16xf32, #tpu.memory_space<vmem>>, vector<16xf32>,
        %slice3A_462 = vector.extract_strided_slice %mul3A_257 {offsets = [11], sizes = [1], strides = [1]} : vector<16xf32> to vector<1xf32>
        %squeeze3A_463 = vector.extract %slice3A_462[0] : f32 from vector<1xf32>
        %mul3A_464 = vector.broadcast %squeeze3A_463 : f32 to vector<16xf32>
        %mul3A_465 = arith.mulf %get3A_461, %mul3A_464 : vector<16xf32>
        %swap3A_466 = arith.constant 2 : i32
        %swap3A_467 = arith.index_cast %swap3A_466 : i32 to index
        %swap3A_468 = arith.index_cast %add3A_456 : i32 to index
        %swap3A_469 = arith.constant 0 : index
        %swap3A_470 = tpu.vector_load %arg12[%swap3A_467, %swap3A_468, %swap3A_469] {strides = array<i32>} : memref<4x128x16xf32, #tpu.memory_space<vmem>>, vector<16xf32>,
        tpu.vector_store %arg12[%swap3A_467, %swap3A_468, %swap3A_469], %mul3A_465 {strides = array<i32>} : memref<4x128x16xf32, #tpu.memory_space<vmem>>, vector<16xf32>,
        %mul3A_471 = arith.constant 16 : i32
        %mul3A_472 = arith.muli %scan3A_240, %mul3A_471 : i32
        %add3A_473 = arith.constant 12 : i32
        %add3A_474 = arith.addi %mul3A_472, %add3A_473 : i32
        %get3A_475 = arith.constant 2 : i32
        %get3A_476 = arith.index_cast %get3A_475 : i32 to index
        %get3A_477 = arith.index_cast %add3A_474 : i32 to index
        %get3A_478 = arith.constant 0 : index
        %get3A_479 = tpu.vector_load %arg12[%get3A_476, %get3A_477, %get3A_478] {strides = array<i32>} : memref<4x128x16xf32, #tpu.memory_space<vmem>>, vector<16xf32>,
        %slice3A_480 = vector.extract_strided_slice %mul3A_257 {offsets = [12], sizes = [1], strides = [1]} : vector<16xf32> to vector<1xf32>
        %squeeze3A_481 = vector.extract %slice3A_480[0] : f32 from vector<1xf32>
        %mul3A_482 = vector.broadcast %squeeze3A_481 : f32 to vector<16xf32>
        %mul3A_483 = arith.mulf %get3A_479, %mul3A_482 : vector<16xf32>
        %swap3A_484 = arith.constant 2 : i32
        %swap3A_485 = arith.index_cast %swap3A_484 : i32 to index
        %swap3A_486 = arith.index_cast %add3A_474 : i32 to index
        %swap3A_487 = arith.constant 0 : index
        %swap3A_488 = tpu.vector_load %arg12[%swap3A_485, %swap3A_486, %swap3A_487] {strides = array<i32>} : memref<4x128x16xf32, #tpu.memory_space<vmem>>, vector<16xf32>,
        tpu.vector_store %arg12[%swap3A_485, %swap3A_486, %swap3A_487], %mul3A_483 {strides = array<i32>} : memref<4x128x16xf32, #tpu.memory_space<vmem>>, vector<16xf32>,
        %mul3A_489 = arith.constant 16 : i32
        %mul3A_490 = arith.muli %scan3A_240, %mul3A_489 : i32
        %add3A_491 = arith.constant 13 : i32
        %add3A_492 = arith.addi %mul3A_490, %add3A_491 : i32
        %get3A_493 = arith.constant 2 : i32
        %get3A_494 = arith.index_cast %get3A_493 : i32 to index
        %get3A_495 = arith.index_cast %add3A_492 : i32 to index
        %get3A_496 = arith.constant 0 : index
        %get3A_497 = tpu.vector_load %arg12[%get3A_494, %get3A_495, %get3A_496] {strides = array<i32>} : memref<4x128x16xf32, #tpu.memory_space<vmem>>, vector<16xf32>,
        %slice3A_498 = vector.extract_strided_slice %mul3A_257 {offsets = [13], sizes = [1], strides = [1]} : vector<16xf32> to vector<1xf32>
        %squeeze3A_499 = vector.extract %slice3A_498[0] : f32 from vector<1xf32>
        %mul3A_500 = vector.broadcast %squeeze3A_499 : f32 to vector<16xf32>
        %mul3A_501 = arith.mulf %get3A_497, %mul3A_500 : vector<16xf32>
        %swap3A_502 = arith.constant 2 : i32
        %swap3A_503 = arith.index_cast %swap3A_502 : i32 to index
        %swap3A_504 = arith.index_cast %add3A_492 : i32 to index
        %swap3A_505 = arith.constant 0 : index
        %swap3A_506 = tpu.vector_load %arg12[%swap3A_503, %swap3A_504, %swap3A_505] {strides = array<i32>} : memref<4x128x16xf32, #tpu.memory_space<vmem>>, vector<16xf32>,
        tpu.vector_store %arg12[%swap3A_503, %swap3A_504, %swap3A_505], %mul3A_501 {strides = array<i32>} : memref<4x128x16xf32, #tpu.memory_space<vmem>>, vector<16xf32>,
        %mul3A_507 = arith.constant 16 : i32
        %mul3A_508 = arith.muli %scan3A_240, %mul3A_507 : i32
        %add3A_509 = arith.constant 14 : i32
        %add3A_510 = arith.addi %mul3A_508, %add3A_509 : i32
        %get3A_511 = arith.constant 2 : i32
        %get3A_512 = arith.index_cast %get3A_511 : i32 to index
        %get3A_513 = arith.index_cast %add3A_510 : i32 to index
        %get3A_514 = arith.constant 0 : index
        %get3A_515 = tpu.vector_load %arg12[%get3A_512, %get3A_513, %get3A_514] {strides = array<i32>} : memref<4x128x16xf32, #tpu.memory_space<vmem>>, vector<16xf32>,
        %slice3A_516 = vector.extract_strided_slice %mul3A_257 {offsets = [14], sizes = [1], strides = [1]} : vector<16xf32> to vector<1xf32>
        %squeeze3A_517 = vector.extract %slice3A_516[0] : f32 from vector<1xf32>
        %mul3A_518 = vector.broadcast %squeeze3A_517 : f32 to vector<16xf32>
        %mul3A_519 = arith.mulf %get3A_515, %mul3A_518 : vector<16xf32>
        %swap3A_520 = arith.constant 2 : i32
        %swap3A_521 = arith.index_cast %swap3A_520 : i32 to index
        %swap3A_522 = arith.index_cast %add3A_510 : i32 to index
        %swap3A_523 = arith.constant 0 : index
        %swap3A_524 = tpu.vector_load %arg12[%swap3A_521, %swap3A_522, %swap3A_523] {strides = array<i32>} : memref<4x128x16xf32, #tpu.memory_space<vmem>>, vector<16xf32>,
        tpu.vector_store %arg12[%swap3A_521, %swap3A_522, %swap3A_523], %mul3A_519 {strides = array<i32>} : memref<4x128x16xf32, #tpu.memory_space<vmem>>, vector<16xf32>,
        %mul3A_525 = arith.constant 16 : i32
        %mul3A_526 = arith.muli %scan3A_240, %mul3A_525 : i32
        %add3A_527 = arith.constant 15 : i32
        %add3A_528 = arith.addi %mul3A_526, %add3A_527 : i32
        %get3A_529 = arith.constant 2 : i32
        %get3A_530 = arith.index_cast %get3A_529 : i32 to index
        %get3A_531 = arith.index_cast %add3A_528 : i32 to index
        %get3A_532 = arith.constant 0 : index
        %get3A_533 = tpu.vector_load %arg12[%get3A_530, %get3A_531, %get3A_532] {strides = array<i32>} : memref<4x128x16xf32, #tpu.memory_space<vmem>>, vector<16xf32>,
        %slice3A_534 = vector.extract_strided_slice %mul3A_257 {offsets = [15], sizes = [1], strides = [1]} : vector<16xf32> to vector<1xf32>
        %squeeze3A_535 = vector.extract %slice3A_534[0] : f32 from vector<1xf32>
        %mul3A_536 = vector.broadcast %squeeze3A_535 : f32 to vector<16xf32>
        %mul3A_537 = arith.mulf %get3A_533, %mul3A_536 : vector<16xf32>
        %swap3A_538 = arith.constant 2 : i32
        %swap3A_539 = arith.index_cast %swap3A_538 : i32 to index
        %swap3A_540 = arith.index_cast %add3A_528 : i32 to index
        %swap3A_541 = arith.constant 0 : index
        %swap3A_542 = tpu.vector_load %arg12[%swap3A_539, %swap3A_540, %swap3A_541] {strides = array<i32>} : memref<4x128x16xf32, #tpu.memory_space<vmem>>, vector<16xf32>,
        tpu.vector_store %arg12[%swap3A_539, %swap3A_540, %swap3A_541], %mul3A_537 {strides = array<i32>} : memref<4x128x16xf32, #tpu.memory_space<vmem>>, vector<16xf32>,
      }
      %scan3A_154 = arith.constant 8 : i32
      %dma_start3A_155 = arith.constant 2 : i32
      %dma_start3A_156 = arith.constant 0 : i32
      %dma_start3A_157 = arith.constant 0 : i32
      %dma_start3A_158 = tpu.memref_slice %arg12[%dma_start3A_155, %dma_start3A_156, %dma_start3A_157] : memref<4x128x16xf32, #tpu.memory_space<vmem>> -> memref<1x128x16xf32, #tpu.memory_space<vmem>>
      %dma_start3A_159 = tpu.memref_squeeze %dma_start3A_158 : memref<1x128x16xf32, #tpu.memory_space<vmem>> -> memref<128x16xf32, #tpu.memory_space<vmem>>
      %dma_start3A_160 = arith.constant 0 : i32
      %dma_start3A_161 = tpu.memref_slice %arg9[%add3A_137, %dma_start3A_160] : memref<84x128xi32, #tpu.memory_space<vmem>> -> memref<1x128xi32, #tpu.memory_space<vmem>>
      %dma_start3A_162 = tpu.memref_squeeze %dma_start3A_161 : memref<1x128xi32, #tpu.memory_space<vmem>> -> memref<128xi32, #tpu.memory_space<vmem>>
      %dma_start3A_163 = arith.constant 0 : i32
      %dma_start3A_164 = arith.constant 0 : i32
      %dma_start3A_165 = tpu.memref_slice %arg13[%dma_start3A_163, %dma_start3A_164] : memref<10240x16xf32, #tpu.memory_space<vmem_shared>> -> memref<10240x16xf32, #tpu.memory_space<vmem_shared>>
      tpu.enqueue_indirect_dma source(%dma_start3A_159 : memref<128x16xf32, #tpu.memory_space<vmem>>) target(%dma_start3A_165 : memref<10240x16xf32, #tpu.memory_space<vmem_shared>>) offsets(%dma_start3A_162 : memref<128xi32, #tpu.memory_space<vmem>>) semaphore(%arg18 : memref<!tpu.dma_semaphore, #tpu.memory_space<semaphore_mem>>) {add = true}
      %add3A_166 = arith.constant 3 : i32
      %add3A_167 = arith.addi %mul3A_25, %add3A_166 : i32
      %dma_wait3A_168 = arith.constant 3 : i32
      %dma_wait3A_169 = arith.constant 0 : i32
      %dma_wait3A_170 = arith.constant 0 : i32
      %dma_wait3A_171 = tpu.memref_slice %arg12[%dma_wait3A_168, %dma_wait3A_169, %dma_wait3A_170] : memref<4x128x16xf32, #tpu.memory_space<vmem>> -> memref<1x128x16xf32, #tpu.memory_space<vmem>>
      %dma_wait3A_172 = tpu.memref_squeeze %dma_wait3A_171 : memref<1x128x16xf32, #tpu.memory_space<vmem>> -> memref<128x16xf32, #tpu.memory_space<vmem>>
      %dma_wait3A_173 = arith.constant 0 : i32
      %dma_wait3A_174 = tpu.memref_slice %arg8[%add3A_65, %dma_wait3A_173] : memref<84x128xi32, #tpu.memory_space<vmem>> -> memref<1x128xi32, #tpu.memory_space<vmem>>
      %dma_wait3A_175 = tpu.memref_squeeze %dma_wait3A_174 : memref<1x128xi32, #tpu.memory_space<vmem>> -> memref<128xi32, #tpu.memory_space<vmem>>
      %dma_wait3A_176 = arith.constant 0 : i32
      %dma_wait3A_177 = arith.constant 0 : i32
      %dma_wait3A_178 = tpu.memref_slice %arg2[%dma_wait3A_176, %dma_wait3A_177] : memref<10240x16xf32, #tpu.memory_space<hbm>> -> memref<10240x16xf32, #tpu.memory_space<hbm>>
      tpu.wait_indirect_dma semaphore(%arg17 : memref<!tpu.dma_semaphore, #tpu.memory_space<semaphore_mem>>) src(%dma_wait3A_178 : memref<10240x16xf32, #tpu.memory_space<hbm>>) dst(%dma_wait3A_172 : memref<128x16xf32, #tpu.memory_space<vmem>>)
      %scan3A_179 = arith.constant 0 : i32
      %scan3A_180 = arith.constant 0 : i32
      %scan3A_181 = arith.constant 8 : i32
      %scan3A_182 = arith.addi %scan3A_180, %scan3A_181 : i32
      %scan3A_183 = arith.constant 1 : i32
      scf.for %scan3A_240 = %scan3A_180 to %scan3A_182 step %scan3A_183  : i32 {
        %mul3A_241 = arith.constant 16 : i32
        %mul3A_242 = arith.muli %scan3A_240, %mul3A_241 : i32
        %get3A = arith.index_cast %add3A_167 : i32 to index
        %get3A_243 = arith.index_cast %mul3A_242 : i32 to index
        %get3A_244 = tpu.vector_load %arg10[%get3A, %get3A_243] {strides = array<i32>} : memref<84x128xf32, #tpu.memory_space<vmem>>, vector<16xf32>,
        %mul3A_245 = arith.constant 16 : i32
        %mul3A_246 = arith.muli %scan3A_240, %mul3A_245 : i32
        %get3A_247 = arith.index_cast %add3A_167 : i32 to index
        %get3A_248 = arith.index_cast %mul3A_246 : i32 to index
        %get3A_249 = tpu.vector_load %arg8[%get3A_247, %get3A_248] {strides = array<i32>} : memref<84x128xi32, #tpu.memory_space<vmem>>, vector<16xi32>,
        %mul3A_250 = arith.constant 16 : i32
        %mul3A_251 = arith.muli %scan3A_240, %mul3A_250 : i32
        %get3A_252 = arith.index_cast %add3A_167 : i32 to index
        %get3A_253 = arith.index_cast %mul3A_251 : i32 to index
        %get3A_254 = tpu.vector_load %arg9[%get3A_252, %get3A_253] {strides = array<i32>} : memref<84x128xi32, #tpu.memory_space<vmem>>, vector<16xi32>,
        %gather3A = tpu.vector_load_idx %arg11[%get3A_249] : memref<10240xf32, #tpu.memory_space<vmem>>[vector<16xi32>], vector<16xf32>,
        %mul3A_255 = arith.mulf %gather3A, %get3A_244 : vector<16xf32>
        %gather3A_256 = tpu.vector_load_idx %arg11[%get3A_254] : memref<10240xf32, #tpu.memory_space<vmem>>[vector<16xi32>], vector<16xf32>,
        %mul3A_257 = arith.mulf %mul3A_255, %gather3A_256 : vector<16xf32>
        %mul3A_258 = arith.constant 16 : i32
        %mul3A_259 = arith.muli %scan3A_240, %mul3A_258 : i32
        %add3A_260 = arith.constant 0 : i32
        %add3A_261 = arith.addi %mul3A_259, %add3A_260 : i32
        %get3A_262 = arith.constant 3 : i32
        %get3A_263 = arith.index_cast %get3A_262 : i32 to index
        %get3A_264 = arith.index_cast %add3A_261 : i32 to index
        %get3A_265 = arith.constant 0 : index
        %get3A_266 = tpu.vector_load %arg12[%get3A_263, %get3A_264, %get3A_265] {strides = array<i32>} : memref<4x128x16xf32, #tpu.memory_space<vmem>>, vector<16xf32>,
        %slice3A = vector.extract_strided_slice %mul3A_257 {offsets = [0], sizes = [1], strides = [1]} : vector<16xf32> to vector<1xf32>
        %squeeze3A = vector.extract %slice3A[0] : f32 from vector<1xf32>
        %mul3A_267 = vector.broadcast %squeeze3A : f32 to vector<16xf32>
        %mul3A_268 = arith.mulf %get3A_266, %mul3A_267 : vector<16xf32>
        %swap3A = arith.constant 3 : i32
        %swap3A_269 = arith.index_cast %swap3A : i32 to index
        %swap3A_270 = arith.index_cast %add3A_261 : i32 to index
        %swap3A_271 = arith.constant 0 : index
        %swap3A_272 = tpu.vector_load %arg12[%swap3A_269, %swap3A_270, %swap3A_271] {strides = array<i32>} : memref<4x128x16xf32, #tpu.memory_space<vmem>>, vector<16xf32>,
        tpu.vector_store %arg12[%swap3A_269, %swap3A_270, %swap3A_271], %mul3A_268 {strides = array<i32>} : memref<4x128x16xf32, #tpu.memory_space<vmem>>, vector<16xf32>,
        %mul3A_273 = arith.constant 16 : i32
        %mul3A_274 = arith.muli %scan3A_240, %mul3A_273 : i32
        %add3A_275 = arith.constant 1 : i32
        %add3A_276 = arith.addi %mul3A_274, %add3A_275 : i32
        %get3A_277 = arith.constant 3 : i32
        %get3A_278 = arith.index_cast %get3A_277 : i32 to index
        %get3A_279 = arith.index_cast %add3A_276 : i32 to index
        %get3A_280 = arith.constant 0 : index
        %get3A_281 = tpu.vector_load %arg12[%get3A_278, %get3A_279, %get3A_280] {strides = array<i32>} : memref<4x128x16xf32, #tpu.memory_space<vmem>>, vector<16xf32>,
        %slice3A_282 = vector.extract_strided_slice %mul3A_257 {offsets = [1], sizes = [1], strides = [1]} : vector<16xf32> to vector<1xf32>
        %squeeze3A_283 = vector.extract %slice3A_282[0] : f32 from vector<1xf32>
        %mul3A_284 = vector.broadcast %squeeze3A_283 : f32 to vector<16xf32>
        %mul3A_285 = arith.mulf %get3A_281, %mul3A_284 : vector<16xf32>
        %swap3A_286 = arith.constant 3 : i32
        %swap3A_287 = arith.index_cast %swap3A_286 : i32 to index
        %swap3A_288 = arith.index_cast %add3A_276 : i32 to index
        %swap3A_289 = arith.constant 0 : index
        %swap3A_290 = tpu.vector_load %arg12[%swap3A_287, %swap3A_288, %swap3A_289] {strides = array<i32>} : memref<4x128x16xf32, #tpu.memory_space<vmem>>, vector<16xf32>,
        tpu.vector_store %arg12[%swap3A_287, %swap3A_288, %swap3A_289], %mul3A_285 {strides = array<i32>} : memref<4x128x16xf32, #tpu.memory_space<vmem>>, vector<16xf32>,
        %mul3A_291 = arith.constant 16 : i32
        %mul3A_292 = arith.muli %scan3A_240, %mul3A_291 : i32
        %add3A_293 = arith.constant 2 : i32
        %add3A_294 = arith.addi %mul3A_292, %add3A_293 : i32
        %get3A_295 = arith.constant 3 : i32
        %get3A_296 = arith.index_cast %get3A_295 : i32 to index
        %get3A_297 = arith.index_cast %add3A_294 : i32 to index
        %get3A_298 = arith.constant 0 : index
        %get3A_299 = tpu.vector_load %arg12[%get3A_296, %get3A_297, %get3A_298] {strides = array<i32>} : memref<4x128x16xf32, #tpu.memory_space<vmem>>, vector<16xf32>,
        %slice3A_300 = vector.extract_strided_slice %mul3A_257 {offsets = [2], sizes = [1], strides = [1]} : vector<16xf32> to vector<1xf32>
        %squeeze3A_301 = vector.extract %slice3A_300[0] : f32 from vector<1xf32>
        %mul3A_302 = vector.broadcast %squeeze3A_301 : f32 to vector<16xf32>
        %mul3A_303 = arith.mulf %get3A_299, %mul3A_302 : vector<16xf32>
        %swap3A_304 = arith.constant 3 : i32
        %swap3A_305 = arith.index_cast %swap3A_304 : i32 to index
        %swap3A_306 = arith.index_cast %add3A_294 : i32 to index
        %swap3A_307 = arith.constant 0 : index
        %swap3A_308 = tpu.vector_load %arg12[%swap3A_305, %swap3A_306, %swap3A_307] {strides = array<i32>} : memref<4x128x16xf32, #tpu.memory_space<vmem>>, vector<16xf32>,
        tpu.vector_store %arg12[%swap3A_305, %swap3A_306, %swap3A_307], %mul3A_303 {strides = array<i32>} : memref<4x128x16xf32, #tpu.memory_space<vmem>>, vector<16xf32>,
        %mul3A_309 = arith.constant 16 : i32
        %mul3A_310 = arith.muli %scan3A_240, %mul3A_309 : i32
        %add3A_311 = arith.constant 3 : i32
        %add3A_312 = arith.addi %mul3A_310, %add3A_311 : i32
        %get3A_313 = arith.constant 3 : i32
        %get3A_314 = arith.index_cast %get3A_313 : i32 to index
        %get3A_315 = arith.index_cast %add3A_312 : i32 to index
        %get3A_316 = arith.constant 0 : index
        %get3A_317 = tpu.vector_load %arg12[%get3A_314, %get3A_315, %get3A_316] {strides = array<i32>} : memref<4x128x16xf32, #tpu.memory_space<vmem>>, vector<16xf32>,
        %slice3A_318 = vector.extract_strided_slice %mul3A_257 {offsets = [3], sizes = [1], strides = [1]} : vector<16xf32> to vector<1xf32>
        %squeeze3A_319 = vector.extract %slice3A_318[0] : f32 from vector<1xf32>
        %mul3A_320 = vector.broadcast %squeeze3A_319 : f32 to vector<16xf32>
        %mul3A_321 = arith.mulf %get3A_317, %mul3A_320 : vector<16xf32>
        %swap3A_322 = arith.constant 3 : i32
        %swap3A_323 = arith.index_cast %swap3A_322 : i32 to index
        %swap3A_324 = arith.index_cast %add3A_312 : i32 to index
        %swap3A_325 = arith.constant 0 : index
        %swap3A_326 = tpu.vector_load %arg12[%swap3A_323, %swap3A_324, %swap3A_325] {strides = array<i32>} : memref<4x128x16xf32, #tpu.memory_space<vmem>>, vector<16xf32>,
        tpu.vector_store %arg12[%swap3A_323, %swap3A_324, %swap3A_325], %mul3A_321 {strides = array<i32>} : memref<4x128x16xf32, #tpu.memory_space<vmem>>, vector<16xf32>,
        %mul3A_327 = arith.constant 16 : i32
        %mul3A_328 = arith.muli %scan3A_240, %mul3A_327 : i32
        %add3A_329 = arith.constant 4 : i32
        %add3A_330 = arith.addi %mul3A_328, %add3A_329 : i32
        %get3A_331 = arith.constant 3 : i32
        %get3A_332 = arith.index_cast %get3A_331 : i32 to index
        %get3A_333 = arith.index_cast %add3A_330 : i32 to index
        %get3A_334 = arith.constant 0 : index
        %get3A_335 = tpu.vector_load %arg12[%get3A_332, %get3A_333, %get3A_334] {strides = array<i32>} : memref<4x128x16xf32, #tpu.memory_space<vmem>>, vector<16xf32>,
        %slice3A_336 = vector.extract_strided_slice %mul3A_257 {offsets = [4], sizes = [1], strides = [1]} : vector<16xf32> to vector<1xf32>
        %squeeze3A_337 = vector.extract %slice3A_336[0] : f32 from vector<1xf32>
        %mul3A_338 = vector.broadcast %squeeze3A_337 : f32 to vector<16xf32>
        %mul3A_339 = arith.mulf %get3A_335, %mul3A_338 : vector<16xf32>
        %swap3A_340 = arith.constant 3 : i32
        %swap3A_341 = arith.index_cast %swap3A_340 : i32 to index
        %swap3A_342 = arith.index_cast %add3A_330 : i32 to index
        %swap3A_343 = arith.constant 0 : index
        %swap3A_344 = tpu.vector_load %arg12[%swap3A_341, %swap3A_342, %swap3A_343] {strides = array<i32>} : memref<4x128x16xf32, #tpu.memory_space<vmem>>, vector<16xf32>,
        tpu.vector_store %arg12[%swap3A_341, %swap3A_342, %swap3A_343], %mul3A_339 {strides = array<i32>} : memref<4x128x16xf32, #tpu.memory_space<vmem>>, vector<16xf32>,
        %mul3A_345 = arith.constant 16 : i32
        %mul3A_346 = arith.muli %scan3A_240, %mul3A_345 : i32
        %add3A_347 = arith.constant 5 : i32
        %add3A_348 = arith.addi %mul3A_346, %add3A_347 : i32
        %get3A_349 = arith.constant 3 : i32
        %get3A_350 = arith.index_cast %get3A_349 : i32 to index
        %get3A_351 = arith.index_cast %add3A_348 : i32 to index
        %get3A_352 = arith.constant 0 : index
        %get3A_353 = tpu.vector_load %arg12[%get3A_350, %get3A_351, %get3A_352] {strides = array<i32>} : memref<4x128x16xf32, #tpu.memory_space<vmem>>, vector<16xf32>,
        %slice3A_354 = vector.extract_strided_slice %mul3A_257 {offsets = [5], sizes = [1], strides = [1]} : vector<16xf32> to vector<1xf32>
        %squeeze3A_355 = vector.extract %slice3A_354[0] : f32 from vector<1xf32>
        %mul3A_356 = vector.broadcast %squeeze3A_355 : f32 to vector<16xf32>
        %mul3A_357 = arith.mulf %get3A_353, %mul3A_356 : vector<16xf32>
        %swap3A_358 = arith.constant 3 : i32
        %swap3A_359 = arith.index_cast %swap3A_358 : i32 to index
        %swap3A_360 = arith.index_cast %add3A_348 : i32 to index
        %swap3A_361 = arith.constant 0 : index
        %swap3A_362 = tpu.vector_load %arg12[%swap3A_359, %swap3A_360, %swap3A_361] {strides = array<i32>} : memref<4x128x16xf32, #tpu.memory_space<vmem>>, vector<16xf32>,
        tpu.vector_store %arg12[%swap3A_359, %swap3A_360, %swap3A_361], %mul3A_357 {strides = array<i32>} : memref<4x128x16xf32, #tpu.memory_space<vmem>>, vector<16xf32>,
        %mul3A_363 = arith.constant 16 : i32
        %mul3A_364 = arith.muli %scan3A_240, %mul3A_363 : i32
        %add3A_365 = arith.constant 6 : i32
        %add3A_366 = arith.addi %mul3A_364, %add3A_365 : i32
        %get3A_367 = arith.constant 3 : i32
        %get3A_368 = arith.index_cast %get3A_367 : i32 to index
        %get3A_369 = arith.index_cast %add3A_366 : i32 to index
        %get3A_370 = arith.constant 0 : index
        %get3A_371 = tpu.vector_load %arg12[%get3A_368, %get3A_369, %get3A_370] {strides = array<i32>} : memref<4x128x16xf32, #tpu.memory_space<vmem>>, vector<16xf32>,
        %slice3A_372 = vector.extract_strided_slice %mul3A_257 {offsets = [6], sizes = [1], strides = [1]} : vector<16xf32> to vector<1xf32>
        %squeeze3A_373 = vector.extract %slice3A_372[0] : f32 from vector<1xf32>
        %mul3A_374 = vector.broadcast %squeeze3A_373 : f32 to vector<16xf32>
        %mul3A_375 = arith.mulf %get3A_371, %mul3A_374 : vector<16xf32>
        %swap3A_376 = arith.constant 3 : i32
        %swap3A_377 = arith.index_cast %swap3A_376 : i32 to index
        %swap3A_378 = arith.index_cast %add3A_366 : i32 to index
        %swap3A_379 = arith.constant 0 : index
        %swap3A_380 = tpu.vector_load %arg12[%swap3A_377, %swap3A_378, %swap3A_379] {strides = array<i32>} : memref<4x128x16xf32, #tpu.memory_space<vmem>>, vector<16xf32>,
        tpu.vector_store %arg12[%swap3A_377, %swap3A_378, %swap3A_379], %mul3A_375 {strides = array<i32>} : memref<4x128x16xf32, #tpu.memory_space<vmem>>, vector<16xf32>,
        %mul3A_381 = arith.constant 16 : i32
        %mul3A_382 = arith.muli %scan3A_240, %mul3A_381 : i32
        %add3A_383 = arith.constant 7 : i32
        %add3A_384 = arith.addi %mul3A_382, %add3A_383 : i32
        %get3A_385 = arith.constant 3 : i32
        %get3A_386 = arith.index_cast %get3A_385 : i32 to index
        %get3A_387 = arith.index_cast %add3A_384 : i32 to index
        %get3A_388 = arith.constant 0 : index
        %get3A_389 = tpu.vector_load %arg12[%get3A_386, %get3A_387, %get3A_388] {strides = array<i32>} : memref<4x128x16xf32, #tpu.memory_space<vmem>>, vector<16xf32>,
        %slice3A_390 = vector.extract_strided_slice %mul3A_257 {offsets = [7], sizes = [1], strides = [1]} : vector<16xf32> to vector<1xf32>
        %squeeze3A_391 = vector.extract %slice3A_390[0] : f32 from vector<1xf32>
        %mul3A_392 = vector.broadcast %squeeze3A_391 : f32 to vector<16xf32>
        %mul3A_393 = arith.mulf %get3A_389, %mul3A_392 : vector<16xf32>
        %swap3A_394 = arith.constant 3 : i32
        %swap3A_395 = arith.index_cast %swap3A_394 : i32 to index
        %swap3A_396 = arith.index_cast %add3A_384 : i32 to index
        %swap3A_397 = arith.constant 0 : index
        %swap3A_398 = tpu.vector_load %arg12[%swap3A_395, %swap3A_396, %swap3A_397] {strides = array<i32>} : memref<4x128x16xf32, #tpu.memory_space<vmem>>, vector<16xf32>,
        tpu.vector_store %arg12[%swap3A_395, %swap3A_396, %swap3A_397], %mul3A_393 {strides = array<i32>} : memref<4x128x16xf32, #tpu.memory_space<vmem>>, vector<16xf32>,
        %mul3A_399 = arith.constant 16 : i32
        %mul3A_400 = arith.muli %scan3A_240, %mul3A_399 : i32
        %add3A_401 = arith.constant 8 : i32
        %add3A_402 = arith.addi %mul3A_400, %add3A_401 : i32
        %get3A_403 = arith.constant 3 : i32
        %get3A_404 = arith.index_cast %get3A_403 : i32 to index
        %get3A_405 = arith.index_cast %add3A_402 : i32 to index
        %get3A_406 = arith.constant 0 : index
        %get3A_407 = tpu.vector_load %arg12[%get3A_404, %get3A_405, %get3A_406] {strides = array<i32>} : memref<4x128x16xf32, #tpu.memory_space<vmem>>, vector<16xf32>,
        %slice3A_408 = vector.extract_strided_slice %mul3A_257 {offsets = [8], sizes = [1], strides = [1]} : vector<16xf32> to vector<1xf32>
        %squeeze3A_409 = vector.extract %slice3A_408[0] : f32 from vector<1xf32>
        %mul3A_410 = vector.broadcast %squeeze3A_409 : f32 to vector<16xf32>
        %mul3A_411 = arith.mulf %get3A_407, %mul3A_410 : vector<16xf32>
        %swap3A_412 = arith.constant 3 : i32
        %swap3A_413 = arith.index_cast %swap3A_412 : i32 to index
        %swap3A_414 = arith.index_cast %add3A_402 : i32 to index
        %swap3A_415 = arith.constant 0 : index
        %swap3A_416 = tpu.vector_load %arg12[%swap3A_413, %swap3A_414, %swap3A_415] {strides = array<i32>} : memref<4x128x16xf32, #tpu.memory_space<vmem>>, vector<16xf32>,
        tpu.vector_store %arg12[%swap3A_413, %swap3A_414, %swap3A_415], %mul3A_411 {strides = array<i32>} : memref<4x128x16xf32, #tpu.memory_space<vmem>>, vector<16xf32>,
        %mul3A_417 = arith.constant 16 : i32
        %mul3A_418 = arith.muli %scan3A_240, %mul3A_417 : i32
        %add3A_419 = arith.constant 9 : i32
        %add3A_420 = arith.addi %mul3A_418, %add3A_419 : i32
        %get3A_421 = arith.constant 3 : i32
        %get3A_422 = arith.index_cast %get3A_421 : i32 to index
        %get3A_423 = arith.index_cast %add3A_420 : i32 to index
        %get3A_424 = arith.constant 0 : index
        %get3A_425 = tpu.vector_load %arg12[%get3A_422, %get3A_423, %get3A_424] {strides = array<i32>} : memref<4x128x16xf32, #tpu.memory_space<vmem>>, vector<16xf32>,
        %slice3A_426 = vector.extract_strided_slice %mul3A_257 {offsets = [9], sizes = [1], strides = [1]} : vector<16xf32> to vector<1xf32>
        %squeeze3A_427 = vector.extract %slice3A_426[0] : f32 from vector<1xf32>
        %mul3A_428 = vector.broadcast %squeeze3A_427 : f32 to vector<16xf32>
        %mul3A_429 = arith.mulf %get3A_425, %mul3A_428 : vector<16xf32>
        %swap3A_430 = arith.constant 3 : i32
        %swap3A_431 = arith.index_cast %swap3A_430 : i32 to index
        %swap3A_432 = arith.index_cast %add3A_420 : i32 to index
        %swap3A_433 = arith.constant 0 : index
        %swap3A_434 = tpu.vector_load %arg12[%swap3A_431, %swap3A_432, %swap3A_433] {strides = array<i32>} : memref<4x128x16xf32, #tpu.memory_space<vmem>>, vector<16xf32>,
        tpu.vector_store %arg12[%swap3A_431, %swap3A_432, %swap3A_433], %mul3A_429 {strides = array<i32>} : memref<4x128x16xf32, #tpu.memory_space<vmem>>, vector<16xf32>,
        %mul3A_435 = arith.constant 16 : i32
        %mul3A_436 = arith.muli %scan3A_240, %mul3A_435 : i32
        %add3A_437 = arith.constant 10 : i32
        %add3A_438 = arith.addi %mul3A_436, %add3A_437 : i32
        %get3A_439 = arith.constant 3 : i32
        %get3A_440 = arith.index_cast %get3A_439 : i32 to index
        %get3A_441 = arith.index_cast %add3A_438 : i32 to index
        %get3A_442 = arith.constant 0 : index
        %get3A_443 = tpu.vector_load %arg12[%get3A_440, %get3A_441, %get3A_442] {strides = array<i32>} : memref<4x128x16xf32, #tpu.memory_space<vmem>>, vector<16xf32>,
        %slice3A_444 = vector.extract_strided_slice %mul3A_257 {offsets = [10], sizes = [1], strides = [1]} : vector<16xf32> to vector<1xf32>
        %squeeze3A_445 = vector.extract %slice3A_444[0] : f32 from vector<1xf32>
        %mul3A_446 = vector.broadcast %squeeze3A_445 : f32 to vector<16xf32>
        %mul3A_447 = arith.mulf %get3A_443, %mul3A_446 : vector<16xf32>
        %swap3A_448 = arith.constant 3 : i32
        %swap3A_449 = arith.index_cast %swap3A_448 : i32 to index
        %swap3A_450 = arith.index_cast %add3A_438 : i32 to index
        %swap3A_451 = arith.constant 0 : index
        %swap3A_452 = tpu.vector_load %arg12[%swap3A_449, %swap3A_450, %swap3A_451] {strides = array<i32>} : memref<4x128x16xf32, #tpu.memory_space<vmem>>, vector<16xf32>,
        tpu.vector_store %arg12[%swap3A_449, %swap3A_450, %swap3A_451], %mul3A_447 {strides = array<i32>} : memref<4x128x16xf32, #tpu.memory_space<vmem>>, vector<16xf32>,
        %mul3A_453 = arith.constant 16 : i32
        %mul3A_454 = arith.muli %scan3A_240, %mul3A_453 : i32
        %add3A_455 = arith.constant 11 : i32
        %add3A_456 = arith.addi %mul3A_454, %add3A_455 : i32
        %get3A_457 = arith.constant 3 : i32
        %get3A_458 = arith.index_cast %get3A_457 : i32 to index
        %get3A_459 = arith.index_cast %add3A_456 : i32 to index
        %get3A_460 = arith.constant 0 : index
        %get3A_461 = tpu.vector_load %arg12[%get3A_458, %get3A_459, %get3A_460] {strides = array<i32>} : memref<4x128x16xf32, #tpu.memory_space<vmem>>, vector<16xf32>,
        %slice3A_462 = vector.extract_strided_slice %mul3A_257 {offsets = [11], sizes = [1], strides = [1]} : vector<16xf32> to vector<1xf32>
        %squeeze3A_463 = vector.extract %slice3A_462[0] : f32 from vector<1xf32>
        %mul3A_464 = vector.broadcast %squeeze3A_463 : f32 to vector<16xf32>
        %mul3A_465 = arith.mulf %get3A_461, %mul3A_464 : vector<16xf32>
        %swap3A_466 = arith.constant 3 : i32
        %swap3A_467 = arith.index_cast %swap3A_466 : i32 to index
        %swap3A_468 = arith.index_cast %add3A_456 : i32 to index
        %swap3A_469 = arith.constant 0 : index
        %swap3A_470 = tpu.vector_load %arg12[%swap3A_467, %swap3A_468, %swap3A_469] {strides = array<i32>} : memref<4x128x16xf32, #tpu.memory_space<vmem>>, vector<16xf32>,
        tpu.vector_store %arg12[%swap3A_467, %swap3A_468, %swap3A_469], %mul3A_465 {strides = array<i32>} : memref<4x128x16xf32, #tpu.memory_space<vmem>>, vector<16xf32>,
        %mul3A_471 = arith.constant 16 : i32
        %mul3A_472 = arith.muli %scan3A_240, %mul3A_471 : i32
        %add3A_473 = arith.constant 12 : i32
        %add3A_474 = arith.addi %mul3A_472, %add3A_473 : i32
        %get3A_475 = arith.constant 3 : i32
        %get3A_476 = arith.index_cast %get3A_475 : i32 to index
        %get3A_477 = arith.index_cast %add3A_474 : i32 to index
        %get3A_478 = arith.constant 0 : index
        %get3A_479 = tpu.vector_load %arg12[%get3A_476, %get3A_477, %get3A_478] {strides = array<i32>} : memref<4x128x16xf32, #tpu.memory_space<vmem>>, vector<16xf32>,
        %slice3A_480 = vector.extract_strided_slice %mul3A_257 {offsets = [12], sizes = [1], strides = [1]} : vector<16xf32> to vector<1xf32>
        %squeeze3A_481 = vector.extract %slice3A_480[0] : f32 from vector<1xf32>
        %mul3A_482 = vector.broadcast %squeeze3A_481 : f32 to vector<16xf32>
        %mul3A_483 = arith.mulf %get3A_479, %mul3A_482 : vector<16xf32>
        %swap3A_484 = arith.constant 3 : i32
        %swap3A_485 = arith.index_cast %swap3A_484 : i32 to index
        %swap3A_486 = arith.index_cast %add3A_474 : i32 to index
        %swap3A_487 = arith.constant 0 : index
        %swap3A_488 = tpu.vector_load %arg12[%swap3A_485, %swap3A_486, %swap3A_487] {strides = array<i32>} : memref<4x128x16xf32, #tpu.memory_space<vmem>>, vector<16xf32>,
        tpu.vector_store %arg12[%swap3A_485, %swap3A_486, %swap3A_487], %mul3A_483 {strides = array<i32>} : memref<4x128x16xf32, #tpu.memory_space<vmem>>, vector<16xf32>,
        %mul3A_489 = arith.constant 16 : i32
        %mul3A_490 = arith.muli %scan3A_240, %mul3A_489 : i32
        %add3A_491 = arith.constant 13 : i32
        %add3A_492 = arith.addi %mul3A_490, %add3A_491 : i32
        %get3A_493 = arith.constant 3 : i32
        %get3A_494 = arith.index_cast %get3A_493 : i32 to index
        %get3A_495 = arith.index_cast %add3A_492 : i32 to index
        %get3A_496 = arith.constant 0 : index
        %get3A_497 = tpu.vector_load %arg12[%get3A_494, %get3A_495, %get3A_496] {strides = array<i32>} : memref<4x128x16xf32, #tpu.memory_space<vmem>>, vector<16xf32>,
        %slice3A_498 = vector.extract_strided_slice %mul3A_257 {offsets = [13], sizes = [1], strides = [1]} : vector<16xf32> to vector<1xf32>
        %squeeze3A_499 = vector.extract %slice3A_498[0] : f32 from vector<1xf32>
        %mul3A_500 = vector.broadcast %squeeze3A_499 : f32 to vector<16xf32>
        %mul3A_501 = arith.mulf %get3A_497, %mul3A_500 : vector<16xf32>
        %swap3A_502 = arith.constant 3 : i32
        %swap3A_503 = arith.index_cast %swap3A_502 : i32 to index
        %swap3A_504 = arith.index_cast %add3A_492 : i32 to index
        %swap3A_505 = arith.constant 0 : index
        %swap3A_506 = tpu.vector_load %arg12[%swap3A_503, %swap3A_504, %swap3A_505] {strides = array<i32>} : memref<4x128x16xf32, #tpu.memory_space<vmem>>, vector<16xf32>,
        tpu.vector_store %arg12[%swap3A_503, %swap3A_504, %swap3A_505], %mul3A_501 {strides = array<i32>} : memref<4x128x16xf32, #tpu.memory_space<vmem>>, vector<16xf32>,
        %mul3A_507 = arith.constant 16 : i32
        %mul3A_508 = arith.muli %scan3A_240, %mul3A_507 : i32
        %add3A_509 = arith.constant 14 : i32
        %add3A_510 = arith.addi %mul3A_508, %add3A_509 : i32
        %get3A_511 = arith.constant 3 : i32
        %get3A_512 = arith.index_cast %get3A_511 : i32 to index
        %get3A_513 = arith.index_cast %add3A_510 : i32 to index
        %get3A_514 = arith.constant 0 : index
        %get3A_515 = tpu.vector_load %arg12[%get3A_512, %get3A_513, %get3A_514] {strides = array<i32>} : memref<4x128x16xf32, #tpu.memory_space<vmem>>, vector<16xf32>,
        %slice3A_516 = vector.extract_strided_slice %mul3A_257 {offsets = [14], sizes = [1], strides = [1]} : vector<16xf32> to vector<1xf32>
        %squeeze3A_517 = vector.extract %slice3A_516[0] : f32 from vector<1xf32>
        %mul3A_518 = vector.broadcast %squeeze3A_517 : f32 to vector<16xf32>
        %mul3A_519 = arith.mulf %get3A_515, %mul3A_518 : vector<16xf32>
        %swap3A_520 = arith.constant 3 : i32
        %swap3A_521 = arith.index_cast %swap3A_520 : i32 to index
        %swap3A_522 = arith.index_cast %add3A_510 : i32 to index
        %swap3A_523 = arith.constant 0 : index
        %swap3A_524 = tpu.vector_load %arg12[%swap3A_521, %swap3A_522, %swap3A_523] {strides = array<i32>} : memref<4x128x16xf32, #tpu.memory_space<vmem>>, vector<16xf32>,
        tpu.vector_store %arg12[%swap3A_521, %swap3A_522, %swap3A_523], %mul3A_519 {strides = array<i32>} : memref<4x128x16xf32, #tpu.memory_space<vmem>>, vector<16xf32>,
        %mul3A_525 = arith.constant 16 : i32
        %mul3A_526 = arith.muli %scan3A_240, %mul3A_525 : i32
        %add3A_527 = arith.constant 15 : i32
        %add3A_528 = arith.addi %mul3A_526, %add3A_527 : i32
        %get3A_529 = arith.constant 3 : i32
        %get3A_530 = arith.index_cast %get3A_529 : i32 to index
        %get3A_531 = arith.index_cast %add3A_528 : i32 to index
        %get3A_532 = arith.constant 0 : index
        %get3A_533 = tpu.vector_load %arg12[%get3A_530, %get3A_531, %get3A_532] {strides = array<i32>} : memref<4x128x16xf32, #tpu.memory_space<vmem>>, vector<16xf32>,
        %slice3A_534 = vector.extract_strided_slice %mul3A_257 {offsets = [15], sizes = [1], strides = [1]} : vector<16xf32> to vector<1xf32>
        %squeeze3A_535 = vector.extract %slice3A_534[0] : f32 from vector<1xf32>
        %mul3A_536 = vector.broadcast %squeeze3A_535 : f32 to vector<16xf32>
        %mul3A_537 = arith.mulf %get3A_533, %mul3A_536 : vector<16xf32>
        %swap3A_538 = arith.constant 3 : i32
        %swap3A_539 = arith.index_cast %swap3A_538 : i32 to index
        %swap3A_540 = arith.index_cast %add3A_528 : i32 to index
        %swap3A_541 = arith.constant 0 : index
        %swap3A_542 = tpu.vector_load %arg12[%swap3A_539, %swap3A_540, %swap3A_541] {strides = array<i32>} : memref<4x128x16xf32, #tpu.memory_space<vmem>>, vector<16xf32>,
        tpu.vector_store %arg12[%swap3A_539, %swap3A_540, %swap3A_541], %mul3A_537 {strides = array<i32>} : memref<4x128x16xf32, #tpu.memory_space<vmem>>, vector<16xf32>,
      }
      %scan3A_184 = arith.constant 8 : i32
      %dma_start3A_185 = arith.constant 3 : i32
      %dma_start3A_186 = arith.constant 0 : i32
      %dma_start3A_187 = arith.constant 0 : i32
      %dma_start3A_188 = tpu.memref_slice %arg12[%dma_start3A_185, %dma_start3A_186, %dma_start3A_187] : memref<4x128x16xf32, #tpu.memory_space<vmem>> -> memref<1x128x16xf32, #tpu.memory_space<vmem>>
      %dma_start3A_189 = tpu.memref_squeeze %dma_start3A_188 : memref<1x128x16xf32, #tpu.memory_space<vmem>> -> memref<128x16xf32, #tpu.memory_space<vmem>>
      %dma_start3A_190 = arith.constant 0 : i32
      %dma_start3A_191 = tpu.memref_slice %arg9[%add3A_167, %dma_start3A_190] : memref<84x128xi32, #tpu.memory_space<vmem>> -> memref<1x128xi32, #tpu.memory_space<vmem>>
      %dma_start3A_192 = tpu.memref_squeeze %dma_start3A_191 : memref<1x128xi32, #tpu.memory_space<vmem>> -> memref<128xi32, #tpu.memory_space<vmem>>
      %dma_start3A_193 = arith.constant 0 : i32
      %dma_start3A_194 = arith.constant 0 : i32
      %dma_start3A_195 = tpu.memref_slice %arg13[%dma_start3A_193, %dma_start3A_194] : memref<10240x16xf32, #tpu.memory_space<vmem_shared>> -> memref<10240x16xf32, #tpu.memory_space<vmem_shared>>
      tpu.enqueue_indirect_dma source(%dma_start3A_189 : memref<128x16xf32, #tpu.memory_space<vmem>>) target(%dma_start3A_195 : memref<10240x16xf32, #tpu.memory_space<vmem_shared>>) offsets(%dma_start3A_192 : memref<128xi32, #tpu.memory_space<vmem>>) semaphore(%arg18 : memref<!tpu.dma_semaphore, #tpu.memory_space<semaphore_mem>>) {add = true}
      %dma_wait3A_196 = arith.constant 0 : i32
      %dma_wait3A_197 = arith.constant 0 : i32
      %dma_wait3A_198 = arith.constant 0 : i32
      %dma_wait3A_199 = tpu.memref_slice %arg12[%dma_wait3A_196, %dma_wait3A_197, %dma_wait3A_198] : memref<4x128x16xf32, #tpu.memory_space<vmem>> -> memref<1x128x16xf32, #tpu.memory_space<vmem>>
      %dma_wait3A_200 = tpu.memref_squeeze %dma_wait3A_199 : memref<1x128x16xf32, #tpu.memory_space<vmem>> -> memref<128x16xf32, #tpu.memory_space<vmem>>
      %dma_wait3A_201 = arith.constant 0 : i32
      %dma_wait3A_202 = tpu.memref_slice %arg9[%add3A_78, %dma_wait3A_201] : memref<84x128xi32, #tpu.memory_space<vmem>> -> memref<1x128xi32, #tpu.memory_space<vmem>>
      %dma_wait3A_203 = tpu.memref_squeeze %dma_wait3A_202 : memref<1x128xi32, #tpu.memory_space<vmem>> -> memref<128xi32, #tpu.memory_space<vmem>>
      %dma_wait3A_204 = arith.constant 0 : i32
      %dma_wait3A_205 = arith.constant 0 : i32
      %dma_wait3A_206 = tpu.memref_slice %arg13[%dma_wait3A_204, %dma_wait3A_205] : memref<10240x16xf32, #tpu.memory_space<vmem_shared>> -> memref<10240x16xf32, #tpu.memory_space<vmem_shared>>
      tpu.wait_indirect_dma semaphore(%arg18 : memref<!tpu.dma_semaphore, #tpu.memory_space<semaphore_mem>>) src(%dma_wait3A_200 : memref<128x16xf32, #tpu.memory_space<vmem>>) dst(%dma_wait3A_206 : memref<10240x16xf32, #tpu.memory_space<vmem_shared>>)
      %dma_wait3A_207 = arith.constant 1 : i32
      %dma_wait3A_208 = arith.constant 0 : i32
      %dma_wait3A_209 = arith.constant 0 : i32
      %dma_wait3A_210 = tpu.memref_slice %arg12[%dma_wait3A_207, %dma_wait3A_208, %dma_wait3A_209] : memref<4x128x16xf32, #tpu.memory_space<vmem>> -> memref<1x128x16xf32, #tpu.memory_space<vmem>>
      %dma_wait3A_211 = tpu.memref_squeeze %dma_wait3A_210 : memref<1x128x16xf32, #tpu.memory_space<vmem>> -> memref<128x16xf32, #tpu.memory_space<vmem>>
      %dma_wait3A_212 = arith.constant 0 : i32
      %dma_wait3A_213 = tpu.memref_slice %arg9[%add3A_107, %dma_wait3A_212] : memref<84x128xi32, #tpu.memory_space<vmem>> -> memref<1x128xi32, #tpu.memory_space<vmem>>
      %dma_wait3A_214 = tpu.memref_squeeze %dma_wait3A_213 : memref<1x128xi32, #tpu.memory_space<vmem>> -> memref<128xi32, #tpu.memory_space<vmem>>
      %dma_wait3A_215 = arith.constant 0 : i32
      %dma_wait3A_216 = arith.constant 0 : i32
      %dma_wait3A_217 = tpu.memref_slice %arg13[%dma_wait3A_215, %dma_wait3A_216] : memref<10240x16xf32, #tpu.memory_space<vmem_shared>> -> memref<10240x16xf32, #tpu.memory_space<vmem_shared>>
      tpu.wait_indirect_dma semaphore(%arg18 : memref<!tpu.dma_semaphore, #tpu.memory_space<semaphore_mem>>) src(%dma_wait3A_211 : memref<128x16xf32, #tpu.memory_space<vmem>>) dst(%dma_wait3A_217 : memref<10240x16xf32, #tpu.memory_space<vmem_shared>>)
      %dma_wait3A_218 = arith.constant 2 : i32
      %dma_wait3A_219 = arith.constant 0 : i32
      %dma_wait3A_220 = arith.constant 0 : i32
      %dma_wait3A_221 = tpu.memref_slice %arg12[%dma_wait3A_218, %dma_wait3A_219, %dma_wait3A_220] : memref<4x128x16xf32, #tpu.memory_space<vmem>> -> memref<1x128x16xf32, #tpu.memory_space<vmem>>
      %dma_wait3A_222 = tpu.memref_squeeze %dma_wait3A_221 : memref<1x128x16xf32, #tpu.memory_space<vmem>> -> memref<128x16xf32, #tpu.memory_space<vmem>>
      %dma_wait3A_223 = arith.constant 0 : i32
      %dma_wait3A_224 = tpu.memref_slice %arg9[%add3A_137, %dma_wait3A_223] : memref<84x128xi32, #tpu.memory_space<vmem>> -> memref<1x128xi32, #tpu.memory_space<vmem>>
      %dma_wait3A_225 = tpu.memref_squeeze %dma_wait3A_224 : memref<1x128xi32, #tpu.memory_space<vmem>> -> memref<128xi32, #tpu.memory_space<vmem>>
      %dma_wait3A_226 = arith.constant 0 : i32
      %dma_wait3A_227 = arith.constant 0 : i32
      %dma_wait3A_228 = tpu.memref_slice %arg13[%dma_wait3A_226, %dma_wait3A_227] : memref<10240x16xf32, #tpu.memory_space<vmem_shared>> -> memref<10240x16xf32, #tpu.memory_space<vmem_shared>>
      tpu.wait_indirect_dma semaphore(%arg18 : memref<!tpu.dma_semaphore, #tpu.memory_space<semaphore_mem>>) src(%dma_wait3A_222 : memref<128x16xf32, #tpu.memory_space<vmem>>) dst(%dma_wait3A_228 : memref<10240x16xf32, #tpu.memory_space<vmem_shared>>)
      %dma_wait3A_229 = arith.constant 3 : i32
      %dma_wait3A_230 = arith.constant 0 : i32
      %dma_wait3A_231 = arith.constant 0 : i32
      %dma_wait3A_232 = tpu.memref_slice %arg12[%dma_wait3A_229, %dma_wait3A_230, %dma_wait3A_231] : memref<4x128x16xf32, #tpu.memory_space<vmem>> -> memref<1x128x16xf32, #tpu.memory_space<vmem>>
      %dma_wait3A_233 = tpu.memref_squeeze %dma_wait3A_232 : memref<1x128x16xf32, #tpu.memory_space<vmem>> -> memref<128x16xf32, #tpu.memory_space<vmem>>
      %dma_wait3A_234 = arith.constant 0 : i32
      %dma_wait3A_235 = tpu.memref_slice %arg9[%add3A_167, %dma_wait3A_234] : memref<84x128xi32, #tpu.memory_space<vmem>> -> memref<1x128xi32, #tpu.memory_space<vmem>>
      %dma_wait3A_236 = tpu.memref_squeeze %dma_wait3A_235 : memref<1x128xi32, #tpu.memory_space<vmem>> -> memref<128xi32, #tpu.memory_space<vmem>>
      %dma_wait3A_237 = arith.constant 0 : i32
      %dma_wait3A_238 = arith.constant 0 : i32
      %dma_wait3A_239 = tpu.memref_slice %arg13[%dma_wait3A_237, %dma_wait3A_238] : memref<10240x16xf32, #tpu.memory_space<vmem_shared>> -> memref<10240x16xf32, #tpu.memory_space<vmem_shared>>
      tpu.wait_indirect_dma semaphore(%arg18 : memref<!tpu.dma_semaphore, #tpu.memory_space<semaphore_mem>>) src(%dma_wait3A_233 : memref<128x16xf32, #tpu.memory_space<vmem>>) dst(%dma_wait3A_239 : memref<10240x16xf32, #tpu.memory_space<vmem_shared>>)
    }
    %scan3A_17 = arith.constant 21 : i32
    %barrier3A_18 = arith.constant 0 : index
    tpu.barrier barrier_id(%barrier3A_18)
    %mul3A_19 = arith.constant 640 : i32
    %mul3A_20 = arith.muli %arg1, %mul3A_19 : i32
    %mul3A_21 = arith.constant 640 : i32
    %mul3A_22 = arith.muli %arg1, %mul3A_21 : i32
    "tpu.region"() ({
      %run_scoped3A = tpu.sem_alloc : memref<!tpu.dma_semaphore, #tpu.memory_space<semaphore_mem>>
      %dma_start3A = arith.constant 0 : i32
      %dma_start3A_23 = tpu.memref_slice %arg7[%arg0, %mul3A_22, %dma_start3A] : memref<2x10240x16xf32, #tpu.memory_space<hbm>> -> memref<1x640x16xf32, #tpu.memory_space<hbm>>
      %dma_start3A_24 = tpu.memref_squeeze %dma_start3A_23 : memref<1x640x16xf32, #tpu.memory_space<hbm>> -> memref<640x16xf32, #tpu.memory_space<hbm>>
      %dma_start3A_25 = arith.constant 0 : i32
      %dma_start3A_26 = tpu.memref_slice %arg13[%mul3A_20, %dma_start3A_25] : memref<10240x16xf32, #tpu.memory_space<vmem_shared>> -> memref<640x16xf32, #tpu.memory_space<vmem_shared>>
      tpu.enqueue_dma source(%dma_start3A_26 : memref<640x16xf32, #tpu.memory_space<vmem_shared>>) target(%dma_start3A_24 : memref<640x16xf32, #tpu.memory_space<hbm>>) target_semaphore(%run_scoped3A : memref<!tpu.dma_semaphore, #tpu.memory_space<semaphore_mem>>)
      %dma_wait3A = arith.constant 0 : i32
      %dma_wait3A_27 = tpu.memref_slice %arg7[%arg0, %mul3A_22, %dma_wait3A] : memref<2x10240x16xf32, #tpu.memory_space<hbm>> -> memref<1x640x16xf32, #tpu.memory_space<hbm>>
      %dma_wait3A_28 = tpu.memref_squeeze %dma_wait3A_27 : memref<1x640x16xf32, #tpu.memory_space<hbm>> -> memref<640x16xf32, #tpu.memory_space<hbm>>
      %dma_wait3A_29 = arith.constant 0 : i32
      %dma_wait3A_30 = tpu.memref_slice %arg13[%mul3A_20, %dma_wait3A_29] : memref<10240x16xf32, #tpu.memory_space<vmem_shared>> -> memref<640x16xf32, #tpu.memory_space<vmem_shared>>
      tpu.wait_dma2 semaphore(%run_scoped3A : memref<!tpu.dma_semaphore, #tpu.memory_space<semaphore_mem>>) src(%dma_wait3A_30 : memref<640x16xf32, #tpu.memory_space<vmem_shared>>) dst(%dma_wait3A_28 : memref<640x16xf32, #tpu.memory_space<hbm>>)
      tpu.yield
    }) : () -> ()
    return
  }
}

module attributes {stable_mosaic.version = 14 : i64} {
  func.func @_pre_tc_body(%arg0: memref<1280x1024xf32, #tpu.memory_space<vmem>>, %arg1: memref<128x16xf32, #tpu.memory_space<vmem>>, %arg2: memref<2x80x128xf32, #tpu.memory_space<vmem>>, %arg3: memref<1280x128xf32, #tpu.memory_space<vmem>>, %arg4: memref<80x128xf32, #tpu.memory_space<vmem>>) attributes {dimension_semantics = [], scalar_prefetch = 0 : i64, scratch_operands = 0 : i64, tpu.core_type = #tpu.core_type<tc>} {
    %get3A = arith.constant 0 : index
    %get3A_0 = arith.constant 0 : index
    %get3A_1 = arith.constant 0 : index
    %get3A_2 = vector.load %arg2[%get3A, %get3A_0, %get3A_1] : memref<2x80x128xf32, #tpu.memory_space<vmem>>, vector<1x80x128xf32>
    %get3A_3 = vector.shape_cast %get3A_2 : vector<1x80x128xf32> to vector<80x128xf32>
    %get3A_4 = arith.constant 1 : index
    %get3A_5 = arith.constant 0 : index
    %get3A_6 = arith.constant 0 : index
    %get3A_7 = vector.load %arg2[%get3A_4, %get3A_5, %get3A_6] : memref<2x80x128xf32, #tpu.memory_space<vmem>>, vector<1x80x128xf32>
    %get3A_8 = vector.shape_cast %get3A_7 : vector<1x80x128xf32> to vector<80x128xf32>
    %add3A = arith.addf %get3A_3, %get3A_8 : vector<80x128xf32>
    %gt3A = arith.constant 0.000000e+00 : f32
    %gt3A_9 = vector.broadcast %gt3A : f32 to vector<80x128xf32>
    %gt3A_10 = arith.cmpf ogt, %add3A, %gt3A_9 : vector<80x128xf32>
    %rsqrt3A = math.rsqrt %add3A : vector<80x128xf32>
    %jit3A = arith.constant 0.000000e+00 : f32
    %broadcast_in_dim3A = vector.broadcast %jit3A : f32 to vector<80x128xf32>
    %select_n3A = arith.select %gt3A_10, %rsqrt3A, %broadcast_in_dim3A : vector<80x128xi1>, vector<80x128xf32>
    %swap3A = arith.constant 0 : index
    %swap3A_11 = arith.constant 0 : index
    %swap3A_12 = vector.load %arg4[%swap3A, %swap3A_11] : memref<80x128xf32, #tpu.memory_space<vmem>>, vector<80x128xf32>
    tpu.vector_store %arg4[%swap3A, %swap3A_11], %select_n3A {strides = array<i32>} : memref<80x128xf32, #tpu.memory_space<vmem>>, vector<80x128xf32>,
    %get3A_13 = arith.constant 0 : index
    %get3A_14 = arith.constant 0 : index
    %get3A_15 = vector.load %arg0[%get3A_13, %get3A_14] : memref<1280x1024xf32, #tpu.memory_space<vmem>>, vector<1280x1024xf32>
    %get3A_16 = arith.constant 0 : index
    %get3A_17 = arith.constant 0 : index
    %get3A_18 = vector.load %arg1[%get3A_16, %get3A_17] : memref<128x16xf32, #tpu.memory_space<vmem>>, vector<128x16xf32>
    %concatenate3A = tpu.concatenate %get3A_18, %get3A_18, %get3A_18, %get3A_18, %get3A_18, %get3A_18, %get3A_18, %get3A_18 in 1 : vector<128x16xf32>, vector<128x16xf32>, vector<128x16xf32>, vector<128x16xf32>, vector<128x16xf32>, vector<128x16xf32>, vector<128x16xf32>, vector<128x16xf32> -> vector<128x128xf32>
    %concatenate3A_19 = tpu.concatenate %concatenate3A, %concatenate3A, %concatenate3A, %concatenate3A, %concatenate3A, %concatenate3A, %concatenate3A, %concatenate3A in 0 : vector<128x128xf32>, vector<128x128xf32>, vector<128x128xf32>, vector<128x128xf32>, vector<128x128xf32>, vector<128x128xf32>, vector<128x128xf32>, vector<128x128xf32> -> vector<1024x128xf32>
    %iota3A = tpu.iota {dimensions = array<i32: 0>} : vector<1024x128xi32>
    %jit3A_20 = arith.constant 128 : i32
    %div3A = vector.broadcast %jit3A_20 : i32 to vector<1024x128xi32>
    %div3A_21 = arith.divsi %iota3A, %div3A : vector<1024x128xi32>
    %sign3A = arith.constant 0 : i32
    %sign3A_22 = vector.broadcast %sign3A : i32 to vector<1024x128xi32>
    %sign3A_23 = arith.cmpi sgt, %iota3A, %sign3A_22 : vector<1024x128xi32>
    %sign3A_24 = arith.extui %sign3A_23 : vector<1024x128xi1> to vector<1024x128xi32>
    %sign3A_25 = arith.constant 0 : i32
    %sign3A_26 = vector.broadcast %sign3A_25 : i32 to vector<1024x128xi32>
    %sign3A_27 = arith.cmpi slt, %iota3A, %sign3A_26 : vector<1024x128xi32>
    %sign3A_28 = arith.extui %sign3A_27 : vector<1024x128xi1> to vector<1024x128xi32>
    %sign3A_29 = arith.subi %sign3A_24, %sign3A_28 : vector<1024x128xi32>
    %sign3A_30 = arith.constant 0 : i32
    %sign3A_31 = arith.cmpi sgt, %jit3A_20, %sign3A_30 : i32
    %sign3A_32 = arith.extui %sign3A_31 : i1 to i32
    %sign3A_33 = arith.constant 0 : i32
    %sign3A_34 = arith.cmpi slt, %jit3A_20, %sign3A_33 : i32
    %sign3A_35 = arith.extui %sign3A_34 : i1 to i32
    %sign3A_36 = arith.subi %sign3A_32, %sign3A_35 : i32
    %ne3A = vector.broadcast %sign3A_36 : i32 to vector<1024x128xi32>
    %ne3A_37 = arith.cmpi ne, %sign3A_29, %ne3A : vector<1024x128xi32>
    %rem3A = vector.broadcast %jit3A_20 : i32 to vector<1024x128xi32>
    %rem3A_38 = arith.remsi %iota3A, %rem3A : vector<1024x128xi32>
    %ne3A_39 = arith.constant 0 : i32
    %ne3A_40 = vector.broadcast %ne3A_39 : i32 to vector<1024x128xi32>
    %ne3A_41 = arith.cmpi ne, %rem3A_38, %ne3A_40 : vector<1024x128xi32>
    %and3A = arith.andi %ne3A_37, %ne3A_41 : vector<1024x128xi1>
    %sub3A = arith.constant 1 : i32
    %sub3A_42 = vector.broadcast %sub3A : i32 to vector<1024x128xi32>
    %sub3A_43 = arith.subi %div3A_21, %sub3A_42 : vector<1024x128xi32>
    %select_n3A_44 = arith.select %and3A, %sub3A_43, %div3A_21 : vector<1024x128xi1>, vector<1024x128xi32>
    %iota3A_45 = tpu.iota {dimensions = array<i32: 1>} : vector<1024x128xi32>
    %jit3A_46 = arith.constant 16 : i32
    %div3A_47 = vector.broadcast %jit3A_46 : i32 to vector<1024x128xi32>
    %div3A_48 = arith.divsi %iota3A_45, %div3A_47 : vector<1024x128xi32>
    %sign3A_49 = arith.constant 0 : i32
    %sign3A_50 = vector.broadcast %sign3A_49 : i32 to vector<1024x128xi32>
    %sign3A_51 = arith.cmpi sgt, %iota3A_45, %sign3A_50 : vector<1024x128xi32>
    %sign3A_52 = arith.extui %sign3A_51 : vector<1024x128xi1> to vector<1024x128xi32>
    %sign3A_53 = arith.constant 0 : i32
    %sign3A_54 = vector.broadcast %sign3A_53 : i32 to vector<1024x128xi32>
    %sign3A_55 = arith.cmpi slt, %iota3A_45, %sign3A_54 : vector<1024x128xi32>
    %sign3A_56 = arith.extui %sign3A_55 : vector<1024x128xi1> to vector<1024x128xi32>
    %sign3A_57 = arith.subi %sign3A_52, %sign3A_56 : vector<1024x128xi32>
    %sign3A_58 = arith.constant 0 : i32
    %sign3A_59 = arith.cmpi sgt, %jit3A_46, %sign3A_58 : i32
    %sign3A_60 = arith.extui %sign3A_59 : i1 to i32
    %sign3A_61 = arith.constant 0 : i32
    %sign3A_62 = arith.cmpi slt, %jit3A_46, %sign3A_61 : i32
    %sign3A_63 = arith.extui %sign3A_62 : i1 to i32
    %sign3A_64 = arith.subi %sign3A_60, %sign3A_63 : i32
    %ne3A_65 = vector.broadcast %sign3A_64 : i32 to vector<1024x128xi32>
    %ne3A_66 = arith.cmpi ne, %sign3A_57, %ne3A_65 : vector<1024x128xi32>
    %rem3A_67 = vector.broadcast %jit3A_46 : i32 to vector<1024x128xi32>
    %rem3A_68 = arith.remsi %iota3A_45, %rem3A_67 : vector<1024x128xi32>
    %ne3A_69 = arith.constant 0 : i32
    %ne3A_70 = vector.broadcast %ne3A_69 : i32 to vector<1024x128xi32>
    %ne3A_71 = arith.cmpi ne, %rem3A_68, %ne3A_70 : vector<1024x128xi32>
    %and3A_72 = arith.andi %ne3A_66, %ne3A_71 : vector<1024x128xi1>
    %sub3A_73 = arith.constant 1 : i32
    %sub3A_74 = vector.broadcast %sub3A_73 : i32 to vector<1024x128xi32>
    %sub3A_75 = arith.subi %div3A_48, %sub3A_74 : vector<1024x128xi32>
    %select_n3A_76 = arith.select %and3A_72, %sub3A_75, %div3A_48 : vector<1024x128xi1>, vector<1024x128xi32>
    %eq3A = arith.cmpi eq, %select_n3A_44, %select_n3A_76 : vector<1024x128xi32>
    %jit3A_77 = arith.constant 0.000000e+00 : f32
    %broadcast_in_dim3A_78 = vector.broadcast %jit3A_77 : f32 to vector<1024x128xf32>
    %select_n3A_79 = arith.select %eq3A, %concatenate3A_19, %broadcast_in_dim3A_78 : vector<1024x128xi1>, vector<1024x128xf32>
    %dot_general3A = arith.constant dense<0.000000e+00> : vector<1280x128xf32>
    %dot_general3A_80 = tpu.matmul %get3A_15, %select_n3A_79, %dot_general3A {dimension_numbers = #tpu.dot_dimension_numbers<[1], [0], [0], [1], [0, 0, 1, 1], [], []>, transpose_lhs_hint = false} : vector<1280x1024xf32>, vector<1024x128xf32>, vector<1280x128xf32> -> vector<1280x128xf32>
    %swap3A_81 = arith.constant 0 : index
    %swap3A_82 = arith.constant 0 : index
    %swap3A_83 = vector.load %arg3[%swap3A_81, %swap3A_82] : memref<1280x128xf32, #tpu.memory_space<vmem>>, vector<1280x128xf32>
    tpu.vector_store %arg3[%swap3A_81, %swap3A_82], %dot_general3A_80 {strides = array<i32>} : memref<1280x128xf32, #tpu.memory_space<vmem>>, vector<1280x128xf32>,
    return
  }
}

module attributes {stable_mosaic.version = 14 : i64} {
  func.func @_mid_tc_body(%arg0: memref<2x1280x128xf32, #tpu.memory_space<vmem>>, %arg1: memref<16xf32, #tpu.memory_space<vmem>>, %arg2: memref<1280x128xf32, #tpu.memory_space<vmem>>) attributes {dimension_semantics = [], scalar_prefetch = 0 : i64, scratch_operands = 0 : i64, tpu.core_type = #tpu.core_type<tc>} {
    %get3A = arith.constant 0 : index
    %get3A_0 = vector.load %arg1[%get3A] : memref<16xf32, #tpu.memory_space<vmem>>, vector<16xf32>
    %concatenate3A = tpu.concatenate %get3A_0, %get3A_0, %get3A_0, %get3A_0, %get3A_0, %get3A_0, %get3A_0, %get3A_0 in 0 : vector<16xf32>, vector<16xf32>, vector<16xf32>, vector<16xf32>, vector<16xf32>, vector<16xf32>, vector<16xf32>, vector<16xf32> -> vector<128xf32>
    %broadcast_in_dim3A = vector.shape_cast %concatenate3A : vector<128xf32> to vector<1x128xf32>
    %get3A_1 = arith.constant 0 : index
    %get3A_2 = arith.constant 0 : index
    %get3A_3 = arith.constant 0 : index
    %get3A_4 = vector.load %arg0[%get3A_1, %get3A_2, %get3A_3] : memref<2x1280x128xf32, #tpu.memory_space<vmem>>, vector<1x1280x128xf32>
    %get3A_5 = vector.shape_cast %get3A_4 : vector<1x1280x128xf32> to vector<1280x128xf32>
    %get3A_6 = arith.constant 1 : index
    %get3A_7 = arith.constant 0 : index
    %get3A_8 = arith.constant 0 : index
    %get3A_9 = vector.load %arg0[%get3A_6, %get3A_7, %get3A_8] : memref<2x1280x128xf32, #tpu.memory_space<vmem>>, vector<1x1280x128xf32>
    %get3A_10 = vector.shape_cast %get3A_9 : vector<1x1280x128xf32> to vector<1280x128xf32>
    %add3A = arith.addf %get3A_5, %get3A_10 : vector<1280x128xf32>
    %add3A_11 = vector.broadcast %broadcast_in_dim3A : vector<1x128xf32> to vector<1280x128xf32>
    %add3A_12 = arith.addf %add3A, %add3A_11 : vector<1280x128xf32>
    %max3A = arith.constant 0.000000e+00 : f32
    %max3A_13 = vector.broadcast %max3A : f32 to vector<1280x128xf32>
    %max3A_14 = arith.maximumf %add3A_12, %max3A_13 : vector<1280x128xf32>
    %swap3A = arith.constant 0 : index
    %swap3A_15 = arith.constant 0 : index
    %swap3A_16 = vector.load %arg2[%swap3A, %swap3A_15] : memref<1280x128xf32, #tpu.memory_space<vmem>>, vector<1280x128xf32>
    tpu.vector_store %arg2[%swap3A, %swap3A_15], %max3A_14 {strides = array<i32>} : memref<1280x128xf32, #tpu.memory_space<vmem>>, vector<1280x128xf32>,
    return
  }
}

module attributes {stable_mosaic.version = 14 : i64} {
  func.func @_post_tc_body(%arg0: memref<2x1280x128xf32, #tpu.memory_space<vmem>>, %arg1: memref<16x16xf32, #tpu.memory_space<vmem>>, %arg2: memref<16xf32, #tpu.memory_space<vmem>>, %arg3: memref<1280x8xi32, #tpu.memory_space<vmem>>, %arg4: memref<16x1xf32, #tpu.memory_space<vmem>>, %arg5: memref<1xf32, #tpu.memory_space<vmem>>, %arg6: memref<64x1xf32, #tpu.memory_space<vmem>>) attributes {dimension_semantics = [], scalar_prefetch = 0 : i64, scratch_operands = 0 : i64, tpu.core_type = #tpu.core_type<tc>} {
    %get3A = arith.constant 0 : index
    %get3A_0 = arith.constant 0 : index
    %get3A_1 = arith.constant 0 : index
    %get3A_2 = vector.load %arg0[%get3A, %get3A_0, %get3A_1] : memref<2x1280x128xf32, #tpu.memory_space<vmem>>, vector<1x1280x128xf32>
    %get3A_3 = vector.shape_cast %get3A_2 : vector<1x1280x128xf32> to vector<1280x128xf32>
    %get3A_4 = arith.constant 1 : index
    %get3A_5 = arith.constant 0 : index
    %get3A_6 = arith.constant 0 : index
    %get3A_7 = vector.load %arg0[%get3A_4, %get3A_5, %get3A_6] : memref<2x1280x128xf32, #tpu.memory_space<vmem>>, vector<1x1280x128xf32>
    %get3A_8 = vector.shape_cast %get3A_7 : vector<1x1280x128xf32> to vector<1280x128xf32>
    %add3A = arith.addf %get3A_3, %get3A_8 : vector<1280x128xf32>
    %get3A_9 = arith.constant 0 : index
    %get3A_10 = vector.load %arg2[%get3A_9] : memref<16xf32, #tpu.memory_space<vmem>>, vector<16xf32>
    %concatenate3A = tpu.concatenate %get3A_10, %get3A_10, %get3A_10, %get3A_10, %get3A_10, %get3A_10, %get3A_10, %get3A_10 in 0 : vector<16xf32>, vector<16xf32>, vector<16xf32>, vector<16xf32>, vector<16xf32>, vector<16xf32>, vector<16xf32>, vector<16xf32> -> vector<128xf32>
    %get3A_11 = arith.constant 0 : index
    %get3A_12 = arith.constant 0 : index
    %get3A_13 = vector.load %arg1[%get3A_11, %get3A_12] : memref<16x16xf32, #tpu.memory_space<vmem>>, vector<16x16xf32>
    %concatenate3A_14 = tpu.concatenate %get3A_13, %get3A_13, %get3A_13, %get3A_13, %get3A_13, %get3A_13, %get3A_13, %get3A_13 in 1 : vector<16x16xf32>, vector<16x16xf32>, vector<16x16xf32>, vector<16x16xf32>, vector<16x16xf32>, vector<16x16xf32>, vector<16x16xf32>, vector<16x16xf32> -> vector<16x128xf32>
    %concatenate3A_15 = tpu.concatenate %concatenate3A_14, %concatenate3A_14, %concatenate3A_14, %concatenate3A_14, %concatenate3A_14, %concatenate3A_14, %concatenate3A_14, %concatenate3A_14 in 0 : vector<16x128xf32>, vector<16x128xf32>, vector<16x128xf32>, vector<16x128xf32>, vector<16x128xf32>, vector<16x128xf32>, vector<16x128xf32>, vector<16x128xf32> -> vector<128x128xf32>
    %iota3A = tpu.iota {dimensions = array<i32: 0>} : vector<128x128xi32>
    %jit3A = arith.constant 16 : i32
    %div3A = vector.broadcast %jit3A : i32 to vector<128x128xi32>
    %div3A_16 = arith.divsi %iota3A, %div3A : vector<128x128xi32>
    %sign3A = arith.constant 0 : i32
    %sign3A_17 = vector.broadcast %sign3A : i32 to vector<128x128xi32>
    %sign3A_18 = arith.cmpi sgt, %iota3A, %sign3A_17 : vector<128x128xi32>
    %sign3A_19 = arith.extui %sign3A_18 : vector<128x128xi1> to vector<128x128xi32>
    %sign3A_20 = arith.constant 0 : i32
    %sign3A_21 = vector.broadcast %sign3A_20 : i32 to vector<128x128xi32>
    %sign3A_22 = arith.cmpi slt, %iota3A, %sign3A_21 : vector<128x128xi32>
    %sign3A_23 = arith.extui %sign3A_22 : vector<128x128xi1> to vector<128x128xi32>
    %sign3A_24 = arith.subi %sign3A_19, %sign3A_23 : vector<128x128xi32>
    %sign3A_25 = arith.constant 0 : i32
    %sign3A_26 = arith.cmpi sgt, %jit3A, %sign3A_25 : i32
    %sign3A_27 = arith.extui %sign3A_26 : i1 to i32
    %sign3A_28 = arith.constant 0 : i32
    %sign3A_29 = arith.cmpi slt, %jit3A, %sign3A_28 : i32
    %sign3A_30 = arith.extui %sign3A_29 : i1 to i32
    %sign3A_31 = arith.subi %sign3A_27, %sign3A_30 : i32
    %ne3A = vector.broadcast %sign3A_31 : i32 to vector<128x128xi32>
    %ne3A_32 = arith.cmpi ne, %sign3A_24, %ne3A : vector<128x128xi32>
    %rem3A = vector.broadcast %jit3A : i32 to vector<128x128xi32>
    %rem3A_33 = arith.remsi %iota3A, %rem3A : vector<128x128xi32>
    %ne3A_34 = arith.constant 0 : i32
    %ne3A_35 = vector.broadcast %ne3A_34 : i32 to vector<128x128xi32>
    %ne3A_36 = arith.cmpi ne, %rem3A_33, %ne3A_35 : vector<128x128xi32>
    %and3A = arith.andi %ne3A_32, %ne3A_36 : vector<128x128xi1>
    %sub3A = arith.constant 1 : i32
    %sub3A_37 = vector.broadcast %sub3A : i32 to vector<128x128xi32>
    %sub3A_38 = arith.subi %div3A_16, %sub3A_37 : vector<128x128xi32>
    %select_n3A = arith.select %and3A, %sub3A_38, %div3A_16 : vector<128x128xi1>, vector<128x128xi32>
    %iota3A_39 = tpu.iota {dimensions = array<i32: 1>} : vector<128x128xi32>
    %jit3A_40 = arith.constant 16 : i32
    %div3A_41 = vector.broadcast %jit3A_40 : i32 to vector<128x128xi32>
    %div3A_42 = arith.divsi %iota3A_39, %div3A_41 : vector<128x128xi32>
    %sign3A_43 = arith.constant 0 : i32
    %sign3A_44 = vector.broadcast %sign3A_43 : i32 to vector<128x128xi32>
    %sign3A_45 = arith.cmpi sgt, %iota3A_39, %sign3A_44 : vector<128x128xi32>
    %sign3A_46 = arith.extui %sign3A_45 : vector<128x128xi1> to vector<128x128xi32>
    %sign3A_47 = arith.constant 0 : i32
    %sign3A_48 = vector.broadcast %sign3A_47 : i32 to vector<128x128xi32>
    %sign3A_49 = arith.cmpi slt, %iota3A_39, %sign3A_48 : vector<128x128xi32>
    %sign3A_50 = arith.extui %sign3A_49 : vector<128x128xi1> to vector<128x128xi32>
    %sign3A_51 = arith.subi %sign3A_46, %sign3A_50 : vector<128x128xi32>
    %sign3A_52 = arith.constant 0 : i32
    %sign3A_53 = arith.cmpi sgt, %jit3A_40, %sign3A_52 : i32
    %sign3A_54 = arith.extui %sign3A_53 : i1 to i32
    %sign3A_55 = arith.constant 0 : i32
    %sign3A_56 = arith.cmpi slt, %jit3A_40, %sign3A_55 : i32
    %sign3A_57 = arith.extui %sign3A_56 : i1 to i32
    %sign3A_58 = arith.subi %sign3A_54, %sign3A_57 : i32
    %ne3A_59 = vector.broadcast %sign3A_58 : i32 to vector<128x128xi32>
    %ne3A_60 = arith.cmpi ne, %sign3A_51, %ne3A_59 : vector<128x128xi32>
    %rem3A_61 = vector.broadcast %jit3A_40 : i32 to vector<128x128xi32>
    %rem3A_62 = arith.remsi %iota3A_39, %rem3A_61 : vector<128x128xi32>
    %ne3A_63 = arith.constant 0 : i32
    %ne3A_64 = vector.broadcast %ne3A_63 : i32 to vector<128x128xi32>
    %ne3A_65 = arith.cmpi ne, %rem3A_62, %ne3A_64 : vector<128x128xi32>
    %and3A_66 = arith.andi %ne3A_60, %ne3A_65 : vector<128x128xi1>
    %sub3A_67 = arith.constant 1 : i32
    %sub3A_68 = vector.broadcast %sub3A_67 : i32 to vector<128x128xi32>
    %sub3A_69 = arith.subi %div3A_42, %sub3A_68 : vector<128x128xi32>
    %select_n3A_70 = arith.select %and3A_66, %sub3A_69, %div3A_42 : vector<128x128xi1>, vector<128x128xi32>
    %eq3A = arith.cmpi eq, %select_n3A, %select_n3A_70 : vector<128x128xi32>
    %jit3A_71 = arith.constant 0.000000e+00 : f32
    %broadcast_in_dim3A = vector.broadcast %jit3A_71 : f32 to vector<128x128xf32>
    %select_n3A_72 = arith.select %eq3A, %concatenate3A_15, %broadcast_in_dim3A : vector<128x128xi1>, vector<128x128xf32>
    %dot_general3A = arith.constant dense<0.000000e+00> : vector<1280x128xf32>
    %dot_general3A_73 = tpu.matmul %add3A, %select_n3A_72, %dot_general3A {dimension_numbers = #tpu.dot_dimension_numbers<[1], [0], [0], [1], [0, 0, 1, 1], [], []>, transpose_lhs_hint = false} : vector<1280x128xf32>, vector<128x128xf32>, vector<1280x128xf32> -> vector<1280x128xf32>
    %broadcast_in_dim3A_74 = vector.shape_cast %concatenate3A : vector<128xf32> to vector<1x128xf32>
    %add3A_75 = vector.broadcast %broadcast_in_dim3A_74 : vector<1x128xf32> to vector<1280x128xf32>
    %add3A_76 = arith.addf %dot_general3A_73, %add3A_75 : vector<1280x128xf32>
    %iota3A_77 = tpu.iota {dimensions = array<i32: 1>} : vector<1280x64xi32>
    %broadcast_in_dim3A_78 = arith.constant 0.000000e+00 : f32
    %broadcast_in_dim3A_79 = vector.broadcast %broadcast_in_dim3A_78 : f32 to vector<64x16xf32>
    %broadcast_in_dim3A_80 = arith.constant 0.000000e+00 : f32
    %broadcast_in_dim3A_81 = vector.broadcast %broadcast_in_dim3A_80 : f32 to vector<64xf32>
    %get3A_82 = arith.constant 0 : index
    %get3A_83 = arith.constant 0 : index
    %get3A_84 = vector.load %arg3[%get3A_82, %get3A_83] : memref<1280x8xi32, #tpu.memory_space<vmem>>, vector<1280x1xi32>
    %eq3A_85 = vector.broadcast %get3A_84 : vector<1280x1xi32> to vector<1280x64xi32>
    %eq3A_86 = arith.cmpi eq, %eq3A_85, %iota3A_77 : vector<1280x64xi32>
    %convert_element_type3A = arith.extui %eq3A_86 : vector<1280x64xi1> to vector<1280x64xi32>
    %convert_element_type3A_87 = arith.sitofp %convert_element_type3A : vector<1280x64xi32> to vector<1280x64xf32>
    %slice3A = vector.extract_strided_slice %add3A_76 {offsets = [0, 0], sizes = [1280, 16], strides = [1, 1]} : vector<1280x128xf32> to vector<1280x16xf32>
    %dot_general3A_88 = arith.constant dense<0.000000e+00> : vector<64x16xf32>
    %dot_general3A_89 = tpu.matmul %convert_element_type3A_87, %slice3A, %dot_general3A_88 {dimension_numbers = #tpu.dot_dimension_numbers<[0], [0], [1], [1], [0, 1, 1, 1], [], []>, transpose_lhs_hint = true} : vector<1280x64xf32>, vector<1280x16xf32>, vector<64x16xf32> -> vector<64x16xf32>
    %add3A_90 = arith.addf %broadcast_in_dim3A_79, %dot_general3A_89 : vector<64x16xf32>
    %reduce_sum3A = arith.constant dense<0.000000e+00> : vector<64xf32>
    %reduce_sum3A_91 = vector.multi_reduction <add>, %convert_element_type3A_87, %reduce_sum3A [0] : vector<1280x64xf32> to vector<64xf32>
    %add3A_92 = arith.addf %broadcast_in_dim3A_81, %reduce_sum3A_91 : vector<64xf32>
    %get3A_93 = arith.constant 0 : index
    %get3A_94 = arith.constant 1 : index
    %get3A_95 = vector.load %arg3[%get3A_93, %get3A_94] : memref<1280x8xi32, #tpu.memory_space<vmem>>, vector<1280x1xi32>
    %eq3A_96 = vector.broadcast %get3A_95 : vector<1280x1xi32> to vector<1280x64xi32>
    %eq3A_97 = arith.cmpi eq, %eq3A_96, %iota3A_77 : vector<1280x64xi32>
    %convert_element_type3A_98 = arith.extui %eq3A_97 : vector<1280x64xi1> to vector<1280x64xi32>
    %convert_element_type3A_99 = arith.sitofp %convert_element_type3A_98 : vector<1280x64xi32> to vector<1280x64xf32>
    %slice3A_100 = vector.extract_strided_slice %add3A_76 {offsets = [0, 16], sizes = [1280, 16], strides = [1, 1]} : vector<1280x128xf32> to vector<1280x16xf32>
    %dot_general3A_101 = arith.constant dense<0.000000e+00> : vector<64x16xf32>
    %dot_general3A_102 = tpu.matmul %convert_element_type3A_99, %slice3A_100, %dot_general3A_101 {dimension_numbers = #tpu.dot_dimension_numbers<[0], [0], [1], [1], [0, 1, 1, 1], [], []>, transpose_lhs_hint = true} : vector<1280x64xf32>, vector<1280x16xf32>, vector<64x16xf32> -> vector<64x16xf32>
    %add3A_103 = arith.addf %add3A_90, %dot_general3A_102 : vector<64x16xf32>
    %reduce_sum3A_104 = arith.constant dense<0.000000e+00> : vector<64xf32>
    %reduce_sum3A_105 = vector.multi_reduction <add>, %convert_element_type3A_99, %reduce_sum3A_104 [0] : vector<1280x64xf32> to vector<64xf32>
    %add3A_106 = arith.addf %add3A_92, %reduce_sum3A_105 : vector<64xf32>
    %get3A_107 = arith.constant 0 : index
    %get3A_108 = arith.constant 2 : index
    %get3A_109 = vector.load %arg3[%get3A_107, %get3A_108] : memref<1280x8xi32, #tpu.memory_space<vmem>>, vector<1280x1xi32>
    %eq3A_110 = vector.broadcast %get3A_109 : vector<1280x1xi32> to vector<1280x64xi32>
    %eq3A_111 = arith.cmpi eq, %eq3A_110, %iota3A_77 : vector<1280x64xi32>
    %convert_element_type3A_112 = arith.extui %eq3A_111 : vector<1280x64xi1> to vector<1280x64xi32>
    %convert_element_type3A_113 = arith.sitofp %convert_element_type3A_112 : vector<1280x64xi32> to vector<1280x64xf32>
    %slice3A_114 = vector.extract_strided_slice %add3A_76 {offsets = [0, 32], sizes = [1280, 16], strides = [1, 1]} : vector<1280x128xf32> to vector<1280x16xf32>
    %dot_general3A_115 = arith.constant dense<0.000000e+00> : vector<64x16xf32>
    %dot_general3A_116 = tpu.matmul %convert_element_type3A_113, %slice3A_114, %dot_general3A_115 {dimension_numbers = #tpu.dot_dimension_numbers<[0], [0], [1], [1], [0, 1, 1, 1], [], []>, transpose_lhs_hint = true} : vector<1280x64xf32>, vector<1280x16xf32>, vector<64x16xf32> -> vector<64x16xf32>
    %add3A_117 = arith.addf %add3A_103, %dot_general3A_116 : vector<64x16xf32>
    %reduce_sum3A_118 = arith.constant dense<0.000000e+00> : vector<64xf32>
    %reduce_sum3A_119 = vector.multi_reduction <add>, %convert_element_type3A_113, %reduce_sum3A_118 [0] : vector<1280x64xf32> to vector<64xf32>
    %add3A_120 = arith.addf %add3A_106, %reduce_sum3A_119 : vector<64xf32>
    %get3A_121 = arith.constant 0 : index
    %get3A_122 = arith.constant 3 : index
    %get3A_123 = vector.load %arg3[%get3A_121, %get3A_122] : memref<1280x8xi32, #tpu.memory_space<vmem>>, vector<1280x1xi32>
    %eq3A_124 = vector.broadcast %get3A_123 : vector<1280x1xi32> to vector<1280x64xi32>
    %eq3A_125 = arith.cmpi eq, %eq3A_124, %iota3A_77 : vector<1280x64xi32>
    %convert_element_type3A_126 = arith.extui %eq3A_125 : vector<1280x64xi1> to vector<1280x64xi32>
    %convert_element_type3A_127 = arith.sitofp %convert_element_type3A_126 : vector<1280x64xi32> to vector<1280x64xf32>
    %slice3A_128 = vector.extract_strided_slice %add3A_76 {offsets = [0, 48], sizes = [1280, 16], strides = [1, 1]} : vector<1280x128xf32> to vector<1280x16xf32>
    %dot_general3A_129 = arith.constant dense<0.000000e+00> : vector<64x16xf32>
    %dot_general3A_130 = tpu.matmul %convert_element_type3A_127, %slice3A_128, %dot_general3A_129 {dimension_numbers = #tpu.dot_dimension_numbers<[0], [0], [1], [1], [0, 1, 1, 1], [], []>, transpose_lhs_hint = true} : vector<1280x64xf32>, vector<1280x16xf32>, vector<64x16xf32> -> vector<64x16xf32>
    %add3A_131 = arith.addf %add3A_117, %dot_general3A_130 : vector<64x16xf32>
    %reduce_sum3A_132 = arith.constant dense<0.000000e+00> : vector<64xf32>
    %reduce_sum3A_133 = vector.multi_reduction <add>, %convert_element_type3A_127, %reduce_sum3A_132 [0] : vector<1280x64xf32> to vector<64xf32>
    %add3A_134 = arith.addf %add3A_120, %reduce_sum3A_133 : vector<64xf32>
    %get3A_135 = arith.constant 0 : index
    %get3A_136 = arith.constant 4 : index
    %get3A_137 = vector.load %arg3[%get3A_135, %get3A_136] : memref<1280x8xi32, #tpu.memory_space<vmem>>, vector<1280x1xi32>
    %eq3A_138 = vector.broadcast %get3A_137 : vector<1280x1xi32> to vector<1280x64xi32>
    %eq3A_139 = arith.cmpi eq, %eq3A_138, %iota3A_77 : vector<1280x64xi32>
    %convert_element_type3A_140 = arith.extui %eq3A_139 : vector<1280x64xi1> to vector<1280x64xi32>
    %convert_element_type3A_141 = arith.sitofp %convert_element_type3A_140 : vector<1280x64xi32> to vector<1280x64xf32>
    %slice3A_142 = vector.extract_strided_slice %add3A_76 {offsets = [0, 64], sizes = [1280, 16], strides = [1, 1]} : vector<1280x128xf32> to vector<1280x16xf32>
    %dot_general3A_143 = arith.constant dense<0.000000e+00> : vector<64x16xf32>
    %dot_general3A_144 = tpu.matmul %convert_element_type3A_141, %slice3A_142, %dot_general3A_143 {dimension_numbers = #tpu.dot_dimension_numbers<[0], [0], [1], [1], [0, 1, 1, 1], [], []>, transpose_lhs_hint = true} : vector<1280x64xf32>, vector<1280x16xf32>, vector<64x16xf32> -> vector<64x16xf32>
    %add3A_145 = arith.addf %add3A_131, %dot_general3A_144 : vector<64x16xf32>
    %reduce_sum3A_146 = arith.constant dense<0.000000e+00> : vector<64xf32>
    %reduce_sum3A_147 = vector.multi_reduction <add>, %convert_element_type3A_141, %reduce_sum3A_146 [0] : vector<1280x64xf32> to vector<64xf32>
    %add3A_148 = arith.addf %add3A_134, %reduce_sum3A_147 : vector<64xf32>
    %get3A_149 = arith.constant 0 : index
    %get3A_150 = arith.constant 5 : index
    %get3A_151 = vector.load %arg3[%get3A_149, %get3A_150] : memref<1280x8xi32, #tpu.memory_space<vmem>>, vector<1280x1xi32>
    %eq3A_152 = vector.broadcast %get3A_151 : vector<1280x1xi32> to vector<1280x64xi32>
    %eq3A_153 = arith.cmpi eq, %eq3A_152, %iota3A_77 : vector<1280x64xi32>
    %convert_element_type3A_154 = arith.extui %eq3A_153 : vector<1280x64xi1> to vector<1280x64xi32>
    %convert_element_type3A_155 = arith.sitofp %convert_element_type3A_154 : vector<1280x64xi32> to vector<1280x64xf32>
    %slice3A_156 = vector.extract_strided_slice %add3A_76 {offsets = [0, 80], sizes = [1280, 16], strides = [1, 1]} : vector<1280x128xf32> to vector<1280x16xf32>
    %dot_general3A_157 = arith.constant dense<0.000000e+00> : vector<64x16xf32>
    %dot_general3A_158 = tpu.matmul %convert_element_type3A_155, %slice3A_156, %dot_general3A_157 {dimension_numbers = #tpu.dot_dimension_numbers<[0], [0], [1], [1], [0, 1, 1, 1], [], []>, transpose_lhs_hint = true} : vector<1280x64xf32>, vector<1280x16xf32>, vector<64x16xf32> -> vector<64x16xf32>
    %add3A_159 = arith.addf %add3A_145, %dot_general3A_158 : vector<64x16xf32>
    %reduce_sum3A_160 = arith.constant dense<0.000000e+00> : vector<64xf32>
    %reduce_sum3A_161 = vector.multi_reduction <add>, %convert_element_type3A_155, %reduce_sum3A_160 [0] : vector<1280x64xf32> to vector<64xf32>
    %add3A_162 = arith.addf %add3A_148, %reduce_sum3A_161 : vector<64xf32>
    %get3A_163 = arith.constant 0 : index
    %get3A_164 = arith.constant 6 : index
    %get3A_165 = vector.load %arg3[%get3A_163, %get3A_164] : memref<1280x8xi32, #tpu.memory_space<vmem>>, vector<1280x1xi32>
    %eq3A_166 = vector.broadcast %get3A_165 : vector<1280x1xi32> to vector<1280x64xi32>
    %eq3A_167 = arith.cmpi eq, %eq3A_166, %iota3A_77 : vector<1280x64xi32>
    %convert_element_type3A_168 = arith.extui %eq3A_167 : vector<1280x64xi1> to vector<1280x64xi32>
    %convert_element_type3A_169 = arith.sitofp %convert_element_type3A_168 : vector<1280x64xi32> to vector<1280x64xf32>
    %slice3A_170 = vector.extract_strided_slice %add3A_76 {offsets = [0, 96], sizes = [1280, 16], strides = [1, 1]} : vector<1280x128xf32> to vector<1280x16xf32>
    %dot_general3A_171 = arith.constant dense<0.000000e+00> : vector<64x16xf32>
    %dot_general3A_172 = tpu.matmul %convert_element_type3A_169, %slice3A_170, %dot_general3A_171 {dimension_numbers = #tpu.dot_dimension_numbers<[0], [0], [1], [1], [0, 1, 1, 1], [], []>, transpose_lhs_hint = true} : vector<1280x64xf32>, vector<1280x16xf32>, vector<64x16xf32> -> vector<64x16xf32>
    %add3A_173 = arith.addf %add3A_159, %dot_general3A_172 : vector<64x16xf32>
    %reduce_sum3A_174 = arith.constant dense<0.000000e+00> : vector<64xf32>
    %reduce_sum3A_175 = vector.multi_reduction <add>, %convert_element_type3A_169, %reduce_sum3A_174 [0] : vector<1280x64xf32> to vector<64xf32>
    %add3A_176 = arith.addf %add3A_162, %reduce_sum3A_175 : vector<64xf32>
    %get3A_177 = arith.constant 0 : index
    %get3A_178 = arith.constant 7 : index
    %get3A_179 = vector.load %arg3[%get3A_177, %get3A_178] : memref<1280x8xi32, #tpu.memory_space<vmem>>, vector<1280x1xi32>
    %eq3A_180 = vector.broadcast %get3A_179 : vector<1280x1xi32> to vector<1280x64xi32>
    %eq3A_181 = arith.cmpi eq, %eq3A_180, %iota3A_77 : vector<1280x64xi32>
    %convert_element_type3A_182 = arith.extui %eq3A_181 : vector<1280x64xi1> to vector<1280x64xi32>
    %convert_element_type3A_183 = arith.sitofp %convert_element_type3A_182 : vector<1280x64xi32> to vector<1280x64xf32>
    %slice3A_184 = vector.extract_strided_slice %add3A_76 {offsets = [0, 112], sizes = [1280, 16], strides = [1, 1]} : vector<1280x128xf32> to vector<1280x16xf32>
    %dot_general3A_185 = arith.constant dense<0.000000e+00> : vector<64x16xf32>
    %dot_general3A_186 = tpu.matmul %convert_element_type3A_183, %slice3A_184, %dot_general3A_185 {dimension_numbers = #tpu.dot_dimension_numbers<[0], [0], [1], [1], [0, 1, 1, 1], [], []>, transpose_lhs_hint = true} : vector<1280x64xf32>, vector<1280x16xf32>, vector<64x16xf32> -> vector<64x16xf32>
    %add3A_187 = arith.addf %add3A_173, %dot_general3A_186 : vector<64x16xf32>
    %reduce_sum3A_188 = arith.constant dense<0.000000e+00> : vector<64xf32>
    %reduce_sum3A_189 = vector.multi_reduction <add>, %convert_element_type3A_183, %reduce_sum3A_188 [0] : vector<1280x64xf32> to vector<64xf32>
    %add3A_190 = arith.addf %add3A_176, %reduce_sum3A_189 : vector<64xf32>
    %broadcast_in_dim3A_191 = vector.shape_cast %add3A_190 : vector<64xf32> to vector<64x1xf32>
    %max3A = arith.constant 1.000000e+00 : f32
    %max3A_192 = vector.broadcast %max3A : f32 to vector<64x1xf32>
    %max3A_193 = arith.maximumf %broadcast_in_dim3A_191, %max3A_192 : vector<64x1xf32>
    %div3A_194 = vector.broadcast %max3A_193 : vector<64x1xf32> to vector<64x16xf32>
    %div3A_195 = arith.divf %add3A_187, %div3A_194 : vector<64x16xf32>
    %get3A_196 = arith.constant 0 : index
    %get3A_197 = arith.constant 0 : index
    %get3A_198 = vector.load %arg4[%get3A_196, %get3A_197] : memref<16x1xf32, #tpu.memory_space<vmem>>, vector<16x1xf32>
    %dot_general3A_199 = arith.constant dense<0.000000e+00> : vector<64x1xf32>
    %dot_general3A_200 = tpu.matmul %div3A_195, %get3A_198, %dot_general3A_199 {dimension_numbers = #tpu.dot_dimension_numbers<[1], [0], [0], [1], [0, 0, 1, 1], [], []>, transpose_lhs_hint = false} : vector<64x16xf32>, vector<16x1xf32>, vector<64x1xf32> -> vector<64x1xf32>
    %get3A_201 = arith.constant 0 : index
    %get3A_202 = vector.load %arg5[%get3A_201] : memref<1xf32, #tpu.memory_space<vmem>>, vector<1xf32>
    %broadcast_in_dim3A_203 = vector.shape_cast %get3A_202 : vector<1xf32> to vector<1x1xf32>
    %add3A_204 = vector.broadcast %broadcast_in_dim3A_203 : vector<1x1xf32> to vector<64x1xf32>
    %add3A_205 = arith.addf %dot_general3A_200, %add3A_204 : vector<64x1xf32>
    %swap3A = arith.constant 0 : index
    %swap3A_206 = arith.constant 0 : index
    %swap3A_207 = vector.load %arg6[%swap3A, %swap3A_206] : memref<64x1xf32, #tpu.memory_space<vmem>>, vector<64x1xf32>
    tpu.vector_store %arg6[%swap3A, %swap3A_206], %add3A_205 {strides = array<i32>} : memref<64x1xf32, #tpu.memory_space<vmem>>, vector<64x1xf32>,
    return
  }
}

</mosaic_0001>

<sc_bundles>
// kernel: kernel.11.cloned.1.call-start
scs
__scs_entry_jumppad:
0x0: {  	(pc) =	sbr.rel $0x88, $3  }
0x1: {  	(tag) =	ssettag $0x0;
	lr =	simm.s32 $0x1  }
0x2: {  	[smem:$0x3F97] =	sst lr;
	_ =	strace $0xD0000000  }
0x3: {  	_ = 	snop  }
0x4: {  	_ = 	snop  }
0x5: {  	_ = 	snop  }
0x6: {  	_ = 	snop  }
0x7: {  	_ = 	snop  }
__scs_overlays_trampoline_lowered:
0x8: {  	[smem:$0x3FA6] =	sst s0  }
0x9: {  	[smem:$0x3FA7] =	sst s1  }
0xa: {  	[smem:$0x3FA8] =	sst s2  }
0xb: {  	[smem:$0x3FA9] =	sst s3  }
0xc: {  	[smem:$0x3FAA] =	sst s4  }
0xd: {  	[smem:$0x3FAB] =	sst s5  }
0xe: {  	[smem:$0x3FAC] =	sst s6  }
0xf: {  	[smem:$0x3FAD] =	sst s7  }
0x10: {  	[smem:$0x3FAE] =	sst s8  }
0x11: {  	[smem:$0x3FAF] =	sst s9;
	s0 =	simm.s32 @!p0 $0x0  }
0x12: {  	s1 =	sld [smem:$0x3F95];
	s0 =	simm.s32 @p0 $0x1  }
0x13: {  	[smem:$0x3FB0] =	sst s0;
	s0 =	simm.s32 @!p1 $0x0  }
0x14: {  	s2 =	sld [smem:$0x3F94];
	s0 =	simm.s32 @p1 $0x1  }
0x15: {  	[smem:$0x3FB1] =	sst s0;
	s0 =	simm.s32 @!p2 $0x0  }
0x16: {  	s3 =	sld [smem:$0x3FDB];
	s0 =	simm.s32 @p2 $0x1  }
0x17: {  	s4 =	simm.s32 $0x1BF5;
	[smem:$0x3FB3] =	sst s0  }
0x18: {  	s0 =	sld [smem:$0x3F96];
	_ =	swait.ge [sflag:s4], $0x0  }
0x19: {  	s7 =	sld [smem:$0x3F97]  }
0x1a: {  	s8 =	sadd.s32 $0xFFFFE003, lr  }
0x1b: {  	s9 =	sadd.s32 $0xFFFFFEF7, lr;
	s5 =	simm.s32 $0xFFFFFFFF;
	p2 =	slt.u32 s8, $0xFFFFF086  }
0x1c: {  	p1 =	slt.u32 s9, $0xF7A;
	s5 =	simm.s32 @!p2 $0x0  }
0x1d: {  	s5 =	simm.s32 @p1 $0x1;
	p0 =	seq.s32 s7, s2  }
0x1e: {  	s7 =	smul.u32 @!p0 $0xF7A, s2;
	p2 =	seq.s32 @!p0 s5, $0x0  }
0x1f: {  	s9 =	smul.u32 $0xF7A, s1;
	s8 =	simm.s32 @!p0 $0x1BF5;
	p2 =	por !p2, p0  }
0x20: {  	[sflag:s8] =	ssyncset.s32 @!p0 $0xFFFFF086;
	s6 =	sadd.s32 @!p0 s3, s7;
	s7 =	simm.s32 @!p0 $0x108  }
0x21: {  	s3 =	sadd.s32 s3, s9;
	s6 =	sadd.s32 @!p0 $0x88, s6;
	s7 =	simm.s32 @p2 $0x1082  }
0x22: {  	[simem:s7], [sflag:s8] =	dma.local @!p0 [hbm:s6], $0xF7A  }
0x23: {  	s9 =	sor.u32 $0xD0000000, s2;
	s6 =	simm.s32 $0x108;
	_ =	swait.ge @!p0 [sflag:s8], $0x0  }
0x24: {  	s3 =	sadd.s32 $0x88, s3;
	s6 =	simm.s32 @!p1 $0x1082;
	[sflag:s4] =	ssyncset.s32 $0xFFFFF086  }
0x25: {  	[simem:s6], [sflag:s4] =	dma.local [hbm:s3], $0xF7A  }
0x26: {  	[smem:$0x3F97] =	sst s1;
	(tag) =	ssettag s2;
	_ =	strace s9  }
0x27: {  	s1 =	sld [smem:$0x3FA7]  }
0x28: {  	s2 =	sld [smem:$0x3FA8]  }
0x29: {  	s4 =	sld [smem:$0x3FAA]  }
0x2a: {  	p0 =	seq.s32 s5, $0x0;
	s5 =	sld [smem:$0x3FAB]  }
0x2b: {  	s6 =	sld [smem:$0x3FAC]  }
0x2c: {  	s7 =	sld [smem:$0x3FAD]  }
0x2d: {  	s3 =	simm.s32 $0x108;
	s8 =	sld [smem:$0x3FAE]  }
0x2e: {  	s3 =	simm.s32 @!p0 $0x1082;
	s9 =	sld [smem:$0x3FAF]  }
0x2f: {  	lr =	sadd.s32 s0, s3;
	s0 =	sld [smem:$0x3FA6]  }
0x30: {  	s3 =	sld [smem:$0x3FA9]  }
0x31: {  	[smem:$0x3FB2] =	sst s10  }
0x32: {  	s10 =	sld [smem:$0x3FB0];
	_ =	sdelay $0x3  }
0x33: {  	p0 =	seq.s32 s10, $0x1;
	s10 =	sld [smem:$0x3FB2];
	_ =	sdelay $0x3  }
0x34: {  	[smem:$0x3FB2] =	sst s10  }
0x35: {  	s10 =	sld [smem:$0x3FB1];
	_ =	sdelay $0x3  }
0x36: {  	p1 =	seq.s32 s10, $0x1;
	s10 =	sld [smem:$0x3FB2];
	_ =	sdelay $0x3  }
0x37: {  	[smem:$0x3FB2] =	sst s10  }
0x38: {  	s10 =	sld [smem:$0x3FB3]  }
0x39: {  	_ = 	snop;
	(pc) =	sbr.ind lr, $3  }
0x3a: {  	_ = 	snop  }
0x3b: {  	_ = 	snop  }
0x3c: {  	p2 =	seq.s32 s10, $0x1;
	s10 =	sld [smem:$0x3FB2]  }
0x3d: {  	_ =	shalt  }
0x3e: {  	_ =	shalt  }
0x3f: {  	_ =	shalt  }
0x40: {  	_ =	shalt  }
0x41: {  	_ =	shalt  }
0x42: {  	_ =	shalt  }
0x43: {  	_ =	shalt  }
0x44: {  	_ =	shalt  }
0x45: {  	_ =	shalt  }
0x46: {  	_ =	shalt  }
0x47: {  	_ =	shalt  }
0x48: {  	_ =	shalt  }
0x49: {  	_ =	shalt  }
0x4a: {  	_ =	shalt  }
0x4b: {  	_ =	shalt  }
0x4c: {  	_ =	shalt  }
0x4d: {  	_ =	shalt  }
0x4e: {  	_ =	shalt  }
0x4f: {  	_ =	shalt  }
0x50: {  	_ =	shalt  }
0x51: {  	_ =	shalt  }
0x52: {  	_ =	shalt  }
0x53: {  	_ =	shalt  }
0x54: {  	_ =	shalt  }
0x55: {  	_ =	shalt  }
0x56: {  	_ =	shalt  }
0x57: {  	_ =	shalt  }
0x58: {  	_ =	shalt  }
0x59: {  	_ =	shalt  }
0x5a: {  	_ =	shalt  }
0x5b: {  	_ =	shalt  }
0x5c: {  	_ =	shalt  }
0x5d: {  	_ =	shalt  }
0x5e: {  	_ =	shalt  }
0x5f: {  	_ =	shalt  }
0x60: {  	_ =	shalt  }
0x61: {  	_ =	shalt  }
0x62: {  	_ =	shalt  }
0x63: {  	_ =	shalt  }
0x64: {  	_ =	shalt  }
0x65: {  	_ =	shalt  }
0x66: {  	_ =	shalt  }
0x67: {  	_ =	shalt  }
0x68: {  	_ =	shalt  }
0x69: {  	_ =	shalt  }
0x6a: {  	_ =	shalt  }
0x6b: {  	_ =	shalt  }
0x6c: {  	_ =	shalt  }
0x6d: {  	_ =	shalt  }
0x6e: {  	_ =	shalt  }
0x6f: {  	_ =	shalt  }
0x70: {  	_ =	shalt  }
0x71: {  	_ =	shalt  }
0x72: {  	_ =	shalt  }
0x73: {  	_ =	shalt  }
0x74: {  	_ =	shalt  }
0x75: {  	_ =	shalt  }
0x76: {  	_ =	shalt  }
0x77: {  	_ =	shalt  }
0x78: {  	_ =	shalt  }
0x79: {  	_ =	shalt  }
0x7a: {  	_ =	shalt  }
0x7b: {  	_ =	shalt  }
0x7c: {  	_ =	shalt  }
0x7d: {  	_ =	shalt  }
0x7e: {  	_ =	shalt  }
0x7f: {  	_ =	shalt  }
0x80: {  	_ =	shalt  }
0x81: {  	_ =	shalt  }
0x82: {  	_ =	shalt  }
0x83: {  	_ =	shalt  }
0x84: {  	_ =	shalt  }
0x85: {  	_ =	shalt  }
0x86: {  	_ =	shalt  }
0x87: {  	_ =	shalt  }
.Lfunc_end0:
.L_simem_size_0:
called_computation.1_lowered:
.L_overlay_start_0:
0x88: {  	s2 =	sld [smem:$0x3FD9]  }
0x89: {  	s3 =	sld [smem:$0x3FFE];
	_ =	sdelay $0x1  }
0x8a: {  	s1 =	srdreg.scid  }
0x8b: {  	s0 =	sand.u32 $0x1, s1  }
0x8c: {  	s16 =	sshll.u32 s0, $0xA;
	s2 =	sadd.s32 s3, s2  }
0x8d: {  	s2 =	sadd.s32 s2, s16  }
0x8e: {  	[smem:$0x3FBE] =	sst s2  }
0x8f: {  	_ = 	snop  }
0x90: {  	(tm) =	ssettm $0x1  }
0x91: {  	s17 =	sld [smem:$0x3FFB];
	_ =	sdelay $0x3  }
0x92: {  	_ =	strace s17  }
0x93: {  	s2 =	sld [smem:$0x3FFC];
	_ =	sdelay $0x3  }
0x94: {  	_ =	strace s2  }
0x95: {  	s2 =	sld [smem:$0x3FFD];
	_ =	sdelay $0x3  }
0x96: {  	_ =	strace s2  }
0x97: {  	_ =	strace $0x8FFFFFFF  }
0x98: {  	s18 =	sld [smem:$0x3FDB];
	_ =	sdelay $0x1  }
0x99: {  	s19 =	simm.s32 $_scs_section_size  }
0x9a: {  	s4 =	simm.s32 $_size__tile_overlayer_lowered;
	s5 =	simm.s32 $_tile_overlayer_lowered  }
0x9b: {  	s22 =	simm.s32 $0x1BFF;
	s21 =	sshll.u32 s5, $0x1;
	s2 =	sadd.s32 s19, s18  }
0x9c: {  	s6 =	simm.s32 $0x0;
	s20 =	sshll.u32 s4, $0x1;
	s4 =	sadd.s32 s21, s2  }
0x9d: {  	[timem:s6], [sflag:s22] =	dma.local [hbm:s4], s20  }
0x9e: {  	_ =	swait.ge [sflag:s22], s20  }
0x9f: {  	s3 =	ssub.s32 $0x0, s20;
	[sflag:s22] =	ssyncset.done $0x0  }
0xa0: {  	[sflag:s22] =	ssyncadd.s32 s3;
	_ =	sdelay $0x1  }
0xa1: {  	s23 =	simm.s32 $0x1B8B  }
0xa2: {  	_ =	swait.ge [sflag:s23], $0x1  }
0xa3: {  	[sflag:s23] =	ssyncset.done $0x0  }
0xa4: {  	s25 =	simm.s32 $0x1B8E;
	s24 =	sld [smem:$0x3FFE];
	[sflag:s23] =	ssyncadd.s32 $0xFFFFFFFF  }
0xa5: {  	s26 =	simm.s32 $execute0_lowered;
	[smem:$0x3FD2] =	sst s25  }
0xa6: {  	s4 =	sshll.u32 s26, $0x1;
	_ =	strace $0x80000049;
	[dreg:$0x1] =	wrdreg $0xFFFFFFFF  }
0xa7: {  	s28 =	simm.s32 $_size_execute0_lowered;
	s2 =	sadd.s32 s2, s4;
	[dreg:$0x0] =	wrdreg $0x0  }
0xa8: {  	s4 =	sshll.u32 s28, $0x1;
	[dreg:$0x2] =	wrdreg s2  }
0xa9: {  	[dreg:$0x3] =	wrdreg s4  }
0xaa: {  	[dreg:$0x4] =	wrdreg $0xC0  }
0xab: {  	_ =	task [dreg:s6], $0x5FFFF  }
0xac: {  	[dreg:$0x1] =	wrdreg $0xFFFFFFFF  }
0xad: {  	[dreg:$0x0] =	wrdreg $0x60  }
0xae: {  	[dreg:$0x2] =	wrdreg s24  }
0xaf: {  	[dreg:$0x3] =	wrdreg $0xC6000  }
0xb0: {  	[dreg:$0x4] =	wrdreg $0x9  }
0xb1: {  	_ =	task.clear_ibuf [dreg:s6], $0x5FFFF;
	_ =	strace $0x90000049  }
0xb2: {  	s29 =	simm.s32 $0x9;
	_ =	strace $0x8000004B  }
0xb3: {  	_ =	swait.ge [sflag:s29], $0x1  }
0xb4: {  	[sflag:s29] =	ssyncadd.s32 $0xFFFFFFFF  }
0xb5: {  	_ =	strace $0x9000004B  }
0xb6: {  	_ =	sfence  }
0xb7: {  	s30 =	sld [smem:$0x0];
	_ =	sdelay $0x2  }
0xb8: {  	s31 =	sshll.u32 s1, $0xD;
	s1 =	sshrl.u32 s1, $0x2  }
0xb9: {  	s3 =	sand.u32 $0x4000, s31;
	s1 =	sadd.s32 s1, s30  }
0xba: {  	s0 =	sor.u32 s3, s0;
	s1 =	sshll.u32 s1, $0x11  }
0xbb: {  	s0 =	sor.u32 s1, s0  }
0xbc: {  	s0 =	sadd.s32 $0x8F2B, s0  }
0xbd: {  	[sflag:s0] =	ssyncadd.remote.s32 $0x1  }
0xbe: {  	_ =	sfence.sel $0xFFFF  }
0xbf: {  	[dreg:$0x0] =	wrdreg $0xFFFFFFFF;
	(pc) =	sbr.abs _section_cstart, $3  }
0xc0: {  	[dreg:$0x1] =	wrdreg $0xFFFFFFFF  }
0xc1: {  	_ =	task.clear_ibuf [dreg:s6], $0x2FFFF;
	_ =	strace $0x9FFFFFFF  }
0xc2: {  	(tm) =	ssettm $0x7FFFFFFF  }
0xc3: {  	_ =	shalt  }
tec
execute0_lowered:
.L_overlay_start_1:
0x0: {  	(tag) =	ssettag $0x1  }
0x1: {  	s3 =	rddreg [dreg:$0x0]  }
0x2: {  	s0 =	srdreg.scid;
	s2 =	rddreg [dreg:$0x1];
	s4 =	simm.s32 $0x0  }
0x3: {  	s8 =	stileid.u32;
	s0 =	sand.u32 $0x1, s0;
	[smem:$0x7FF] =	sst s4  }
0x4: {  	s6 =	smul.u32 $0x2800, s8;
	s4 =	sadd.s32 $0x22200, s3;
	s7 =	sadd.s32 $0x27200, s3  }
0x5: {  	s1 =	sshll.u32 s0, $0x4;
	s5 =	smul.u32 $0x28000, s0;
	_ =	strace $0x8000004A  }
0x6: {  	[dreg:$0x3] =	wrdreg s7;
	s0 =	ssub.s32 $0x2, s0;
	s1 =	sor.u32 s8, s1  }
0x7: {  	s14 =	sshrl.u32 s0, $0x1;
	s8 =	smul.u32 $0xA000, s8;
	s20 =	sadd.s32 s6, s2  }
0x8: {  	s1 =	smul.u32 $0x540, s1;
	s0 =	ssub.s32 s0, s14;
	s25 =	sshrl.u32 s20, $0x3  }
0x9: {  	s17 =	sshrl.u32 s8, $0x2;
	s0 =	smax.u32 s0, $0x1;
	[dreg:$0xe] =	wrdreg s25  }
0xa: {  	s1 =	sadd.s32 s1, s3;
	s18 =	sadd.s32 s17, s2;
	[dreg:$0x9] =	wrdreg s0  }
0xb: {  	s5 =	sadd.s32 s6, s5;
	s15 =	sadd.s32 $0xD200, s1;
	[dreg:$0x7] =	wrdreg s18  }
0xc: {  	s5 =	sshrl.u32 s5, $0x3;
	s16 =	sadd.s32 $0x17A00, s1;
	[dreg:$0x4] =	wrdreg s15  }
0xd: {  	s3 =	sadd.s32 s5, s3;
	s1 =	sadd.s32 $0x2A00, s1;
	[dreg:$0x5] =	wrdreg s16  }
0xe: {  	s19 =	sadd.s32 $0x27800, s3;
	[dreg:$0x6] =	wrdreg s1  }
0xf: {  	s26 =	simm.s32 $0xA600;
	s21 =	sadd.s32 $0x800, s18;
	[dreg:$0x8] =	wrdreg s19  }
0x10: {  	s28 =	simm.s32 $0x2;
	s22 =	sadd.s32 $0x1000, s18;
	[dreg:$0xa] =	wrdreg s21  }
0x11: {  	s29 =	simm.s32 $0x3;
	s23 =	sadd.s32 $0x1800, s18;
	[dreg:$0xb] =	wrdreg s22  }
0x12: {  	s30 =	simm.s32 $0x4;
	s24 =	sadd.s32 $0x2000, s18;
	[dreg:$0xc] =	wrdreg s23  }
0x13: {  	s31 =	simm.s32 $0x5;
	s3 =	simm.s32 $0x6;
	[dreg:$0xd] =	wrdreg s24  }
0x14: {  	s19 =	simm.s32 $0x7E00;
	s21 =	simm.s32 $0x80;
	s24 =	simm.s32 $0xAE00  }
0x15: {  	v0 =	vimm.f32 $0.0e+00;
	s23 =	simm.s32 $0xB600;
	s16 =	simm.s32 $0xBE00;
	s1 =	simm.s32 $0x0  }
.LBB2_1:
0x16: {  	[dreg:$0xf] =	wrdreg s1  }
0x17: {  	s0 =	simm.s32 $0x0;
	s17 =	rddreg [dreg:$0x4]  }
0x18: {  	[tilespmem:s0], [sflag:$0x6] =	stream.linear.gather [hbm4b:s17+s0], $0x2A00, $0x38;
	[tilespmem:$0xEE00] =	vst v63  }
0x19: {  	_ =	swait.ge [sflag:s3], $0x2A00  }
0x1a: {  	[sflag:s3] =	ssyncset.done $0x0  }
0x1b: {  	s5 =	simm.s32 $0x2A00;
	s18 =	rddreg [dreg:$0x5];
	[sflag:s3] =	ssyncadd.s32 $0xFFFFD600  }
0x1c: {  	[tilespmem:s5], [sflag:$0x6] =	stream.linear.gather [hbm4b:s18+s0], $0x2A00, $0x38;
	[tilespmem:$0xEE00] =	vst v63  }
0x1d: {  	_ =	swait.ge [sflag:s3], $0x2A00  }
0x1e: {  	[sflag:s3] =	ssyncset.done $0x0  }
0x1f: {  	s22 =	simm.s32 $0x5400;
	s20 =	rddreg [dreg:$0x6];
	[sflag:s3] =	ssyncadd.s32 $0xFFFFD600  }
0x20: {  	[tilespmem:s22], [sflag:$0x6] =	stream.linear.gather [hbm4b:s20+s0], $0x2A00, $0x38;
	[tilespmem:$0xEE00] =	vst v63  }
0x21: {  	_ =	swait.ge [sflag:s3], $0x2A00  }
0x22: {  	[sflag:s3] =	ssyncset.done $0x0  }
0x23: {  	s25 =	rddreg [dreg:$0x3];
	[sflag:s3] =	ssyncadd.s32 $0xFFFFD600  }
0x24: {  	[tilespmem:s19], [sflag:$0x6] =	stream.linear.gather [hbm4b:s25+s0], $0x2800, $0x38;
	[tilespmem:$0xEE00] =	vst v63  }
0x25: {  	_ =	swait.ge [sflag:s3], $0x2800  }
0x26: {  	[sflag:s3] =	ssyncset.done $0x0  }
0x27: {  	s1 =	simm.s32 $0x0;
	s0 =	simm.s32 $0x40;
	[sflag:s3] =	ssyncadd.s32 $0xFFFFD800  }
.LBB2_2:
0x28: {  	p0 =	sne.s32 s0, $0x1FC0;
	[tilespmem:s1+$0xA600] =	vst v0;
	s1 =	smov.u32 s0;
	s0 =	sadd.s32 $0x40, s0  }
.Ltmp0:
0x29: {  	(pc) =	sbr.rel @p0 .LBB2_2-.Ltmp0, $2  }
0x2a: {  	_ =	sdelay $0x2  }
0x2b: {  	s1 =	sshra.s32 s1, $0x2  }
0x2c: {  	[tilespmem:s1+$0xA600] =	vst v0;
	s0 =	rddreg [dreg:$0x7]  }
0x2d: {  	[spmem:s0] =	stream.linear.scatter [tilespmem:s26], [sflag:$0x6], $0x800, $0x38;
	[tilespmem:$0xEE00] =	vst v63  }
0x2e: {  	_ =	swait.ge [sflag:s3], $0x800  }
0x2f: {  	[sflag:s3] =	ssyncset.done $0x0  }
0x30: {  	s18 =	rddreg [dreg:$0xa];
	[sflag:s3] =	ssyncadd.s32 $0xFFFFF800  }
0x31: {  	[spmem:s18] =	stream.linear.scatter [tilespmem:s26], [sflag:$0x6], $0x800, $0x38;
	[tilespmem:$0xEE00] =	vst v63  }
0x32: {  	_ =	swait.ge [sflag:s3], $0x800  }
0x33: {  	[sflag:s3] =	ssyncset.done $0x0  }
0x34: {  	s20 =	rddreg [dreg:$0xb];
	[sflag:s3] =	ssyncadd.s32 $0xFFFFF800  }
0x35: {  	[spmem:s20] =	stream.linear.scatter [tilespmem:s26], [sflag:$0x6], $0x800, $0x38;
	[tilespmem:$0xEE00] =	vst v63  }
0x36: {  	_ =	swait.ge [sflag:s3], $0x800  }
0x37: {  	[sflag:s3] =	ssyncset.done $0x0  }
0x38: {  	s22 =	rddreg [dreg:$0xc];
	[sflag:s3] =	ssyncadd.s32 $0xFFFFF800  }
0x39: {  	[spmem:s22] =	stream.linear.scatter [tilespmem:s26], [sflag:$0x6], $0x800, $0x38;
	[tilespmem:$0xEE00] =	vst v63  }
0x3a: {  	s17 =	simm.s32 $0x0;
	s5 =	simm.s32 $0x2A80;
	_ =	swait.ge [sflag:s3], $0x800  }
0x3b: {  	s6 =	simm.s32 $0x80;
	s7 =	simm.s32 $0x5480;
	[sflag:s3] =	ssyncset.done $0x0  }
0x3c: {  	s8 =	simm.s32 $0x2B00;
	s25 =	rddreg [dreg:$0xd];
	[sflag:s3] =	ssyncadd.s32 $0xFFFFF800  }
0x3d: {  	[spmem:s25] =	stream.linear.scatter [tilespmem:s26], [sflag:$0x6], $0x800, $0x38;
	[tilespmem:$0xEE00] =	vst v63  }
0x3e: {  	s10 =	simm.s32 $0x100;
	s11 =	simm.s32 $0x5500;
	_ =	swait.ge [sflag:s3], $0x800  }
0x3f: {  	s12 =	simm.s32 $0x2B80;
	s13 =	simm.s32 $0x180;
	[sflag:s3] =	ssyncset.done $0x0  }
0x40: {  	s14 =	simm.s32 $0x5580;
	s15 =	simm.s32 $0x0;
	[sflag:s3] =	ssyncadd.s32 $0xFFFFF800  }
0x41: {  	s0 =	simm.s32 $0x5400;
	s18 =	simm.s32 $0x2A00;
	[bflag:$0x0] =	sbarrier.arrive $0xFFFF  }
.LBB2_4:
0x42: {  	s1 =	sshll.u32 s15, $0x9  }
0x43: {  	[tilespmem:s26], [sflag:$0x1] =	stream.indirect.gather [hbm4b:s4+s21], $0x10, s1, s21, $0xb8;
	[tilespmem:$0xEE00] =	vst v63  }
0x44: {  	s3 =	sor.u32 $0x80, s1  }
0x45: {  	[tilespmem:s24], [sflag:$0x2] =	stream.indirect.gather [hbm4b:s4+s21], $0x10, s3, s21, $0xb8;
	[tilespmem:$0xEE00] =	vst v63  }
0x46: {  	s9 =	sor.u32 $0x100, s1  }
0x47: {  	[tilespmem:s23], [sflag:$0x3] =	stream.indirect.gather [hbm4b:s4+s21], $0x10, s9, s21, $0xb8;
	[tilespmem:$0xEE00] =	vst v63  }
0x48: {  	v1 =	vmov s17;
	s25 =	sor.u32 $0x180, s1;
	s24 =	simm.s32 $0x1  }
0x49: {  	[tilespmem:s16], [sflag:$0x4] =	stream.indirect.gather [hbm4b:s4+s21], $0x10, s25, s21, $0xb8;
	[tilespmem:$0xEE00] =	vst v63  }
0x4a: {  	v2 =	vmov s18;
	_ =	swait.ge [sflag:s24], $0x800  }
0x4b: {  	[sflag:s24] =	ssyncset.done $0x0  }
0x4c: {  	s26 =	simm.s32 $0x0;
	[sflag:s24] =	ssyncadd.s32 $0xFFFFF800  }
0x4d: {  	v5 =	vld.idx.msk [tilespmem:v1+s26+$0x0 ss:$0x1], $0xffff;
	_ =	sdelay $0x1  }
0x4e: {  	v3 =	vmov s0;
	v7 =	vld.idx.msk [tilespmem:v2+s26+$0x0 ss:$0x1], $0xffff;
	_ =	sdelay $0x4  }
0x4f: {  	v4 =	vld.idx.msk [tilespmem:v3+s26+$0x0 ss:$0x1], $0xffff  }
0x50: {  	v6 =	vld.idx.msk [tilespmem:v5+s19+$0x0], $0xffff  }
0x51: {  	s22 =	simm.s32 $0xA680;
	s20 =	simm.s32 $0xA780  }
0x52: {  	s23 =	simm.s32 $0x10;
	s16 =	simm.s32 $0xA780;
	s24 =	simm.s32 $0x80;
	v5 =	vld.idx.msk [tilespmem:v7+s19+$0x0], $0xffff  }
.LBB2_5:
0x53: {  	p0 =	sne.s32 s24, $0x1C0  }
0x54: {  	s20 =	sadd.s32 $0x100, s20;
	s26 =	smov.u32 s24;
	s24 =	sadd.s32 $0x40, s24  }
0x55: {  	v4 =	vmul.f32 v6, v4;
	v6 =	vld [tilespmem:s22+$0xFFFFFF90]  }
0x56: {  	v7 =	vld [tilespmem:s22+$0xFFFFFF80]  }
0x57: {  	v4 =	vmul.f32 v5, v4;
	v5 =	vld [tilespmem:s22+$0x20]  }
0x58: {  	v8 =	vld [tilespmem:s22+$0xFFFFFFA0]  }
0x59: {  	v9 =	vbroadcast v4, $0x0;
	v10 =	vbroadcast v4, $0x4;
	v11 =	vld [tilespmem:s22+$0xFFFFFFD0]  }
0x5a: {  	v12 =	vbroadcast v4, $0x1;
	v13 =	vbroadcast v4, $0x2;
	v14 =	vld [tilespmem:s22+$0xFFFFFFE0]  }
0x5b: {  	v15 =	vbroadcast v4, $0xA;
	v7 =	vmul.f32 v9, v7;
	v9 =	vld [tilespmem:s22+$0xFFFFFFC0]  }
0x5c: {  	v6 =	vmul.f32 v6, v12;
	v12 =	vbroadcast v4, $0x5;
	v16 =	vld [tilespmem:s22+$0x10]  }
0x5d: {  	[tilespmem:s22+$0xFFFFFF80] =	vst v7;
	v7 =	vmul.f32 v8, v13;
	v8 =	vbroadcast v4, $0x6;
	v13 =	vld [tilespmem:s22+$0x30]  }
0x5e: {  	[tilespmem:s22+$0xFFFFFF90] =	vst v6;
	v6 =	vmul.f32 v11, v12;
	v11 =	vld [tilespmem:s22+$0x0];
	v12 =	vbroadcast v4, $0x8  }
0x5f: {  	[tilespmem:s22+$0xFFFFFFA0] =	vst v7;
	v7 =	vmul.f32 v14, v8;
	v8 =	vbroadcast v4, $0x9;
	v14 =	vld [tilespmem:s22+$0x40]  }
0x60: {  	v17 =	vld [tilespmem:s22+$0xFFFFFFB0];
	v9 =	vmul.f32 v9, v10;
	[tilespmem:s22+$0xFFFFFFD0] =	vst v6;
	v6 =	vbroadcast v4, $0xB  }
0x61: {  	v5 =	vmul.f32 v5, v15;
	[tilespmem:s22+$0xFFFFFFE0] =	vst v7;
	v7 =	vld [tilespmem:s22+$0xFFFFFFF0];
	v8 =	vmul.f32 v16, v8  }
0x62: {  	[tilespmem:s22+$0xFFFFFFC0] =	vst v9;
	v6 =	vmul.f32 v13, v6;
	v9 =	vbroadcast v4, $0xC;
	v10 =	vld [tilespmem:s22+$0x50]  }
0x63: {  	s26 =	sshra.s32 s26, $0x2;
	v13 =	vbroadcast v4, $0x3;
	v11 =	vmul.f32 v11, v12;
	[tilespmem:s22+$0x10] =	vst v8;
	v8 =	vld [tilespmem:s22+$0x60]  }
0x64: {  	v12 =	vbroadcast v4, $0x7;
	[tilespmem:s22+$0x20] =	vst v5;
	v5 =	vmul.f32 v14, v9;
	v9 =	vld [tilespmem:s22+$0x70]  }
0x65: {  	v13 =	vmul.f32 v17, v13;
	[tilespmem:s22+$0x30] =	vst v6;
	v6 =	vbroadcast v4, $0xD  }
0x66: {  	v7 =	vmul.f32 v7, v12;
	[tilespmem:s22+$0x40] =	vst v5;
	v5 =	vbroadcast v4, $0xE  }
0x67: {  	v4 =	vbroadcast v4, $0xF;
	[tilespmem:s22+$0x0] =	vst v11;
	v6 =	vmul.f32 v10, v6  }
0x68: {  	[tilespmem:s22+$0xFFFFFFB0] =	vst v13;
	v5 =	vmul.f32 v8, v5  }
0x69: {  	[tilespmem:s22+$0x50] =	vst v6;
	v4 =	vmul.f32 v9, v4  }
0x6a: {  	[tilespmem:s22+$0x60] =	vst v5  }
0x6b: {  	[tilespmem:s22+$0xFFFFFFF0] =	vst v7  }
0x6c: {  	[tilespmem:s22+$0x70] =	vst v4;
	s22 =	smov.u32 s16;
	s16 =	smov.u32 s20  }
0x6d: {  	v5 =	vld.idx.msk [tilespmem:v1+s23+$0x0 ss:$0x1], $0xffff;
	_ =	sdelay $0x1  }
0x6e: {  	v7 =	vld.idx.msk [tilespmem:v2+s23+$0x0 ss:$0x1], $0xffff;
	_ =	sdelay $0x1  }
0x6f: {  	v4 =	vld.idx.msk [tilespmem:v3+s23+$0x0 ss:$0x1], $0xffff;
	s23 =	smov.u32 s26;
	_ =	sdelay $0x1  }
.Ltmp1:
0x70: {  	(pc) =	sbr.rel @p0 .LBB2_5-.Ltmp1, $3  }
0x71: {  	_ = 	snop  }
0x72: {  	v6 =	vld.idx.msk [tilespmem:v5+s19+$0x0], $0xffff;
	_ =	sdelay $0x1  }
0x73: {  	v5 =	vld.idx.msk [tilespmem:v7+s19+$0x0], $0xffff  }
0x74: {  	_ =	sdelay $0x1  }
0x75: {  	v4 =	vmul.f32 v6, v4  }
0x76: {  	v6 =	vld [tilespmem:s22+$0xFFFFFF80]  }
0x77: {  	v7 =	vld [tilespmem:s22+$0xFFFFFF90];
	v4 =	vmul.f32 v5, v4  }
0x78: {  	v5 =	vld [tilespmem:s22+$0xFFFFFFA0]  }
0x79: {  	v10 =	vld [tilespmem:s22+$0xFFFFFFD0];
	v9 =	vbroadcast v4, $0x0  }
0x7a: {  	v13 =	vld [tilespmem:s22+$0xFFFFFFE0];
	v11 =	vbroadcast v4, $0x1  }
0x7b: {  	v46 =	vld [tilespmem:s22+$0xFFFFFFB0];
	v12 =	vbroadcast v4, $0x2;
	v6 =	vmul.f32 v9, v6  }
0x7c: {  	v42 =	vld [tilespmem:s22+$0xFFFFFFC0];
	v43 =	vbroadcast v4, $0x5;
	v7 =	vmul.f32 v7, v11  }
0x7d: {  	v8 =	vld [tilespmem:s22+$0x20];
	v5 =	vmul.f32 v5, v12;
	[tilespmem:s22+$0xFFFFFF80] =	vst v6;
	v6 =	vbroadcast v4, $0x6  }
0x7e: {  	v44 =	vld [tilespmem:s22+$0x30];
	v51 =	vbroadcast v4, $0x3;
	[tilespmem:s22+$0xFFFFFF90] =	vst v7;
	v7 =	vmul.f32 v10, v43  }
0x7f: {  	v45 =	vld [tilespmem:s22+$0x0];
	[tilespmem:s22+$0xFFFFFFA0] =	vst v5;
	v5 =	vbroadcast v4, $0x4;
	v6 =	vmul.f32 v13, v6  }
0x80: {  	v15 =	vld [tilespmem:s22+$0x40];
	v11 =	vmul.f32 v46, v51;
	[tilespmem:s22+$0xFFFFFFD0] =	vst v7;
	v7 =	vbroadcast v4, $0xA  }
0x81: {  	v14 =	vld [tilespmem:s22+$0x10];
	v5 =	vmul.f32 v42, v5;
	[tilespmem:s22+$0xFFFFFFE0] =	vst v6;
	v6 =	vbroadcast v4, $0xB  }
0x82: {  	v48 =	vld [tilespmem:s22+$0xFFFFFFF0];
	v49 =	vbroadcast v4, $0x8;
	[tilespmem:s22+$0xFFFFFFB0] =	vst v11;
	v7 =	vmul.f32 v8, v7  }
0x83: {  	v8 =	vld [tilespmem:s22+$0x50];
	[tilespmem:s22+$0xFFFFFFC0] =	vst v5;
	v5 =	vbroadcast v4, $0xC;
	v6 =	vmul.f32 v44, v6  }
0x84: {  	v50 =	vld [tilespmem:s22+$0x60];
	v47 =	vbroadcast v4, $0x9;
	[tilespmem:s22+$0x20] =	vst v7;
	v7 =	vmul.f32 v45, v49  }
0x85: {  	v52 =	vld [tilespmem:s22+$0x70];
	v53 =	vbroadcast v4, $0x7;
	v5 =	vmul.f32 v15, v5;
	[tilespmem:s22+$0x30] =	vst v6  }
0x86: {  	v13 =	vmul.f32 v14, v47;
	v6 =	vbroadcast v4, $0xD;
	[tilespmem:s22+$0x0] =	vst v7  }
0x87: {  	v7 =	vmul.f32 v48, v53;
	[tilespmem:s22+$0x40] =	vst v5;
	v5 =	vbroadcast v4, $0xE  }
0x88: {  	[tilespmem:s22+$0x10] =	vst v13;
	v4 =	vbroadcast v4, $0xF;
	v6 =	vmul.f32 v8, v6  }
0x89: {  	[tilespmem:s22+$0xFFFFFFF0] =	vst v7;
	v5 =	vmul.f32 v50, v5  }
0x8a: {  	v4 =	vmul.f32 v52, v4;
	[tilespmem:s22+$0x50] =	vst v6  }
0x8b: {  	[tilespmem:s22+$0x60] =	vst v5  }
0x8c: {  	[tilespmem:s22+$0x70] =	vst v4  }
0x8d: {  	v1 =	vld.idx.msk [tilespmem:v1+s23+$0x0 ss:$0x1], $0xffff;
	_ =	sdelay $0x1  }
0x8e: {  	v2 =	vld.idx.msk [tilespmem:v2+s23+$0x0 ss:$0x1], $0xffff;
	_ =	sdelay $0x4  }
0x8f: {  	v3 =	vld.idx.msk [tilespmem:v3+s23+$0x0 ss:$0x1], $0xffff  }
0x90: {  	v1 =	vld.idx.msk [tilespmem:v1+s19+$0x0], $0xffff;
	_ =	sdelay $0x1  }
0x91: {  	v2 =	vld.idx.msk [tilespmem:v2+s19+$0x0], $0xffff;
	_ =	sdelay $0x2  }
0x92: {  	v1 =	vmul.f32 v1, v3  }
0x93: {  	v3 =	vld [tilespmem:s16+$0xFFFFFF80]  }
0x94: {  	v4 =	vld [tilespmem:s16+$0xFFFFFF90];
	v1 =	vmul.f32 v2, v1  }
0x95: {  	v2 =	vld [tilespmem:s16+$0xFFFFFFA0]  }
0x96: {  	v7 =	vld [tilespmem:s16+$0xFFFFFFD0];
	v6 =	vbroadcast v1, $0x0  }
0x97: {  	v55 =	vld [tilespmem:s16+$0xFFFFFFE0];
	v8 =	vbroadcast v1, $0x1  }
0x98: {  	v56 =	vld [tilespmem:s16+$0x10];
	v54 =	vbroadcast v1, $0x2;
	v3 =	vmul.f32 v6, v3  }
0x99: {  	v6 =	vld [tilespmem:s16+$0xFFFFFFC0];
	v4 =	vmul.f32 v4, v8;
	v8 =	vbroadcast v1, $0x5  }
0x9a: {  	v5 =	vld [tilespmem:s16+$0x20];
	v2 =	vmul.f32 v2, v54;
	[tilespmem:s16+$0xFFFFFF80] =	vst v3;
	v3 =	vbroadcast v1, $0x6  }
0x9b: {  	v57 =	vld [tilespmem:s16+$0x30];
	v58 =	vbroadcast v1, $0x9;
	[tilespmem:s16+$0xFFFFFF90] =	vst v4;
	v4 =	vmul.f32 v7, v8  }
0x9c: {  	v7 =	vld [tilespmem:s16+$0x0];
	[tilespmem:s16+$0xFFFFFFA0] =	vst v2;
	v2 =	vbroadcast v1, $0x4;
	v3 =	vmul.f32 v55, v3  }
0x9d: {  	v59 =	vld [tilespmem:s16+$0x40];
	v10 =	vmul.f32 v56, v58;
	[tilespmem:s16+$0xFFFFFFD0] =	vst v4;
	v4 =	vbroadcast v1, $0xA  }
0x9e: {  	v8 =	vld [tilespmem:s16+$0xFFFFFFB0];
	v2 =	vmul.f32 v6, v2;
	[tilespmem:s16+$0xFFFFFFE0] =	vst v3;
	v3 =	vbroadcast v1, $0xB  }
0x9f: {  	v60 =	vbroadcast v1, $0x8;
	[tilespmem:s16+$0x10] =	vst v10;
	v6 =	vld [tilespmem:s16+$0xFFFFFFF0];
	v4 =	vmul.f32 v5, v4  }
0xa0: {  	v5 =	vld [tilespmem:s16+$0x50];
	[tilespmem:s16+$0xFFFFFFC0] =	vst v2;
	v2 =	vbroadcast v1, $0xC;
	v3 =	vmul.f32 v57, v3  }
0xa1: {  	v61 =	vld [tilespmem:s16+$0x60];
	v62 =	vbroadcast v1, $0x3;
	[tilespmem:s16+$0x20] =	vst v4;
	v4 =	vmul.f32 v7, v60  }
0xa2: {  	v63 =	vbroadcast v1, $0x7;
	v7 =	vld [tilespmem:s16+$0x70];
	v2 =	vmul.f32 v59, v2;
	[tilespmem:s16+$0x30] =	vst v3  }
0xa3: {  	v8 =	vmul.f32 v8, v62;
	v3 =	vbroadcast v1, $0xD;
	[tilespmem:s16+$0x0] =	vst v4  }
0xa4: {  	v4 =	vmul.f32 v6, v63;
	[tilespmem:s16+$0x40] =	vst v2;
	v2 =	vbroadcast v1, $0xE  }
0xa5: {  	[tilespmem:s16+$0xFFFFFFB0] =	vst v8;
	v1 =	vbroadcast v1, $0xF;
	v3 =	vmul.f32 v5, v3  }
0xa6: {  	[tilespmem:s16+$0xFFFFFFF0] =	vst v4;
	v2 =	vmul.f32 v61, v2  }
0xa7: {  	v1 =	vmul.f32 v7, v1;
	[tilespmem:s16+$0x50] =	vst v3  }
0xa8: {  	[tilespmem:s16+$0x60] =	vst v2  }
0xa9: {  	s1 =	sadd.s32 $0x2A00, s1;
	s26 =	simm.s32 $0xA600;
	[tilespmem:s16+$0x70] =	vst v1;
	v1 =	vmov s6  }
0xaa: {  	[spmem:s2] =	stream.indirect.scatter.add.f32 [tilespmem:s26], [sflag:$0x5], $0x10, s1, s21, $0xb8;
	[tilespmem:$0xEE00] =	vst v63  }
0xab: {  	v2 =	vmov s5;
	_ =	swait.ge [sflag:s28], $0x800  }
0xac: {  	[sflag:s28] =	ssyncset.done $0x0  }
0xad: {  	s24 =	simm.s32 $0x0;
	[sflag:s28] =	ssyncadd.s32 $0xFFFFF800  }
0xae: {  	v5 =	vld.idx.msk [tilespmem:v1+s24+$0x0 ss:$0x1], $0xffff;
	_ =	sdelay $0x1  }
0xaf: {  	v3 =	vmov s7;
	v7 =	vld.idx.msk [tilespmem:v2+s24+$0x0 ss:$0x1], $0xffff;
	_ =	sdelay $0x4  }
0xb0: {  	v4 =	vld.idx.msk [tilespmem:v3+s24+$0x0 ss:$0x1], $0xffff  }
0xb1: {  	v6 =	vld.idx.msk [tilespmem:v5+s19+$0x0], $0xffff  }
0xb2: {  	s20 =	simm.s32 $0xAFF0;
	s22 =	simm.s32 $0x10  }
0xb3: {  	s23 =	simm.s32 $0x80;
	s16 =	simm.s32 $0xAEF0;
	s1 =	simm.s32 $0xAFF0;
	v5 =	vld.idx.msk [tilespmem:v7+s19+$0x0], $0xffff  }
.LBB2_7:
0xb4: {  	p0 =	sne.s32 s23, $0x1C0  }
0xb5: {  	s20 =	sadd.s32 $0x100, s20;
	s24 =	smov.u32 s23;
	s23 =	sadd.s32 $0x40, s23  }
0xb6: {  	v4 =	vmul.f32 v6, v4;
	v6 =	vld [tilespmem:s16+$0xFFFFFF20]  }
0xb7: {  	v7 =	vld [tilespmem:s16+$0xFFFFFF10]  }
0xb8: {  	v4 =	vmul.f32 v5, v4;
	v5 =	vld [tilespmem:s16+$0xFFFFFFB0]  }
0xb9: {  	v8 =	vld [tilespmem:s16+$0xFFFFFF30]  }
0xba: {  	v9 =	vbroadcast v4, $0x0;
	v10 =	vbroadcast v4, $0x4;
	v11 =	vld [tilespmem:s16+$0xFFFFFF60]  }
0xbb: {  	v12 =	vbroadcast v4, $0x1;
	v13 =	vbroadcast v4, $0x2;
	v14 =	vld [tilespmem:s16+$0xFFFFFF70]  }
0xbc: {  	v15 =	vbroadcast v4, $0xA;
	v7 =	vmul.f32 v9, v7;
	v9 =	vld [tilespmem:s16+$0xFFFFFF50]  }
0xbd: {  	v6 =	vmul.f32 v6, v12;
	v12 =	vbroadcast v4, $0x5;
	v16 =	vld [tilespmem:s16+$0xFFFFFFA0]  }
0xbe: {  	[tilespmem:s16+$0xFFFFFF10] =	vst v7;
	v7 =	vmul.f32 v8, v13;
	v8 =	vbroadcast v4, $0x6;
	v13 =	vld [tilespmem:s16+$0xFFFFFFC0]  }
0xbf: {  	[tilespmem:s16+$0xFFFFFF20] =	vst v6;
	v6 =	vmul.f32 v11, v12;
	v11 =	vld [tilespmem:s16+$0xFFFFFF90];
	v12 =	vbroadcast v4, $0x8  }
0xc0: {  	[tilespmem:s16+$0xFFFFFF30] =	vst v7;
	v7 =	vmul.f32 v14, v8;
	v8 =	vbroadcast v4, $0x9;
	v14 =	vld [tilespmem:s16+$0xFFFFFFD0]  }
0xc1: {  	v17 =	vld [tilespmem:s16+$0xFFFFFF40];
	v9 =	vmul.f32 v9, v10;
	[tilespmem:s16+$0xFFFFFF60] =	vst v6;
	v6 =	vbroadcast v4, $0xB  }
0xc2: {  	v5 =	vmul.f32 v5, v15;
	[tilespmem:s16+$0xFFFFFF70] =	vst v7;
	v7 =	vld [tilespmem:s16+$0xFFFFFF80];
	v8 =	vmul.f32 v16, v8  }
0xc3: {  	[tilespmem:s16+$0xFFFFFF50] =	vst v9;
	v6 =	vmul.f32 v13, v6;
	v9 =	vbroadcast v4, $0xC;
	v10 =	vld [tilespmem:s16+$0xFFFFFFE0]  }
0xc4: {  	s24 =	sshra.s32 s24, $0x2;
	v13 =	vbroadcast v4, $0x3;
	v11 =	vmul.f32 v11, v12;
	[tilespmem:s16+$0xFFFFFFA0] =	vst v8;
	v8 =	vld [tilespmem:s16+$0xFFFFFFF0]  }
0xc5: {  	v12 =	vbroadcast v4, $0x7;
	[tilespmem:s16+$0xFFFFFFB0] =	vst v5;
	v5 =	vmul.f32 v14, v9;
	v9 =	vld [tilespmem:s16+$0x0]  }
0xc6: {  	v13 =	vmul.f32 v17, v13;
	[tilespmem:s16+$0xFFFFFFC0] =	vst v6;
	v6 =	vbroadcast v4, $0xD  }
0xc7: {  	v7 =	vmul.f32 v7, v12;
	[tilespmem:s16+$0xFFFFFFD0] =	vst v5;
	v5 =	vbroadcast v4, $0xE  }
0xc8: {  	v4 =	vbroadcast v4, $0xF;
	[tilespmem:s16+$0xFFFFFF90] =	vst v11;
	v6 =	vmul.f32 v10, v6  }
0xc9: {  	[tilespmem:s16+$0xFFFFFF40] =	vst v13;
	v5 =	vmul.f32 v8, v5  }
0xca: {  	[tilespmem:s16+$0xFFFFFFE0] =	vst v6;
	v4 =	vmul.f32 v9, v4  }
0xcb: {  	[tilespmem:s16+$0xFFFFFFF0] =	vst v5  }
0xcc: {  	[tilespmem:s16+$0xFFFFFF80] =	vst v7  }
0xcd: {  	[tilespmem:s16+$0x0] =	vst v4;
	s16 =	smov.u32 s1;
	s1 =	smov.u32 s20  }
0xce: {  	v5 =	vld.idx.msk [tilespmem:v1+s22+$0x0 ss:$0x1], $0xffff;
	_ =	sdelay $0x1  }
0xcf: {  	v7 =	vld.idx.msk [tilespmem:v2+s22+$0x0 ss:$0x1], $0xffff;
	_ =	sdelay $0x1  }
0xd0: {  	v4 =	vld.idx.msk [tilespmem:v3+s22+$0x0 ss:$0x1], $0xffff;
	s22 =	smov.u32 s24;
	_ =	sdelay $0x1  }
.Ltmp2:
0xd1: {  	(pc) =	sbr.rel @p0 .LBB2_7-.Ltmp2, $3  }
0xd2: {  	_ = 	snop  }
0xd3: {  	v6 =	vld.idx.msk [tilespmem:v5+s19+$0x0], $0xffff;
	_ =	sdelay $0x1  }
0xd4: {  	v5 =	vld.idx.msk [tilespmem:v7+s19+$0x0], $0xffff  }
0xd5: {  	_ =	sdelay $0x1  }
0xd6: {  	v4 =	vmul.f32 v6, v4  }
0xd7: {  	v6 =	vld [tilespmem:s16+$0xFFFFFF10]  }
0xd8: {  	v7 =	vld [tilespmem:s16+$0xFFFFFF20];
	v4 =	vmul.f32 v5, v4  }
0xd9: {  	v5 =	vld [tilespmem:s16+$0xFFFFFF30]  }
0xda: {  	v10 =	vld [tilespmem:s16+$0xFFFFFF60];
	v9 =	vbroadcast v4, $0x0  }
0xdb: {  	v13 =	vld [tilespmem:s16+$0xFFFFFF70];
	v11 =	vbroadcast v4, $0x1  }
0xdc: {  	v46 =	vld [tilespmem:s16+$0xFFFFFF40];
	v12 =	vbroadcast v4, $0x2;
	v6 =	vmul.f32 v9, v6  }
0xdd: {  	v42 =	vld [tilespmem:s16+$0xFFFFFF50];
	v43 =	vbroadcast v4, $0x5;
	v7 =	vmul.f32 v7, v11  }
0xde: {  	v8 =	vld [tilespmem:s16+$0xFFFFFFB0];
	v5 =	vmul.f32 v5, v12;
	[tilespmem:s16+$0xFFFFFF10] =	vst v6;
	v6 =	vbroadcast v4, $0x6  }
0xdf: {  	v44 =	vld [tilespmem:s16+$0xFFFFFFC0];
	v51 =	vbroadcast v4, $0x3;
	[tilespmem:s16+$0xFFFFFF20] =	vst v7;
	v7 =	vmul.f32 v10, v43  }
0xe0: {  	v45 =	vld [tilespmem:s16+$0xFFFFFF90];
	[tilespmem:s16+$0xFFFFFF30] =	vst v5;
	v5 =	vbroadcast v4, $0x4;
	v6 =	vmul.f32 v13, v6  }
0xe1: {  	v15 =	vld [tilespmem:s16+$0xFFFFFFD0];
	v11 =	vmul.f32 v46, v51;
	[tilespmem:s16+$0xFFFFFF60] =	vst v7;
	v7 =	vbroadcast v4, $0xA  }
0xe2: {  	v14 =	vld [tilespmem:s16+$0xFFFFFFA0];
	v5 =	vmul.f32 v42, v5;
	[tilespmem:s16+$0xFFFFFF70] =	vst v6;
	v6 =	vbroadcast v4, $0xB  }
0xe3: {  	v48 =	vld [tilespmem:s16+$0xFFFFFF80];
	v49 =	vbroadcast v4, $0x8;
	[tilespmem:s16+$0xFFFFFF40] =	vst v11;
	v7 =	vmul.f32 v8, v7  }
0xe4: {  	v8 =	vld [tilespmem:s16+$0xFFFFFFE0];
	[tilespmem:s16+$0xFFFFFF50] =	vst v5;
	v5 =	vbroadcast v4, $0xC;
	v6 =	vmul.f32 v44, v6  }
0xe5: {  	v50 =	vld [tilespmem:s16+$0xFFFFFFF0];
	v47 =	vbroadcast v4, $0x9;
	[tilespmem:s16+$0xFFFFFFB0] =	vst v7;
	v7 =	vmul.f32 v45, v49  }
0xe6: {  	v52 =	vld [tilespmem:s16+$0x0];
	v53 =	vbroadcast v4, $0x7;
	v5 =	vmul.f32 v15, v5;
	[tilespmem:s16+$0xFFFFFFC0] =	vst v6  }
0xe7: {  	v13 =	vmul.f32 v14, v47;
	v6 =	vbroadcast v4, $0xD;
	[tilespmem:s16+$0xFFFFFF90] =	vst v7  }
0xe8: {  	v7 =	vmul.f32 v48, v53;
	[tilespmem:s16+$0xFFFFFFD0] =	vst v5;
	v5 =	vbroadcast v4, $0xE  }
0xe9: {  	[tilespmem:s16+$0xFFFFFFA0] =	vst v13;
	v4 =	vbroadcast v4, $0xF;
	v6 =	vmul.f32 v8, v6  }
0xea: {  	[tilespmem:s16+$0xFFFFFF80] =	vst v7;
	v5 =	vmul.f32 v50, v5  }
0xeb: {  	v4 =	vmul.f32 v52, v4;
	[tilespmem:s16+$0xFFFFFFE0] =	vst v6  }
0xec: {  	[tilespmem:s16+$0xFFFFFFF0] =	vst v5  }
0xed: {  	[tilespmem:s16+$0x0] =	vst v4  }
0xee: {  	v1 =	vld.idx.msk [tilespmem:v1+s22+$0x0 ss:$0x1], $0xffff;
	_ =	sdelay $0x1  }
0xef: {  	v2 =	vld.idx.msk [tilespmem:v2+s22+$0x0 ss:$0x1], $0xffff;
	_ =	sdelay $0x4  }
0xf0: {  	v3 =	vld.idx.msk [tilespmem:v3+s22+$0x0 ss:$0x1], $0xffff  }
0xf1: {  	v1 =	vld.idx.msk [tilespmem:v1+s19+$0x0], $0xffff;
	_ =	sdelay $0x1  }
0xf2: {  	v2 =	vld.idx.msk [tilespmem:v2+s19+$0x0], $0xffff;
	_ =	sdelay $0x2  }
0xf3: {  	v1 =	vmul.f32 v1, v3  }
0xf4: {  	v3 =	vld [tilespmem:s1+$0xFFFFFF10]  }
0xf5: {  	v4 =	vld [tilespmem:s1+$0xFFFFFF20];
	v1 =	vmul.f32 v2, v1  }
0xf6: {  	v2 =	vld [tilespmem:s1+$0xFFFFFF30]  }
0xf7: {  	v7 =	vld [tilespmem:s1+$0xFFFFFF60];
	v6 =	vbroadcast v1, $0x0  }
0xf8: {  	v55 =	vld [tilespmem:s1+$0xFFFFFF70];
	v8 =	vbroadcast v1, $0x1  }
0xf9: {  	v56 =	vld [tilespmem:s1+$0xFFFFFFA0];
	v54 =	vbroadcast v1, $0x2;
	v3 =	vmul.f32 v6, v3  }
0xfa: {  	v6 =	vld [tilespmem:s1+$0xFFFFFF50];
	v4 =	vmul.f32 v4, v8;
	v8 =	vbroadcast v1, $0x5  }
0xfb: {  	v5 =	vld [tilespmem:s1+$0xFFFFFFB0];
	v2 =	vmul.f32 v2, v54;
	[tilespmem:s1+$0xFFFFFF10] =	vst v3;
	v3 =	vbroadcast v1, $0x6  }
0xfc: {  	v57 =	vld [tilespmem:s1+$0xFFFFFFC0];
	v58 =	vbroadcast v1, $0x9;
	[tilespmem:s1+$0xFFFFFF20] =	vst v4;
	v4 =	vmul.f32 v7, v8  }
0xfd: {  	v7 =	vld [tilespmem:s1+$0xFFFFFF90];
	[tilespmem:s1+$0xFFFFFF30] =	vst v2;
	v2 =	vbroadcast v1, $0x4;
	v3 =	vmul.f32 v55, v3  }
0xfe: {  	v59 =	vld [tilespmem:s1+$0xFFFFFFD0];
	v10 =	vmul.f32 v56, v58;
	[tilespmem:s1+$0xFFFFFF60] =	vst v4;
	v4 =	vbroadcast v1, $0xA  }
0xff: {  	v8 =	vld [tilespmem:s1+$0xFFFFFF40];
	v2 =	vmul.f32 v6, v2;
	[tilespmem:s1+$0xFFFFFF70] =	vst v3;
	v3 =	vbroadcast v1, $0xB  }
0x100: {  	v60 =	vbroadcast v1, $0x8;
	[tilespmem:s1+$0xFFFFFFA0] =	vst v10;
	v6 =	vld [tilespmem:s1+$0xFFFFFF80];
	v4 =	vmul.f32 v5, v4  }
0x101: {  	v5 =	vld [tilespmem:s1+$0xFFFFFFE0];
	[tilespmem:s1+$0xFFFFFF50] =	vst v2;
	v2 =	vbroadcast v1, $0xC;
	v3 =	vmul.f32 v57, v3  }
0x102: {  	v61 =	vld [tilespmem:s1+$0xFFFFFFF0];
	v62 =	vbroadcast v1, $0x3;
	[tilespmem:s1+$0xFFFFFFB0] =	vst v4;
	v4 =	vmul.f32 v7, v60  }
0x103: {  	v63 =	vbroadcast v1, $0x7;
	v7 =	vld [tilespmem:s1+$0x0];
	v2 =	vmul.f32 v59, v2;
	[tilespmem:s1+$0xFFFFFFC0] =	vst v3  }
0x104: {  	v8 =	vmul.f32 v8, v62;
	v3 =	vbroadcast v1, $0xD;
	[tilespmem:s1+$0xFFFFFF90] =	vst v4  }
0x105: {  	v4 =	vmul.f32 v6, v63;
	[tilespmem:s1+$0xFFFFFFD0] =	vst v2;
	v2 =	vbroadcast v1, $0xE  }
0x106: {  	[tilespmem:s1+$0xFFFFFF40] =	vst v8;
	v1 =	vbroadcast v1, $0xF;
	v3 =	vmul.f32 v5, v3  }
0x107: {  	[tilespmem:s1+$0xFFFFFF80] =	vst v4;
	v2 =	vmul.f32 v61, v2  }
0x108: {  	v1 =	vmul.f32 v7, v1;
	[tilespmem:s1+$0xFFFFFFE0] =	vst v3  }
0x109: {  	[tilespmem:s1+$0xFFFFFFF0] =	vst v2  }
0x10a: {  	s24 =	simm.s32 $0xAE00;
	s22 =	sadd.s32 $0x2A00, s3;
	[tilespmem:s1+$0x0] =	vst v1;
	v1 =	vmov s10  }
0x10b: {  	[spmem:s2] =	stream.indirect.scatter.add.f32 [tilespmem:s24], [sflag:$0x5], $0x10, s22, s21, $0xb8;
	[tilespmem:$0xEE00] =	vst v63  }
0x10c: {  	v2 =	vmov s8;
	_ =	swait.ge [sflag:s29], $0x800  }
0x10d: {  	[sflag:s29] =	ssyncset.done $0x0  }
0x10e: {  	s23 =	simm.s32 $0x0;
	[sflag:s29] =	ssyncadd.s32 $0xFFFFF800  }
0x10f: {  	v5 =	vld.idx.msk [tilespmem:v1+s23+$0x0 ss:$0x1], $0xffff;
	_ =	sdelay $0x1  }
0x110: {  	v3 =	vmov s11;
	v7 =	vld.idx.msk [tilespmem:v2+s23+$0x0 ss:$0x1], $0xffff;
	_ =	sdelay $0x4  }
0x111: {  	v4 =	vld.idx.msk [tilespmem:v3+s23+$0x0 ss:$0x1], $0xffff  }
0x112: {  	v6 =	vld.idx.msk [tilespmem:v5+s19+$0x0], $0xffff  }
0x113: {  	s20 =	simm.s32 $0xB7F0;
	s16 =	simm.s32 $0x10  }
0x114: {  	s3 =	simm.s32 $0xB6F0;
	s1 =	simm.s32 $0xB7F0;
	s22 =	simm.s32 $0x80;
	v5 =	vld.idx.msk [tilespmem:v7+s19+$0x0], $0xffff  }
.LBB2_9:
0x115: {  	p0 =	sne.s32 s22, $0x1C0  }
0x116: {  	s20 =	sadd.s32 $0x100, s20;
	s23 =	smov.u32 s22;
	s22 =	sadd.s32 $0x40, s22  }
0x117: {  	v4 =	vmul.f32 v6, v4;
	v6 =	vld [tilespmem:s3+$0xFFFFFF20]  }
0x118: {  	v7 =	vld [tilespmem:s3+$0xFFFFFF10]  }
0x119: {  	v4 =	vmul.f32 v5, v4;
	v5 =	vld [tilespmem:s3+$0xFFFFFFB0]  }
0x11a: {  	v8 =	vld [tilespmem:s3+$0xFFFFFF30]  }
0x11b: {  	v9 =	vbroadcast v4, $0x0;
	v10 =	vbroadcast v4, $0x4;
	v11 =	vld [tilespmem:s3+$0xFFFFFF60]  }
0x11c: {  	v12 =	vbroadcast v4, $0x1;
	v13 =	vbroadcast v4, $0x2;
	v14 =	vld [tilespmem:s3+$0xFFFFFF70]  }
0x11d: {  	v15 =	vbroadcast v4, $0xA;
	v7 =	vmul.f32 v9, v7;
	v9 =	vld [tilespmem:s3+$0xFFFFFF50]  }
0x11e: {  	v6 =	vmul.f32 v6, v12;
	v12 =	vbroadcast v4, $0x5;
	v16 =	vld [tilespmem:s3+$0xFFFFFFA0]  }
0x11f: {  	[tilespmem:s3+$0xFFFFFF10] =	vst v7;
	v7 =	vmul.f32 v8, v13;
	v8 =	vbroadcast v4, $0x6;
	v13 =	vld [tilespmem:s3+$0xFFFFFFC0]  }
0x120: {  	[tilespmem:s3+$0xFFFFFF20] =	vst v6;
	v6 =	vmul.f32 v11, v12;
	v11 =	vld [tilespmem:s3+$0xFFFFFF90];
	v12 =	vbroadcast v4, $0x8  }
0x121: {  	[tilespmem:s3+$0xFFFFFF30] =	vst v7;
	v7 =	vmul.f32 v14, v8;
	v8 =	vbroadcast v4, $0x9;
	v14 =	vld [tilespmem:s3+$0xFFFFFFD0]  }
0x122: {  	v17 =	vld [tilespmem:s3+$0xFFFFFF40];
	v9 =	vmul.f32 v9, v10;
	[tilespmem:s3+$0xFFFFFF60] =	vst v6;
	v6 =	vbroadcast v4, $0xB  }
0x123: {  	v5 =	vmul.f32 v5, v15;
	[tilespmem:s3+$0xFFFFFF70] =	vst v7;
	v7 =	vld [tilespmem:s3+$0xFFFFFF80];
	v8 =	vmul.f32 v16, v8  }
0x124: {  	[tilespmem:s3+$0xFFFFFF50] =	vst v9;
	v6 =	vmul.f32 v13, v6;
	v9 =	vbroadcast v4, $0xC;
	v10 =	vld [tilespmem:s3+$0xFFFFFFE0]  }
0x125: {  	s23 =	sshra.s32 s23, $0x2;
	v13 =	vbroadcast v4, $0x3;
	v11 =	vmul.f32 v11, v12;
	[tilespmem:s3+$0xFFFFFFA0] =	vst v8;
	v8 =	vld [tilespmem:s3+$0xFFFFFFF0]  }
0x126: {  	v12 =	vbroadcast v4, $0x7;
	[tilespmem:s3+$0xFFFFFFB0] =	vst v5;
	v5 =	vmul.f32 v14, v9;
	v9 =	vld [tilespmem:s3+$0x0]  }
0x127: {  	v13 =	vmul.f32 v17, v13;
	[tilespmem:s3+$0xFFFFFFC0] =	vst v6;
	v6 =	vbroadcast v4, $0xD  }
0x128: {  	v7 =	vmul.f32 v7, v12;
	[tilespmem:s3+$0xFFFFFFD0] =	vst v5;
	v5 =	vbroadcast v4, $0xE  }
0x129: {  	v4 =	vbroadcast v4, $0xF;
	[tilespmem:s3+$0xFFFFFF90] =	vst v11;
	v6 =	vmul.f32 v10, v6  }
0x12a: {  	[tilespmem:s3+$0xFFFFFF40] =	vst v13;
	v5 =	vmul.f32 v8, v5  }
0x12b: {  	[tilespmem:s3+$0xFFFFFFE0] =	vst v6;
	v4 =	vmul.f32 v9, v4  }
0x12c: {  	[tilespmem:s3+$0xFFFFFFF0] =	vst v5  }
0x12d: {  	[tilespmem:s3+$0xFFFFFF80] =	vst v7  }
0x12e: {  	[tilespmem:s3+$0x0] =	vst v4;
	s3 =	smov.u32 s1;
	s1 =	smov.u32 s20  }
0x12f: {  	v5 =	vld.idx.msk [tilespmem:v1+s16+$0x0 ss:$0x1], $0xffff;
	_ =	sdelay $0x1  }
0x130: {  	v7 =	vld.idx.msk [tilespmem:v2+s16+$0x0 ss:$0x1], $0xffff;
	_ =	sdelay $0x1  }
0x131: {  	v4 =	vld.idx.msk [tilespmem:v3+s16+$0x0 ss:$0x1], $0xffff;
	s16 =	smov.u32 s23;
	_ =	sdelay $0x1  }
.Ltmp3:
0x132: {  	(pc) =	sbr.rel @p0 .LBB2_9-.Ltmp3, $3  }
0x133: {  	_ = 	snop  }
0x134: {  	v6 =	vld.idx.msk [tilespmem:v5+s19+$0x0], $0xffff;
	_ =	sdelay $0x1  }
0x135: {  	v5 =	vld.idx.msk [tilespmem:v7+s19+$0x0], $0xffff  }
0x136: {  	_ =	sdelay $0x1  }
0x137: {  	v4 =	vmul.f32 v6, v4  }
0x138: {  	v6 =	vld [tilespmem:s3+$0xFFFFFF10]  }
0x139: {  	v7 =	vld [tilespmem:s3+$0xFFFFFF20];
	v4 =	vmul.f32 v5, v4  }
0x13a: {  	v5 =	vld [tilespmem:s3+$0xFFFFFF30]  }
0x13b: {  	v10 =	vld [tilespmem:s3+$0xFFFFFF60];
	v9 =	vbroadcast v4, $0x0  }
0x13c: {  	v13 =	vld [tilespmem:s3+$0xFFFFFF70];
	v11 =	vbroadcast v4, $0x1  }
0x13d: {  	v46 =	vld [tilespmem:s3+$0xFFFFFF40];
	v12 =	vbroadcast v4, $0x2;
	v6 =	vmul.f32 v9, v6  }
0x13e: {  	v42 =	vld [tilespmem:s3+$0xFFFFFF50];
	v43 =	vbroadcast v4, $0x5;
	v7 =	vmul.f32 v7, v11  }
0x13f: {  	v8 =	vld [tilespmem:s3+$0xFFFFFFB0];
	v5 =	vmul.f32 v5, v12;
	[tilespmem:s3+$0xFFFFFF10] =	vst v6;
	v6 =	vbroadcast v4, $0x6  }
0x140: {  	v44 =	vld [tilespmem:s3+$0xFFFFFFC0];
	v51 =	vbroadcast v4, $0x3;
	[tilespmem:s3+$0xFFFFFF20] =	vst v7;
	v7 =	vmul.f32 v10, v43  }
0x141: {  	v45 =	vld [tilespmem:s3+$0xFFFFFF90];
	[tilespmem:s3+$0xFFFFFF30] =	vst v5;
	v5 =	vbroadcast v4, $0x4;
	v6 =	vmul.f32 v13, v6  }
0x142: {  	v15 =	vld [tilespmem:s3+$0xFFFFFFD0];
	v11 =	vmul.f32 v46, v51;
	[tilespmem:s3+$0xFFFFFF60] =	vst v7;
	v7 =	vbroadcast v4, $0xA  }
0x143: {  	v14 =	vld [tilespmem:s3+$0xFFFFFFA0];
	v5 =	vmul.f32 v42, v5;
	[tilespmem:s3+$0xFFFFFF70] =	vst v6;
	v6 =	vbroadcast v4, $0xB  }
0x144: {  	v48 =	vld [tilespmem:s3+$0xFFFFFF80];
	v49 =	vbroadcast v4, $0x8;
	[tilespmem:s3+$0xFFFFFF40] =	vst v11;
	v7 =	vmul.f32 v8, v7  }
0x145: {  	v8 =	vld [tilespmem:s3+$0xFFFFFFE0];
	[tilespmem:s3+$0xFFFFFF50] =	vst v5;
	v5 =	vbroadcast v4, $0xC;
	v6 =	vmul.f32 v44, v6  }
0x146: {  	v50 =	vld [tilespmem:s3+$0xFFFFFFF0];
	v47 =	vbroadcast v4, $0x9;
	[tilespmem:s3+$0xFFFFFFB0] =	vst v7;
	v7 =	vmul.f32 v45, v49  }
0x147: {  	v52 =	vld [tilespmem:s3+$0x0];
	v53 =	vbroadcast v4, $0x7;
	v5 =	vmul.f32 v15, v5;
	[tilespmem:s3+$0xFFFFFFC0] =	vst v6  }
0x148: {  	v13 =	vmul.f32 v14, v47;
	v6 =	vbroadcast v4, $0xD;
	[tilespmem:s3+$0xFFFFFF90] =	vst v7  }
0x149: {  	v7 =	vmul.f32 v48, v53;
	[tilespmem:s3+$0xFFFFFFD0] =	vst v5;
	v5 =	vbroadcast v4, $0xE  }
0x14a: {  	[tilespmem:s3+$0xFFFFFFA0] =	vst v13;
	v4 =	vbroadcast v4, $0xF;
	v6 =	vmul.f32 v8, v6  }
0x14b: {  	[tilespmem:s3+$0xFFFFFF80] =	vst v7;
	v5 =	vmul.f32 v50, v5  }
0x14c: {  	v4 =	vmul.f32 v52, v4;
	[tilespmem:s3+$0xFFFFFFE0] =	vst v6  }
0x14d: {  	[tilespmem:s3+$0xFFFFFFF0] =	vst v5  }
0x14e: {  	[tilespmem:s3+$0x0] =	vst v4  }
0x14f: {  	v1 =	vld.idx.msk [tilespmem:v1+s16+$0x0 ss:$0x1], $0xffff;
	_ =	sdelay $0x1  }
0x150: {  	v2 =	vld.idx.msk [tilespmem:v2+s16+$0x0 ss:$0x1], $0xffff;
	_ =	sdelay $0x4  }
0x151: {  	v3 =	vld.idx.msk [tilespmem:v3+s16+$0x0 ss:$0x1], $0xffff  }
0x152: {  	v1 =	vld.idx.msk [tilespmem:v1+s19+$0x0], $0xffff;
	_ =	sdelay $0x1  }
0x153: {  	v2 =	vld.idx.msk [tilespmem:v2+s19+$0x0], $0xffff;
	_ =	sdelay $0x2  }
0x154: {  	v1 =	vmul.f32 v1, v3  }
0x155: {  	v3 =	vld [tilespmem:s1+$0xFFFFFF10]  }
0x156: {  	v4 =	vld [tilespmem:s1+$0xFFFFFF20];
	v1 =	vmul.f32 v2, v1  }
0x157: {  	v2 =	vld [tilespmem:s1+$0xFFFFFF30]  }
0x158: {  	v7 =	vld [tilespmem:s1+$0xFFFFFF60];
	v6 =	vbroadcast v1, $0x0  }
0x159: {  	v55 =	vld [tilespmem:s1+$0xFFFFFF70];
	v8 =	vbroadcast v1, $0x1  }
0x15a: {  	v56 =	vld [tilespmem:s1+$0xFFFFFFA0];
	v54 =	vbroadcast v1, $0x2;
	v3 =	vmul.f32 v6, v3  }
0x15b: {  	v6 =	vld [tilespmem:s1+$0xFFFFFF50];
	v4 =	vmul.f32 v4, v8;
	v8 =	vbroadcast v1, $0x5  }
0x15c: {  	v5 =	vld [tilespmem:s1+$0xFFFFFFB0];
	v2 =	vmul.f32 v2, v54;
	[tilespmem:s1+$0xFFFFFF10] =	vst v3;
	v3 =	vbroadcast v1, $0x6  }
0x15d: {  	v57 =	vld [tilespmem:s1+$0xFFFFFFC0];
	v58 =	vbroadcast v1, $0x9;
	[tilespmem:s1+$0xFFFFFF20] =	vst v4;
	v4 =	vmul.f32 v7, v8  }
0x15e: {  	v7 =	vld [tilespmem:s1+$0xFFFFFF90];
	[tilespmem:s1+$0xFFFFFF30] =	vst v2;
	v2 =	vbroadcast v1, $0x4;
	v3 =	vmul.f32 v55, v3  }
0x15f: {  	v59 =	vld [tilespmem:s1+$0xFFFFFFD0];
	v10 =	vmul.f32 v56, v58;
	[tilespmem:s1+$0xFFFFFF60] =	vst v4;
	v4 =	vbroadcast v1, $0xA  }
0x160: {  	v8 =	vld [tilespmem:s1+$0xFFFFFF40];
	v2 =	vmul.f32 v6, v2;
	[tilespmem:s1+$0xFFFFFF70] =	vst v3;
	v3 =	vbroadcast v1, $0xB  }
0x161: {  	v60 =	vbroadcast v1, $0x8;
	[tilespmem:s1+$0xFFFFFFA0] =	vst v10;
	v6 =	vld [tilespmem:s1+$0xFFFFFF80];
	v4 =	vmul.f32 v5, v4  }
0x162: {  	v5 =	vld [tilespmem:s1+$0xFFFFFFE0];
	[tilespmem:s1+$0xFFFFFF50] =	vst v2;
	v2 =	vbroadcast v1, $0xC;
	v3 =	vmul.f32 v57, v3  }
0x163: {  	v61 =	vld [tilespmem:s1+$0xFFFFFFF0];
	v62 =	vbroadcast v1, $0x3;
	[tilespmem:s1+$0xFFFFFFB0] =	vst v4;
	v4 =	vmul.f32 v7, v60  }
0x164: {  	v63 =	vbroadcast v1, $0x7;
	v7 =	vld [tilespmem:s1+$0x0];
	v2 =	vmul.f32 v59, v2;
	[tilespmem:s1+$0xFFFFFFC0] =	vst v3  }
0x165: {  	v8 =	vmul.f32 v8, v62;
	v3 =	vbroadcast v1, $0xD;
	[tilespmem:s1+$0xFFFFFF90] =	vst v4  }
0x166: {  	v4 =	vmul.f32 v6, v63;
	[tilespmem:s1+$0xFFFFFFD0] =	vst v2;
	v2 =	vbroadcast v1, $0xE  }
0x167: {  	[tilespmem:s1+$0xFFFFFF40] =	vst v8;
	v1 =	vbroadcast v1, $0xF;
	v3 =	vmul.f32 v5, v3  }
0x168: {  	[tilespmem:s1+$0xFFFFFF80] =	vst v4;
	v2 =	vmul.f32 v61, v2  }
0x169: {  	v1 =	vmul.f32 v7, v1;
	[tilespmem:s1+$0xFFFFFFE0] =	vst v3  }
0x16a: {  	[tilespmem:s1+$0xFFFFFFF0] =	vst v2  }
0x16b: {  	s20 =	sadd.s32 $0x2A00, s9;
	s23 =	simm.s32 $0xB600;
	[tilespmem:s1+$0x0] =	vst v1;
	v1 =	vmov s13  }
0x16c: {  	[spmem:s2] =	stream.indirect.scatter.add.f32 [tilespmem:s23], [sflag:$0x5], $0x10, s20, s21, $0xb8;
	[tilespmem:$0xEE00] =	vst v63  }
0x16d: {  	v2 =	vmov s12;
	_ =	swait.ge [sflag:s30], $0x800  }
0x16e: {  	[sflag:s30] =	ssyncset.done $0x0  }
0x16f: {  	s22 =	simm.s32 $0x0;
	[sflag:s30] =	ssyncadd.s32 $0xFFFFF800  }
0x170: {  	v5 =	vld.idx.msk [tilespmem:v1+s22+$0x0 ss:$0x1], $0xffff;
	_ =	sdelay $0x1  }
0x171: {  	v3 =	vmov s14;
	v7 =	vld.idx.msk [tilespmem:v2+s22+$0x0 ss:$0x1], $0xffff;
	_ =	sdelay $0x4  }
0x172: {  	v4 =	vld.idx.msk [tilespmem:v3+s22+$0x0 ss:$0x1], $0xffff  }
0x173: {  	v6 =	vld.idx.msk [tilespmem:v5+s19+$0x0], $0xffff  }
0x174: {  	s9 =	simm.s32 $0x10;
	s3 =	simm.s32 $0xBEF0  }
0x175: {  	s16 =	simm.s32 $0x80;
	s1 =	simm.s32 $0xBFF0;
	s20 =	simm.s32 $0xBFF0;
	v5 =	vld.idx.msk [tilespmem:v7+s19+$0x0], $0xffff  }
.LBB2_11:
0x176: {  	p0 =	sne.s32 s16, $0x1C0  }
0x177: {  	s20 =	sadd.s32 $0x100, s20;
	s22 =	smov.u32 s16;
	s16 =	sadd.s32 $0x40, s16  }
0x178: {  	v4 =	vmul.f32 v6, v4;
	v6 =	vld [tilespmem:s3+$0xFFFFFF20]  }
0x179: {  	v7 =	vld [tilespmem:s3+$0xFFFFFF10]  }
0x17a: {  	v4 =	vmul.f32 v5, v4;
	v5 =	vld [tilespmem:s3+$0xFFFFFFB0]  }
0x17b: {  	v8 =	vld [tilespmem:s3+$0xFFFFFF30]  }
0x17c: {  	v9 =	vbroadcast v4, $0x0;
	v10 =	vbroadcast v4, $0x4;
	v11 =	vld [tilespmem:s3+$0xFFFFFF60]  }
0x17d: {  	v12 =	vbroadcast v4, $0x1;
	v13 =	vbroadcast v4, $0x2;
	v14 =	vld [tilespmem:s3+$0xFFFFFF70]  }
0x17e: {  	v15 =	vbroadcast v4, $0xA;
	v7 =	vmul.f32 v9, v7;
	v9 =	vld [tilespmem:s3+$0xFFFFFF50]  }
0x17f: {  	v6 =	vmul.f32 v6, v12;
	v12 =	vbroadcast v4, $0x5;
	v16 =	vld [tilespmem:s3+$0xFFFFFFA0]  }
0x180: {  	[tilespmem:s3+$0xFFFFFF10] =	vst v7;
	v7 =	vmul.f32 v8, v13;
	v8 =	vbroadcast v4, $0x6;
	v13 =	vld [tilespmem:s3+$0xFFFFFFC0]  }
0x181: {  	[tilespmem:s3+$0xFFFFFF20] =	vst v6;
	v6 =	vmul.f32 v11, v12;
	v11 =	vld [tilespmem:s3+$0xFFFFFF90];
	v12 =	vbroadcast v4, $0x8  }
0x182: {  	[tilespmem:s3+$0xFFFFFF30] =	vst v7;
	v7 =	vmul.f32 v14, v8;
	v8 =	vbroadcast v4, $0x9;
	v14 =	vld [tilespmem:s3+$0xFFFFFFD0]  }
0x183: {  	v17 =	vld [tilespmem:s3+$0xFFFFFF40];
	v9 =	vmul.f32 v9, v10;
	[tilespmem:s3+$0xFFFFFF60] =	vst v6;
	v6 =	vbroadcast v4, $0xB  }
0x184: {  	v5 =	vmul.f32 v5, v15;
	[tilespmem:s3+$0xFFFFFF70] =	vst v7;
	v7 =	vld [tilespmem:s3+$0xFFFFFF80];
	v8 =	vmul.f32 v16, v8  }
0x185: {  	[tilespmem:s3+$0xFFFFFF50] =	vst v9;
	v6 =	vmul.f32 v13, v6;
	v9 =	vbroadcast v4, $0xC;
	v10 =	vld [tilespmem:s3+$0xFFFFFFE0]  }
0x186: {  	s22 =	sshra.s32 s22, $0x2;
	v13 =	vbroadcast v4, $0x3;
	v11 =	vmul.f32 v11, v12;
	[tilespmem:s3+$0xFFFFFFA0] =	vst v8;
	v8 =	vld [tilespmem:s3+$0xFFFFFFF0]  }
0x187: {  	v12 =	vbroadcast v4, $0x7;
	[tilespmem:s3+$0xFFFFFFB0] =	vst v5;
	v5 =	vmul.f32 v14, v9;
	v9 =	vld [tilespmem:s3+$0x0]  }
0x188: {  	v13 =	vmul.f32 v17, v13;
	[tilespmem:s3+$0xFFFFFFC0] =	vst v6;
	v6 =	vbroadcast v4, $0xD  }
0x189: {  	v7 =	vmul.f32 v7, v12;
	[tilespmem:s3+$0xFFFFFFD0] =	vst v5;
	v5 =	vbroadcast v4, $0xE  }
0x18a: {  	v4 =	vbroadcast v4, $0xF;
	[tilespmem:s3+$0xFFFFFF90] =	vst v11;
	v6 =	vmul.f32 v10, v6  }
0x18b: {  	[tilespmem:s3+$0xFFFFFF40] =	vst v13;
	v5 =	vmul.f32 v8, v5  }
0x18c: {  	[tilespmem:s3+$0xFFFFFFE0] =	vst v6;
	v4 =	vmul.f32 v9, v4  }
0x18d: {  	[tilespmem:s3+$0xFFFFFFF0] =	vst v5  }
0x18e: {  	[tilespmem:s3+$0xFFFFFF80] =	vst v7  }
0x18f: {  	[tilespmem:s3+$0x0] =	vst v4;
	s3 =	smov.u32 s1;
	s1 =	smov.u32 s20  }
0x190: {  	v5 =	vld.idx.msk [tilespmem:v1+s9+$0x0 ss:$0x1], $0xffff;
	_ =	sdelay $0x1  }
0x191: {  	v7 =	vld.idx.msk [tilespmem:v2+s9+$0x0 ss:$0x1], $0xffff;
	_ =	sdelay $0x1  }
0x192: {  	v4 =	vld.idx.msk [tilespmem:v3+s9+$0x0 ss:$0x1], $0xffff;
	s9 =	smov.u32 s22;
	_ =	sdelay $0x1  }
.Ltmp4:
0x193: {  	(pc) =	sbr.rel @p0 .LBB2_11-.Ltmp4, $3  }
0x194: {  	_ = 	snop  }
0x195: {  	v6 =	vld.idx.msk [tilespmem:v5+s19+$0x0], $0xffff;
	_ =	sdelay $0x1  }
0x196: {  	v5 =	vld.idx.msk [tilespmem:v7+s19+$0x0], $0xffff  }
0x197: {  	_ =	sdelay $0x1  }
0x198: {  	v4 =	vmul.f32 v6, v4;
	_ =	sdelay $0x1  }
0x199: {  	v4 =	vmul.f32 v5, v4;
	_ =	sdelay $0x1  }
0x19a: {  	v61 =	vld [tilespmem:s3+$0xFFFFFF10];
	v9 =	vbroadcast v4, $0x0;
	v11 =	vbroadcast v4, $0x1  }
0x19b: {  	v7 =	vld [tilespmem:s3+$0xFFFFFF20];
	v12 =	vbroadcast v4, $0x2;
	v17 =	vbroadcast v4, $0x5  }
0x19c: {  	v62 =	vld [tilespmem:s3+$0xFFFFFF30];
	v18 =	vbroadcast v4, $0x6;
	v22 =	vbroadcast v4, $0x4  }
0x19d: {  	v10 =	vld [tilespmem:s3+$0xFFFFFF60];
	v24 =	vbroadcast v4, $0x9;
	v25 =	vbroadcast v4, $0xA  }
0x19e: {  	v21 =	vld [tilespmem:s3+$0xFFFFFF90];
	v26 =	vbroadcast v4, $0xB;
	v28 =	vbroadcast v4, $0xC  }
0x19f: {  	v23 =	vld [tilespmem:s3+$0xFFFFFF40];
	v30 =	vbroadcast v4, $0x8;
	v6 =	vmul.f32 v9, v61  }
0x1a0: {  	v27 =	vld [tilespmem:s3+$0xFFFFFF80];
	v32 =	vbroadcast v4, $0x3;
	v7 =	vmul.f32 v7, v11  }
0x1a1: {  	v34 =	vld [tilespmem:s3+$0x0];
	v35 =	vbroadcast v4, $0xD;
	v5 =	vmul.f32 v62, v12;
	[tilespmem:s3+$0xFFFFFF10] =	vst v6  }
0x1a2: {  	v13 =	vld [tilespmem:s3+$0xFFFFFF70];
	v36 =	vbroadcast v4, $0xE;
	v20 =	vmul.f32 v10, v17;
	[tilespmem:s3+$0xFFFFFF20] =	vst v7  }
0x1a3: {  	v63 =	vld [tilespmem:s3+$0xFFFFFF50];
	v37 =	vbroadcast v4, $0x7;
	v33 =	vmul.f32 v21, v30;
	[tilespmem:s3+$0xFFFFFF30] =	vst v5  }
0x1a4: {  	v14 =	vld [tilespmem:s3+$0xFFFFFFA0];
	v4 =	vbroadcast v4, $0xF;
	v11 =	vmul.f32 v23, v32;
	[tilespmem:s3+$0xFFFFFF60] =	vst v20  }
0x1a5: {  	v8 =	vld [tilespmem:s3+$0xFFFFFFB0];
	v38 =	vmul.f32 v27, v37;
	[tilespmem:s3+$0xFFFFFF90] =	vst v33  }
0x1a6: {  	v19 =	vld [tilespmem:s3+$0xFFFFFFC0];
	v4 =	vmul.f32 v34, v4;
	[tilespmem:s3+$0xFFFFFF40] =	vst v11  }
0x1a7: {  	v15 =	vld [tilespmem:s3+$0xFFFFFFD0];
	v6 =	vmul.f32 v13, v18;
	[tilespmem:s3+$0xFFFFFF80] =	vst v38  }
0x1a8: {  	v29 =	vld [tilespmem:s3+$0xFFFFFFE0];
	v5 =	vmul.f32 v63, v22;
	[tilespmem:s3+$0x0] =	vst v4  }
0x1a9: {  	v31 =	vld [tilespmem:s3+$0xFFFFFFF0];
	v13 =	vmul.f32 v14, v24;
	[tilespmem:s3+$0xFFFFFF70] =	vst v6  }
0x1aa: {  	v7 =	vmul.f32 v8, v25;
	[tilespmem:s3+$0xFFFFFF50] =	vst v5  }
0x1ab: {  	v6 =	vmul.f32 v19, v26;
	[tilespmem:s3+$0xFFFFFFA0] =	vst v13  }
0x1ac: {  	[tilespmem:s3+$0xFFFFFFB0] =	vst v7;
	v5 =	vmul.f32 v15, v28  }
0x1ad: {  	[tilespmem:s3+$0xFFFFFFC0] =	vst v6;
	v6 =	vmul.f32 v29, v35  }
0x1ae: {  	[tilespmem:s3+$0xFFFFFFD0] =	vst v5;
	v5 =	vmul.f32 v31, v36  }
0x1af: {  	[tilespmem:s3+$0xFFFFFFE0] =	vst v6  }
0x1b0: {  	[tilespmem:s3+$0xFFFFFFF0] =	vst v5  }
0x1b1: {  	v1 =	vld.idx.msk [tilespmem:v1+s9+$0x0 ss:$0x1], $0xffff;
	_ =	sdelay $0x1  }
0x1b2: {  	v2 =	vld.idx.msk [tilespmem:v2+s9+$0x0 ss:$0x1], $0xffff;
	_ =	sdelay $0x4  }
0x1b3: {  	v3 =	vld.idx.msk [tilespmem:v3+s9+$0x0 ss:$0x1], $0xffff  }
0x1b4: {  	v1 =	vld.idx.msk [tilespmem:v1+s19+$0x0], $0xffff;
	_ =	sdelay $0x1  }
0x1b5: {  	v2 =	vld.idx.msk [tilespmem:v2+s19+$0x0], $0xffff;
	_ =	sdelay $0x2  }
0x1b6: {  	v1 =	vmul.f32 v1, v3  }
0x1b7: {  	v3 =	vld [tilespmem:s1+$0xFFFFFF10]  }
0x1b8: {  	v39 =	vld [tilespmem:s1+$0xFFFFFF20];
	v1 =	vmul.f32 v2, v1  }
0x1b9: {  	v2 =	vld [tilespmem:s1+$0xFFFFFF30]  }
0x1ba: {  	v7 =	vld [tilespmem:s1+$0xFFFFFF60];
	v41 =	vbroadcast v1, $0x0  }
0x1bb: {  	v47 =	vld [tilespmem:s1+$0xFFFFFFA0];
	v42 =	vbroadcast v1, $0x1  }
0x1bc: {  	v44 =	vld [tilespmem:s1+$0xFFFFFF70];
	v43 =	vbroadcast v1, $0x2;
	v3 =	vmul.f32 v41, v3  }
0x1bd: {  	v45 =	vld [tilespmem:s1+$0xFFFFFF50];
	v46 =	vbroadcast v1, $0x5;
	v4 =	vmul.f32 v39, v42  }
0x1be: {  	v50 =	vld [tilespmem:s1+$0xFFFFFF90];
	v52 =	vbroadcast v1, $0x9;
	v2 =	vmul.f32 v2, v43;
	[tilespmem:s1+$0xFFFFFF10] =	vst v3  }
0x1bf: {  	v51 =	vld [tilespmem:s1+$0xFFFFFF40];
	v49 =	vmul.f32 v7, v46;
	v3 =	vbroadcast v1, $0x6;
	[tilespmem:s1+$0xFFFFFF20] =	vst v4  }
0x1c0: {  	v48 =	vld [tilespmem:s1+$0xFFFFFFC0];
	v10 =	vmul.f32 v47, v52;
	[tilespmem:s1+$0xFFFFFF30] =	vst v2;
	v2 =	vbroadcast v1, $0x4  }
0x1c1: {  	v53 =	vld [tilespmem:s1+$0xFFFFFFD0];
	v57 =	vbroadcast v1, $0x8;
	[tilespmem:s1+$0xFFFFFF60] =	vst v49;
	v3 =	vmul.f32 v44, v3  }
0x1c2: {  	v55 =	vld [tilespmem:s1+$0xFFFFFF80];
	v59 =	vbroadcast v1, $0x3;
	[tilespmem:s1+$0xFFFFFFA0] =	vst v10;
	v2 =	vmul.f32 v45, v2  }
0x1c3: {  	v40 =	vld [tilespmem:s1+$0xFFFFFFB0];
	v60 =	vmul.f32 v50, v57;
	[tilespmem:s1+$0xFFFFFF70] =	vst v3;
	v3 =	vbroadcast v1, $0xB  }
0x1c4: {  	v56 =	vld [tilespmem:s1+$0xFFFFFFE0];
	v8 =	vmul.f32 v51, v59;
	[tilespmem:s1+$0xFFFFFF50] =	vst v2;
	v2 =	vbroadcast v1, $0xC  }
0x1c5: {  	v58 =	vld [tilespmem:s1+$0xFFFFFFF0];
	v62 =	vbroadcast v1, $0x7;
	[tilespmem:s1+$0xFFFFFF90] =	vst v60;
	v3 =	vmul.f32 v48, v3  }
0x1c6: {  	v61 =	vld [tilespmem:s1+$0x0];
	v54 =	vbroadcast v1, $0xA;
	[tilespmem:s1+$0xFFFFFF40] =	vst v8;
	v2 =	vmul.f32 v53, v2  }
0x1c7: {  	v63 =	vmul.f32 v55, v62;
	[tilespmem:s1+$0xFFFFFFC0] =	vst v3;
	v3 =	vbroadcast v1, $0xD  }
0x1c8: {  	v4 =	vmul.f32 v40, v54;
	[tilespmem:s1+$0xFFFFFFD0] =	vst v2;
	v2 =	vbroadcast v1, $0xE  }
0x1c9: {  	[tilespmem:s1+$0xFFFFFF80] =	vst v63;
	v1 =	vbroadcast v1, $0xF;
	v3 =	vmul.f32 v56, v3  }
0x1ca: {  	[tilespmem:s1+$0xFFFFFFB0] =	vst v4;
	v2 =	vmul.f32 v58, v2  }
0x1cb: {  	v1 =	vmul.f32 v61, v1;
	[tilespmem:s1+$0xFFFFFFE0] =	vst v3  }
0x1cc: {  	[tilespmem:s1+$0xFFFFFFF0] =	vst v2  }
0x1cd: {  	s25 =	sadd.s32 $0x2A00, s25;
	s16 =	simm.s32 $0xBE00;
	[tilespmem:s1+$0x0] =	vst v1  }
0x1ce: {  	[spmem:s2] =	stream.indirect.scatter.add.f32 [tilespmem:s16], [sflag:$0x5], $0x10, s25, s21, $0xb8;
	[tilespmem:$0xEE00] =	vst v63  }
0x1cf: {  	_ =	swait.ge [sflag:s31], $0x800  }
0x1d0: {  	[sflag:s31] =	ssyncset.done $0x0  }
0x1d1: {  	[sflag:s31] =	ssyncadd.s32 $0xFFFFF800  }
0x1d2: {  	_ =	swait.ge [sflag:s31], $0x800  }
0x1d3: {  	s15 =	sadd.s32 $0x1, s15;
	[sflag:s31] =	ssyncset.done $0x0  }
0x1d4: {  	s18 =	sadd.s32 $0x200, s18;
	s17 =	sadd.s32 $0x200, s17;
	[sflag:s31] =	ssyncadd.s32 $0xFFFFF800  }
0x1d5: {  	s0 =	sadd.s32 $0x200, s0;
	p0 =	sne.s32 s15, $0x15;
	_ =	swait.ge [sflag:s31], $0x800  }
.Ltmp5:
0x1d6: {  	s5 =	sadd.s32 $0x200, s5;
	[sflag:s31] =	ssyncset.done $0x0;
	(pc) =	sbr.rel @p0 .LBB2_4-.Ltmp5, $4  }
0x1d7: {  	s6 =	sadd.s32 $0x200, s6;
	s7 =	sadd.s32 $0x200, s7;
	[sflag:s31] =	ssyncadd.s32 $0xFFFFF800  }
0x1d8: {  	s8 =	sadd.s32 $0x200, s8;
	s10 =	sadd.s32 $0x200, s10;
	_ =	swait.ge [sflag:s31], $0x800  }
0x1d9: {  	s11 =	sadd.s32 $0x200, s11;
	s12 =	sadd.s32 $0x200, s12;
	[sflag:s31] =	ssyncset.done $0x0  }
0x1da: {  	s13 =	sadd.s32 $0x200, s13;
	s14 =	sadd.s32 $0x200, s14;
	[sflag:s31] =	ssyncadd.s32 $0xFFFFF800  }
0x1db: {  	s0 =	stileid.u32;
	[bflag:$0x0] =	sbarrier.arrive $0xFFFF  }
0x1dc: {  	s0 =	sshll.u32 s0, $0x6;
	s1 =	rddreg [dreg:$0x8]  }
0x1dd: {  	s3 =	rddreg [dreg:$0xe];
	s0 =	sor.u32 $0x1C06, s0  }
0x1de: {  	[hbm:s1], [sflag:s0] =	dma.local [spmem:s3], $0x500  }
0x1df: {  	s3 =	simm.s32 $0x6  }
0x1e0: {  	_ =	swait.ge [sflag:s3], $0x500  }
0x1e1: {  	s22 =	rddreg [dreg:$0xf]  }
0x1e2: {  	s25 =	rddreg [dreg:$0x9];
	s1 =	sadd.s32 $0x1, s22  }
0x1e3: {  	p0 =	sne.s32 s1, s25  }
.Ltmp6:
0x1e4: {  	_ = 	snop;
	(pc) =	sbr.rel @p0 .LBB2_1-.Ltmp6, $3  }
0x1e5: {  	_ =	sdelay $0x1  }
0x1e6: {  	[sflag:s3] =	ssyncset.done $0x0  }
0x1e7: {  	[sflag:s3] =	ssyncadd.s32 $0xFFFFFB00  }
0x1e8: {  	_ =	sfence.sel $0x180000  }
0x1e9: {  	[bflag:$0x0] =	sbarrier.arrive $0xFFFF  }
0x1ea: {  	_ =	strace $0x9000004A  }
0x1eb: {  	s0 =	stileid.u32;
	[bflag:$0x2] =	sbarrier.arrive $0xFFFF  }
0x1ec: {  	p0 =	sne.s32 s0, $0x0;
	s0 =	rddreg [dreg:$0x2]  }
0x1ed: {  	s0 =	sadd.s32 @!p0 $0x100000, s0  }
0x1ee: {  	[sflag:s0] =	ssyncadd.tile.s32 @!p0 $0x1;
	_ =	shalt  }
.Lfunc_end2:
_tile_overlayer_lowered:
.L_overlay_start_2:
0x1ef: {  	(tag) =	ssettag $0x2  }
0x1f0: {  	s0 =	rddreg [dreg:$0x0];
	s2 =	stileid.u32  }
0x1f1: {  	s1 =	rddreg [dreg:$0x1];
	p0 =	sne.s32 s2, $0x0  }
0x1f2: {  	s3 =	rddreg [dreg:$0x2];
	[bflag:$0x3] =	sbarrier.arrive $0xFFFF;
	s2 =	simm.s32 @!p0 $0x1C06  }
0x1f3: {  	[timem:s3], [sflag:s2] =	dma.local @!p0 [hbm:s0], s1  }
0x1f4: {  	s0 =	simm.s32 @!p0 $0x6  }
0x1f5: {  	_ =	swait.ge @!p0 [sflag:s0], s1  }
0x1f6: {  	s1 =	ssub.s32 @!p0 $0x0, s1;
	[sflag:s0] =	ssyncset.done @!p0 $0x0  }
0x1f7: {  	[sflag:s0] =	ssyncadd.s32 @!p0 s1  }
0x1f8: {  	[bflag:$0x3] =	sbarrier.arrive $0xFFFF  }
0x1f9: {  	_ =	shalt  }

// kernel: kernel.14.cloned.1.call-start
scs
__scs_entry_jumppad:
0x0: {  	(pc) =	sbr.rel $0x88, $3  }
0x1: {  	(tag) =	ssettag $0x0;
	lr =	simm.s32 $0x1  }
0x2: {  	[smem:$0x3F97] =	sst lr;
	_ =	strace $0xD0000000  }
0x3: {  	_ = 	snop  }
0x4: {  	_ = 	snop  }
0x5: {  	_ = 	snop  }
0x6: {  	_ = 	snop  }
0x7: {  	_ = 	snop  }
__scs_overlays_trampoline_lowered:
0x8: {  	[smem:$0x3FA6] =	sst s0  }
0x9: {  	[smem:$0x3FA7] =	sst s1  }
0xa: {  	[smem:$0x3FA8] =	sst s2  }
0xb: {  	[smem:$0x3FA9] =	sst s3  }
0xc: {  	[smem:$0x3FAA] =	sst s4  }
0xd: {  	[smem:$0x3FAB] =	sst s5  }
0xe: {  	[smem:$0x3FAC] =	sst s6  }
0xf: {  	[smem:$0x3FAD] =	sst s7  }
0x10: {  	[smem:$0x3FAE] =	sst s8  }
0x11: {  	[smem:$0x3FAF] =	sst s9;
	s0 =	simm.s32 @!p0 $0x0  }
0x12: {  	s1 =	sld [smem:$0x3F95];
	s0 =	simm.s32 @p0 $0x1  }
0x13: {  	[smem:$0x3FB0] =	sst s0;
	s0 =	simm.s32 @!p1 $0x0  }
0x14: {  	s2 =	sld [smem:$0x3F94];
	s0 =	simm.s32 @p1 $0x1  }
0x15: {  	[smem:$0x3FB1] =	sst s0;
	s0 =	simm.s32 @!p2 $0x0  }
0x16: {  	s3 =	sld [smem:$0x3FDB];
	s0 =	simm.s32 @p2 $0x1  }
0x17: {  	s4 =	simm.s32 $0x1BF5;
	[smem:$0x3FB3] =	sst s0  }
0x18: {  	s0 =	sld [smem:$0x3F96];
	_ =	swait.ge [sflag:s4], $0x0  }
0x19: {  	s7 =	sld [smem:$0x3F97]  }
0x1a: {  	s8 =	sadd.s32 $0xFFFFE003, lr  }
0x1b: {  	s9 =	sadd.s32 $0xFFFFFEF7, lr;
	s5 =	simm.s32 $0xFFFFFFFF;
	p2 =	slt.u32 s8, $0xFFFFF086  }
0x1c: {  	p1 =	slt.u32 s9, $0xF7A;
	s5 =	simm.s32 @!p2 $0x0  }
0x1d: {  	s5 =	simm.s32 @p1 $0x1;
	p0 =	seq.s32 s7, s2  }
0x1e: {  	s7 =	smul.u32 @!p0 $0xF7A, s2;
	p2 =	seq.s32 @!p0 s5, $0x0  }
0x1f: {  	s9 =	smul.u32 $0xF7A, s1;
	s8 =	simm.s32 @!p0 $0x1BF5;
	p2 =	por !p2, p0  }
0x20: {  	[sflag:s8] =	ssyncset.s32 @!p0 $0xFFFFF086;
	s6 =	sadd.s32 @!p0 s3, s7;
	s7 =	simm.s32 @!p0 $0x108  }
0x21: {  	s3 =	sadd.s32 s3, s9;
	s6 =	sadd.s32 @!p0 $0x88, s6;
	s7 =	simm.s32 @p2 $0x1082  }
0x22: {  	[simem:s7], [sflag:s8] =	dma.local @!p0 [hbm:s6], $0xF7A  }
0x23: {  	s9 =	sor.u32 $0xD0000000, s2;
	s6 =	simm.s32 $0x108;
	_ =	swait.ge @!p0 [sflag:s8], $0x0  }
0x24: {  	s3 =	sadd.s32 $0x88, s3;
	s6 =	simm.s32 @!p1 $0x1082;
	[sflag:s4] =	ssyncset.s32 $0xFFFFF086  }
0x25: {  	[simem:s6], [sflag:s4] =	dma.local [hbm:s3], $0xF7A  }
0x26: {  	[smem:$0x3F97] =	sst s1;
	(tag) =	ssettag s2;
	_ =	strace s9  }
0x27: {  	s1 =	sld [smem:$0x3FA7]  }
0x28: {  	s2 =	sld [smem:$0x3FA8]  }
0x29: {  	s4 =	sld [smem:$0x3FAA]  }
0x2a: {  	p0 =	seq.s32 s5, $0x0;
	s5 =	sld [smem:$0x3FAB]  }
0x2b: {  	s6 =	sld [smem:$0x3FAC]  }
0x2c: {  	s7 =	sld [smem:$0x3FAD]  }
0x2d: {  	s3 =	simm.s32 $0x108;
	s8 =	sld [smem:$0x3FAE]  }
0x2e: {  	s3 =	simm.s32 @!p0 $0x1082;
	s9 =	sld [smem:$0x3FAF]  }
0x2f: {  	lr =	sadd.s32 s0, s3;
	s0 =	sld [smem:$0x3FA6]  }
0x30: {  	s3 =	sld [smem:$0x3FA9]  }
0x31: {  	[smem:$0x3FB2] =	sst s10  }
0x32: {  	s10 =	sld [smem:$0x3FB0];
	_ =	sdelay $0x3  }
0x33: {  	p0 =	seq.s32 s10, $0x1;
	s10 =	sld [smem:$0x3FB2];
	_ =	sdelay $0x3  }
0x34: {  	[smem:$0x3FB2] =	sst s10  }
0x35: {  	s10 =	sld [smem:$0x3FB1];
	_ =	sdelay $0x3  }
0x36: {  	p1 =	seq.s32 s10, $0x1;
	s10 =	sld [smem:$0x3FB2];
	_ =	sdelay $0x3  }
0x37: {  	[smem:$0x3FB2] =	sst s10  }
0x38: {  	s10 =	sld [smem:$0x3FB3]  }
0x39: {  	_ = 	snop;
	(pc) =	sbr.ind lr, $3  }
0x3a: {  	_ = 	snop  }
0x3b: {  	_ = 	snop  }
0x3c: {  	p2 =	seq.s32 s10, $0x1;
	s10 =	sld [smem:$0x3FB2]  }
0x3d: {  	_ =	shalt  }
0x3e: {  	_ =	shalt  }
0x3f: {  	_ =	shalt  }
0x40: {  	_ =	shalt  }
0x41: {  	_ =	shalt  }
0x42: {  	_ =	shalt  }
0x43: {  	_ =	shalt  }
0x44: {  	_ =	shalt  }
0x45: {  	_ =	shalt  }
0x46: {  	_ =	shalt  }
0x47: {  	_ =	shalt  }
0x48: {  	_ =	shalt  }
0x49: {  	_ =	shalt  }
0x4a: {  	_ =	shalt  }
0x4b: {  	_ =	shalt  }
0x4c: {  	_ =	shalt  }
0x4d: {  	_ =	shalt  }
0x4e: {  	_ =	shalt  }
0x4f: {  	_ =	shalt  }
0x50: {  	_ =	shalt  }
0x51: {  	_ =	shalt  }
0x52: {  	_ =	shalt  }
0x53: {  	_ =	shalt  }
0x54: {  	_ =	shalt  }
0x55: {  	_ =	shalt  }
0x56: {  	_ =	shalt  }
0x57: {  	_ =	shalt  }
0x58: {  	_ =	shalt  }
0x59: {  	_ =	shalt  }
0x5a: {  	_ =	shalt  }
0x5b: {  	_ =	shalt  }
0x5c: {  	_ =	shalt  }
0x5d: {  	_ =	shalt  }
0x5e: {  	_ =	shalt  }
0x5f: {  	_ =	shalt  }
0x60: {  	_ =	shalt  }
0x61: {  	_ =	shalt  }
0x62: {  	_ =	shalt  }
0x63: {  	_ =	shalt  }
0x64: {  	_ =	shalt  }
0x65: {  	_ =	shalt  }
0x66: {  	_ =	shalt  }
0x67: {  	_ =	shalt  }
0x68: {  	_ =	shalt  }
0x69: {  	_ =	shalt  }
0x6a: {  	_ =	shalt  }
0x6b: {  	_ =	shalt  }
0x6c: {  	_ =	shalt  }
0x6d: {  	_ =	shalt  }
0x6e: {  	_ =	shalt  }
0x6f: {  	_ =	shalt  }
0x70: {  	_ =	shalt  }
0x71: {  	_ =	shalt  }
0x72: {  	_ =	shalt  }
0x73: {  	_ =	shalt  }
0x74: {  	_ =	shalt  }
0x75: {  	_ =	shalt  }
0x76: {  	_ =	shalt  }
0x77: {  	_ =	shalt  }
0x78: {  	_ =	shalt  }
0x79: {  	_ =	shalt  }
0x7a: {  	_ =	shalt  }
0x7b: {  	_ =	shalt  }
0x7c: {  	_ =	shalt  }
0x7d: {  	_ =	shalt  }
0x7e: {  	_ =	shalt  }
0x7f: {  	_ =	shalt  }
0x80: {  	_ =	shalt  }
0x81: {  	_ =	shalt  }
0x82: {  	_ =	shalt  }
0x83: {  	_ =	shalt  }
0x84: {  	_ =	shalt  }
0x85: {  	_ =	shalt  }
0x86: {  	_ =	shalt  }
0x87: {  	_ =	shalt  }
.Lfunc_end0:
.L_simem_size_0:
called_computation.2_lowered:
.L_overlay_start_0:
0x88: {  	s2 =	sld [smem:$0x3FD9]  }
0x89: {  	s3 =	sld [smem:$0x3FFE];
	_ =	sdelay $0x1  }
0x8a: {  	s1 =	srdreg.scid  }
0x8b: {  	s0 =	sand.u32 $0x1, s1  }
0x8c: {  	s16 =	sshll.u32 s0, $0xA;
	s2 =	sadd.s32 s3, s2  }
0x8d: {  	s2 =	sadd.s32 s2, s16  }
0x8e: {  	[smem:$0x3FBE] =	sst s2  }
0x8f: {  	_ = 	snop  }
0x90: {  	(tm) =	ssettm $0x1  }
0x91: {  	s17 =	sld [smem:$0x3FFB];
	_ =	sdelay $0x3  }
0x92: {  	_ =	strace s17  }
0x93: {  	s2 =	sld [smem:$0x3FFC];
	_ =	sdelay $0x3  }
0x94: {  	_ =	strace s2  }
0x95: {  	s2 =	sld [smem:$0x3FFD];
	_ =	sdelay $0x3  }
0x96: {  	_ =	strace s2  }
0x97: {  	_ =	strace $0x8FFFFFFF  }
0x98: {  	s18 =	sld [smem:$0x3FDB];
	_ =	sdelay $0x1  }
0x99: {  	s19 =	simm.s32 $_scs_section_size  }
0x9a: {  	s4 =	simm.s32 $_size__tile_overlayer_lowered;
	s5 =	simm.s32 $_tile_overlayer_lowered  }
0x9b: {  	s22 =	simm.s32 $0x1BFF;
	s21 =	sshll.u32 s5, $0x1;
	s2 =	sadd.s32 s19, s18  }
0x9c: {  	s6 =	simm.s32 $0x0;
	s20 =	sshll.u32 s4, $0x1;
	s4 =	sadd.s32 s21, s2  }
0x9d: {  	[timem:s6], [sflag:s22] =	dma.local [hbm:s4], s20  }
0x9e: {  	_ =	swait.ge [sflag:s22], s20  }
0x9f: {  	s3 =	ssub.s32 $0x0, s20;
	[sflag:s22] =	ssyncset.done $0x0  }
0xa0: {  	[sflag:s22] =	ssyncadd.s32 s3;
	_ =	sdelay $0x1  }
0xa1: {  	s23 =	simm.s32 $0x1B8B  }
0xa2: {  	_ =	swait.ge [sflag:s23], $0x1  }
0xa3: {  	[sflag:s23] =	ssyncset.done $0x0  }
0xa4: {  	s25 =	simm.s32 $0x1B8E;
	s24 =	sld [smem:$0x3FFE];
	[sflag:s23] =	ssyncadd.s32 $0xFFFFFFFF  }
0xa5: {  	s26 =	simm.s32 $execute0_lowered;
	[smem:$0x3FD2] =	sst s25  }
0xa6: {  	s4 =	sshll.u32 s26, $0x1;
	_ =	strace $0x8000004C;
	[dreg:$0x1] =	wrdreg $0xFFFFFFFF  }
0xa7: {  	s28 =	simm.s32 $_size_execute0_lowered;
	s2 =	sadd.s32 s2, s4;
	[dreg:$0x0] =	wrdreg $0x0  }
0xa8: {  	s4 =	sshll.u32 s28, $0x1;
	[dreg:$0x2] =	wrdreg s2  }
0xa9: {  	[dreg:$0x3] =	wrdreg s4  }
0xaa: {  	[dreg:$0x4] =	wrdreg $0xC0  }
0xab: {  	_ =	task [dreg:s6], $0x5FFFF  }
0xac: {  	[dreg:$0x1] =	wrdreg $0xFFFFFFFF  }
0xad: {  	[dreg:$0x0] =	wrdreg $0x60  }
0xae: {  	[dreg:$0x2] =	wrdreg s24  }
0xaf: {  	[dreg:$0x3] =	wrdreg $0xC6000  }
0xb0: {  	[dreg:$0x4] =	wrdreg $0x9  }
0xb1: {  	_ =	task.clear_ibuf [dreg:s6], $0x5FFFF;
	_ =	strace $0x9000004C  }
0xb2: {  	s29 =	simm.s32 $0x9;
	_ =	strace $0x8000004E  }
0xb3: {  	_ =	swait.ge [sflag:s29], $0x1  }
0xb4: {  	[sflag:s29] =	ssyncadd.s32 $0xFFFFFFFF  }
0xb5: {  	_ =	strace $0x9000004E  }
0xb6: {  	_ =	sfence  }
0xb7: {  	s30 =	sld [smem:$0x0];
	_ =	sdelay $0x2  }
0xb8: {  	s31 =	sshll.u32 s1, $0xD;
	s1 =	sshrl.u32 s1, $0x2  }
0xb9: {  	s3 =	sand.u32 $0x4000, s31;
	s1 =	sadd.s32 s1, s30  }
0xba: {  	s0 =	sor.u32 s3, s0;
	s1 =	sshll.u32 s1, $0x11  }
0xbb: {  	s0 =	sor.u32 s1, s0  }
0xbc: {  	s0 =	sadd.s32 $0x8F2B, s0  }
0xbd: {  	[sflag:s0] =	ssyncadd.remote.s32 $0x1  }
0xbe: {  	_ =	sfence.sel $0xFFFF  }
0xbf: {  	[dreg:$0x0] =	wrdreg $0xFFFFFFFF;
	(pc) =	sbr.abs _section_cstart, $3  }
0xc0: {  	[dreg:$0x1] =	wrdreg $0xFFFFFFFF  }
0xc1: {  	_ =	task.clear_ibuf [dreg:s6], $0x2FFFF;
	_ =	strace $0x9FFFFFFF  }
0xc2: {  	(tm) =	ssettm $0x7FFFFFFF  }
0xc3: {  	_ =	shalt  }
tec
execute0_lowered:
.L_overlay_start_1:
0x0: {  	(tag) =	ssettag $0x1  }
0x1: {  	s3 =	rddreg [dreg:$0x0]  }
0x2: {  	s0 =	srdreg.scid;
	s2 =	rddreg [dreg:$0x1];
	s4 =	simm.s32 $0x0  }
0x3: {  	s8 =	stileid.u32;
	s0 =	sand.u32 $0x1, s0;
	[smem:$0x7FF] =	sst s4  }
0x4: {  	s6 =	smul.u32 $0x2800, s8;
	s4 =	sadd.s32 $0x22200, s3;
	s7 =	sadd.s32 $0x27200, s3  }
0x5: {  	s1 =	sshll.u32 s0, $0x4;
	s5 =	smul.u32 $0x28000, s0;
	_ =	strace $0x8000004D  }
0x6: {  	[dreg:$0x3] =	wrdreg s7;
	s0 =	ssub.s32 $0x2, s0;
	s1 =	sor.u32 s8, s1  }
0x7: {  	s14 =	sshrl.u32 s0, $0x1;
	s8 =	smul.u32 $0xA000, s8;
	s20 =	sadd.s32 s6, s2  }
0x8: {  	s1 =	smul.u32 $0x540, s1;
	s0 =	ssub.s32 s0, s14;
	s25 =	sshrl.u32 s20, $0x3  }
0x9: {  	s17 =	sshrl.u32 s8, $0x2;
	s0 =	smax.u32 s0, $0x1;
	[dreg:$0xe] =	wrdreg s25  }
0xa: {  	s1 =	sadd.s32 s1, s3;
	s18 =	sadd.s32 s17, s2;
	[dreg:$0x9] =	wrdreg s0  }
0xb: {  	s5 =	sadd.s32 s6, s5;
	s15 =	sadd.s32 $0xD200, s1;
	[dreg:$0x7] =	wrdreg s18  }
0xc: {  	s5 =	sshrl.u32 s5, $0x3;
	s16 =	sadd.s32 $0x17A00, s1;
	[dreg:$0x4] =	wrdreg s15  }
0xd: {  	s3 =	sadd.s32 s5, s3;
	s1 =	sadd.s32 $0x2A00, s1;
	[dreg:$0x5] =	wrdreg s16  }
0xe: {  	s19 =	sadd.s32 $0x27800, s3;
	[dreg:$0x6] =	wrdreg s1  }
0xf: {  	s26 =	simm.s32 $0xA600;
	s21 =	sadd.s32 $0x800, s18;
	[dreg:$0x8] =	wrdreg s19  }
0x10: {  	s28 =	simm.s32 $0x2;
	s22 =	sadd.s32 $0x1000, s18;
	[dreg:$0xa] =	wrdreg s21  }
0x11: {  	s29 =	simm.s32 $0x3;
	s23 =	sadd.s32 $0x1800, s18;
	[dreg:$0xb] =	wrdreg s22  }
0x12: {  	s30 =	simm.s32 $0x4;
	s24 =	sadd.s32 $0x2000, s18;
	[dreg:$0xc] =	wrdreg s23  }
0x13: {  	s31 =	simm.s32 $0x5;
	s3 =	simm.s32 $0x6;
	[dreg:$0xd] =	wrdreg s24  }
0x14: {  	s19 =	simm.s32 $0x7E00;
	s21 =	simm.s32 $0x80;
	s24 =	simm.s32 $0xAE00  }
0x15: {  	v0 =	vimm.f32 $0.0e+00;
	s23 =	simm.s32 $0xB600;
	s16 =	simm.s32 $0xBE00;
	s1 =	simm.s32 $0x0  }
.LBB2_1:
0x16: {  	[dreg:$0xf] =	wrdreg s1  }
0x17: {  	s0 =	simm.s32 $0x0;
	s17 =	rddreg [dreg:$0x4]  }
0x18: {  	[tilespmem:s0], [sflag:$0x6] =	stream.linear.gather [hbm4b:s17+s0], $0x2A00, $0x38;
	[tilespmem:$0xEE00] =	vst v63  }
0x19: {  	_ =	swait.ge [sflag:s3], $0x2A00  }
0x1a: {  	[sflag:s3] =	ssyncset.done $0x0  }
0x1b: {  	s5 =	simm.s32 $0x2A00;
	s18 =	rddreg [dreg:$0x5];
	[sflag:s3] =	ssyncadd.s32 $0xFFFFD600  }
0x1c: {  	[tilespmem:s5], [sflag:$0x6] =	stream.linear.gather [hbm4b:s18+s0], $0x2A00, $0x38;
	[tilespmem:$0xEE00] =	vst v63  }
0x1d: {  	_ =	swait.ge [sflag:s3], $0x2A00  }
0x1e: {  	[sflag:s3] =	ssyncset.done $0x0  }
0x1f: {  	s22 =	simm.s32 $0x5400;
	s20 =	rddreg [dreg:$0x6];
	[sflag:s3] =	ssyncadd.s32 $0xFFFFD600  }
0x20: {  	[tilespmem:s22], [sflag:$0x6] =	stream.linear.gather [hbm4b:s20+s0], $0x2A00, $0x38;
	[tilespmem:$0xEE00] =	vst v63  }
0x21: {  	_ =	swait.ge [sflag:s3], $0x2A00  }
0x22: {  	[sflag:s3] =	ssyncset.done $0x0  }
0x23: {  	s25 =	rddreg [dreg:$0x3];
	[sflag:s3] =	ssyncadd.s32 $0xFFFFD600  }
0x24: {  	[tilespmem:s19], [sflag:$0x6] =	stream.linear.gather [hbm4b:s25+s0], $0x2800, $0x38;
	[tilespmem:$0xEE00] =	vst v63  }
0x25: {  	_ =	swait.ge [sflag:s3], $0x2800  }
0x26: {  	[sflag:s3] =	ssyncset.done $0x0  }
0x27: {  	s1 =	simm.s32 $0x0;
	s0 =	simm.s32 $0x40;
	[sflag:s3] =	ssyncadd.s32 $0xFFFFD800  }
.LBB2_2:
0x28: {  	p0 =	sne.s32 s0, $0x1FC0;
	[tilespmem:s1+$0xA600] =	vst v0;
	s1 =	smov.u32 s0;
	s0 =	sadd.s32 $0x40, s0  }
.Ltmp0:
0x29: {  	(pc) =	sbr.rel @p0 .LBB2_2-.Ltmp0, $2  }
0x2a: {  	_ =	sdelay $0x2  }
0x2b: {  	s1 =	sshra.s32 s1, $0x2  }
0x2c: {  	[tilespmem:s1+$0xA600] =	vst v0;
	s0 =	rddreg [dreg:$0x7]  }
0x2d: {  	[spmem:s0] =	stream.linear.scatter [tilespmem:s26], [sflag:$0x6], $0x800, $0x38;
	[tilespmem:$0xEE00] =	vst v63  }
0x2e: {  	_ =	swait.ge [sflag:s3], $0x800  }
0x2f: {  	[sflag:s3] =	ssyncset.done $0x0  }
0x30: {  	s18 =	rddreg [dreg:$0xa];
	[sflag:s3] =	ssyncadd.s32 $0xFFFFF800  }
0x31: {  	[spmem:s18] =	stream.linear.scatter [tilespmem:s26], [sflag:$0x6], $0x800, $0x38;
	[tilespmem:$0xEE00] =	vst v63  }
0x32: {  	_ =	swait.ge [sflag:s3], $0x800  }
0x33: {  	[sflag:s3] =	ssyncset.done $0x0  }
0x34: {  	s20 =	rddreg [dreg:$0xb];
	[sflag:s3] =	ssyncadd.s32 $0xFFFFF800  }
0x35: {  	[spmem:s20] =	stream.linear.scatter [tilespmem:s26], [sflag:$0x6], $0x800, $0x38;
	[tilespmem:$0xEE00] =	vst v63  }
0x36: {  	_ =	swait.ge [sflag:s3], $0x800  }
0x37: {  	[sflag:s3] =	ssyncset.done $0x0  }
0x38: {  	s22 =	rddreg [dreg:$0xc];
	[sflag:s3] =	ssyncadd.s32 $0xFFFFF800  }
0x39: {  	[spmem:s22] =	stream.linear.scatter [tilespmem:s26], [sflag:$0x6], $0x800, $0x38;
	[tilespmem:$0xEE00] =	vst v63  }
0x3a: {  	s17 =	simm.s32 $0x0;
	s5 =	simm.s32 $0x2A80;
	_ =	swait.ge [sflag:s3], $0x800  }
0x3b: {  	s6 =	simm.s32 $0x80;
	s7 =	simm.s32 $0x5480;
	[sflag:s3] =	ssyncset.done $0x0  }
0x3c: {  	s8 =	simm.s32 $0x2B00;
	s25 =	rddreg [dreg:$0xd];
	[sflag:s3] =	ssyncadd.s32 $0xFFFFF800  }
0x3d: {  	[spmem:s25] =	stream.linear.scatter [tilespmem:s26], [sflag:$0x6], $0x800, $0x38;
	[tilespmem:$0xEE00] =	vst v63  }
0x3e: {  	s10 =	simm.s32 $0x100;
	s11 =	simm.s32 $0x5500;
	_ =	swait.ge [sflag:s3], $0x800  }
0x3f: {  	s12 =	simm.s32 $0x2B80;
	s13 =	simm.s32 $0x180;
	[sflag:s3] =	ssyncset.done $0x0  }
0x40: {  	s14 =	simm.s32 $0x5580;
	s15 =	simm.s32 $0x0;
	[sflag:s3] =	ssyncadd.s32 $0xFFFFF800  }
0x41: {  	s0 =	simm.s32 $0x5400;
	s18 =	simm.s32 $0x2A00;
	[bflag:$0x0] =	sbarrier.arrive $0xFFFF  }
.LBB2_4:
0x42: {  	s1 =	sshll.u32 s15, $0x9  }
0x43: {  	[tilespmem:s26], [sflag:$0x1] =	stream.indirect.gather [hbm4b:s4+s21], $0x10, s1, s21, $0xb8;
	[tilespmem:$0xEE00] =	vst v63  }
0x44: {  	s3 =	sor.u32 $0x80, s1  }
0x45: {  	[tilespmem:s24], [sflag:$0x2] =	stream.indirect.gather [hbm4b:s4+s21], $0x10, s3, s21, $0xb8;
	[tilespmem:$0xEE00] =	vst v63  }
0x46: {  	s9 =	sor.u32 $0x100, s1  }
0x47: {  	[tilespmem:s23], [sflag:$0x3] =	stream.indirect.gather [hbm4b:s4+s21], $0x10, s9, s21, $0xb8;
	[tilespmem:$0xEE00] =	vst v63  }
0x48: {  	v1 =	vmov s17;
	s25 =	sor.u32 $0x180, s1;
	s24 =	simm.s32 $0x1  }
0x49: {  	[tilespmem:s16], [sflag:$0x4] =	stream.indirect.gather [hbm4b:s4+s21], $0x10, s25, s21, $0xb8;
	[tilespmem:$0xEE00] =	vst v63  }
0x4a: {  	v2 =	vmov s18;
	_ =	swait.ge [sflag:s24], $0x800  }
0x4b: {  	[sflag:s24] =	ssyncset.done $0x0  }
0x4c: {  	s26 =	simm.s32 $0x0;
	[sflag:s24] =	ssyncadd.s32 $0xFFFFF800  }
0x4d: {  	v5 =	vld.idx.msk [tilespmem:v1+s26+$0x0 ss:$0x1], $0xffff;
	_ =	sdelay $0x1  }
0x4e: {  	v3 =	vmov s0;
	v7 =	vld.idx.msk [tilespmem:v2+s26+$0x0 ss:$0x1], $0xffff;
	_ =	sdelay $0x4  }
0x4f: {  	v4 =	vld.idx.msk [tilespmem:v3+s26+$0x0 ss:$0x1], $0xffff  }
0x50: {  	v6 =	vld.idx.msk [tilespmem:v5+s19+$0x0], $0xffff  }
0x51: {  	s22 =	simm.s32 $0xA680;
	s20 =	simm.s32 $0xA780  }
0x52: {  	s23 =	simm.s32 $0x10;
	s16 =	simm.s32 $0xA780;
	s24 =	simm.s32 $0x80;
	v5 =	vld.idx.msk [tilespmem:v7+s19+$0x0], $0xffff  }
.LBB2_5:
0x53: {  	p0 =	sne.s32 s24, $0x1C0  }
0x54: {  	s20 =	sadd.s32 $0x100, s20;
	s26 =	smov.u32 s24;
	s24 =	sadd.s32 $0x40, s24  }
0x55: {  	v4 =	vmul.f32 v6, v4;
	v6 =	vld [tilespmem:s22+$0xFFFFFF90]  }
0x56: {  	v7 =	vld [tilespmem:s22+$0xFFFFFF80]  }
0x57: {  	v4 =	vmul.f32 v5, v4;
	v5 =	vld [tilespmem:s22+$0x20]  }
0x58: {  	v8 =	vld [tilespmem:s22+$0xFFFFFFA0]  }
0x59: {  	v9 =	vbroadcast v4, $0x0;
	v10 =	vbroadcast v4, $0x4;
	v11 =	vld [tilespmem:s22+$0xFFFFFFD0]  }
0x5a: {  	v12 =	vbroadcast v4, $0x1;
	v13 =	vbroadcast v4, $0x2;
	v14 =	vld [tilespmem:s22+$0xFFFFFFE0]  }
0x5b: {  	v15 =	vbroadcast v4, $0xA;
	v7 =	vmul.f32 v9, v7;
	v9 =	vld [tilespmem:s22+$0xFFFFFFC0]  }
0x5c: {  	v6 =	vmul.f32 v6, v12;
	v12 =	vbroadcast v4, $0x5;
	v16 =	vld [tilespmem:s22+$0x10]  }
0x5d: {  	[tilespmem:s22+$0xFFFFFF80] =	vst v7;
	v7 =	vmul.f32 v8, v13;
	v8 =	vbroadcast v4, $0x6;
	v13 =	vld [tilespmem:s22+$0x30]  }
0x5e: {  	[tilespmem:s22+$0xFFFFFF90] =	vst v6;
	v6 =	vmul.f32 v11, v12;
	v11 =	vld [tilespmem:s22+$0x0];
	v12 =	vbroadcast v4, $0x8  }
0x5f: {  	[tilespmem:s22+$0xFFFFFFA0] =	vst v7;
	v7 =	vmul.f32 v14, v8;
	v8 =	vbroadcast v4, $0x9;
	v14 =	vld [tilespmem:s22+$0x40]  }
0x60: {  	v17 =	vld [tilespmem:s22+$0xFFFFFFB0];
	v9 =	vmul.f32 v9, v10;
	[tilespmem:s22+$0xFFFFFFD0] =	vst v6;
	v6 =	vbroadcast v4, $0xB  }
0x61: {  	v5 =	vmul.f32 v5, v15;
	[tilespmem:s22+$0xFFFFFFE0] =	vst v7;
	v7 =	vld [tilespmem:s22+$0xFFFFFFF0];
	v8 =	vmul.f32 v16, v8  }
0x62: {  	[tilespmem:s22+$0xFFFFFFC0] =	vst v9;
	v6 =	vmul.f32 v13, v6;
	v9 =	vbroadcast v4, $0xC;
	v10 =	vld [tilespmem:s22+$0x50]  }
0x63: {  	s26 =	sshra.s32 s26, $0x2;
	v13 =	vbroadcast v4, $0x3;
	v11 =	vmul.f32 v11, v12;
	[tilespmem:s22+$0x10] =	vst v8;
	v8 =	vld [tilespmem:s22+$0x60]  }
0x64: {  	v12 =	vbroadcast v4, $0x7;
	[tilespmem:s22+$0x20] =	vst v5;
	v5 =	vmul.f32 v14, v9;
	v9 =	vld [tilespmem:s22+$0x70]  }
0x65: {  	v13 =	vmul.f32 v17, v13;
	[tilespmem:s22+$0x30] =	vst v6;
	v6 =	vbroadcast v4, $0xD  }
0x66: {  	v7 =	vmul.f32 v7, v12;
	[tilespmem:s22+$0x40] =	vst v5;
	v5 =	vbroadcast v4, $0xE  }
0x67: {  	v4 =	vbroadcast v4, $0xF;
	[tilespmem:s22+$0x0] =	vst v11;
	v6 =	vmul.f32 v10, v6  }
0x68: {  	[tilespmem:s22+$0xFFFFFFB0] =	vst v13;
	v5 =	vmul.f32 v8, v5  }
0x69: {  	[tilespmem:s22+$0x50] =	vst v6;
	v4 =	vmul.f32 v9, v4  }
0x6a: {  	[tilespmem:s22+$0x60] =	vst v5  }
0x6b: {  	[tilespmem:s22+$0xFFFFFFF0] =	vst v7  }
0x6c: {  	[tilespmem:s22+$0x70] =	vst v4;
	s22 =	smov.u32 s16;
	s16 =	smov.u32 s20  }
0x6d: {  	v5 =	vld.idx.msk [tilespmem:v1+s23+$0x0 ss:$0x1], $0xffff;
	_ =	sdelay $0x1  }
0x6e: {  	v7 =	vld.idx.msk [tilespmem:v2+s23+$0x0 ss:$0x1], $0xffff;
	_ =	sdelay $0x1  }
0x6f: {  	v4 =	vld.idx.msk [tilespmem:v3+s23+$0x0 ss:$0x1], $0xffff;
	s23 =	smov.u32 s26;
	_ =	sdelay $0x1  }
.Ltmp1:
0x70: {  	(pc) =	sbr.rel @p0 .LBB2_5-.Ltmp1, $3  }
0x71: {  	_ = 	snop  }
0x72: {  	v6 =	vld.idx.msk [tilespmem:v5+s19+$0x0], $0xffff;
	_ =	sdelay $0x1  }
0x73: {  	v5 =	vld.idx.msk [tilespmem:v7+s19+$0x0], $0xffff  }
0x74: {  	_ =	sdelay $0x1  }
0x75: {  	v4 =	vmul.f32 v6, v4  }
0x76: {  	v6 =	vld [tilespmem:s22+$0xFFFFFF80]  }
0x77: {  	v7 =	vld [tilespmem:s22+$0xFFFFFF90];
	v4 =	vmul.f32 v5, v4  }
0x78: {  	v5 =	vld [tilespmem:s22+$0xFFFFFFA0]  }
0x79: {  	v10 =	vld [tilespmem:s22+$0xFFFFFFD0];
	v9 =	vbroadcast v4, $0x0  }
0x7a: {  	v13 =	vld [tilespmem:s22+$0xFFFFFFE0];
	v11 =	vbroadcast v4, $0x1  }
0x7b: {  	v46 =	vld [tilespmem:s22+$0xFFFFFFB0];
	v12 =	vbroadcast v4, $0x2;
	v6 =	vmul.f32 v9, v6  }
0x7c: {  	v42 =	vld [tilespmem:s22+$0xFFFFFFC0];
	v43 =	vbroadcast v4, $0x5;
	v7 =	vmul.f32 v7, v11  }
0x7d: {  	v8 =	vld [tilespmem:s22+$0x20];
	v5 =	vmul.f32 v5, v12;
	[tilespmem:s22+$0xFFFFFF80] =	vst v6;
	v6 =	vbroadcast v4, $0x6  }
0x7e: {  	v44 =	vld [tilespmem:s22+$0x30];
	v51 =	vbroadcast v4, $0x3;
	[tilespmem:s22+$0xFFFFFF90] =	vst v7;
	v7 =	vmul.f32 v10, v43  }
0x7f: {  	v45 =	vld [tilespmem:s22+$0x0];
	[tilespmem:s22+$0xFFFFFFA0] =	vst v5;
	v5 =	vbroadcast v4, $0x4;
	v6 =	vmul.f32 v13, v6  }
0x80: {  	v15 =	vld [tilespmem:s22+$0x40];
	v11 =	vmul.f32 v46, v51;
	[tilespmem:s22+$0xFFFFFFD0] =	vst v7;
	v7 =	vbroadcast v4, $0xA  }
0x81: {  	v14 =	vld [tilespmem:s22+$0x10];
	v5 =	vmul.f32 v42, v5;
	[tilespmem:s22+$0xFFFFFFE0] =	vst v6;
	v6 =	vbroadcast v4, $0xB  }
0x82: {  	v48 =	vld [tilespmem:s22+$0xFFFFFFF0];
	v49 =	vbroadcast v4, $0x8;
	[tilespmem:s22+$0xFFFFFFB0] =	vst v11;
	v7 =	vmul.f32 v8, v7  }
0x83: {  	v8 =	vld [tilespmem:s22+$0x50];
	[tilespmem:s22+$0xFFFFFFC0] =	vst v5;
	v5 =	vbroadcast v4, $0xC;
	v6 =	vmul.f32 v44, v6  }
0x84: {  	v50 =	vld [tilespmem:s22+$0x60];
	v47 =	vbroadcast v4, $0x9;
	[tilespmem:s22+$0x20] =	vst v7;
	v7 =	vmul.f32 v45, v49  }
0x85: {  	v52 =	vld [tilespmem:s22+$0x70];
	v53 =	vbroadcast v4, $0x7;
	v5 =	vmul.f32 v15, v5;
	[tilespmem:s22+$0x30] =	vst v6  }
0x86: {  	v13 =	vmul.f32 v14, v47;
	v6 =	vbroadcast v4, $0xD;
	[tilespmem:s22+$0x0] =	vst v7  }
0x87: {  	v7 =	vmul.f32 v48, v53;
	[tilespmem:s22+$0x40] =	vst v5;
	v5 =	vbroadcast v4, $0xE  }
0x88: {  	[tilespmem:s22+$0x10] =	vst v13;
	v4 =	vbroadcast v4, $0xF;
	v6 =	vmul.f32 v8, v6  }
0x89: {  	[tilespmem:s22+$0xFFFFFFF0] =	vst v7;
	v5 =	vmul.f32 v50, v5  }
0x8a: {  	v4 =	vmul.f32 v52, v4;
	[tilespmem:s22+$0x50] =	vst v6  }
0x8b: {  	[tilespmem:s22+$0x60] =	vst v5  }
0x8c: {  	[tilespmem:s22+$0x70] =	vst v4  }
0x8d: {  	v1 =	vld.idx.msk [tilespmem:v1+s23+$0x0 ss:$0x1], $0xffff;
	_ =	sdelay $0x1  }
0x8e: {  	v2 =	vld.idx.msk [tilespmem:v2+s23+$0x0 ss:$0x1], $0xffff;
	_ =	sdelay $0x4  }
0x8f: {  	v3 =	vld.idx.msk [tilespmem:v3+s23+$0x0 ss:$0x1], $0xffff  }
0x90: {  	v1 =	vld.idx.msk [tilespmem:v1+s19+$0x0], $0xffff;
	_ =	sdelay $0x1  }
0x91: {  	v2 =	vld.idx.msk [tilespmem:v2+s19+$0x0], $0xffff;
	_ =	sdelay $0x2  }
0x92: {  	v1 =	vmul.f32 v1, v3  }
0x93: {  	v3 =	vld [tilespmem:s16+$0xFFFFFF80]  }
0x94: {  	v4 =	vld [tilespmem:s16+$0xFFFFFF90];
	v1 =	vmul.f32 v2, v1  }
0x95: {  	v2 =	vld [tilespmem:s16+$0xFFFFFFA0]  }
0x96: {  	v7 =	vld [tilespmem:s16+$0xFFFFFFD0];
	v6 =	vbroadcast v1, $0x0  }
0x97: {  	v55 =	vld [tilespmem:s16+$0xFFFFFFE0];
	v8 =	vbroadcast v1, $0x1  }
0x98: {  	v56 =	vld [tilespmem:s16+$0x10];
	v54 =	vbroadcast v1, $0x2;
	v3 =	vmul.f32 v6, v3  }
0x99: {  	v6 =	vld [tilespmem:s16+$0xFFFFFFC0];
	v4 =	vmul.f32 v4, v8;
	v8 =	vbroadcast v1, $0x5  }
0x9a: {  	v5 =	vld [tilespmem:s16+$0x20];
	v2 =	vmul.f32 v2, v54;
	[tilespmem:s16+$0xFFFFFF80] =	vst v3;
	v3 =	vbroadcast v1, $0x6  }
0x9b: {  	v57 =	vld [tilespmem:s16+$0x30];
	v58 =	vbroadcast v1, $0x9;
	[tilespmem:s16+$0xFFFFFF90] =	vst v4;
	v4 =	vmul.f32 v7, v8  }
0x9c: {  	v7 =	vld [tilespmem:s16+$0x0];
	[tilespmem:s16+$0xFFFFFFA0] =	vst v2;
	v2 =	vbroadcast v1, $0x4;
	v3 =	vmul.f32 v55, v3  }
0x9d: {  	v59 =	vld [tilespmem:s16+$0x40];
	v10 =	vmul.f32 v56, v58;
	[tilespmem:s16+$0xFFFFFFD0] =	vst v4;
	v4 =	vbroadcast v1, $0xA  }
0x9e: {  	v8 =	vld [tilespmem:s16+$0xFFFFFFB0];
	v2 =	vmul.f32 v6, v2;
	[tilespmem:s16+$0xFFFFFFE0] =	vst v3;
	v3 =	vbroadcast v1, $0xB  }
0x9f: {  	v60 =	vbroadcast v1, $0x8;
	[tilespmem:s16+$0x10] =	vst v10;
	v6 =	vld [tilespmem:s16+$0xFFFFFFF0];
	v4 =	vmul.f32 v5, v4  }
0xa0: {  	v5 =	vld [tilespmem:s16+$0x50];
	[tilespmem:s16+$0xFFFFFFC0] =	vst v2;
	v2 =	vbroadcast v1, $0xC;
	v3 =	vmul.f32 v57, v3  }
0xa1: {  	v61 =	vld [tilespmem:s16+$0x60];
	v62 =	vbroadcast v1, $0x3;
	[tilespmem:s16+$0x20] =	vst v4;
	v4 =	vmul.f32 v7, v60  }
0xa2: {  	v63 =	vbroadcast v1, $0x7;
	v7 =	vld [tilespmem:s16+$0x70];
	v2 =	vmul.f32 v59, v2;
	[tilespmem:s16+$0x30] =	vst v3  }
0xa3: {  	v8 =	vmul.f32 v8, v62;
	v3 =	vbroadcast v1, $0xD;
	[tilespmem:s16+$0x0] =	vst v4  }
0xa4: {  	v4 =	vmul.f32 v6, v63;
	[tilespmem:s16+$0x40] =	vst v2;
	v2 =	vbroadcast v1, $0xE  }
0xa5: {  	[tilespmem:s16+$0xFFFFFFB0] =	vst v8;
	v1 =	vbroadcast v1, $0xF;
	v3 =	vmul.f32 v5, v3  }
0xa6: {  	[tilespmem:s16+$0xFFFFFFF0] =	vst v4;
	v2 =	vmul.f32 v61, v2  }
0xa7: {  	v1 =	vmul.f32 v7, v1;
	[tilespmem:s16+$0x50] =	vst v3  }
0xa8: {  	[tilespmem:s16+$0x60] =	vst v2  }
0xa9: {  	s1 =	sadd.s32 $0x2A00, s1;
	s26 =	simm.s32 $0xA600;
	[tilespmem:s16+$0x70] =	vst v1;
	v1 =	vmov s6  }
0xaa: {  	[spmem:s2] =	stream.indirect.scatter.add.f32 [tilespmem:s26], [sflag:$0x5], $0x10, s1, s21, $0xb8;
	[tilespmem:$0xEE00] =	vst v63  }
0xab: {  	v2 =	vmov s5;
	_ =	swait.ge [sflag:s28], $0x800  }
0xac: {  	[sflag:s28] =	ssyncset.done $0x0  }
0xad: {  	s24 =	simm.s32 $0x0;
	[sflag:s28] =	ssyncadd.s32 $0xFFFFF800  }
0xae: {  	v5 =	vld.idx.msk [tilespmem:v1+s24+$0x0 ss:$0x1], $0xffff;
	_ =	sdelay $0x1  }
0xaf: {  	v3 =	vmov s7;
	v7 =	vld.idx.msk [tilespmem:v2+s24+$0x0 ss:$0x1], $0xffff;
	_ =	sdelay $0x4  }
0xb0: {  	v4 =	vld.idx.msk [tilespmem:v3+s24+$0x0 ss:$0x1], $0xffff  }
0xb1: {  	v6 =	vld.idx.msk [tilespmem:v5+s19+$0x0], $0xffff  }
0xb2: {  	s20 =	simm.s32 $0xAFF0;
	s22 =	simm.s32 $0x10  }
0xb3: {  	s23 =	simm.s32 $0x80;
	s16 =	simm.s32 $0xAEF0;
	s1 =	simm.s32 $0xAFF0;
	v5 =	vld.idx.msk [tilespmem:v7+s19+$0x0], $0xffff  }
.LBB2_7:
0xb4: {  	p0 =	sne.s32 s23, $0x1C0  }
0xb5: {  	s20 =	sadd.s32 $0x100, s20;
	s24 =	smov.u32 s23;
	s23 =	sadd.s32 $0x40, s23  }
0xb6: {  	v4 =	vmul.f32 v6, v4;
	v6 =	vld [tilespmem:s16+$0xFFFFFF20]  }
0xb7: {  	v7 =	vld [tilespmem:s16+$0xFFFFFF10]  }
0xb8: {  	v4 =	vmul.f32 v5, v4;
	v5 =	vld [tilespmem:s16+$0xFFFFFFB0]  }
0xb9: {  	v8 =	vld [tilespmem:s16+$0xFFFFFF30]  }
0xba: {  	v9 =	vbroadcast v4, $0x0;
	v10 =	vbroadcast v4, $0x4;
	v11 =	vld [tilespmem:s16+$0xFFFFFF60]  }
0xbb: {  	v12 =	vbroadcast v4, $0x1;
	v13 =	vbroadcast v4, $0x2;
	v14 =	vld [tilespmem:s16+$0xFFFFFF70]  }
0xbc: {  	v15 =	vbroadcast v4, $0xA;
	v7 =	vmul.f32 v9, v7;
	v9 =	vld [tilespmem:s16+$0xFFFFFF50]  }
0xbd: {  	v6 =	vmul.f32 v6, v12;
	v12 =	vbroadcast v4, $0x5;
	v16 =	vld [tilespmem:s16+$0xFFFFFFA0]  }
0xbe: {  	[tilespmem:s16+$0xFFFFFF10] =	vst v7;
	v7 =	vmul.f32 v8, v13;
	v8 =	vbroadcast v4, $0x6;
	v13 =	vld [tilespmem:s16+$0xFFFFFFC0]  }
0xbf: {  	[tilespmem:s16+$0xFFFFFF20] =	vst v6;
	v6 =	vmul.f32 v11, v12;
	v11 =	vld [tilespmem:s16+$0xFFFFFF90];
	v12 =	vbroadcast v4, $0x8  }
0xc0: {  	[tilespmem:s16+$0xFFFFFF30] =	vst v7;
	v7 =	vmul.f32 v14, v8;
	v8 =	vbroadcast v4, $0x9;
	v14 =	vld [tilespmem:s16+$0xFFFFFFD0]  }
0xc1: {  	v17 =	vld [tilespmem:s16+$0xFFFFFF40];
	v9 =	vmul.f32 v9, v10;
	[tilespmem:s16+$0xFFFFFF60] =	vst v6;
	v6 =	vbroadcast v4, $0xB  }
0xc2: {  	v5 =	vmul.f32 v5, v15;
	[tilespmem:s16+$0xFFFFFF70] =	vst v7;
	v7 =	vld [tilespmem:s16+$0xFFFFFF80];
	v8 =	vmul.f32 v16, v8  }
0xc3: {  	[tilespmem:s16+$0xFFFFFF50] =	vst v9;
	v6 =	vmul.f32 v13, v6;
	v9 =	vbroadcast v4, $0xC;
	v10 =	vld [tilespmem:s16+$0xFFFFFFE0]  }
0xc4: {  	s24 =	sshra.s32 s24, $0x2;
	v13 =	vbroadcast v4, $0x3;
	v11 =	vmul.f32 v11, v12;
	[tilespmem:s16+$0xFFFFFFA0] =	vst v8;
	v8 =	vld [tilespmem:s16+$0xFFFFFFF0]  }
0xc5: {  	v12 =	vbroadcast v4, $0x7;
	[tilespmem:s16+$0xFFFFFFB0] =	vst v5;
	v5 =	vmul.f32 v14, v9;
	v9 =	vld [tilespmem:s16+$0x0]  }
0xc6: {  	v13 =	vmul.f32 v17, v13;
	[tilespmem:s16+$0xFFFFFFC0] =	vst v6;
	v6 =	vbroadcast v4, $0xD  }
0xc7: {  	v7 =	vmul.f32 v7, v12;
	[tilespmem:s16+$0xFFFFFFD0] =	vst v5;
	v5 =	vbroadcast v4, $0xE  }
0xc8: {  	v4 =	vbroadcast v4, $0xF;
	[tilespmem:s16+$0xFFFFFF90] =	vst v11;
	v6 =	vmul.f32 v10, v6  }
0xc9: {  	[tilespmem:s16+$0xFFFFFF40] =	vst v13;
	v5 =	vmul.f32 v8, v5  }
0xca: {  	[tilespmem:s16+$0xFFFFFFE0] =	vst v6;
	v4 =	vmul.f32 v9, v4  }
0xcb: {  	[tilespmem:s16+$0xFFFFFFF0] =	vst v5  }
0xcc: {  	[tilespmem:s16+$0xFFFFFF80] =	vst v7  }
0xcd: {  	[tilespmem:s16+$0x0] =	vst v4;
	s16 =	smov.u32 s1;
	s1 =	smov.u32 s20  }
0xce: {  	v5 =	vld.idx.msk [tilespmem:v1+s22+$0x0 ss:$0x1], $0xffff;
	_ =	sdelay $0x1  }
0xcf: {  	v7 =	vld.idx.msk [tilespmem:v2+s22+$0x0 ss:$0x1], $0xffff;
	_ =	sdelay $0x1  }
0xd0: {  	v4 =	vld.idx.msk [tilespmem:v3+s22+$0x0 ss:$0x1], $0xffff;
	s22 =	smov.u32 s24;
	_ =	sdelay $0x1  }
.Ltmp2:
0xd1: {  	(pc) =	sbr.rel @p0 .LBB2_7-.Ltmp2, $3  }
0xd2: {  	_ = 	snop  }
0xd3: {  	v6 =	vld.idx.msk [tilespmem:v5+s19+$0x0], $0xffff;
	_ =	sdelay $0x1  }
0xd4: {  	v5 =	vld.idx.msk [tilespmem:v7+s19+$0x0], $0xffff  }
0xd5: {  	_ =	sdelay $0x1  }
0xd6: {  	v4 =	vmul.f32 v6, v4  }
0xd7: {  	v6 =	vld [tilespmem:s16+$0xFFFFFF10]  }
0xd8: {  	v7 =	vld [tilespmem:s16+$0xFFFFFF20];
	v4 =	vmul.f32 v5, v4  }
0xd9: {  	v5 =	vld [tilespmem:s16+$0xFFFFFF30]  }
0xda: {  	v10 =	vld [tilespmem:s16+$0xFFFFFF60];
	v9 =	vbroadcast v4, $0x0  }
0xdb: {  	v13 =	vld [tilespmem:s16+$0xFFFFFF70];
	v11 =	vbroadcast v4, $0x1  }
0xdc: {  	v46 =	vld [tilespmem:s16+$0xFFFFFF40];
	v12 =	vbroadcast v4, $0x2;
	v6 =	vmul.f32 v9, v6  }
0xdd: {  	v42 =	vld [tilespmem:s16+$0xFFFFFF50];
	v43 =	vbroadcast v4, $0x5;
	v7 =	vmul.f32 v7, v11  }
0xde: {  	v8 =	vld [tilespmem:s16+$0xFFFFFFB0];
	v5 =	vmul.f32 v5, v12;
	[tilespmem:s16+$0xFFFFFF10] =	vst v6;
	v6 =	vbroadcast v4, $0x6  }
0xdf: {  	v44 =	vld [tilespmem:s16+$0xFFFFFFC0];
	v51 =	vbroadcast v4, $0x3;
	[tilespmem:s16+$0xFFFFFF20] =	vst v7;
	v7 =	vmul.f32 v10, v43  }
0xe0: {  	v45 =	vld [tilespmem:s16+$0xFFFFFF90];
	[tilespmem:s16+$0xFFFFFF30] =	vst v5;
	v5 =	vbroadcast v4, $0x4;
	v6 =	vmul.f32 v13, v6  }
0xe1: {  	v15 =	vld [tilespmem:s16+$0xFFFFFFD0];
	v11 =	vmul.f32 v46, v51;
	[tilespmem:s16+$0xFFFFFF60] =	vst v7;
	v7 =	vbroadcast v4, $0xA  }
0xe2: {  	v14 =	vld [tilespmem:s16+$0xFFFFFFA0];
	v5 =	vmul.f32 v42, v5;
	[tilespmem:s16+$0xFFFFFF70] =	vst v6;
	v6 =	vbroadcast v4, $0xB  }
0xe3: {  	v48 =	vld [tilespmem:s16+$0xFFFFFF80];
	v49 =	vbroadcast v4, $0x8;
	[tilespmem:s16+$0xFFFFFF40] =	vst v11;
	v7 =	vmul.f32 v8, v7  }
0xe4: {  	v8 =	vld [tilespmem:s16+$0xFFFFFFE0];
	[tilespmem:s16+$0xFFFFFF50] =	vst v5;
	v5 =	vbroadcast v4, $0xC;
	v6 =	vmul.f32 v44, v6  }
0xe5: {  	v50 =	vld [tilespmem:s16+$0xFFFFFFF0];
	v47 =	vbroadcast v4, $0x9;
	[tilespmem:s16+$0xFFFFFFB0] =	vst v7;
	v7 =	vmul.f32 v45, v49  }
0xe6: {  	v52 =	vld [tilespmem:s16+$0x0];
	v53 =	vbroadcast v4, $0x7;
	v5 =	vmul.f32 v15, v5;
	[tilespmem:s16+$0xFFFFFFC0] =	vst v6  }
0xe7: {  	v13 =	vmul.f32 v14, v47;
	v6 =	vbroadcast v4, $0xD;
	[tilespmem:s16+$0xFFFFFF90] =	vst v7  }
0xe8: {  	v7 =	vmul.f32 v48, v53;
	[tilespmem:s16+$0xFFFFFFD0] =	vst v5;
	v5 =	vbroadcast v4, $0xE  }
0xe9: {  	[tilespmem:s16+$0xFFFFFFA0] =	vst v13;
	v4 =	vbroadcast v4, $0xF;
	v6 =	vmul.f32 v8, v6  }
0xea: {  	[tilespmem:s16+$0xFFFFFF80] =	vst v7;
	v5 =	vmul.f32 v50, v5  }
0xeb: {  	v4 =	vmul.f32 v52, v4;
	[tilespmem:s16+$0xFFFFFFE0] =	vst v6  }
0xec: {  	[tilespmem:s16+$0xFFFFFFF0] =	vst v5  }
0xed: {  	[tilespmem:s16+$0x0] =	vst v4  }
0xee: {  	v1 =	vld.idx.msk [tilespmem:v1+s22+$0x0 ss:$0x1], $0xffff;
	_ =	sdelay $0x1  }
0xef: {  	v2 =	vld.idx.msk [tilespmem:v2+s22+$0x0 ss:$0x1], $0xffff;
	_ =	sdelay $0x4  }
0xf0: {  	v3 =	vld.idx.msk [tilespmem:v3+s22+$0x0 ss:$0x1], $0xffff  }
0xf1: {  	v1 =	vld.idx.msk [tilespmem:v1+s19+$0x0], $0xffff;
	_ =	sdelay $0x1  }
0xf2: {  	v2 =	vld.idx.msk [tilespmem:v2+s19+$0x0], $0xffff;
	_ =	sdelay $0x2  }
0xf3: {  	v1 =	vmul.f32 v1, v3  }
0xf4: {  	v3 =	vld [tilespmem:s1+$0xFFFFFF10]  }
0xf5: {  	v4 =	vld [tilespmem:s1+$0xFFFFFF20];
	v1 =	vmul.f32 v2, v1  }
0xf6: {  	v2 =	vld [tilespmem:s1+$0xFFFFFF30]  }
0xf7: {  	v7 =	vld [tilespmem:s1+$0xFFFFFF60];
	v6 =	vbroadcast v1, $0x0  }
0xf8: {  	v55 =	vld [tilespmem:s1+$0xFFFFFF70];
	v8 =	vbroadcast v1, $0x1  }
0xf9: {  	v56 =	vld [tilespmem:s1+$0xFFFFFFA0];
	v54 =	vbroadcast v1, $0x2;
	v3 =	vmul.f32 v6, v3  }
0xfa: {  	v6 =	vld [tilespmem:s1+$0xFFFFFF50];
	v4 =	vmul.f32 v4, v8;
	v8 =	vbroadcast v1, $0x5  }
0xfb: {  	v5 =	vld [tilespmem:s1+$0xFFFFFFB0];
	v2 =	vmul.f32 v2, v54;
	[tilespmem:s1+$0xFFFFFF10] =	vst v3;
	v3 =	vbroadcast v1, $0x6  }
0xfc: {  	v57 =	vld [tilespmem:s1+$0xFFFFFFC0];
	v58 =	vbroadcast v1, $0x9;
	[tilespmem:s1+$0xFFFFFF20] =	vst v4;
	v4 =	vmul.f32 v7, v8  }
0xfd: {  	v7 =	vld [tilespmem:s1+$0xFFFFFF90];
	[tilespmem:s1+$0xFFFFFF30] =	vst v2;
	v2 =	vbroadcast v1, $0x4;
	v3 =	vmul.f32 v55, v3  }
0xfe: {  	v59 =	vld [tilespmem:s1+$0xFFFFFFD0];
	v10 =	vmul.f32 v56, v58;
	[tilespmem:s1+$0xFFFFFF60] =	vst v4;
	v4 =	vbroadcast v1, $0xA  }
0xff: {  	v8 =	vld [tilespmem:s1+$0xFFFFFF40];
	v2 =	vmul.f32 v6, v2;
	[tilespmem:s1+$0xFFFFFF70] =	vst v3;
	v3 =	vbroadcast v1, $0xB  }
0x100: {  	v60 =	vbroadcast v1, $0x8;
	[tilespmem:s1+$0xFFFFFFA0] =	vst v10;
	v6 =	vld [tilespmem:s1+$0xFFFFFF80];
	v4 =	vmul.f32 v5, v4  }
0x101: {  	v5 =	vld [tilespmem:s1+$0xFFFFFFE0];
	[tilespmem:s1+$0xFFFFFF50] =	vst v2;
	v2 =	vbroadcast v1, $0xC;
	v3 =	vmul.f32 v57, v3  }
0x102: {  	v61 =	vld [tilespmem:s1+$0xFFFFFFF0];
	v62 =	vbroadcast v1, $0x3;
	[tilespmem:s1+$0xFFFFFFB0] =	vst v4;
	v4 =	vmul.f32 v7, v60  }
0x103: {  	v63 =	vbroadcast v1, $0x7;
	v7 =	vld [tilespmem:s1+$0x0];
	v2 =	vmul.f32 v59, v2;
	[tilespmem:s1+$0xFFFFFFC0] =	vst v3  }
0x104: {  	v8 =	vmul.f32 v8, v62;
	v3 =	vbroadcast v1, $0xD;
	[tilespmem:s1+$0xFFFFFF90] =	vst v4  }
0x105: {  	v4 =	vmul.f32 v6, v63;
	[tilespmem:s1+$0xFFFFFFD0] =	vst v2;
	v2 =	vbroadcast v1, $0xE  }
0x106: {  	[tilespmem:s1+$0xFFFFFF40] =	vst v8;
	v1 =	vbroadcast v1, $0xF;
	v3 =	vmul.f32 v5, v3  }
0x107: {  	[tilespmem:s1+$0xFFFFFF80] =	vst v4;
	v2 =	vmul.f32 v61, v2  }
0x108: {  	v1 =	vmul.f32 v7, v1;
	[tilespmem:s1+$0xFFFFFFE0] =	vst v3  }
0x109: {  	[tilespmem:s1+$0xFFFFFFF0] =	vst v2  }
0x10a: {  	s24 =	simm.s32 $0xAE00;
	s22 =	sadd.s32 $0x2A00, s3;
	[tilespmem:s1+$0x0] =	vst v1;
	v1 =	vmov s10  }
0x10b: {  	[spmem:s2] =	stream.indirect.scatter.add.f32 [tilespmem:s24], [sflag:$0x5], $0x10, s22, s21, $0xb8;
	[tilespmem:$0xEE00] =	vst v63  }
0x10c: {  	v2 =	vmov s8;
	_ =	swait.ge [sflag:s29], $0x800  }
0x10d: {  	[sflag:s29] =	ssyncset.done $0x0  }
0x10e: {  	s23 =	simm.s32 $0x0;
	[sflag:s29] =	ssyncadd.s32 $0xFFFFF800  }
0x10f: {  	v5 =	vld.idx.msk [tilespmem:v1+s23+$0x0 ss:$0x1], $0xffff;
	_ =	sdelay $0x1  }
0x110: {  	v3 =	vmov s11;
	v7 =	vld.idx.msk [tilespmem:v2+s23+$0x0 ss:$0x1], $0xffff;
	_ =	sdelay $0x4  }
0x111: {  	v4 =	vld.idx.msk [tilespmem:v3+s23+$0x0 ss:$0x1], $0xffff  }
0x112: {  	v6 =	vld.idx.msk [tilespmem:v5+s19+$0x0], $0xffff  }
0x113: {  	s20 =	simm.s32 $0xB7F0;
	s16 =	simm.s32 $0x10  }
0x114: {  	s3 =	simm.s32 $0xB6F0;
	s1 =	simm.s32 $0xB7F0;
	s22 =	simm.s32 $0x80;
	v5 =	vld.idx.msk [tilespmem:v7+s19+$0x0], $0xffff  }
.LBB2_9:
0x115: {  	p0 =	sne.s32 s22, $0x1C0  }
0x116: {  	s20 =	sadd.s32 $0x100, s20;
	s23 =	smov.u32 s22;
	s22 =	sadd.s32 $0x40, s22  }
0x117: {  	v4 =	vmul.f32 v6, v4;
	v6 =	vld [tilespmem:s3+$0xFFFFFF20]  }
0x118: {  	v7 =	vld [tilespmem:s3+$0xFFFFFF10]  }
0x119: {  	v4 =	vmul.f32 v5, v4;
	v5 =	vld [tilespmem:s3+$0xFFFFFFB0]  }
0x11a: {  	v8 =	vld [tilespmem:s3+$0xFFFFFF30]  }
0x11b: {  	v9 =	vbroadcast v4, $0x0;
	v10 =	vbroadcast v4, $0x4;
	v11 =	vld [tilespmem:s3+$0xFFFFFF60]  }
0x11c: {  	v12 =	vbroadcast v4, $0x1;
	v13 =	vbroadcast v4, $0x2;
	v14 =	vld [tilespmem:s3+$0xFFFFFF70]  }
0x11d: {  	v15 =	vbroadcast v4, $0xA;
	v7 =	vmul.f32 v9, v7;
	v9 =	vld [tilespmem:s3+$0xFFFFFF50]  }
0x11e: {  	v6 =	vmul.f32 v6, v12;
	v12 =	vbroadcast v4, $0x5;
	v16 =	vld [tilespmem:s3+$0xFFFFFFA0]  }
0x11f: {  	[tilespmem:s3+$0xFFFFFF10] =	vst v7;
	v7 =	vmul.f32 v8, v13;
	v8 =	vbroadcast v4, $0x6;
	v13 =	vld [tilespmem:s3+$0xFFFFFFC0]  }
0x120: {  	[tilespmem:s3+$0xFFFFFF20] =	vst v6;
	v6 =	vmul.f32 v11, v12;
	v11 =	vld [tilespmem:s3+$0xFFFFFF90];
	v12 =	vbroadcast v4, $0x8  }
0x121: {  	[tilespmem:s3+$0xFFFFFF30] =	vst v7;
	v7 =	vmul.f32 v14, v8;
	v8 =	vbroadcast v4, $0x9;
	v14 =	vld [tilespmem:s3+$0xFFFFFFD0]  }
0x122: {  	v17 =	vld [tilespmem:s3+$0xFFFFFF40];
	v9 =	vmul.f32 v9, v10;
	[tilespmem:s3+$0xFFFFFF60] =	vst v6;
	v6 =	vbroadcast v4, $0xB  }
0x123: {  	v5 =	vmul.f32 v5, v15;
	[tilespmem:s3+$0xFFFFFF70] =	vst v7;
	v7 =	vld [tilespmem:s3+$0xFFFFFF80];
	v8 =	vmul.f32 v16, v8  }
0x124: {  	[tilespmem:s3+$0xFFFFFF50] =	vst v9;
	v6 =	vmul.f32 v13, v6;
	v9 =	vbroadcast v4, $0xC;
	v10 =	vld [tilespmem:s3+$0xFFFFFFE0]  }
0x125: {  	s23 =	sshra.s32 s23, $0x2;
	v13 =	vbroadcast v4, $0x3;
	v11 =	vmul.f32 v11, v12;
	[tilespmem:s3+$0xFFFFFFA0] =	vst v8;
	v8 =	vld [tilespmem:s3+$0xFFFFFFF0]  }
0x126: {  	v12 =	vbroadcast v4, $0x7;
	[tilespmem:s3+$0xFFFFFFB0] =	vst v5;
	v5 =	vmul.f32 v14, v9;
	v9 =	vld [tilespmem:s3+$0x0]  }
0x127: {  	v13 =	vmul.f32 v17, v13;
	[tilespmem:s3+$0xFFFFFFC0] =	vst v6;
	v6 =	vbroadcast v4, $0xD  }
0x128: {  	v7 =	vmul.f32 v7, v12;
	[tilespmem:s3+$0xFFFFFFD0] =	vst v5;
	v5 =	vbroadcast v4, $0xE  }
0x129: {  	v4 =	vbroadcast v4, $0xF;
	[tilespmem:s3+$0xFFFFFF90] =	vst v11;
	v6 =	vmul.f32 v10, v6  }
0x12a: {  	[tilespmem:s3+$0xFFFFFF40] =	vst v13;
	v5 =	vmul.f32 v8, v5  }
0x12b: {  	[tilespmem:s3+$0xFFFFFFE0] =	vst v6;
	v4 =	vmul.f32 v9, v4  }
0x12c: {  	[tilespmem:s3+$0xFFFFFFF0] =	vst v5  }
0x12d: {  	[tilespmem:s3+$0xFFFFFF80] =	vst v7  }
0x12e: {  	[tilespmem:s3+$0x0] =	vst v4;
	s3 =	smov.u32 s1;
	s1 =	smov.u32 s20  }
0x12f: {  	v5 =	vld.idx.msk [tilespmem:v1+s16+$0x0 ss:$0x1], $0xffff;
	_ =	sdelay $0x1  }
0x130: {  	v7 =	vld.idx.msk [tilespmem:v2+s16+$0x0 ss:$0x1], $0xffff;
	_ =	sdelay $0x1  }
0x131: {  	v4 =	vld.idx.msk [tilespmem:v3+s16+$0x0 ss:$0x1], $0xffff;
	s16 =	smov.u32 s23;
	_ =	sdelay $0x1  }
.Ltmp3:
0x132: {  	(pc) =	sbr.rel @p0 .LBB2_9-.Ltmp3, $3  }
0x133: {  	_ = 	snop  }
0x134: {  	v6 =	vld.idx.msk [tilespmem:v5+s19+$0x0], $0xffff;
	_ =	sdelay $0x1  }
0x135: {  	v5 =	vld.idx.msk [tilespmem:v7+s19+$0x0], $0xffff  }
0x136: {  	_ =	sdelay $0x1  }
0x137: {  	v4 =	vmul.f32 v6, v4  }
0x138: {  	v6 =	vld [tilespmem:s3+$0xFFFFFF10]  }
0x139: {  	v7 =	vld [tilespmem:s3+$0xFFFFFF20];
	v4 =	vmul.f32 v5, v4  }
0x13a: {  	v5 =	vld [tilespmem:s3+$0xFFFFFF30]  }
0x13b: {  	v10 =	vld [tilespmem:s3+$0xFFFFFF60];
	v9 =	vbroadcast v4, $0x0  }
0x13c: {  	v13 =	vld [tilespmem:s3+$0xFFFFFF70];
	v11 =	vbroadcast v4, $0x1  }
0x13d: {  	v46 =	vld [tilespmem:s3+$0xFFFFFF40];
	v12 =	vbroadcast v4, $0x2;
	v6 =	vmul.f32 v9, v6  }
0x13e: {  	v42 =	vld [tilespmem:s3+$0xFFFFFF50];
	v43 =	vbroadcast v4, $0x5;
	v7 =	vmul.f32 v7, v11  }
0x13f: {  	v8 =	vld [tilespmem:s3+$0xFFFFFFB0];
	v5 =	vmul.f32 v5, v12;
	[tilespmem:s3+$0xFFFFFF10] =	vst v6;
	v6 =	vbroadcast v4, $0x6  }
0x140: {  	v44 =	vld [tilespmem:s3+$0xFFFFFFC0];
	v51 =	vbroadcast v4, $0x3;
	[tilespmem:s3+$0xFFFFFF20] =	vst v7;
	v7 =	vmul.f32 v10, v43  }
0x141: {  	v45 =	vld [tilespmem:s3+$0xFFFFFF90];
	[tilespmem:s3+$0xFFFFFF30] =	vst v5;
	v5 =	vbroadcast v4, $0x4;
	v6 =	vmul.f32 v13, v6  }
0x142: {  	v15 =	vld [tilespmem:s3+$0xFFFFFFD0];
	v11 =	vmul.f32 v46, v51;
	[tilespmem:s3+$0xFFFFFF60] =	vst v7;
	v7 =	vbroadcast v4, $0xA  }
0x143: {  	v14 =	vld [tilespmem:s3+$0xFFFFFFA0];
	v5 =	vmul.f32 v42, v5;
	[tilespmem:s3+$0xFFFFFF70] =	vst v6;
	v6 =	vbroadcast v4, $0xB  }
0x144: {  	v48 =	vld [tilespmem:s3+$0xFFFFFF80];
	v49 =	vbroadcast v4, $0x8;
	[tilespmem:s3+$0xFFFFFF40] =	vst v11;
	v7 =	vmul.f32 v8, v7  }
0x145: {  	v8 =	vld [tilespmem:s3+$0xFFFFFFE0];
	[tilespmem:s3+$0xFFFFFF50] =	vst v5;
	v5 =	vbroadcast v4, $0xC;
	v6 =	vmul.f32 v44, v6  }
0x146: {  	v50 =	vld [tilespmem:s3+$0xFFFFFFF0];
	v47 =	vbroadcast v4, $0x9;
	[tilespmem:s3+$0xFFFFFFB0] =	vst v7;
	v7 =	vmul.f32 v45, v49  }
0x147: {  	v52 =	vld [tilespmem:s3+$0x0];
	v53 =	vbroadcast v4, $0x7;
	v5 =	vmul.f32 v15, v5;
	[tilespmem:s3+$0xFFFFFFC0] =	vst v6  }
0x148: {  	v13 =	vmul.f32 v14, v47;
	v6 =	vbroadcast v4, $0xD;
	[tilespmem:s3+$0xFFFFFF90] =	vst v7  }
0x149: {  	v7 =	vmul.f32 v48, v53;
	[tilespmem:s3+$0xFFFFFFD0] =	vst v5;
	v5 =	vbroadcast v4, $0xE  }
0x14a: {  	[tilespmem:s3+$0xFFFFFFA0] =	vst v13;
	v4 =	vbroadcast v4, $0xF;
	v6 =	vmul.f32 v8, v6  }
0x14b: {  	[tilespmem:s3+$0xFFFFFF80] =	vst v7;
	v5 =	vmul.f32 v50, v5  }
0x14c: {  	v4 =	vmul.f32 v52, v4;
	[tilespmem:s3+$0xFFFFFFE0] =	vst v6  }
0x14d: {  	[tilespmem:s3+$0xFFFFFFF0] =	vst v5  }
0x14e: {  	[tilespmem:s3+$0x0] =	vst v4  }
0x14f: {  	v1 =	vld.idx.msk [tilespmem:v1+s16+$0x0 ss:$0x1], $0xffff;
	_ =	sdelay $0x1  }
0x150: {  	v2 =	vld.idx.msk [tilespmem:v2+s16+$0x0 ss:$0x1], $0xffff;
	_ =	sdelay $0x4  }
0x151: {  	v3 =	vld.idx.msk [tilespmem:v3+s16+$0x0 ss:$0x1], $0xffff  }
0x152: {  	v1 =	vld.idx.msk [tilespmem:v1+s19+$0x0], $0xffff;
	_ =	sdelay $0x1  }
0x153: {  	v2 =	vld.idx.msk [tilespmem:v2+s19+$0x0], $0xffff;
	_ =	sdelay $0x2  }
0x154: {  	v1 =	vmul.f32 v1, v3  }
0x155: {  	v3 =	vld [tilespmem:s1+$0xFFFFFF10]  }
0x156: {  	v4 =	vld [tilespmem:s1+$0xFFFFFF20];
	v1 =	vmul.f32 v2, v1  }
0x157: {  	v2 =	vld [tilespmem:s1+$0xFFFFFF30]  }
0x158: {  	v7 =	vld [tilespmem:s1+$0xFFFFFF60];
	v6 =	vbroadcast v1, $0x0  }
0x159: {  	v55 =	vld [tilespmem:s1+$0xFFFFFF70];
	v8 =	vbroadcast v1, $0x1  }
0x15a: {  	v56 =	vld [tilespmem:s1+$0xFFFFFFA0];
	v54 =	vbroadcast v1, $0x2;
	v3 =	vmul.f32 v6, v3  }
0x15b: {  	v6 =	vld [tilespmem:s1+$0xFFFFFF50];
	v4 =	vmul.f32 v4, v8;
	v8 =	vbroadcast v1, $0x5  }
0x15c: {  	v5 =	vld [tilespmem:s1+$0xFFFFFFB0];
	v2 =	vmul.f32 v2, v54;
	[tilespmem:s1+$0xFFFFFF10] =	vst v3;
	v3 =	vbroadcast v1, $0x6  }
0x15d: {  	v57 =	vld [tilespmem:s1+$0xFFFFFFC0];
	v58 =	vbroadcast v1, $0x9;
	[tilespmem:s1+$0xFFFFFF20] =	vst v4;
	v4 =	vmul.f32 v7, v8  }
0x15e: {  	v7 =	vld [tilespmem:s1+$0xFFFFFF90];
	[tilespmem:s1+$0xFFFFFF30] =	vst v2;
	v2 =	vbroadcast v1, $0x4;
	v3 =	vmul.f32 v55, v3  }
0x15f: {  	v59 =	vld [tilespmem:s1+$0xFFFFFFD0];
	v10 =	vmul.f32 v56, v58;
	[tilespmem:s1+$0xFFFFFF60] =	vst v4;
	v4 =	vbroadcast v1, $0xA  }
0x160: {  	v8 =	vld [tilespmem:s1+$0xFFFFFF40];
	v2 =	vmul.f32 v6, v2;
	[tilespmem:s1+$0xFFFFFF70] =	vst v3;
	v3 =	vbroadcast v1, $0xB  }
0x161: {  	v60 =	vbroadcast v1, $0x8;
	[tilespmem:s1+$0xFFFFFFA0] =	vst v10;
	v6 =	vld [tilespmem:s1+$0xFFFFFF80];
	v4 =	vmul.f32 v5, v4  }
0x162: {  	v5 =	vld [tilespmem:s1+$0xFFFFFFE0];
	[tilespmem:s1+$0xFFFFFF50] =	vst v2;
	v2 =	vbroadcast v1, $0xC;
	v3 =	vmul.f32 v57, v3  }
0x163: {  	v61 =	vld [tilespmem:s1+$0xFFFFFFF0];
	v62 =	vbroadcast v1, $0x3;
	[tilespmem:s1+$0xFFFFFFB0] =	vst v4;
	v4 =	vmul.f32 v7, v60  }
0x164: {  	v63 =	vbroadcast v1, $0x7;
	v7 =	vld [tilespmem:s1+$0x0];
	v2 =	vmul.f32 v59, v2;
	[tilespmem:s1+$0xFFFFFFC0] =	vst v3  }
0x165: {  	v8 =	vmul.f32 v8, v62;
	v3 =	vbroadcast v1, $0xD;
	[tilespmem:s1+$0xFFFFFF90] =	vst v4  }
0x166: {  	v4 =	vmul.f32 v6, v63;
	[tilespmem:s1+$0xFFFFFFD0] =	vst v2;
	v2 =	vbroadcast v1, $0xE  }
0x167: {  	[tilespmem:s1+$0xFFFFFF40] =	vst v8;
	v1 =	vbroadcast v1, $0xF;
	v3 =	vmul.f32 v5, v3  }
0x168: {  	[tilespmem:s1+$0xFFFFFF80] =	vst v4;
	v2 =	vmul.f32 v61, v2  }
0x169: {  	v1 =	vmul.f32 v7, v1;
	[tilespmem:s1+$0xFFFFFFE0] =	vst v3  }
0x16a: {  	[tilespmem:s1+$0xFFFFFFF0] =	vst v2  }
0x16b: {  	s20 =	sadd.s32 $0x2A00, s9;
	s23 =	simm.s32 $0xB600;
	[tilespmem:s1+$0x0] =	vst v1;
	v1 =	vmov s13  }
0x16c: {  	[spmem:s2] =	stream.indirect.scatter.add.f32 [tilespmem:s23], [sflag:$0x5], $0x10, s20, s21, $0xb8;
	[tilespmem:$0xEE00] =	vst v63  }
0x16d: {  	v2 =	vmov s12;
	_ =	swait.ge [sflag:s30], $0x800  }
0x16e: {  	[sflag:s30] =	ssyncset.done $0x0  }
0x16f: {  	s22 =	simm.s32 $0x0;
	[sflag:s30] =	ssyncadd.s32 $0xFFFFF800  }
0x170: {  	v5 =	vld.idx.msk [tilespmem:v1+s22+$0x0 ss:$0x1], $0xffff;
	_ =	sdelay $0x1  }
0x171: {  	v3 =	vmov s14;
	v7 =	vld.idx.msk [tilespmem:v2+s22+$0x0 ss:$0x1], $0xffff;
	_ =	sdelay $0x4  }
0x172: {  	v4 =	vld.idx.msk [tilespmem:v3+s22+$0x0 ss:$0x1], $0xffff  }
0x173: {  	v6 =	vld.idx.msk [tilespmem:v5+s19+$0x0], $0xffff  }
0x174: {  	s9 =	simm.s32 $0x10;
	s3 =	simm.s32 $0xBEF0  }
0x175: {  	s16 =	simm.s32 $0x80;
	s1 =	simm.s32 $0xBFF0;
	s20 =	simm.s32 $0xBFF0;
	v5 =	vld.idx.msk [tilespmem:v7+s19+$0x0], $0xffff  }
.LBB2_11:
0x176: {  	p0 =	sne.s32 s16, $0x1C0  }
0x177: {  	s20 =	sadd.s32 $0x100, s20;
	s22 =	smov.u32 s16;
	s16 =	sadd.s32 $0x40, s16  }
0x178: {  	v4 =	vmul.f32 v6, v4;
	v6 =	vld [tilespmem:s3+$0xFFFFFF20]  }
0x179: {  	v7 =	vld [tilespmem:s3+$0xFFFFFF10]  }
0x17a: {  	v4 =	vmul.f32 v5, v4;
	v5 =	vld [tilespmem:s3+$0xFFFFFFB0]  }
0x17b: {  	v8 =	vld [tilespmem:s3+$0xFFFFFF30]  }
0x17c: {  	v9 =	vbroadcast v4, $0x0;
	v10 =	vbroadcast v4, $0x4;
	v11 =	vld [tilespmem:s3+$0xFFFFFF60]  }
0x17d: {  	v12 =	vbroadcast v4, $0x1;
	v13 =	vbroadcast v4, $0x2;
	v14 =	vld [tilespmem:s3+$0xFFFFFF70]  }
0x17e: {  	v15 =	vbroadcast v4, $0xA;
	v7 =	vmul.f32 v9, v7;
	v9 =	vld [tilespmem:s3+$0xFFFFFF50]  }
0x17f: {  	v6 =	vmul.f32 v6, v12;
	v12 =	vbroadcast v4, $0x5;
	v16 =	vld [tilespmem:s3+$0xFFFFFFA0]  }
0x180: {  	[tilespmem:s3+$0xFFFFFF10] =	vst v7;
	v7 =	vmul.f32 v8, v13;
	v8 =	vbroadcast v4, $0x6;
	v13 =	vld [tilespmem:s3+$0xFFFFFFC0]  }
0x181: {  	[tilespmem:s3+$0xFFFFFF20] =	vst v6;
	v6 =	vmul.f32 v11, v12;
	v11 =	vld [tilespmem:s3+$0xFFFFFF90];
	v12 =	vbroadcast v4, $0x8  }
0x182: {  	[tilespmem:s3+$0xFFFFFF30] =	vst v7;
	v7 =	vmul.f32 v14, v8;
	v8 =	vbroadcast v4, $0x9;
	v14 =	vld [tilespmem:s3+$0xFFFFFFD0]  }
0x183: {  	v17 =	vld [tilespmem:s3+$0xFFFFFF40];
	v9 =	vmul.f32 v9, v10;
	[tilespmem:s3+$0xFFFFFF60] =	vst v6;
	v6 =	vbroadcast v4, $0xB  }
0x184: {  	v5 =	vmul.f32 v5, v15;
	[tilespmem:s3+$0xFFFFFF70] =	vst v7;
	v7 =	vld [tilespmem:s3+$0xFFFFFF80];
	v8 =	vmul.f32 v16, v8  }
0x185: {  	[tilespmem:s3+$0xFFFFFF50] =	vst v9;
	v6 =	vmul.f32 v13, v6;
	v9 =	vbroadcast v4, $0xC;
	v10 =	vld [tilespmem:s3+$0xFFFFFFE0]  }
0x186: {  	s22 =	sshra.s32 s22, $0x2;
	v13 =	vbroadcast v4, $0x3;
	v11 =	vmul.f32 v11, v12;
	[tilespmem:s3+$0xFFFFFFA0] =	vst v8;
	v8 =	vld [tilespmem:s3+$0xFFFFFFF0]  }
0x187: {  	v12 =	vbroadcast v4, $0x7;
	[tilespmem:s3+$0xFFFFFFB0] =	vst v5;
	v5 =	vmul.f32 v14, v9;
	v9 =	vld [tilespmem:s3+$0x0]  }
0x188: {  	v13 =	vmul.f32 v17, v13;
	[tilespmem:s3+$0xFFFFFFC0] =	vst v6;
	v6 =	vbroadcast v4, $0xD  }
0x189: {  	v7 =	vmul.f32 v7, v12;
	[tilespmem:s3+$0xFFFFFFD0] =	vst v5;
	v5 =	vbroadcast v4, $0xE  }
0x18a: {  	v4 =	vbroadcast v4, $0xF;
	[tilespmem:s3+$0xFFFFFF90] =	vst v11;
	v6 =	vmul.f32 v10, v6  }
0x18b: {  	[tilespmem:s3+$0xFFFFFF40] =	vst v13;
	v5 =	vmul.f32 v8, v5  }
0x18c: {  	[tilespmem:s3+$0xFFFFFFE0] =	vst v6;
	v4 =	vmul.f32 v9, v4  }
0x18d: {  	[tilespmem:s3+$0xFFFFFFF0] =	vst v5  }
0x18e: {  	[tilespmem:s3+$0xFFFFFF80] =	vst v7  }
0x18f: {  	[tilespmem:s3+$0x0] =	vst v4;
	s3 =	smov.u32 s1;
	s1 =	smov.u32 s20  }
0x190: {  	v5 =	vld.idx.msk [tilespmem:v1+s9+$0x0 ss:$0x1], $0xffff;
	_ =	sdelay $0x1  }
0x191: {  	v7 =	vld.idx.msk [tilespmem:v2+s9+$0x0 ss:$0x1], $0xffff;
	_ =	sdelay $0x1  }
0x192: {  	v4 =	vld.idx.msk [tilespmem:v3+s9+$0x0 ss:$0x1], $0xffff;
	s9 =	smov.u32 s22;
	_ =	sdelay $0x1  }
.Ltmp4:
0x193: {  	(pc) =	sbr.rel @p0 .LBB2_11-.Ltmp4, $3  }
0x194: {  	_ = 	snop  }
0x195: {  	v6 =	vld.idx.msk [tilespmem:v5+s19+$0x0], $0xffff;
	_ =	sdelay $0x1  }
0x196: {  	v5 =	vld.idx.msk [tilespmem:v7+s19+$0x0], $0xffff  }
0x197: {  	_ =	sdelay $0x1  }
0x198: {  	v4 =	vmul.f32 v6, v4;
	_ =	sdelay $0x1  }
0x199: {  	v4 =	vmul.f32 v5, v4;
	_ =	sdelay $0x1  }
0x19a: {  	v61 =	vld [tilespmem:s3+$0xFFFFFF10];
	v9 =	vbroadcast v4, $0x0;
	v11 =	vbroadcast v4, $0x1  }
0x19b: {  	v7 =	vld [tilespmem:s3+$0xFFFFFF20];
	v12 =	vbroadcast v4, $0x2;
	v17 =	vbroadcast v4, $0x5  }
0x19c: {  	v62 =	vld [tilespmem:s3+$0xFFFFFF30];
	v18 =	vbroadcast v4, $0x6;
	v22 =	vbroadcast v4, $0x4  }
0x19d: {  	v10 =	vld [tilespmem:s3+$0xFFFFFF60];
	v24 =	vbroadcast v4, $0x9;
	v25 =	vbroadcast v4, $0xA  }
0x19e: {  	v21 =	vld [tilespmem:s3+$0xFFFFFF90];
	v26 =	vbroadcast v4, $0xB;
	v28 =	vbroadcast v4, $0xC  }
0x19f: {  	v23 =	vld [tilespmem:s3+$0xFFFFFF40];
	v30 =	vbroadcast v4, $0x8;
	v6 =	vmul.f32 v9, v61  }
0x1a0: {  	v27 =	vld [tilespmem:s3+$0xFFFFFF80];
	v32 =	vbroadcast v4, $0x3;
	v7 =	vmul.f32 v7, v11  }
0x1a1: {  	v34 =	vld [tilespmem:s3+$0x0];
	v35 =	vbroadcast v4, $0xD;
	v5 =	vmul.f32 v62, v12;
	[tilespmem:s3+$0xFFFFFF10] =	vst v6  }
0x1a2: {  	v13 =	vld [tilespmem:s3+$0xFFFFFF70];
	v36 =	vbroadcast v4, $0xE;
	v20 =	vmul.f32 v10, v17;
	[tilespmem:s3+$0xFFFFFF20] =	vst v7  }
0x1a3: {  	v63 =	vld [tilespmem:s3+$0xFFFFFF50];
	v37 =	vbroadcast v4, $0x7;
	v33 =	vmul.f32 v21, v30;
	[tilespmem:s3+$0xFFFFFF30] =	vst v5  }
0x1a4: {  	v14 =	vld [tilespmem:s3+$0xFFFFFFA0];
	v4 =	vbroadcast v4, $0xF;
	v11 =	vmul.f32 v23, v32;
	[tilespmem:s3+$0xFFFFFF60] =	vst v20  }
0x1a5: {  	v8 =	vld [tilespmem:s3+$0xFFFFFFB0];
	v38 =	vmul.f32 v27, v37;
	[tilespmem:s3+$0xFFFFFF90] =	vst v33  }
0x1a6: {  	v19 =	vld [tilespmem:s3+$0xFFFFFFC0];
	v4 =	vmul.f32 v34, v4;
	[tilespmem:s3+$0xFFFFFF40] =	vst v11  }
0x1a7: {  	v15 =	vld [tilespmem:s3+$0xFFFFFFD0];
	v6 =	vmul.f32 v13, v18;
	[tilespmem:s3+$0xFFFFFF80] =	vst v38  }
0x1a8: {  	v29 =	vld [tilespmem:s3+$0xFFFFFFE0];
	v5 =	vmul.f32 v63, v22;
	[tilespmem:s3+$0x0] =	vst v4  }
0x1a9: {  	v31 =	vld [tilespmem:s3+$0xFFFFFFF0];
	v13 =	vmul.f32 v14, v24;
	[tilespmem:s3+$0xFFFFFF70] =	vst v6  }
0x1aa: {  	v7 =	vmul.f32 v8, v25;
	[tilespmem:s3+$0xFFFFFF50] =	vst v5  }
0x1ab: {  	v6 =	vmul.f32 v19, v26;
	[tilespmem:s3+$0xFFFFFFA0] =	vst v13  }
0x1ac: {  	[tilespmem:s3+$0xFFFFFFB0] =	vst v7;
	v5 =	vmul.f32 v15, v28  }
0x1ad: {  	[tilespmem:s3+$0xFFFFFFC0] =	vst v6;
	v6 =	vmul.f32 v29, v35  }
0x1ae: {  	[tilespmem:s3+$0xFFFFFFD0] =	vst v5;
	v5 =	vmul.f32 v31, v36  }
0x1af: {  	[tilespmem:s3+$0xFFFFFFE0] =	vst v6  }
0x1b0: {  	[tilespmem:s3+$0xFFFFFFF0] =	vst v5  }
0x1b1: {  	v1 =	vld.idx.msk [tilespmem:v1+s9+$0x0 ss:$0x1], $0xffff;
	_ =	sdelay $0x1  }
0x1b2: {  	v2 =	vld.idx.msk [tilespmem:v2+s9+$0x0 ss:$0x1], $0xffff;
	_ =	sdelay $0x4  }
0x1b3: {  	v3 =	vld.idx.msk [tilespmem:v3+s9+$0x0 ss:$0x1], $0xffff  }
0x1b4: {  	v1 =	vld.idx.msk [tilespmem:v1+s19+$0x0], $0xffff;
	_ =	sdelay $0x1  }
0x1b5: {  	v2 =	vld.idx.msk [tilespmem:v2+s19+$0x0], $0xffff;
	_ =	sdelay $0x2  }
0x1b6: {  	v1 =	vmul.f32 v1, v3  }
0x1b7: {  	v3 =	vld [tilespmem:s1+$0xFFFFFF10]  }
0x1b8: {  	v39 =	vld [tilespmem:s1+$0xFFFFFF20];
	v1 =	vmul.f32 v2, v1  }
0x1b9: {  	v2 =	vld [tilespmem:s1+$0xFFFFFF30]  }
0x1ba: {  	v7 =	vld [tilespmem:s1+$0xFFFFFF60];
	v41 =	vbroadcast v1, $0x0  }
0x1bb: {  	v47 =	vld [tilespmem:s1+$0xFFFFFFA0];
	v42 =	vbroadcast v1, $0x1  }
0x1bc: {  	v44 =	vld [tilespmem:s1+$0xFFFFFF70];
	v43 =	vbroadcast v1, $0x2;
	v3 =	vmul.f32 v41, v3  }
0x1bd: {  	v45 =	vld [tilespmem:s1+$0xFFFFFF50];
	v46 =	vbroadcast v1, $0x5;
	v4 =	vmul.f32 v39, v42  }
0x1be: {  	v50 =	vld [tilespmem:s1+$0xFFFFFF90];
	v52 =	vbroadcast v1, $0x9;
	v2 =	vmul.f32 v2, v43;
	[tilespmem:s1+$0xFFFFFF10] =	vst v3  }
0x1bf: {  	v51 =	vld [tilespmem:s1+$0xFFFFFF40];
	v49 =	vmul.f32 v7, v46;
	v3 =	vbroadcast v1, $0x6;
	[tilespmem:s1+$0xFFFFFF20] =	vst v4  }
0x1c0: {  	v48 =	vld [tilespmem:s1+$0xFFFFFFC0];
	v10 =	vmul.f32 v47, v52;
	[tilespmem:s1+$0xFFFFFF30] =	vst v2;
	v2 =	vbroadcast v1, $0x4  }
0x1c1: {  	v53 =	vld [tilespmem:s1+$0xFFFFFFD0];
	v57 =	vbroadcast v1, $0x8;
	[tilespmem:s1+$0xFFFFFF60] =	vst v49;
	v3 =	vmul.f32 v44, v3  }
0x1c2: {  	v55 =	vld [tilespmem:s1+$0xFFFFFF80];
	v59 =	vbroadcast v1, $0x3;
	[tilespmem:s1+$0xFFFFFFA0] =	vst v10;
	v2 =	vmul.f32 v45, v2  }
0x1c3: {  	v40 =	vld [tilespmem:s1+$0xFFFFFFB0];
	v60 =	vmul.f32 v50, v57;
	[tilespmem:s1+$0xFFFFFF70] =	vst v3;
	v3 =	vbroadcast v1, $0xB  }
0x1c4: {  	v56 =	vld [tilespmem:s1+$0xFFFFFFE0];
	v8 =	vmul.f32 v51, v59;
	[tilespmem:s1+$0xFFFFFF50] =	vst v2;
	v2 =	vbroadcast v1, $0xC  }
0x1c5: {  	v58 =	vld [tilespmem:s1+$0xFFFFFFF0];
	v62 =	vbroadcast v1, $0x7;
	[tilespmem:s1+$0xFFFFFF90] =	vst v60;
	v3 =	vmul.f32 v48, v3  }
0x1c6: {  	v61 =	vld [tilespmem:s1+$0x0];
	v54 =	vbroadcast v1, $0xA;
	[tilespmem:s1+$0xFFFFFF40] =	vst v8;
	v2 =	vmul.f32 v53, v2  }
0x1c7: {  	v63 =	vmul.f32 v55, v62;
	[tilespmem:s1+$0xFFFFFFC0] =	vst v3;
	v3 =	vbroadcast v1, $0xD  }
0x1c8: {  	v4 =	vmul.f32 v40, v54;
	[tilespmem:s1+$0xFFFFFFD0] =	vst v2;
	v2 =	vbroadcast v1, $0xE  }
0x1c9: {  	[tilespmem:s1+$0xFFFFFF80] =	vst v63;
	v1 =	vbroadcast v1, $0xF;
	v3 =	vmul.f32 v56, v3  }
0x1ca: {  	[tilespmem:s1+$0xFFFFFFB0] =	vst v4;
	v2 =	vmul.f32 v58, v2  }
0x1cb: {  	v1 =	vmul.f32 v61, v1;
	[tilespmem:s1+$0xFFFFFFE0] =	vst v3  }
0x1cc: {  	[tilespmem:s1+$0xFFFFFFF0] =	vst v2  }
0x1cd: {  	s25 =	sadd.s32 $0x2A00, s25;
	s16 =	simm.s32 $0xBE00;
	[tilespmem:s1+$0x0] =	vst v1  }
0x1ce: {  	[spmem:s2] =	stream.indirect.scatter.add.f32 [tilespmem:s16], [sflag:$0x5], $0x10, s25, s21, $0xb8;
	[tilespmem:$0xEE00] =	vst v63  }
0x1cf: {  	_ =	swait.ge [sflag:s31], $0x800  }
0x1d0: {  	[sflag:s31] =	ssyncset.done $0x0  }
0x1d1: {  	[sflag:s31] =	ssyncadd.s32 $0xFFFFF800  }
0x1d2: {  	_ =	swait.ge [sflag:s31], $0x800  }
0x1d3: {  	s15 =	sadd.s32 $0x1, s15;
	[sflag:s31] =	ssyncset.done $0x0  }
0x1d4: {  	s18 =	sadd.s32 $0x200, s18;
	s17 =	sadd.s32 $0x200, s17;
	[sflag:s31] =	ssyncadd.s32 $0xFFFFF800  }
0x1d5: {  	s0 =	sadd.s32 $0x200, s0;
	p0 =	sne.s32 s15, $0x15;
	_ =	swait.ge [sflag:s31], $0x800  }
.Ltmp5:
0x1d6: {  	s5 =	sadd.s32 $0x200, s5;
	[sflag:s31] =	ssyncset.done $0x0;
	(pc) =	sbr.rel @p0 .LBB2_4-.Ltmp5, $4  }
0x1d7: {  	s6 =	sadd.s32 $0x200, s6;
	s7 =	sadd.s32 $0x200, s7;
	[sflag:s31] =	ssyncadd.s32 $0xFFFFF800  }
0x1d8: {  	s8 =	sadd.s32 $0x200, s8;
	s10 =	sadd.s32 $0x200, s10;
	_ =	swait.ge [sflag:s31], $0x800  }
0x1d9: {  	s11 =	sadd.s32 $0x200, s11;
	s12 =	sadd.s32 $0x200, s12;
	[sflag:s31] =	ssyncset.done $0x0  }
0x1da: {  	s13 =	sadd.s32 $0x200, s13;
	s14 =	sadd.s32 $0x200, s14;
	[sflag:s31] =	ssyncadd.s32 $0xFFFFF800  }
0x1db: {  	s0 =	stileid.u32;
	[bflag:$0x0] =	sbarrier.arrive $0xFFFF  }
0x1dc: {  	s0 =	sshll.u32 s0, $0x6;
	s1 =	rddreg [dreg:$0x8]  }
0x1dd: {  	s3 =	rddreg [dreg:$0xe];
	s0 =	sor.u32 $0x1C06, s0  }
0x1de: {  	[hbm:s1], [sflag:s0] =	dma.local [spmem:s3], $0x500  }
0x1df: {  	s3 =	simm.s32 $0x6  }
0x1e0: {  	_ =	swait.ge [sflag:s3], $0x500  }
0x1e1: {  	s22 =	rddreg [dreg:$0xf]  }
0x1e2: {  	s25 =	rddreg [dreg:$0x9];
	s1 =	sadd.s32 $0x1, s22  }
0x1e3: {  	p0 =	sne.s32 s1, s25  }
.Ltmp6:
0x1e4: {  	_ = 	snop;
	(pc) =	sbr.rel @p0 .LBB2_1-.Ltmp6, $3  }
0x1e5: {  	_ =	sdelay $0x1  }
0x1e6: {  	[sflag:s3] =	ssyncset.done $0x0  }
0x1e7: {  	[sflag:s3] =	ssyncadd.s32 $0xFFFFFB00  }
0x1e8: {  	_ =	sfence.sel $0x180000  }
0x1e9: {  	[bflag:$0x0] =	sbarrier.arrive $0xFFFF  }
0x1ea: {  	_ =	strace $0x9000004D  }
0x1eb: {  	s0 =	stileid.u32;
	[bflag:$0x2] =	sbarrier.arrive $0xFFFF  }
0x1ec: {  	p0 =	sne.s32 s0, $0x0;
	s0 =	rddreg [dreg:$0x2]  }
0x1ed: {  	s0 =	sadd.s32 @!p0 $0x100000, s0  }
0x1ee: {  	[sflag:s0] =	ssyncadd.tile.s32 @!p0 $0x1;
	_ =	shalt  }
.Lfunc_end2:
_tile_overlayer_lowered:
.L_overlay_start_2:
0x1ef: {  	(tag) =	ssettag $0x2  }
0x1f0: {  	s0 =	rddreg [dreg:$0x0];
	s2 =	stileid.u32  }
0x1f1: {  	s1 =	rddreg [dreg:$0x1];
	p0 =	sne.s32 s2, $0x0  }
0x1f2: {  	s3 =	rddreg [dreg:$0x2];
	[bflag:$0x3] =	sbarrier.arrive $0xFFFF;
	s2 =	simm.s32 @!p0 $0x1C06  }
0x1f3: {  	[timem:s3], [sflag:s2] =	dma.local @!p0 [hbm:s0], s1  }
0x1f4: {  	s0 =	simm.s32 @!p0 $0x6  }
0x1f5: {  	_ =	swait.ge @!p0 [sflag:s0], s1  }
0x1f6: {  	s1 =	ssub.s32 @!p0 $0x0, s1;
	[sflag:s0] =	ssyncset.done @!p0 $0x0  }
0x1f7: {  	[sflag:s0] =	ssyncadd.s32 @!p0 s1  }
0x1f8: {  	[bflag:$0x3] =	sbarrier.arrive $0xFFFF  }
0x1f9: {  	_ =	shalt  }

// kernel: kernel.8.cloned.1.call-start
scs
__scs_entry_jumppad:
0x0: {  	(pc) =	sbr.rel $0x88, $3  }
0x1: {  	(tag) =	ssettag $0x0;
	lr =	simm.s32 $0x1  }
0x2: {  	[smem:$0x3F97] =	sst lr;
	_ =	strace $0xD0000000  }
0x3: {  	_ = 	snop  }
0x4: {  	_ = 	snop  }
0x5: {  	_ = 	snop  }
0x6: {  	_ = 	snop  }
0x7: {  	_ = 	snop  }
__scs_overlays_trampoline_lowered:
0x8: {  	[smem:$0x3FA6] =	sst s0  }
0x9: {  	[smem:$0x3FA7] =	sst s1  }
0xa: {  	[smem:$0x3FA8] =	sst s2  }
0xb: {  	[smem:$0x3FA9] =	sst s3  }
0xc: {  	[smem:$0x3FAA] =	sst s4  }
0xd: {  	[smem:$0x3FAB] =	sst s5  }
0xe: {  	[smem:$0x3FAC] =	sst s6  }
0xf: {  	[smem:$0x3FAD] =	sst s7  }
0x10: {  	[smem:$0x3FAE] =	sst s8  }
0x11: {  	[smem:$0x3FAF] =	sst s9;
	s0 =	simm.s32 @!p0 $0x0  }
0x12: {  	s1 =	sld [smem:$0x3F95];
	s0 =	simm.s32 @p0 $0x1  }
0x13: {  	[smem:$0x3FB0] =	sst s0;
	s0 =	simm.s32 @!p1 $0x0  }
0x14: {  	s2 =	sld [smem:$0x3F94];
	s0 =	simm.s32 @p1 $0x1  }
0x15: {  	[smem:$0x3FB1] =	sst s0;
	s0 =	simm.s32 @!p2 $0x0  }
0x16: {  	s3 =	sld [smem:$0x3FDB];
	s0 =	simm.s32 @p2 $0x1  }
0x17: {  	s4 =	simm.s32 $0x1BF5;
	[smem:$0x3FB3] =	sst s0  }
0x18: {  	s0 =	sld [smem:$0x3F96];
	_ =	swait.ge [sflag:s4], $0x0  }
0x19: {  	s7 =	sld [smem:$0x3F97]  }
0x1a: {  	s8 =	sadd.s32 $0xFFFFE003, lr  }
0x1b: {  	s9 =	sadd.s32 $0xFFFFFEF7, lr;
	s5 =	simm.s32 $0xFFFFFFFF;
	p2 =	slt.u32 s8, $0xFFFFF086  }
0x1c: {  	p1 =	slt.u32 s9, $0xF7A;
	s5 =	simm.s32 @!p2 $0x0  }
0x1d: {  	s5 =	simm.s32 @p1 $0x1;
	p0 =	seq.s32 s7, s2  }
0x1e: {  	s7 =	smul.u32 @!p0 $0xF7A, s2;
	p2 =	seq.s32 @!p0 s5, $0x0  }
0x1f: {  	s9 =	smul.u32 $0xF7A, s1;
	s8 =	simm.s32 @!p0 $0x1BF5;
	p2 =	por !p2, p0  }
0x20: {  	[sflag:s8] =	ssyncset.s32 @!p0 $0xFFFFF086;
	s6 =	sadd.s32 @!p0 s3, s7;
	s7 =	simm.s32 @!p0 $0x108  }
0x21: {  	s3 =	sadd.s32 s3, s9;
	s6 =	sadd.s32 @!p0 $0x88, s6;
	s7 =	simm.s32 @p2 $0x1082  }
0x22: {  	[simem:s7], [sflag:s8] =	dma.local @!p0 [hbm:s6], $0xF7A  }
0x23: {  	s9 =	sor.u32 $0xD0000000, s2;
	s6 =	simm.s32 $0x108;
	_ =	swait.ge @!p0 [sflag:s8], $0x0  }
0x24: {  	s3 =	sadd.s32 $0x88, s3;
	s6 =	simm.s32 @!p1 $0x1082;
	[sflag:s4] =	ssyncset.s32 $0xFFFFF086  }
0x25: {  	[simem:s6], [sflag:s4] =	dma.local [hbm:s3], $0xF7A  }
0x26: {  	[smem:$0x3F97] =	sst s1;
	(tag) =	ssettag s2;
	_ =	strace s9  }
0x27: {  	s1 =	sld [smem:$0x3FA7]  }
0x28: {  	s2 =	sld [smem:$0x3FA8]  }
0x29: {  	s4 =	sld [smem:$0x3FAA]  }
0x2a: {  	p0 =	seq.s32 s5, $0x0;
	s5 =	sld [smem:$0x3FAB]  }
0x2b: {  	s6 =	sld [smem:$0x3FAC]  }
0x2c: {  	s7 =	sld [smem:$0x3FAD]  }
0x2d: {  	s3 =	simm.s32 $0x108;
	s8 =	sld [smem:$0x3FAE]  }
0x2e: {  	s3 =	simm.s32 @!p0 $0x1082;
	s9 =	sld [smem:$0x3FAF]  }
0x2f: {  	lr =	sadd.s32 s0, s3;
	s0 =	sld [smem:$0x3FA6]  }
0x30: {  	s3 =	sld [smem:$0x3FA9]  }
0x31: {  	[smem:$0x3FB2] =	sst s10  }
0x32: {  	s10 =	sld [smem:$0x3FB0];
	_ =	sdelay $0x3  }
0x33: {  	p0 =	seq.s32 s10, $0x1;
	s10 =	sld [smem:$0x3FB2];
	_ =	sdelay $0x3  }
0x34: {  	[smem:$0x3FB2] =	sst s10  }
0x35: {  	s10 =	sld [smem:$0x3FB1];
	_ =	sdelay $0x3  }
0x36: {  	p1 =	seq.s32 s10, $0x1;
	s10 =	sld [smem:$0x3FB2];
	_ =	sdelay $0x3  }
0x37: {  	[smem:$0x3FB2] =	sst s10  }
0x38: {  	s10 =	sld [smem:$0x3FB3]  }
0x39: {  	_ = 	snop;
	(pc) =	sbr.ind lr, $3  }
0x3a: {  	_ = 	snop  }
0x3b: {  	_ = 	snop  }
0x3c: {  	p2 =	seq.s32 s10, $0x1;
	s10 =	sld [smem:$0x3FB2]  }
0x3d: {  	_ =	shalt  }
0x3e: {  	_ =	shalt  }
0x3f: {  	_ =	shalt  }
0x40: {  	_ =	shalt  }
0x41: {  	_ =	shalt  }
0x42: {  	_ =	shalt  }
0x43: {  	_ =	shalt  }
0x44: {  	_ =	shalt  }
0x45: {  	_ =	shalt  }
0x46: {  	_ =	shalt  }
0x47: {  	_ =	shalt  }
0x48: {  	_ =	shalt  }
0x49: {  	_ =	shalt  }
0x4a: {  	_ =	shalt  }
0x4b: {  	_ =	shalt  }
0x4c: {  	_ =	shalt  }
0x4d: {  	_ =	shalt  }
0x4e: {  	_ =	shalt  }
0x4f: {  	_ =	shalt  }
0x50: {  	_ =	shalt  }
0x51: {  	_ =	shalt  }
0x52: {  	_ =	shalt  }
0x53: {  	_ =	shalt  }
0x54: {  	_ =	shalt  }
0x55: {  	_ =	shalt  }
0x56: {  	_ =	shalt  }
0x57: {  	_ =	shalt  }
0x58: {  	_ =	shalt  }
0x59: {  	_ =	shalt  }
0x5a: {  	_ =	shalt  }
0x5b: {  	_ =	shalt  }
0x5c: {  	_ =	shalt  }
0x5d: {  	_ =	shalt  }
0x5e: {  	_ =	shalt  }
0x5f: {  	_ =	shalt  }
0x60: {  	_ =	shalt  }
0x61: {  	_ =	shalt  }
0x62: {  	_ =	shalt  }
0x63: {  	_ =	shalt  }
0x64: {  	_ =	shalt  }
0x65: {  	_ =	shalt  }
0x66: {  	_ =	shalt  }
0x67: {  	_ =	shalt  }
0x68: {  	_ =	shalt  }
0x69: {  	_ =	shalt  }
0x6a: {  	_ =	shalt  }
0x6b: {  	_ =	shalt  }
0x6c: {  	_ =	shalt  }
0x6d: {  	_ =	shalt  }
0x6e: {  	_ =	shalt  }
0x6f: {  	_ =	shalt  }
0x70: {  	_ =	shalt  }
0x71: {  	_ =	shalt  }
0x72: {  	_ =	shalt  }
0x73: {  	_ =	shalt  }
0x74: {  	_ =	shalt  }
0x75: {  	_ =	shalt  }
0x76: {  	_ =	shalt  }
0x77: {  	_ =	shalt  }
0x78: {  	_ =	shalt  }
0x79: {  	_ =	shalt  }
0x7a: {  	_ =	shalt  }
0x7b: {  	_ =	shalt  }
0x7c: {  	_ =	shalt  }
0x7d: {  	_ =	shalt  }
0x7e: {  	_ =	shalt  }
0x7f: {  	_ =	shalt  }
0x80: {  	_ =	shalt  }
0x81: {  	_ =	shalt  }
0x82: {  	_ =	shalt  }
0x83: {  	_ =	shalt  }
0x84: {  	_ =	shalt  }
0x85: {  	_ =	shalt  }
0x86: {  	_ =	shalt  }
0x87: {  	_ =	shalt  }
.Lfunc_end0:
.L_simem_size_0:
called_computation_lowered:
.L_overlay_start_0:
0x88: {  	s2 =	sld [smem:$0x3FD9]  }
0x89: {  	s3 =	sld [smem:$0x3FFE];
	_ =	sdelay $0x1  }
0x8a: {  	s1 =	srdreg.scid  }
0x8b: {  	s0 =	sand.u32 $0x1, s1  }
0x8c: {  	s16 =	sshll.u32 s0, $0xA;
	s2 =	sadd.s32 s3, s2  }
0x8d: {  	s2 =	sadd.s32 s2, s16  }
0x8e: {  	[smem:$0x3FBE] =	sst s2  }
0x8f: {  	_ = 	snop  }
0x90: {  	(tm) =	ssettm $0x1  }
0x91: {  	s17 =	sld [smem:$0x3FFB];
	_ =	sdelay $0x3  }
0x92: {  	_ =	strace s17  }
0x93: {  	s2 =	sld [smem:$0x3FFC];
	_ =	sdelay $0x3  }
0x94: {  	_ =	strace s2  }
0x95: {  	s2 =	sld [smem:$0x3FFD];
	_ =	sdelay $0x3  }
0x96: {  	_ =	strace s2  }
0x97: {  	_ =	strace $0x8FFFFFFF  }
0x98: {  	s18 =	sld [smem:$0x3FDB];
	_ =	sdelay $0x1  }
0x99: {  	s19 =	simm.s32 $_scs_section_size  }
0x9a: {  	s4 =	simm.s32 $_size__tile_overlayer_lowered;
	s5 =	simm.s32 $_tile_overlayer_lowered  }
0x9b: {  	s22 =	simm.s32 $0x1BFF;
	s21 =	sshll.u32 s5, $0x1;
	s2 =	sadd.s32 s19, s18  }
0x9c: {  	s6 =	simm.s32 $0x0;
	s20 =	sshll.u32 s4, $0x1;
	s4 =	sadd.s32 s21, s2  }
0x9d: {  	[timem:s6], [sflag:s22] =	dma.local [hbm:s4], s20  }
0x9e: {  	_ =	swait.ge [sflag:s22], s20  }
0x9f: {  	s3 =	ssub.s32 $0x0, s20;
	[sflag:s22] =	ssyncset.done $0x0  }
0xa0: {  	[sflag:s22] =	ssyncadd.s32 s3;
	_ =	sdelay $0x1  }
0xa1: {  	s23 =	simm.s32 $0x1B8B  }
0xa2: {  	_ =	swait.ge [sflag:s23], $0x1  }
0xa3: {  	[sflag:s23] =	ssyncset.done $0x0  }
0xa4: {  	s25 =	simm.s32 $0x1B8E;
	s24 =	sld [smem:$0x3FFE];
	[sflag:s23] =	ssyncadd.s32 $0xFFFFFFFF  }
0xa5: {  	s26 =	simm.s32 $execute0_lowered;
	[smem:$0x3FD2] =	sst s25  }
0xa6: {  	s4 =	sshll.u32 s26, $0x1;
	_ =	strace $0x80000046;
	[dreg:$0x1] =	wrdreg $0xFFFFFFFF  }
0xa7: {  	s28 =	simm.s32 $_size_execute0_lowered;
	s2 =	sadd.s32 s2, s4;
	[dreg:$0x0] =	wrdreg $0x0  }
0xa8: {  	s4 =	sshll.u32 s28, $0x1;
	[dreg:$0x2] =	wrdreg s2  }
0xa9: {  	[dreg:$0x3] =	wrdreg s4  }
0xaa: {  	[dreg:$0x4] =	wrdreg $0xC0  }
0xab: {  	_ =	task [dreg:s6], $0x5FFFF  }
0xac: {  	[dreg:$0x1] =	wrdreg $0xFFFFFFFF  }
0xad: {  	[dreg:$0x0] =	wrdreg $0x60  }
0xae: {  	[dreg:$0x2] =	wrdreg s24  }
0xaf: {  	[dreg:$0x3] =	wrdreg $0x54800  }
0xb0: {  	[dreg:$0x4] =	wrdreg $0x9  }
0xb1: {  	_ =	task.clear_ibuf [dreg:s6], $0x5FFFF;
	_ =	strace $0x90000046  }
0xb2: {  	s29 =	simm.s32 $0x9;
	_ =	strace $0x80000048  }
0xb3: {  	_ =	swait.ge [sflag:s29], $0x1  }
0xb4: {  	[sflag:s29] =	ssyncadd.s32 $0xFFFFFFFF  }
0xb5: {  	_ =	strace $0x90000048  }
0xb6: {  	_ =	sfence  }
0xb7: {  	s30 =	sld [smem:$0x0];
	_ =	sdelay $0x2  }
0xb8: {  	s31 =	sshll.u32 s1, $0xD;
	s1 =	sshrl.u32 s1, $0x2  }
0xb9: {  	s3 =	sand.u32 $0x4000, s31;
	s1 =	sadd.s32 s1, s30  }
0xba: {  	s0 =	sor.u32 s3, s0;
	s1 =	sshll.u32 s1, $0x11  }
0xbb: {  	s0 =	sor.u32 s1, s0  }
0xbc: {  	s0 =	sadd.s32 $0x8F2B, s0  }
0xbd: {  	[sflag:s0] =	ssyncadd.remote.s32 $0x1  }
0xbe: {  	_ =	sfence.sel $0xFFFF  }
0xbf: {  	[dreg:$0x0] =	wrdreg $0xFFFFFFFF;
	(pc) =	sbr.abs _section_cstart, $3  }
0xc0: {  	[dreg:$0x1] =	wrdreg $0xFFFFFFFF  }
0xc1: {  	_ =	task.clear_ibuf [dreg:s6], $0x2FFFF;
	_ =	strace $0x9FFFFFFF  }
0xc2: {  	(tm) =	ssettm $0x7FFFFFFF  }
0xc3: {  	_ =	shalt  }
tec
execute0_lowered:
.L_overlay_start_1:
0x0: {  	(tag) =	ssettag $0x1  }
0x1: {  	s4 =	rddreg [dreg:$0x0]  }
0x2: {  	s2 =	rddreg [dreg:$0x1];
	s1 =	srdreg.scid  }
0x3: {  	s0 =	rddreg [dreg:$0x2];
	s3 =	simm.s32 $0x0;
	s13 =	simm.s32 $0x2  }
0x4: {  	s14 =	simm.s32 $0x2A00;
	s15 =	simm.s32 $0x5400;
	s16 =	simm.s32 $0x80  }
0x5: {  	s17 =	simm.s32 $0x1;
	s5 =	sand.u32 $0x1, s1;
	s1 =	stileid.u32  }
0x6: {  	s20 =	simm.s32 $0x0;
	[smem:$0x7FF] =	sst s3;
	s6 =	smul.u32 $0x2800, s5  }
0x7: {  	s7 =	sshll.u32 s5, $0x4;
	s8 =	smul.u32 $0x280, s1;
	_ =	strace $0x80000047  }
0x8: {  	s5 =	ssub.s32 $0x2, s5;
	s9 =	smul.u32 $0xA00, s1;
	s18 =	sshll.u32 s1, $0x6  }
0x9: {  	s7 =	sor.u32 s1, s7;
	s30 =	sshrl.u32 s5, $0x1;
	s18 =	sor.u32 $0x1C02, s18  }
0xa: {  	s7 =	smul.u32 $0x540, s7;
	s6 =	sadd.s32 s8, s6;
	s11 =	ssub.s32 s5, s30  }
0xb: {  	s31 =	sshrl.u32 s9, $0x2;
	s19 =	sadd.s32 s8, s2;
	s6 =	sshrl.u32 s6, $0x3  }
0xc: {  	s8 =	smax.u32 s11, $0x1;
	s19 =	sshrl.u32 s19, $0x3;
	s7 =	sadd.s32 s7, s4  }
0xd: {  	s10 =	sadd.s32 s6, s4;
	s6 =	sadd.s32 s31, s2;
	s4 =	sadd.s32 $0x17A00, s7  }
0xe: {  	s5 =	sadd.s32 $0x2A00, s7;
	s7 =	sadd.s32 $0x22200, s10;
	s9 =	sadd.s32 $0x80, s6  }
0xf: {  	v0 =	vimm.f32 $0.0e+00;
	s10 =	sadd.s32 $0x100, s6;
	s11 =	sadd.s32 $0x180, s6;
	s12 =	sadd.s32 $0x200, s6  }
.LBB2_1:
0x10: {  	[tilespmem:s3], [sflag:$0x2] =	stream.linear.gather [hbm4b:s4+s3], $0x2A00, $0x38;
	[tilespmem:$0x5700] =	vst v63  }
0x11: {  	_ =	swait.ge [sflag:s13], $0x2A00  }
0x12: {  	[sflag:s13] =	ssyncset.done $0x0  }
0x13: {  	[sflag:s13] =	ssyncadd.s32 $0xFFFFD600  }
0x14: {  	[tilespmem:s14], [sflag:$0x2] =	stream.linear.gather [hbm4b:s5+s3], $0x2A00, $0x38;
	[tilespmem:$0x5700] =	vst v63  }
0x15: {  	_ =	swait.ge [sflag:s13], $0x2A00  }
0x16: {  	[sflag:s13] =	ssyncset.done $0x0  }
0x17: {  	[sflag:s13] =	ssyncadd.s32 $0xFFFFD600  }
0x18: {  	[tilespmem:$0x5400] =	vst v0  }
0x19: {  	[tilespmem:$0x5410] =	vst v0  }
0x1a: {  	[tilespmem:$0x5420] =	vst v0  }
0x1b: {  	[tilespmem:$0x5430] =	vst v0  }
0x1c: {  	[tilespmem:$0x5440] =	vst v0  }
0x1d: {  	[tilespmem:$0x5450] =	vst v0  }
0x1e: {  	[tilespmem:$0x5460] =	vst v0  }
0x1f: {  	[tilespmem:$0x5470] =	vst v0  }
0x20: {  	[spmem:s6] =	stream.linear.scatter [tilespmem:s15], [sflag:$0x2], $0x80, $0x38;
	[tilespmem:$0x5700] =	vst v63  }
0x21: {  	_ =	swait.ge [sflag:s13], $0x80  }
0x22: {  	[sflag:s13] =	ssyncset.done $0x0  }
0x23: {  	[sflag:s13] =	ssyncadd.s32 $0xFFFFFF80  }
0x24: {  	[spmem:s9] =	stream.linear.scatter [tilespmem:s15], [sflag:$0x2], $0x80, $0x38;
	[tilespmem:$0x5700] =	vst v63  }
0x25: {  	_ =	swait.ge [sflag:s13], $0x80  }
0x26: {  	[sflag:s13] =	ssyncset.done $0x0  }
0x27: {  	[sflag:s13] =	ssyncadd.s32 $0xFFFFFF80  }
0x28: {  	[spmem:s10] =	stream.linear.scatter [tilespmem:s15], [sflag:$0x2], $0x80, $0x38;
	[tilespmem:$0x5700] =	vst v63  }
0x29: {  	_ =	swait.ge [sflag:s13], $0x80  }
0x2a: {  	[sflag:s13] =	ssyncset.done $0x0  }
0x2b: {  	[sflag:s13] =	ssyncadd.s32 $0xFFFFFF80  }
0x2c: {  	[spmem:s11] =	stream.linear.scatter [tilespmem:s15], [sflag:$0x2], $0x80, $0x38;
	[tilespmem:$0x5700] =	vst v63  }
0x2d: {  	_ =	swait.ge [sflag:s13], $0x80  }
0x2e: {  	[sflag:s13] =	ssyncset.done $0x0  }
0x2f: {  	[sflag:s13] =	ssyncadd.s32 $0xFFFFFF80  }
0x30: {  	[spmem:s12] =	stream.linear.scatter [tilespmem:s15], [sflag:$0x2], $0x80, $0x38;
	[tilespmem:$0x5700] =	vst v63  }
0x31: {  	_ =	swait.ge [sflag:s13], $0x80  }
0x32: {  	[sflag:s13] =	ssyncset.done $0x0  }
0x33: {  	[sflag:s13] =	ssyncadd.s32 $0xFFFFFF80  }
0x34: {  	s21 =	simm.s32 $0x0;
	s22 =	simm.s32 $0x2A00;
	[bflag:$0x0] =	sbarrier.arrive $0xFFFF  }
0x35: {  	[spmem:s2] =	stream.indirect.scatter.add.f32 [tilespmem:s22], [sflag:$0x1], $0x1, s21, s16, $0xb8;
	[tilespmem:$0x5700] =	vst v63  }
0x36: {  	s25 =	simm.s32 $0x2A80;
	s26 =	simm.s32 $0x80  }
0x37: {  	[spmem:s2] =	stream.indirect.scatter.add.f32 [tilespmem:s25], [sflag:$0x1], $0x1, s26, s16, $0xb8;
	[tilespmem:$0x5700] =	vst v63  }
0x38: {  	s28 =	simm.s32 $0x2B00;
	s29 =	simm.s32 $0x100  }
0x39: {  	[spmem:s2] =	stream.indirect.scatter.add.f32 [tilespmem:s28], [sflag:$0x1], $0x1, s29, s16, $0xb8;
	[tilespmem:$0x5700] =	vst v63  }
0x3a: {  	s30 =	simm.s32 $0x2B80;
	s31 =	simm.s32 $0x180  }
0x3b: {  	[spmem:s2] =	stream.indirect.scatter.add.f32 [tilespmem:s30], [sflag:$0x1], $0x1, s31, s16, $0xb8;
	[tilespmem:$0x5700] =	vst v63  }
0x3c: {  	_ =	swait.ge [sflag:s17], $0x80  }
0x3d: {  	[sflag:s17] =	ssyncset.done $0x0  }
0x3e: {  	[sflag:s17] =	ssyncadd.s32 $0xFFFFFF80  }
0x3f: {  	_ =	swait.ge [sflag:s17], $0x80  }
0x40: {  	[sflag:s17] =	ssyncset.done $0x0  }
0x41: {  	[sflag:s17] =	ssyncadd.s32 $0xFFFFFF80  }
0x42: {  	_ =	swait.ge [sflag:s17], $0x80  }
0x43: {  	[sflag:s17] =	ssyncset.done $0x0  }
0x44: {  	[sflag:s17] =	ssyncadd.s32 $0xFFFFFF80  }
0x45: {  	_ =	swait.ge [sflag:s17], $0x80  }
0x46: {  	s22 =	simm.s32 $0x1000;
	s21 =	simm.s32 $0x200;
	[sflag:s17] =	ssyncset.done $0x0  }
.LBB2_2:
0x47: {  	s23 =	sadd.s32 $0x2A00, s21  }
0x48: {  	[sflag:s17] =	ssyncadd.s32 $0xFFFFFF80;
	s24 =	smov.u32 s22;
	s25 =	sadd.s32 $0x800, s22  }
0x49: {  	[spmem:s2] =	stream.indirect.scatter.add.f32 [tilespmem:s23], [sflag:$0x1], $0x1, s21, s16, $0xb8;
	[tilespmem:$0x5700] =	vst v63  }
0x4a: {  	p0 =	sne.s32 s22, $0xA000;
	s22 =	sadd.s32 $0x2A80, s21;
	s23 =	sadd.s32 $0x80, s21  }
0x4b: {  	[spmem:s2] =	stream.indirect.scatter.add.f32 [tilespmem:s22], [sflag:$0x1], $0x1, s23, s16, $0xb8;
	[tilespmem:$0x5700] =	vst v63  }
0x4c: {  	s22 =	sadd.s32 $0x2B00, s21;
	s23 =	sadd.s32 $0x100, s21  }
0x4d: {  	[spmem:s2] =	stream.indirect.scatter.add.f32 [tilespmem:s22], [sflag:$0x1], $0x1, s23, s16, $0xb8;
	[tilespmem:$0x5700] =	vst v63  }
0x4e: {  	s22 =	sadd.s32 $0x2B80, s21;
	s21 =	sadd.s32 $0x180, s21  }
0x4f: {  	[spmem:s2] =	stream.indirect.scatter.add.f32 [tilespmem:s22], [sflag:$0x1], $0x1, s21, s16, $0xb8;
	[tilespmem:$0x5700] =	vst v63  }
0x50: {  	_ =	swait.ge [sflag:s17], $0x80  }
0x51: {  	[sflag:s17] =	ssyncset.done $0x0  }
0x52: {  	[sflag:s17] =	ssyncadd.s32 $0xFFFFFF80  }
0x53: {  	_ =	swait.ge [sflag:s17], $0x80  }
0x54: {  	[sflag:s17] =	ssyncset.done $0x0  }
0x55: {  	[sflag:s17] =	ssyncadd.s32 $0xFFFFFF80  }
.Ltmp0:
0x56: {  	_ =	swait.ge [sflag:s17], $0x80;
	(pc) =	sbr.rel @p0 .LBB2_2-.Ltmp0, $4  }
0x57: {  	[sflag:s17] =	ssyncset.done $0x0  }
0x58: {  	[sflag:s17] =	ssyncadd.s32 $0xFFFFFF80  }
0x59: {  	_ =	swait.ge [sflag:s17], $0x80  }
0x5a: {  	s21 =	sshra.s32 s24, $0x2;
	s22 =	smov.u32 s25;
	[sflag:s17] =	ssyncset.done $0x0  }
0x5b: {  	s22 =	sadd.s32 $0x2A00, s21;
	[sflag:s17] =	ssyncadd.s32 $0xFFFFFF80  }
0x5c: {  	[spmem:s2] =	stream.indirect.scatter.add.f32 [tilespmem:s22], [sflag:$0x1], $0x1, s21, s16, $0xb8;
	[tilespmem:$0x5700] =	vst v63  }
0x5d: {  	s26 =	sadd.s32 $0x2A80, s21;
	s23 =	sadd.s32 $0x80, s21  }
0x5e: {  	[spmem:s2] =	stream.indirect.scatter.add.f32 [tilespmem:s26], [sflag:$0x1], $0x1, s23, s16, $0xb8;
	[tilespmem:$0x5700] =	vst v63  }
0x5f: {  	s28 =	sadd.s32 $0x2B00, s21;
	s29 =	sadd.s32 $0x100, s21  }
0x60: {  	[spmem:s2] =	stream.indirect.scatter.add.f32 [tilespmem:s28], [sflag:$0x1], $0x1, s29, s16, $0xb8;
	[tilespmem:$0x5700] =	vst v63  }
0x61: {  	s30 =	sadd.s32 $0x2B80, s21;
	s31 =	sadd.s32 $0x180, s21  }
0x62: {  	[spmem:s2] =	stream.indirect.scatter.add.f32 [tilespmem:s30], [sflag:$0x1], $0x1, s31, s16, $0xb8;
	[tilespmem:$0x5700] =	vst v63  }
0x63: {  	_ =	swait.ge [sflag:s17], $0x80  }
0x64: {  	[sflag:s17] =	ssyncset.done $0x0  }
0x65: {  	[sflag:s17] =	ssyncadd.s32 $0xFFFFFF80  }
0x66: {  	_ =	swait.ge [sflag:s17], $0x80  }
0x67: {  	[sflag:s17] =	ssyncset.done $0x0  }
0x68: {  	[sflag:s17] =	ssyncadd.s32 $0xFFFFFF80  }
0x69: {  	_ =	swait.ge [sflag:s17], $0x80  }
0x6a: {  	[sflag:s17] =	ssyncset.done $0x0  }
0x6b: {  	[sflag:s17] =	ssyncadd.s32 $0xFFFFFF80  }
0x6c: {  	_ =	swait.ge [sflag:s17], $0x80  }
0x6d: {  	s20 =	sadd.s32 $0x1, s20;
	[sflag:s17] =	ssyncset.done $0x0  }
0x6e: {  	p0 =	sne.s32 s20, s8;
	[sflag:s17] =	ssyncadd.s32 $0xFFFFFF80  }
.Ltmp1:
0x6f: {  	[bflag:$0x0] =	sbarrier.arrive $0xFFFF;
	(pc) =	sbr.rel @p0 .LBB2_1-.Ltmp1, $4  }
0x70: {  	[hbm:s7], [sflag:s18] =	dma.local [spmem:s19], $0x50  }
0x71: {  	_ =	swait.ge [sflag:s13], $0x50  }
0x72: {  	[sflag:s13] =	ssyncset.done $0x0  }
0x73: {  	[sflag:s13] =	ssyncadd.s32 $0xFFFFFFB0  }
0x74: {  	_ =	sfence.sel $0x180000  }
0x75: {  	[bflag:$0x0] =	sbarrier.arrive $0xFFFF  }
0x76: {  	p0 =	sne.s32 s1, $0x0;
	_ =	strace $0x90000047  }
0x77: {  	s0 =	sadd.s32 @!p0 $0x100000, s0;
	[bflag:$0x2] =	sbarrier.arrive $0xFFFF  }
0x78: {  	[sflag:s0] =	ssyncadd.tile.s32 @!p0 $0x1;
	_ =	shalt  }
.Lfunc_end2:
_tile_overlayer_lowered:
.L_overlay_start_2:
0x79: {  	(tag) =	ssettag $0x2  }
0x7a: {  	s0 =	rddreg [dreg:$0x0];
	s2 =	stileid.u32  }
0x7b: {  	s1 =	rddreg [dreg:$0x1];
	p0 =	sne.s32 s2, $0x0  }
0x7c: {  	s3 =	rddreg [dreg:$0x2];
	[bflag:$0x3] =	sbarrier.arrive $0xFFFF;
	s2 =	simm.s32 @!p0 $0x1C02  }
0x7d: {  	[timem:s3], [sflag:s2] =	dma.local @!p0 [hbm:s0], s1  }
0x7e: {  	s0 =	simm.s32 @!p0 $0x2  }
0x7f: {  	_ =	swait.ge @!p0 [sflag:s0], s1  }
0x80: {  	s1 =	ssub.s32 @!p0 $0x0, s1;
	[sflag:s0] =	ssyncset.done @!p0 $0x0  }
0x81: {  	[sflag:s0] =	ssyncadd.s32 @!p0 s1  }
0x82: {  	[bflag:$0x3] =	sbarrier.arrive $0xFFFF  }
0x83: {  	_ =	shalt  }

</sc_bundles>
